<compile_context>
chip_gen: v7x
topology: tpu7x:2x2x1
jax: 0.10.2.dev20260603
libtpu: 0.0.44.dev20260713+nightly
codegen_flags: <defaults>
</compile_context>

<pallas_src>
import functools
import math

import jax
import jax.numpy as jnp
from jax import lax
from jax.experimental import pallas as pl
from jax.experimental.pallas import tpu as pltpu
from jax.experimental.pallas import tpu_sc as plsc

B = 16
KNN = 10
KP = 16
C = 64
EPS = 1e-5
NB = 256
BIGF = 3.0e38


def _k1_body(n, d, x_cloud_ref, xt_ref, gidx_ref):
    b = pl.program_id(0)
    xa = x_cloud_ref[0]
    xbt = xt_ref[0]
    d2a = jnp.sum(xa * xa, axis=1, keepdims=True)
    d2b = jnp.sum(xbt * xbt, axis=0, keepdims=True)
    prod = lax.dot_general(xa, xbt, (((1,), (0,)), ((), ())),
                           preferred_element_type=jnp.float32)
    dist = d2a + d2b - 2.0 * prod
    row_iota = lax.broadcasted_iota(jnp.int32, (n, NB), 0)
    base = b * n
    for k in range(KNN):
        mv = jnp.min(dist, axis=0, keepdims=True)
        am = jnp.min(jnp.where(dist == mv, row_iota, n),
                     axis=0, keepdims=True)
        gidx_ref[0, k:k + 1, :] = am + base
        dist = jnp.where(row_iota == am, BIGF, dist)


def _knn(x, xt):
    _, n, d = x.shape
    grid = (B, n // NB)
    return pl.pallas_call(
        functools.partial(_k1_body, n, d),
        grid=grid,
        in_specs=[
            pl.BlockSpec((1, n, d), lambda b, j: (b, 0, 0)),
            pl.BlockSpec((1, d, NB), lambda b, j: (b, 0, j)),
        ],
        out_specs=pl.BlockSpec((1, KP, NB), lambda b, j: (b, 0, j)),
        out_shape=jax.ShapeDtypeStruct((B, KP, n), jnp.int32),
    )(x, xt)


def _sc_gather(x_flat, gidx):
    e = gidx.shape[0]
    dg = x_flat.shape[1]
    nw = 32
    ch = 128
    e_per_w = e // nw
    n_ch = e_per_w // ch
    mesh = plsc.VectorSubcoreMesh(core_axis_name="c", subcore_axis_name="s")

    @functools.partial(
        pl.kernel, mesh=mesh,
        out_type=jax.ShapeDtypeStruct((e, dg), jnp.float32),
        compiler_params=pltpu.CompilerParams(use_tc_tiling_on_sc=False),
        scratch_types=[
            pltpu.VMEM((ch,), jnp.int32),
            pltpu.VMEM((ch, dg), jnp.float32),
            pltpu.SemaphoreType.DMA,
        ],
    )
    def k(x_hbm, idx_hbm, out_hbm, idx_v, rows_v, sem):
        wid = lax.axis_index("s") * 2 + lax.axis_index("c")
        base = wid * e_per_w

        def body(i, carry):
            off = base + i * ch
            pltpu.sync_copy(idx_hbm.at[pl.ds(off, ch)], idx_v)
            pltpu.async_copy(x_hbm.at[idx_v], rows_v, sem).wait()
            pltpu.sync_copy(rows_v, out_hbm.at[pl.ds(off, ch)])
            return carry

        lax.fori_loop(0, n_ch, body, 0)

    return k(x_flat, gidx)


def _accum_stats(h, st_ref):
    rows = h.shape[0]
    bm = jnp.sum(h, axis=0, keepdims=True) / rows
    @pl.when(jnp.logical_and(pl.program_id(0) == 0, pl.program_id(1) == 0))
    def _():
        st_ref[...] = jnp.zeros_like(st_ref)
        st_ref[2:3, 0:C] = bm
    hc = h - st_ref[2:3, 0:C]
    s = jnp.sum(hc, axis=0, keepdims=True)
    q = jnp.sum(hc * hc, axis=0, keepdims=True)
    y = s - st_ref[3:4, 0:C]
    t = st_ref[0:1, 0:C] + y
    st_ref[3:4, 0:C] = (t - st_ref[0:1, 0:C]) - y
    st_ref[0:1, 0:C] = t
    y2 = q - st_ref[4:5, 0:C]
    t2 = st_ref[1:2, 0:C] + y2
    st_ref[4:5, 0:C] = (t2 - st_ref[1:2, 0:C]) - y2
    st_ref[1:2, 0:C] = t2


def _k3_body(d, xi_ref, xg_ref, w0_ref, b0_ref, h1_ref, st_ref):
    xi = xi_ref[0][:, :d]
    xj = xg_ref[0][:, :, :d]
    xib = jnp.broadcast_to(xi[None], xj.shape)
    msg = jnp.concatenate([xib, xj - xib], axis=2)
    mf = msg.reshape(KNN * NB, 2 * d)
    h = jnp.maximum(
        lax.dot_general(mf, w0_ref[...], (((1,), (0,)), ((), ())),
                        preferred_element_type=jnp.float32)
        + b0_ref[...], 0.0)
    h1_ref[0] = h.reshape(KNN, NB, C)
    _accum_stats(h, st_ref)


def _edge_pass1(xpad, xg, w0, b0, d):
    _, _, n, dg = xg.shape
    grid = (B, n // NB)
    small = lambda b, j: (0, 0)
    return pl.pallas_call(
        functools.partial(_k3_body, d),
        grid=grid,
        in_specs=[
            pl.BlockSpec((1, NB, dg), lambda b, j: (b, j, 0)),
            pl.BlockSpec((1, KNN, NB, dg), lambda b, j: (b, 0, j, 0)),
            pl.BlockSpec((2 * d, C), small),
            pl.BlockSpec((1, C), small),
        ],
        out_specs=[
            pl.BlockSpec((1, KNN, NB, C), lambda b, j: (b, 0, j, 0)),
            pl.BlockSpec((8, 128), small),
        ],
        out_shape=[
            jax.ShapeDtypeStruct((B, KNN, n, C), jnp.float32),
            jax.ShapeDtypeStruct((8, 128), jnp.float32),
        ],
    )(xpad, xg, w0, b0)


def _k4_body(reduce_k, h_ref, m_ref, sq_ref, g_ref, be_ref, w_ref, bb_ref,
             *out_refs):
    h = h_ref[0]
    hb = g_ref[...] * (h - m_ref[...]) / sq_ref[...] + be_ref[...]
    hf = hb.reshape(KNN * NB, C)
    h2 = jnp.maximum(
        lax.dot_general(hf, w_ref[...], (((1,), (0,)), ((), ())),
                        preferred_element_type=jnp.float32)
        + bb_ref[...], 0.0)
    if reduce_k:
        mx_ref, mn_ref, st_ref = out_refs
        h2r = h2.reshape(KNN, NB, C)
        mx_ref[0] = jnp.max(h2r, axis=0)
        mn_ref[0] = jnp.min(h2r, axis=0)
    else:
        h2_ref, st_ref = out_refs
        h2_ref[0] = h2.reshape(KNN, NB, C)
    _accum_stats(h2, st_ref)


def _edge_pass(h_in, m, sq, g, be, w, bb, reduce_k):
    _, _, n, _ = h_in.shape
    grid = (B, n // NB)
    small = lambda b, j: (0, 0)
    in_specs = [
        pl.BlockSpec((1, KNN, NB, C), lambda b, j: (b, 0, j, 0)),
        pl.BlockSpec((1, C), small),
        pl.BlockSpec((1, C), small),
        pl.BlockSpec((1, C), small),
        pl.BlockSpec((1, C), small),
        pl.BlockSpec((C, C), small),
        pl.BlockSpec((1, C), small),
    ]
    if reduce_k:
        out_specs = [
            pl.BlockSpec((1, NB, C), lambda b, j: (b, j, 0)),
            pl.BlockSpec((1, NB, C), lambda b, j: (b, j, 0)),
            pl.BlockSpec((8, 128), small),
        ]
        out_shape = [
            jax.ShapeDtypeStruct((B, n, C), jnp.float32),
            jax.ShapeDtypeStruct((B, n, C), jnp.float32),
            jax.ShapeDtypeStruct((8, 128), jnp.float32),
        ]
    else:
        out_specs = [
            pl.BlockSpec((1, KNN, NB, C), lambda b, j: (b, 0, j, 0)),
            pl.BlockSpec((8, 128), small),
        ]
        out_shape = [
            jax.ShapeDtypeStruct((B, KNN, n, C), jnp.float32),
            jax.ShapeDtypeStruct((8, 128), jnp.float32),
        ]
    return pl.pallas_call(
        functools.partial(_k4_body, reduce_k),
        grid=grid,
        in_specs=in_specs,
        out_specs=out_specs,
        out_shape=out_shape,
    )(h_in, m, sq, g, be, w, bb)


def _k6_body(n, nk, mx_ref, mn_ref, m_ref, sq_ref, g_ref, be_ref, w_ref,
             nrm_ref, xn_ref, feat_ref):
    m3 = m_ref[...]
    sq3 = sq_ref[...]
    g3 = g_ref[...]
    be3 = be_ref[...]
    hm = jnp.where(g3 > 0.0, mx_ref[0], mn_ref[0])
    y = g3 * (hm - m3) / sq3 + be3
    sc = jnp.tanh(
        lax.dot_general(y, w_ref[...], (((1,), (0,)), ((), ())),
                        preferred_element_type=jnp.float32)
        / nrm_ref[0, 0])
    cb = NB
    nch = n // cb
    s_row = jnp.zeros((1, n), jnp.float32)
    for ci in range(nch):
        io0 = lax.broadcasted_iota(jnp.int32, (cb, n), 0) + ci * cb
        io1 = lax.broadcasted_iota(jnp.int32, (cb, n), 1)
        scc = sc[ci * cb:(ci + 1) * cb, :]
        s_row = s_row + jnp.sum(jnp.where(io0 == io1, scc, 0.0),
                                axis=0, keepdims=True)
    rank_row = jnp.zeros((1, n), jnp.int32)
    feat = jnp.full((1, C), -BIGF)
    z_parts = []
    for ci in range(nch):
        io0 = lax.broadcasted_iota(jnp.int32, (cb, n), 0) + ci * cb
        io1 = lax.broadcasted_iota(jnp.int32, (cb, n), 1)
        scc = sc[ci * cb:(ci + 1) * cb, :]
        gt = s_row > scc
        eqlt = jnp.logical_and(s_row == scc, io1 < io0)
        cnt = jnp.sum(jnp.logical_or(gt, eqlt).astype(jnp.int32),
                      axis=1, keepdims=True)
        rank_row = rank_row + jnp.sum(
            jnp.where(io0 == io1, cnt, 0), axis=0, keepdims=True)
        zc = y[ci * cb:(ci + 1) * cb, :] * scc
        z_parts.append(zc)
        zm = jnp.where(cnt < nk, zc, -BIGF)
        feat = jnp.maximum(feat, jnp.max(zm, axis=0, keepdims=True))
    z = jnp.concatenate(z_parts, axis=0)
    feat_ref[0] = feat
    rc = NB
    for ci in range(nk // rc):
        ohc = jnp.where(
            lax.broadcasted_iota(jnp.int32, (rc, n), 0) + (ci * rc)
            == rank_row, 1.0, 0.0)
        xn_ref[0, ci * rc:(ci + 1) * rc, :] = lax.dot_general(
            ohc, z, (((1,), (0,)), ((), ())),
            preferred_element_type=jnp.float32,
            precision=lax.Precision.HIGHEST)


def _pool(mx, mn, m, sq, g, be, w, nrm):
    _, n, _ = mx.shape
    nk = n // 2
    small = lambda b: (0, 0)
    return pl.pallas_call(
        functools.partial(_k6_body, n, nk),
        grid=(B,),
        in_specs=[
            pl.BlockSpec((1, n, C), lambda b: (b, 0, 0)),
            pl.BlockSpec((1, n, C), lambda b: (b, 0, 0)),
            pl.BlockSpec((1, C), small),
            pl.BlockSpec((1, C), small),
            pl.BlockSpec((1, C), small),
            pl.BlockSpec((1, C), small),
            pl.BlockSpec((C, 1), small),
            pl.BlockSpec((1, 1), small),
        ],
        out_specs=[
            pl.BlockSpec((1, nk, C), lambda b: (b, 0, 0)),
            pl.BlockSpec((1, 1, C), lambda b: (b, 0, 0)),
        ],
        out_shape=[
            jax.ShapeDtypeStruct((B, nk, C), jnp.float32),
            jax.ShapeDtypeStruct((B, 1, C), jnp.float32),
        ],
    )(mx, mn, m, sq, g, be, w, nrm)


def _k7_body(f_ref, w_ref, b_ref, o_ref):
    f = f_ref[...].reshape(B, 3 * C)
    o_ref[...] = lax.dot_general(f, w_ref[...], (((1,), (0,)), ((), ())),
                                 preferred_element_type=jnp.float32) \
        + b_ref[...]


def _final(feats, lin_w, lin_b):
    f = jnp.concatenate(feats, axis=-1)
    return pl.pallas_call(
        _k7_body,
        in_specs=[
            pl.BlockSpec((B, 1, 3 * C), lambda: (0, 0, 0)),
            pl.BlockSpec((3 * C, 128), lambda: (0, 0)),
            pl.BlockSpec((1, 128), lambda: (0, 0)),
        ],
        out_specs=pl.BlockSpec((B, 128), lambda: (0, 0)),
        out_shape=jax.ShapeDtypeStruct((B, 128), jnp.float32),
    )(f, lin_w, lin_b.reshape(1, 128))


def _bn_params(st, e):
    c = st[2, :C]
    dm = st[0, :C] / e
    m = c + dm
    v = st[1, :C] / e - dm * dm
    sq = jnp.sqrt(v + EPS)
    return m.reshape(1, C), sq.reshape(1, C)


def kernel(positions, c0_w0, c0_b0, c0_g0, c0_be0, c0_w1, c0_b1, c0_g1, c0_be1,
           c0_w2, c0_b2, c0_g2, c0_be2, c1_w0, c1_b0, c1_g0, c1_be0, c1_w1,
           c1_b1, c1_g1, c1_be1, c1_w2, c1_b2, c1_g2, c1_be2, c2_w0, c2_b0,
           c2_g0, c2_be0, c2_w1, c2_b1, c2_g1, c2_be1, c2_w2, c2_b2, c2_g2,
           c2_be2, p0_w, p1_w, p2_w, lin_w, lin_b):
    params = [
        (c0_w0, c0_b0, c0_g0, c0_be0, c0_w1, c0_b1, c0_g1, c0_be1,
         c0_w2, c0_b2, c0_g2, c0_be2, p0_w),
        (c1_w0, c1_b0, c1_g0, c1_be0, c1_w1, c1_b1, c1_g1, c1_be1,
         c1_w2, c1_b2, c1_g2, c1_be2, p1_w),
        (c2_w0, c2_b0, c2_g0, c2_be0, c2_w1, c2_b1, c2_g1, c2_be1,
         c2_w2, c2_b2, c2_g2, c2_be2, p2_w),
    ]
    x = positions
    feats = []
    for l in range(3):
        (w0, b0, g0, be0, w1, b1, g1, be1, w2, b2, g2, be2, pw) = params[l]
        n, d = x.shape[1], x.shape[2]
        e = B * KNN * n
        dg = 16 if d < 16 else d
        xpad = jnp.pad(x, ((0, 0), (0, 0), (0, dg - d))) if dg != d else x
        xt = jnp.swapaxes(x, 1, 2)
        gidx16 = _knn(x, xt)
        gidx = gidx16[:, :KNN, :].reshape(-1)
        xg = _sc_gather(xpad.reshape(-1, dg), gidx).reshape(B, KNN, n, dg)
        h1, st1 = _edge_pass1(xpad, xg, w0, b0.reshape(1, C), d)
        m1, sq1 = _bn_params(st1, e)
        h2, st2 = _edge_pass(h1, m1, sq1, g0.reshape(1, C), be0.reshape(1, C),
                             w1, b1.reshape(1, C), False)
        m2, sq2 = _bn_params(st2, e)
        mx, mn, st3 = _edge_pass(h2, m2, sq2, g1.reshape(1, C),
                                 be1.reshape(1, C), w2, b2.reshape(1, C), True)
        m3, sq3 = _bn_params(st3, e)
        nrm = jnp.sqrt(jnp.sum(pw * pw)).reshape(1, 1)
        x, feat = _pool(mx, mn, m3, sq3, g2.reshape(1, C), be2.reshape(1, C),
                        pw.reshape(C, 1), nrm)
        feats.append(feat)
    return _final(feats, lin_w, lin_b)

# --- scband reference (transcript-rebuilt; emitter-appended) ---
"""Pipeline reference for scband-edge-conv-features-69784628625743 (READ-ONLY COPY).

The authoritative reference and input builder live on the scoring server;
editing this copy changes nothing except your own understanding.
"""

import jax, jax.numpy as jnp
import numpy as np
import math

B, N, KNN = 16, 2048, 10
C = 64
OUT = 128
RATIO = 0.5
EPS = 1e-5
CONV_DIMS = [[6, 64, 64, 64], [128, 64, 64, 64], [128, 64, 64, 64]]


def _names():
    ns = []
    for l in range(3):
        for i in range(3):
            ns += ["c%d_w%d" % (l, i), "c%d_b%d" % (l, i), "c%d_g%d" % (l, i), "c%d_be%d" % (l, i)]
    for l in range(3):
        ns.append("p%d_w" % l)
    ns += ["lin_w", "lin_b"]
    return ns


def setup_inputs(seed=0):
    key = jax.random.key(seed)
    inp = {}
    key, k0 = jax.random.split(key)
    inp["positions"] = jax.random.normal(k0, (B, N, 3), dtype=jnp.float32)
    for l, dims in enumerate(CONV_DIMS):
        for i in range(3):
            key, kw = jax.random.split(key)
            inp["c%d_w%d" % (l, i)] = jax.random.normal(kw, (dims[i], dims[i + 1]), dtype=jnp.float32) * (1.0 / float(np.sqrt(dims[i])))
            inp["c%d_b%d" % (l, i)] = jnp.zeros((dims[i + 1],), jnp.float32)
            inp["c%d_g%d" % (l, i)] = jnp.ones((dims[i + 1],), jnp.float32)
            inp["c%d_be%d" % (l, i)] = jnp.zeros((dims[i + 1],), jnp.float32)
    for l in range(3):
        key, kp = jax.random.split(key)
        inp["p%d_w" % l] = jax.random.normal(kp, (C,), dtype=jnp.float32)
    key, kl = jax.random.split(key)
    inp["lin_w"] = jax.random.normal(kl, (3 * C, OUT), dtype=jnp.float32) * (1.0 / float(np.sqrt(3 * C)))
    inp["lin_b"] = jnp.zeros((OUT,), jnp.float32)
    return inp


def _bn(x, g, b):
    # BatchNorm1d in training mode: batch statistics, biased variance
    m = jnp.mean(x, axis=0)
    v = jnp.mean((x - m) ** 2, axis=0)
    return g * (x - m) / jnp.sqrt(v + EPS) + b


def _knn_idx(xc):
    # xc: [Nc, d]; returns [Nc, KNN] indices of nearest points (self included, dist 0)
    d2 = jnp.sum(xc * xc, axis=1)
    dist = d2[:, None] + d2[None, :] - 2.0 * (xc @ xc.T)
    _, idx = jax.lax.top_k(-dist, KNN)
    return idx


def _edge_conv(x, layer_params):
    # x: [B, Nc, d] -> [B, Nc, C]; DynamicEdgeConv: knn graph + max-aggr of MLP([x_i, x_j - x_i])
    idx = jax.vmap(_knn_idx)(x)
    xj = jax.vmap(lambda xc, ic: xc[ic])(x, idx)
    xi = x[:, :, None, :]
    msg = jnp.concatenate([jnp.broadcast_to(xi, xj.shape), xj - xi], axis=-1)
    h = msg.reshape(-1, msg.shape[-1])
    for (W, bb, g, be) in layer_params:
        h = h @ W + bb
        h = jax.nn.relu(h)
        h = _bn(h, g, be)
    h = h.reshape(msg.shape[0], msg.shape[1], msg.shape[2], -1)
    return jnp.max(h, axis=2)


def _topk_pool(x, w):
    # TopKPooling: score = tanh((x . w)/||w||); keep top ceil(ratio*N) per graph; x *= score
    score = jnp.tanh((x @ w) / jnp.sqrt(jnp.sum(w * w)))
    n_keep = int(math.ceil(RATIO * x.shape[1]))
    vals, idx = jax.lax.top_k(score, n_keep)
    xs = jnp.take_along_axis(x, idx[:, :, None], axis=1)
    return xs * vals[:, :, None]


def _forward(positions, flist):
    p = 0
    conv_params = []
    for l in range(3):
        layer = []
        for i in range(3):
            layer.append(tuple(flist[p:p + 4]))
            p += 4
        conv_params.append(layer)
    pool_ws = flist[p:p + 3]
    p += 3
    lin_w, lin_b = flist[p], flist[p + 1]
    x = positions
    feats = []
    for l in range(3):
        x = _edge_conv(x, conv_params[l])
        x = _topk_pool(x, pool_ws[l])
        feats.append(jnp.max(x, axis=1))  # global_max_pool per graph
    feat = jnp.concatenate(feats, axis=-1)
    return feat @ lin_w + lin_b


def reference(positions,
              c0_w0, c0_b0, c0_g0, c0_be0,
              c0_w1, c0_b1, c0_g1, c0_be1,
              c0_w2, c0_b2, c0_g2, c0_be2,
              c1_w0, c1_b0, c1_g0, c1_be0,
              c1_w1, c1_b1, c1_g1, c1_be1,
              c1_w2, c1_b2, c1_g2, c1_be2,
              c2_w0, c2_b0, c2_g0, c2_be0,
              c2_w1, c2_b1, c2_g1, c2_be1,
              c2_w2, c2_b2, c2_g2, c2_be2,
              p0_w, p1_w, p2_w,
              lin_w, lin_b):
    inp = dict(locals())
    flist = [inp[n] for n in _names()]
    return _forward(inp["positions"], flist)

if __name__ == "__main__":
    import jax
    _d = setup_inputs()
    print(jax.jit(kernel)(*tuple(_d.values())))

</pallas_src>

<mosaic_0001>
#map = affine_map<(d0, d1) -> (0, 0)>
#map1 = affine_map<(d0, d1) -> (0)>
module attributes {stable_mosaic.version = 14 : i64} {
  func.func @k(%arg0: i32, %arg1: i32, %arg2: memref<32768x16xf32, #tpu.memory_space<hbm>>, %arg3: memref<327680xi32, #tpu.memory_space<hbm>>, %arg4: memref<327680x16xf32, #tpu.memory_space<hbm>>, %arg5: memref<128xi32, #tpu.memory_space<vmem>>, %arg6: memref<128x16xf32, #tpu.memory_space<vmem>>, %arg7: memref<!tpu.dma_semaphore, #tpu.memory_space<semaphore_mem>>) attributes {dimension_semantics = [#tpu.dimension_semantics<core_parallel>, #tpu.dimension_semantics<subcore_parallel>], iteration_bounds = array<i64: 2, 16>, scalar_prefetch = 0 : i64, scratch_operands = 3 : i64, tpu.core_type = #tpu.core_type<sc_vector_subcore>, window_params = [{transform_indices = #map}, {transform_indices = #map1}, {transform_indices = #map}]} {
    %mul3A = arith.constant 2 : i32
    %mul3A_0 = arith.muli %arg1, %mul3A : i32
    %add3A = arith.addi %mul3A_0, %arg0 : i32
    %mul3A_1 = arith.constant 10240 : i32
    %mul3A_2 = arith.muli %add3A, %mul3A_1 : i32
    %scan3A = arith.constant 0 : i32
    %scan3A_3 = arith.constant 0 : i32
    %scan3A_4 = arith.constant 80 : i32
    %scan3A_5 = arith.addi %scan3A_3, %scan3A_4 : i32
    %scan3A_6 = arith.constant 1 : i32
    scf.for %scan3A_8 = %scan3A_3 to %scan3A_5 step %scan3A_6  : i32 {
      %mul3A_9 = arith.constant 128 : i32
      %mul3A_10 = arith.muli %scan3A_8, %mul3A_9 : i32
      %add3A_11 = arith.addi %mul3A_2, %mul3A_10 : i32
      "tpu.region"() ({
        %run_scoped3A = tpu.sem_alloc : memref<!tpu.dma_semaphore, #tpu.memory_space<semaphore_mem>>
        %dma_start3A_16 = tpu.memref_slice %arg3[%add3A_11] : memref<327680xi32, #tpu.memory_space<hbm>> -> memref<128xi32, #tpu.memory_space<hbm>>
        %dma_start3A_17 = tpu.memref_slice %arg3[%add3A_11] : memref<327680xi32, #tpu.memory_space<hbm>> -> memref<128xi32, #tpu.memory_space<hbm>>
        tpu.enqueue_dma source(%dma_start3A_17 : memref<128xi32, #tpu.memory_space<hbm>>) target(%arg5 : memref<128xi32, #tpu.memory_space<vmem>>) target_semaphore(%run_scoped3A : memref<!tpu.dma_semaphore, #tpu.memory_space<semaphore_mem>>)
        %dma_wait3A_18 = tpu.memref_slice %arg3[%add3A_11] : memref<327680xi32, #tpu.memory_space<hbm>> -> memref<128xi32, #tpu.memory_space<hbm>>
        %dma_wait3A_19 = tpu.memref_slice %arg3[%add3A_11] : memref<327680xi32, #tpu.memory_space<hbm>> -> memref<128xi32, #tpu.memory_space<hbm>>
        tpu.wait_dma2 semaphore(%run_scoped3A : memref<!tpu.dma_semaphore, #tpu.memory_space<semaphore_mem>>) src(%dma_wait3A_19 : memref<128xi32, #tpu.memory_space<hbm>>) dst(%arg5 : memref<128xi32, #tpu.memory_space<vmem>>)
        tpu.yield
      }) : () -> ()
      %dma_start3A = arith.constant 0 : i32
      %dma_start3A_12 = arith.constant 0 : i32
      %dma_start3A_13 = tpu.memref_slice %arg2[%dma_start3A, %dma_start3A_12] : memref<32768x16xf32, #tpu.memory_space<hbm>> -> memref<32768x16xf32, #tpu.memory_space<hbm>>
      tpu.enqueue_indirect_dma source(%dma_start3A_13 : memref<32768x16xf32, #tpu.memory_space<hbm>>) target(%arg6 : memref<128x16xf32, #tpu.memory_space<vmem>>) offsets(%arg5 : memref<128xi32, #tpu.memory_space<vmem>>) semaphore(%arg7 : memref<!tpu.dma_semaphore, #tpu.memory_space<semaphore_mem>>)
      %dma_wait3A = arith.constant 0 : i32
      %dma_wait3A_14 = arith.constant 0 : i32
      %dma_wait3A_15 = tpu.memref_slice %arg2[%dma_wait3A, %dma_wait3A_14] : memref<32768x16xf32, #tpu.memory_space<hbm>> -> memref<32768x16xf32, #tpu.memory_space<hbm>>
      tpu.wait_indirect_dma semaphore(%arg7 : memref<!tpu.dma_semaphore, #tpu.memory_space<semaphore_mem>>) src(%dma_wait3A_15 : memref<32768x16xf32, #tpu.memory_space<hbm>>) dst(%arg6 : memref<128x16xf32, #tpu.memory_space<vmem>>)
      "tpu.region"() ({
        %run_scoped3A = tpu.sem_alloc : memref<!tpu.dma_semaphore, #tpu.memory_space<semaphore_mem>>
        %dma_start3A_16 = arith.constant 0 : i32
        %dma_start3A_17 = tpu.memref_slice %arg4[%add3A_11, %dma_start3A_16] : memref<327680x16xf32, #tpu.memory_space<hbm>> -> memref<128x16xf32, #tpu.memory_space<hbm>>
        %dma_start3A_18 = arith.constant 0 : i32
        %dma_start3A_19 = tpu.memref_slice %arg4[%add3A_11, %dma_start3A_18] : memref<327680x16xf32, #tpu.memory_space<hbm>> -> memref<128x16xf32, #tpu.memory_space<hbm>>
        tpu.enqueue_dma source(%arg6 : memref<128x16xf32, #tpu.memory_space<vmem>>) target(%dma_start3A_19 : memref<128x16xf32, #tpu.memory_space<hbm>>) target_semaphore(%run_scoped3A : memref<!tpu.dma_semaphore, #tpu.memory_space<semaphore_mem>>)
        %dma_wait3A_20 = arith.constant 0 : i32
        %dma_wait3A_21 = tpu.memref_slice %arg4[%add3A_11, %dma_wait3A_20] : memref<327680x16xf32, #tpu.memory_space<hbm>> -> memref<128x16xf32, #tpu.memory_space<hbm>>
        %dma_wait3A_22 = arith.constant 0 : i32
        %dma_wait3A_23 = tpu.memref_slice %arg4[%add3A_11, %dma_wait3A_22] : memref<327680x16xf32, #tpu.memory_space<hbm>> -> memref<128x16xf32, #tpu.memory_space<hbm>>
        tpu.wait_dma2 semaphore(%run_scoped3A : memref<!tpu.dma_semaphore, #tpu.memory_space<semaphore_mem>>) src(%arg6 : memref<128x16xf32, #tpu.memory_space<vmem>>) dst(%dma_wait3A_23 : memref<128x16xf32, #tpu.memory_space<hbm>>)
        tpu.yield
      }) : () -> ()
    }
    %scan3A_7 = arith.constant 80 : i32
    return
  }
}

#map = affine_map<(d0, d1) -> (0, 0)>
#map1 = affine_map<(d0, d1) -> (0)>
module attributes {stable_mosaic.version = 14 : i64} {
  func.func @k(%arg0: i32, %arg1: i32, %arg2: memref<8192x64xf32, #tpu.memory_space<hbm>>, %arg3: memref<81920xi32, #tpu.memory_space<hbm>>, %arg4: memref<81920x64xf32, #tpu.memory_space<hbm>>, %arg5: memref<128xi32, #tpu.memory_space<vmem>>, %arg6: memref<128x64xf32, #tpu.memory_space<vmem>>, %arg7: memref<!tpu.dma_semaphore, #tpu.memory_space<semaphore_mem>>) attributes {dimension_semantics = [#tpu.dimension_semantics<core_parallel>, #tpu.dimension_semantics<subcore_parallel>], iteration_bounds = array<i64: 2, 16>, scalar_prefetch = 0 : i64, scratch_operands = 3 : i64, tpu.core_type = #tpu.core_type<sc_vector_subcore>, window_params = [{transform_indices = #map}, {transform_indices = #map1}, {transform_indices = #map}]} {
    %mul3A = arith.constant 2 : i32
    %mul3A_0 = arith.muli %arg1, %mul3A : i32
    %add3A = arith.addi %mul3A_0, %arg0 : i32
    %mul3A_1 = arith.constant 2560 : i32
    %mul3A_2 = arith.muli %add3A, %mul3A_1 : i32
    %scan3A = arith.constant 0 : i32
    %scan3A_3 = arith.constant 0 : i32
    %scan3A_4 = arith.constant 20 : i32
    %scan3A_5 = arith.addi %scan3A_3, %scan3A_4 : i32
    %scan3A_6 = arith.constant 1 : i32
    scf.for %scan3A_8 = %scan3A_3 to %scan3A_5 step %scan3A_6  : i32 {
      %mul3A_9 = arith.constant 128 : i32
      %mul3A_10 = arith.muli %scan3A_8, %mul3A_9 : i32
      %add3A_11 = arith.addi %mul3A_2, %mul3A_10 : i32
      "tpu.region"() ({
        %run_scoped3A = tpu.sem_alloc : memref<!tpu.dma_semaphore, #tpu.memory_space<semaphore_mem>>
        %dma_start3A_16 = tpu.memref_slice %arg3[%add3A_11] : memref<81920xi32, #tpu.memory_space<hbm>> -> memref<128xi32, #tpu.memory_space<hbm>>
        %dma_start3A_17 = tpu.memref_slice %arg3[%add3A_11] : memref<81920xi32, #tpu.memory_space<hbm>> -> memref<128xi32, #tpu.memory_space<hbm>>
        tpu.enqueue_dma source(%dma_start3A_17 : memref<128xi32, #tpu.memory_space<hbm>>) target(%arg5 : memref<128xi32, #tpu.memory_space<vmem>>) target_semaphore(%run_scoped3A : memref<!tpu.dma_semaphore, #tpu.memory_space<semaphore_mem>>)
        %dma_wait3A_18 = tpu.memref_slice %arg3[%add3A_11] : memref<81920xi32, #tpu.memory_space<hbm>> -> memref<128xi32, #tpu.memory_space<hbm>>
        %dma_wait3A_19 = tpu.memref_slice %arg3[%add3A_11] : memref<81920xi32, #tpu.memory_space<hbm>> -> memref<128xi32, #tpu.memory_space<hbm>>
        tpu.wait_dma2 semaphore(%run_scoped3A : memref<!tpu.dma_semaphore, #tpu.memory_space<semaphore_mem>>) src(%dma_wait3A_19 : memref<128xi32, #tpu.memory_space<hbm>>) dst(%arg5 : memref<128xi32, #tpu.memory_space<vmem>>)
        tpu.yield
      }) : () -> ()
      %dma_start3A = arith.constant 0 : i32
      %dma_start3A_12 = arith.constant 0 : i32
      %dma_start3A_13 = tpu.memref_slice %arg2[%dma_start3A, %dma_start3A_12] : memref<8192x64xf32, #tpu.memory_space<hbm>> -> memref<8192x64xf32, #tpu.memory_space<hbm>>
      tpu.enqueue_indirect_dma source(%dma_start3A_13 : memref<8192x64xf32, #tpu.memory_space<hbm>>) target(%arg6 : memref<128x64xf32, #tpu.memory_space<vmem>>) offsets(%arg5 : memref<128xi32, #tpu.memory_space<vmem>>) semaphore(%arg7 : memref<!tpu.dma_semaphore, #tpu.memory_space<semaphore_mem>>)
      %dma_wait3A = arith.constant 0 : i32
      %dma_wait3A_14 = arith.constant 0 : i32
      %dma_wait3A_15 = tpu.memref_slice %arg2[%dma_wait3A, %dma_wait3A_14] : memref<8192x64xf32, #tpu.memory_space<hbm>> -> memref<8192x64xf32, #tpu.memory_space<hbm>>
      tpu.wait_indirect_dma semaphore(%arg7 : memref<!tpu.dma_semaphore, #tpu.memory_space<semaphore_mem>>) src(%dma_wait3A_15 : memref<8192x64xf32, #tpu.memory_space<hbm>>) dst(%arg6 : memref<128x64xf32, #tpu.memory_space<vmem>>)
      "tpu.region"() ({
        %run_scoped3A = tpu.sem_alloc : memref<!tpu.dma_semaphore, #tpu.memory_space<semaphore_mem>>
        %dma_start3A_16 = arith.constant 0 : i32
        %dma_start3A_17 = tpu.memref_slice %arg4[%add3A_11, %dma_start3A_16] : memref<81920x64xf32, #tpu.memory_space<hbm>> -> memref<128x64xf32, #tpu.memory_space<hbm>>
        %dma_start3A_18 = arith.constant 0 : i32
        %dma_start3A_19 = tpu.memref_slice %arg4[%add3A_11, %dma_start3A_18] : memref<81920x64xf32, #tpu.memory_space<hbm>> -> memref<128x64xf32, #tpu.memory_space<hbm>>
        tpu.enqueue_dma source(%arg6 : memref<128x64xf32, #tpu.memory_space<vmem>>) target(%dma_start3A_19 : memref<128x64xf32, #tpu.memory_space<hbm>>) target_semaphore(%run_scoped3A : memref<!tpu.dma_semaphore, #tpu.memory_space<semaphore_mem>>)
        %dma_wait3A_20 = arith.constant 0 : i32
        %dma_wait3A_21 = tpu.memref_slice %arg4[%add3A_11, %dma_wait3A_20] : memref<81920x64xf32, #tpu.memory_space<hbm>> -> memref<128x64xf32, #tpu.memory_space<hbm>>
        %dma_wait3A_22 = arith.constant 0 : i32
        %dma_wait3A_23 = tpu.memref_slice %arg4[%add3A_11, %dma_wait3A_22] : memref<81920x64xf32, #tpu.memory_space<hbm>> -> memref<128x64xf32, #tpu.memory_space<hbm>>
        tpu.wait_dma2 semaphore(%run_scoped3A : memref<!tpu.dma_semaphore, #tpu.memory_space<semaphore_mem>>) src(%arg6 : memref<128x64xf32, #tpu.memory_space<vmem>>) dst(%dma_wait3A_23 : memref<128x64xf32, #tpu.memory_space<hbm>>)
        tpu.yield
      }) : () -> ()
    }
    %scan3A_7 = arith.constant 20 : i32
    return
  }
}

#map = affine_map<(d0, d1) -> (0, 0)>
#map1 = affine_map<(d0, d1) -> (0)>
module attributes {stable_mosaic.version = 14 : i64} {
  func.func @k(%arg0: i32, %arg1: i32, %arg2: memref<16384x64xf32, #tpu.memory_space<hbm>>, %arg3: memref<163840xi32, #tpu.memory_space<hbm>>, %arg4: memref<163840x64xf32, #tpu.memory_space<hbm>>, %arg5: memref<128xi32, #tpu.memory_space<vmem>>, %arg6: memref<128x64xf32, #tpu.memory_space<vmem>>, %arg7: memref<!tpu.dma_semaphore, #tpu.memory_space<semaphore_mem>>) attributes {dimension_semantics = [#tpu.dimension_semantics<core_parallel>, #tpu.dimension_semantics<subcore_parallel>], iteration_bounds = array<i64: 2, 16>, scalar_prefetch = 0 : i64, scratch_operands = 3 : i64, tpu.core_type = #tpu.core_type<sc_vector_subcore>, window_params = [{transform_indices = #map}, {transform_indices = #map1}, {transform_indices = #map}]} {
    %mul3A = arith.constant 2 : i32
    %mul3A_0 = arith.muli %arg1, %mul3A : i32
    %add3A = arith.addi %mul3A_0, %arg0 : i32
    %mul3A_1 = arith.constant 5120 : i32
    %mul3A_2 = arith.muli %add3A, %mul3A_1 : i32
    %scan3A = arith.constant 0 : i32
    %scan3A_3 = arith.constant 0 : i32
    %scan3A_4 = arith.constant 40 : i32
    %scan3A_5 = arith.addi %scan3A_3, %scan3A_4 : i32
    %scan3A_6 = arith.constant 1 : i32
    scf.for %scan3A_8 = %scan3A_3 to %scan3A_5 step %scan3A_6  : i32 {
      %mul3A_9 = arith.constant 128 : i32
      %mul3A_10 = arith.muli %scan3A_8, %mul3A_9 : i32
      %add3A_11 = arith.addi %mul3A_2, %mul3A_10 : i32
      "tpu.region"() ({
        %run_scoped3A = tpu.sem_alloc : memref<!tpu.dma_semaphore, #tpu.memory_space<semaphore_mem>>
        %dma_start3A_16 = tpu.memref_slice %arg3[%add3A_11] : memref<163840xi32, #tpu.memory_space<hbm>> -> memref<128xi32, #tpu.memory_space<hbm>>
        %dma_start3A_17 = tpu.memref_slice %arg3[%add3A_11] : memref<163840xi32, #tpu.memory_space<hbm>> -> memref<128xi32, #tpu.memory_space<hbm>>
        tpu.enqueue_dma source(%dma_start3A_17 : memref<128xi32, #tpu.memory_space<hbm>>) target(%arg5 : memref<128xi32, #tpu.memory_space<vmem>>) target_semaphore(%run_scoped3A : memref<!tpu.dma_semaphore, #tpu.memory_space<semaphore_mem>>)
        %dma_wait3A_18 = tpu.memref_slice %arg3[%add3A_11] : memref<163840xi32, #tpu.memory_space<hbm>> -> memref<128xi32, #tpu.memory_space<hbm>>
        %dma_wait3A_19 = tpu.memref_slice %arg3[%add3A_11] : memref<163840xi32, #tpu.memory_space<hbm>> -> memref<128xi32, #tpu.memory_space<hbm>>
        tpu.wait_dma2 semaphore(%run_scoped3A : memref<!tpu.dma_semaphore, #tpu.memory_space<semaphore_mem>>) src(%dma_wait3A_19 : memref<128xi32, #tpu.memory_space<hbm>>) dst(%arg5 : memref<128xi32, #tpu.memory_space<vmem>>)
        tpu.yield
      }) : () -> ()
      %dma_start3A = arith.constant 0 : i32
      %dma_start3A_12 = arith.constant 0 : i32
      %dma_start3A_13 = tpu.memref_slice %arg2[%dma_start3A, %dma_start3A_12] : memref<16384x64xf32, #tpu.memory_space<hbm>> -> memref<16384x64xf32, #tpu.memory_space<hbm>>
      tpu.enqueue_indirect_dma source(%dma_start3A_13 : memref<16384x64xf32, #tpu.memory_space<hbm>>) target(%arg6 : memref<128x64xf32, #tpu.memory_space<vmem>>) offsets(%arg5 : memref<128xi32, #tpu.memory_space<vmem>>) semaphore(%arg7 : memref<!tpu.dma_semaphore, #tpu.memory_space<semaphore_mem>>)
      %dma_wait3A = arith.constant 0 : i32
      %dma_wait3A_14 = arith.constant 0 : i32
      %dma_wait3A_15 = tpu.memref_slice %arg2[%dma_wait3A, %dma_wait3A_14] : memref<16384x64xf32, #tpu.memory_space<hbm>> -> memref<16384x64xf32, #tpu.memory_space<hbm>>
      tpu.wait_indirect_dma semaphore(%arg7 : memref<!tpu.dma_semaphore, #tpu.memory_space<semaphore_mem>>) src(%dma_wait3A_15 : memref<16384x64xf32, #tpu.memory_space<hbm>>) dst(%arg6 : memref<128x64xf32, #tpu.memory_space<vmem>>)
      "tpu.region"() ({
        %run_scoped3A = tpu.sem_alloc : memref<!tpu.dma_semaphore, #tpu.memory_space<semaphore_mem>>
        %dma_start3A_16 = arith.constant 0 : i32
        %dma_start3A_17 = tpu.memref_slice %arg4[%add3A_11, %dma_start3A_16] : memref<163840x64xf32, #tpu.memory_space<hbm>> -> memref<128x64xf32, #tpu.memory_space<hbm>>
        %dma_start3A_18 = arith.constant 0 : i32
        %dma_start3A_19 = tpu.memref_slice %arg4[%add3A_11, %dma_start3A_18] : memref<163840x64xf32, #tpu.memory_space<hbm>> -> memref<128x64xf32, #tpu.memory_space<hbm>>
        tpu.enqueue_dma source(%arg6 : memref<128x64xf32, #tpu.memory_space<vmem>>) target(%dma_start3A_19 : memref<128x64xf32, #tpu.memory_space<hbm>>) target_semaphore(%run_scoped3A : memref<!tpu.dma_semaphore, #tpu.memory_space<semaphore_mem>>)
        %dma_wait3A_20 = arith.constant 0 : i32
        %dma_wait3A_21 = tpu.memref_slice %arg4[%add3A_11, %dma_wait3A_20] : memref<163840x64xf32, #tpu.memory_space<hbm>> -> memref<128x64xf32, #tpu.memory_space<hbm>>
        %dma_wait3A_22 = arith.constant 0 : i32
        %dma_wait3A_23 = tpu.memref_slice %arg4[%add3A_11, %dma_wait3A_22] : memref<163840x64xf32, #tpu.memory_space<hbm>> -> memref<128x64xf32, #tpu.memory_space<hbm>>
        tpu.wait_dma2 semaphore(%run_scoped3A : memref<!tpu.dma_semaphore, #tpu.memory_space<semaphore_mem>>) src(%arg6 : memref<128x64xf32, #tpu.memory_space<vmem>>) dst(%dma_wait3A_23 : memref<128x64xf32, #tpu.memory_space<hbm>>)
        tpu.yield
      }) : () -> ()
    }
    %scan3A_7 = arith.constant 40 : i32
    return
  }
}

module attributes {stable_mosaic.version = 14 : i64} {
  func.func @_k1_body(%arg0: i32, %arg1: i32, %arg2: memref<1x2048x3xf32, #tpu.memory_space<vmem>>, %arg3: memref<1x3x256xf32, #tpu.memory_space<vmem>>, %arg4: memref<1x16x256xi32, #tpu.memory_space<vmem>>) attributes {dimension_semantics = [#tpu.dimension_semantics<arbitrary>, #tpu.dimension_semantics<arbitrary>], iteration_bounds = array<i64: 16, 8>, scalar_prefetch = 0 : i64, scratch_operands = 0 : i64, tpu.core_type = #tpu.core_type<tc>, window_params = [{transform_indices = @transform_0, window_bounds = array<i64: 1, 2048, 3>}, {transform_indices = @transform_1, window_bounds = array<i64: 1, 3, 256>}, {transform_indices = @transform_2, window_bounds = array<i64: 1, 16, 256>}]} {
    %get3A = arith.constant 0 : index
    %get3A_0 = arith.constant 0 : index
    %get3A_1 = arith.constant 0 : index
    %get3A_2 = vector.load %arg2[%get3A, %get3A_0, %get3A_1] : memref<1x2048x3xf32, #tpu.memory_space<vmem>>, vector<1x2048x3xf32>
    %get3A_3 = vector.shape_cast %get3A_2 : vector<1x2048x3xf32> to vector<2048x3xf32>
    %get3A_4 = arith.constant 0 : index
    %get3A_5 = arith.constant 0 : index
    %get3A_6 = arith.constant 0 : index
    %get3A_7 = vector.load %arg3[%get3A_4, %get3A_5, %get3A_6] : memref<1x3x256xf32, #tpu.memory_space<vmem>>, vector<1x3x256xf32>
    %get3A_8 = vector.shape_cast %get3A_7 : vector<1x3x256xf32> to vector<3x256xf32>
    %mul3A = arith.mulf %get3A_3, %get3A_3 : vector<2048x3xf32>
    %reduce_sum3A = arith.constant dense<0.000000e+00> : vector<2048xf32>
    %reduce_sum3A_9 = vector.multi_reduction <add>, %mul3A, %reduce_sum3A [1] : vector<2048x3xf32> to vector<2048xf32>
    %broadcast_in_dim3A = vector.shape_cast %reduce_sum3A_9 : vector<2048xf32> to vector<2048x1xf32>
    %mul3A_10 = arith.mulf %get3A_8, %get3A_8 : vector<3x256xf32>
    %reduce_sum3A_11 = arith.constant dense<0.000000e+00> : vector<256xf32>
    %reduce_sum3A_12 = vector.multi_reduction <add>, %mul3A_10, %reduce_sum3A_11 [0] : vector<3x256xf32> to vector<256xf32>
    %broadcast_in_dim3A_13 = vector.shape_cast %reduce_sum3A_12 : vector<256xf32> to vector<1x256xf32>
    %dot_general3A = arith.constant dense<0.000000e+00> : vector<2048x256xf32>
    %dot_general3A_14 = tpu.matmul %get3A_3, %get3A_8, %dot_general3A {dimension_numbers = #tpu.dot_dimension_numbers<[1], [0], [0], [1], [0, 0, 1, 1], [], []>, transpose_lhs_hint = false} : vector<2048x3xf32>, vector<3x256xf32>, vector<2048x256xf32> -> vector<2048x256xf32>
    %add3A = vector.broadcast %broadcast_in_dim3A : vector<2048x1xf32> to vector<2048x256xf32>
    %add3A_15 = vector.broadcast %broadcast_in_dim3A_13 : vector<1x256xf32> to vector<2048x256xf32>
    %add3A_16 = arith.addf %add3A, %add3A_15 : vector<2048x256xf32>
    %mul3A_17 = arith.constant 2.000000e+00 : f32
    %mul3A_18 = vector.broadcast %mul3A_17 : f32 to vector<2048x256xf32>
    %mul3A_19 = arith.mulf %mul3A_18, %dot_general3A_14 : vector<2048x256xf32>
    %sub3A = arith.subf %add3A_16, %mul3A_19 : vector<2048x256xf32>
    %iota3A = tpu.iota {dimensions = array<i32: 0>} : vector<2048x256xi32>
    %mul3A_20 = arith.constant 2048 : i32
    %mul3A_21 = arith.muli %arg0, %mul3A_20 : i32
    %reduce_min3A = arith.constant dense<0x7F800000> : vector<256xf32>
    %reduce_min3A_22 = vector.multi_reduction <minimumf>, %sub3A, %reduce_min3A [0] : vector<2048x256xf32> to vector<256xf32>
    %broadcast_in_dim3A_23 = vector.shape_cast %reduce_min3A_22 : vector<256xf32> to vector<1x256xf32>
    %eq3A = vector.broadcast %broadcast_in_dim3A_23 : vector<1x256xf32> to vector<2048x256xf32>
    %eq3A_24 = arith.cmpf oeq, %sub3A, %eq3A : vector<2048x256xf32>
    %jit3A = arith.constant 2048 : i32
    %broadcast_in_dim3A_25 = vector.broadcast %jit3A : i32 to vector<2048x256xi32>
    %select_n3A = arith.select %eq3A_24, %iota3A, %broadcast_in_dim3A_25 : vector<2048x256xi1>, vector<2048x256xi32>
    %reduce_min3A_26 = arith.constant dense<2147483647> : vector<256xi32>
    %reduce_min3A_27 = vector.multi_reduction <minsi>, %select_n3A, %reduce_min3A_26 [0] : vector<2048x256xi32> to vector<256xi32>
    %broadcast_in_dim3A_28 = vector.shape_cast %reduce_min3A_27 : vector<256xi32> to vector<1x256xi32>
    %add3A_29 = vector.broadcast %mul3A_21 : i32 to vector<1x256xi32>
    %add3A_30 = arith.addi %broadcast_in_dim3A_28, %add3A_29 : vector<1x256xi32>
    %swap3A = arith.constant 0 : index
    %swap3A_31 = arith.constant 0 : index
    %swap3A_32 = arith.constant 0 : index
    %swap3A_33 = vector.load %arg4[%swap3A, %swap3A_31, %swap3A_32] : memref<1x16x256xi32, #tpu.memory_space<vmem>>, vector<1x1x256xi32>
    %swap3A_34 = vector.shape_cast %swap3A_33 : vector<1x1x256xi32> to vector<1x256xi32>
    %swap3A_35 = vector.shape_cast %add3A_30 : vector<1x256xi32> to vector<1x1x256xi32>
    tpu.vector_store %arg4[%swap3A, %swap3A_31, %swap3A_32], %swap3A_35 {strides = array<i32>} : memref<1x16x256xi32, #tpu.memory_space<vmem>>, vector<1x1x256xi32>,
    %eq3A_36 = vector.broadcast %broadcast_in_dim3A_28 : vector<1x256xi32> to vector<2048x256xi32>
    %eq3A_37 = arith.cmpi eq, %iota3A, %eq3A_36 : vector<2048x256xi32>
    %jit3A_38 = arith.constant 3.000000e+38 : f32
    %broadcast_in_dim3A_39 = vector.broadcast %jit3A_38 : f32 to vector<2048x256xf32>
    %select_n3A_40 = arith.select %eq3A_37, %broadcast_in_dim3A_39, %sub3A : vector<2048x256xi1>, vector<2048x256xf32>
    %reduce_min3A_41 = arith.constant dense<0x7F800000> : vector<256xf32>
    %reduce_min3A_42 = vector.multi_reduction <minimumf>, %select_n3A_40, %reduce_min3A_41 [0] : vector<2048x256xf32> to vector<256xf32>
    %broadcast_in_dim3A_43 = vector.shape_cast %reduce_min3A_42 : vector<256xf32> to vector<1x256xf32>
    %eq3A_44 = vector.broadcast %broadcast_in_dim3A_43 : vector<1x256xf32> to vector<2048x256xf32>
    %eq3A_45 = arith.cmpf oeq, %select_n3A_40, %eq3A_44 : vector<2048x256xf32>
    %jit3A_46 = arith.constant 2048 : i32
    %broadcast_in_dim3A_47 = vector.broadcast %jit3A_46 : i32 to vector<2048x256xi32>
    %select_n3A_48 = arith.select %eq3A_45, %iota3A, %broadcast_in_dim3A_47 : vector<2048x256xi1>, vector<2048x256xi32>
    %reduce_min3A_49 = arith.constant dense<2147483647> : vector<256xi32>
    %reduce_min3A_50 = vector.multi_reduction <minsi>, %select_n3A_48, %reduce_min3A_49 [0] : vector<2048x256xi32> to vector<256xi32>
    %broadcast_in_dim3A_51 = vector.shape_cast %reduce_min3A_50 : vector<256xi32> to vector<1x256xi32>
    %add3A_52 = vector.broadcast %mul3A_21 : i32 to vector<1x256xi32>
    %add3A_53 = arith.addi %broadcast_in_dim3A_51, %add3A_52 : vector<1x256xi32>
    %swap3A_54 = arith.constant 0 : index
    %swap3A_55 = arith.constant 1 : index
    %swap3A_56 = arith.constant 0 : index
    %swap3A_57 = vector.load %arg4[%swap3A_54, %swap3A_55, %swap3A_56] : memref<1x16x256xi32, #tpu.memory_space<vmem>>, vector<1x1x256xi32>
    %swap3A_58 = vector.shape_cast %swap3A_57 : vector<1x1x256xi32> to vector<1x256xi32>
    %swap3A_59 = vector.shape_cast %add3A_53 : vector<1x256xi32> to vector<1x1x256xi32>
    tpu.vector_store %arg4[%swap3A_54, %swap3A_55, %swap3A_56], %swap3A_59 {strides = array<i32>} : memref<1x16x256xi32, #tpu.memory_space<vmem>>, vector<1x1x256xi32>,
    %eq3A_60 = vector.broadcast %broadcast_in_dim3A_51 : vector<1x256xi32> to vector<2048x256xi32>
    %eq3A_61 = arith.cmpi eq, %iota3A, %eq3A_60 : vector<2048x256xi32>
    %jit3A_62 = arith.constant 3.000000e+38 : f32
    %broadcast_in_dim3A_63 = vector.broadcast %jit3A_62 : f32 to vector<2048x256xf32>
    %select_n3A_64 = arith.select %eq3A_61, %broadcast_in_dim3A_63, %select_n3A_40 : vector<2048x256xi1>, vector<2048x256xf32>
    %reduce_min3A_65 = arith.constant dense<0x7F800000> : vector<256xf32>
    %reduce_min3A_66 = vector.multi_reduction <minimumf>, %select_n3A_64, %reduce_min3A_65 [0] : vector<2048x256xf32> to vector<256xf32>
    %broadcast_in_dim3A_67 = vector.shape_cast %reduce_min3A_66 : vector<256xf32> to vector<1x256xf32>
    %eq3A_68 = vector.broadcast %broadcast_in_dim3A_67 : vector<1x256xf32> to vector<2048x256xf32>
    %eq3A_69 = arith.cmpf oeq, %select_n3A_64, %eq3A_68 : vector<2048x256xf32>
    %jit3A_70 = arith.constant 2048 : i32
    %broadcast_in_dim3A_71 = vector.broadcast %jit3A_70 : i32 to vector<2048x256xi32>
    %select_n3A_72 = arith.select %eq3A_69, %iota3A, %broadcast_in_dim3A_71 : vector<2048x256xi1>, vector<2048x256xi32>
    %reduce_min3A_73 = arith.constant dense<2147483647> : vector<256xi32>
    %reduce_min3A_74 = vector.multi_reduction <minsi>, %select_n3A_72, %reduce_min3A_73 [0] : vector<2048x256xi32> to vector<256xi32>
    %broadcast_in_dim3A_75 = vector.shape_cast %reduce_min3A_74 : vector<256xi32> to vector<1x256xi32>
    %add3A_76 = vector.broadcast %mul3A_21 : i32 to vector<1x256xi32>
    %add3A_77 = arith.addi %broadcast_in_dim3A_75, %add3A_76 : vector<1x256xi32>
    %swap3A_78 = arith.constant 0 : index
    %swap3A_79 = arith.constant 2 : index
    %swap3A_80 = arith.constant 0 : index
    %swap3A_81 = vector.load %arg4[%swap3A_78, %swap3A_79, %swap3A_80] : memref<1x16x256xi32, #tpu.memory_space<vmem>>, vector<1x1x256xi32>
    %swap3A_82 = vector.shape_cast %swap3A_81 : vector<1x1x256xi32> to vector<1x256xi32>
    %swap3A_83 = vector.shape_cast %add3A_77 : vector<1x256xi32> to vector<1x1x256xi32>
    tpu.vector_store %arg4[%swap3A_78, %swap3A_79, %swap3A_80], %swap3A_83 {strides = array<i32>} : memref<1x16x256xi32, #tpu.memory_space<vmem>>, vector<1x1x256xi32>,
    %eq3A_84 = vector.broadcast %broadcast_in_dim3A_75 : vector<1x256xi32> to vector<2048x256xi32>
    %eq3A_85 = arith.cmpi eq, %iota3A, %eq3A_84 : vector<2048x256xi32>
    %jit3A_86 = arith.constant 3.000000e+38 : f32
    %broadcast_in_dim3A_87 = vector.broadcast %jit3A_86 : f32 to vector<2048x256xf32>
    %select_n3A_88 = arith.select %eq3A_85, %broadcast_in_dim3A_87, %select_n3A_64 : vector<2048x256xi1>, vector<2048x256xf32>
    %reduce_min3A_89 = arith.constant dense<0x7F800000> : vector<256xf32>
    %reduce_min3A_90 = vector.multi_reduction <minimumf>, %select_n3A_88, %reduce_min3A_89 [0] : vector<2048x256xf32> to vector<256xf32>
    %broadcast_in_dim3A_91 = vector.shape_cast %reduce_min3A_90 : vector<256xf32> to vector<1x256xf32>
    %eq3A_92 = vector.broadcast %broadcast_in_dim3A_91 : vector<1x256xf32> to vector<2048x256xf32>
    %eq3A_93 = arith.cmpf oeq, %select_n3A_88, %eq3A_92 : vector<2048x256xf32>
    %jit3A_94 = arith.constant 2048 : i32
    %broadcast_in_dim3A_95 = vector.broadcast %jit3A_94 : i32 to vector<2048x256xi32>
    %select_n3A_96 = arith.select %eq3A_93, %iota3A, %broadcast_in_dim3A_95 : vector<2048x256xi1>, vector<2048x256xi32>
    %reduce_min3A_97 = arith.constant dense<2147483647> : vector<256xi32>
    %reduce_min3A_98 = vector.multi_reduction <minsi>, %select_n3A_96, %reduce_min3A_97 [0] : vector<2048x256xi32> to vector<256xi32>
    %broadcast_in_dim3A_99 = vector.shape_cast %reduce_min3A_98 : vector<256xi32> to vector<1x256xi32>
    %add3A_100 = vector.broadcast %mul3A_21 : i32 to vector<1x256xi32>
    %add3A_101 = arith.addi %broadcast_in_dim3A_99, %add3A_100 : vector<1x256xi32>
    %swap3A_102 = arith.constant 0 : index
    %swap3A_103 = arith.constant 3 : index
    %swap3A_104 = arith.constant 0 : index
    %swap3A_105 = vector.load %arg4[%swap3A_102, %swap3A_103, %swap3A_104] : memref<1x16x256xi32, #tpu.memory_space<vmem>>, vector<1x1x256xi32>
    %swap3A_106 = vector.shape_cast %swap3A_105 : vector<1x1x256xi32> to vector<1x256xi32>
    %swap3A_107 = vector.shape_cast %add3A_101 : vector<1x256xi32> to vector<1x1x256xi32>
    tpu.vector_store %arg4[%swap3A_102, %swap3A_103, %swap3A_104], %swap3A_107 {strides = array<i32>} : memref<1x16x256xi32, #tpu.memory_space<vmem>>, vector<1x1x256xi32>,
    %eq3A_108 = vector.broadcast %broadcast_in_dim3A_99 : vector<1x256xi32> to vector<2048x256xi32>
    %eq3A_109 = arith.cmpi eq, %iota3A, %eq3A_108 : vector<2048x256xi32>
    %jit3A_110 = arith.constant 3.000000e+38 : f32
    %broadcast_in_dim3A_111 = vector.broadcast %jit3A_110 : f32 to vector<2048x256xf32>
    %select_n3A_112 = arith.select %eq3A_109, %broadcast_in_dim3A_111, %select_n3A_88 : vector<2048x256xi1>, vector<2048x256xf32>
    %reduce_min3A_113 = arith.constant dense<0x7F800000> : vector<256xf32>
    %reduce_min3A_114 = vector.multi_reduction <minimumf>, %select_n3A_112, %reduce_min3A_113 [0] : vector<2048x256xf32> to vector<256xf32>
    %broadcast_in_dim3A_115 = vector.shape_cast %reduce_min3A_114 : vector<256xf32> to vector<1x256xf32>
    %eq3A_116 = vector.broadcast %broadcast_in_dim3A_115 : vector<1x256xf32> to vector<2048x256xf32>
    %eq3A_117 = arith.cmpf oeq, %select_n3A_112, %eq3A_116 : vector<2048x256xf32>
    %jit3A_118 = arith.constant 2048 : i32
    %broadcast_in_dim3A_119 = vector.broadcast %jit3A_118 : i32 to vector<2048x256xi32>
    %select_n3A_120 = arith.select %eq3A_117, %iota3A, %broadcast_in_dim3A_119 : vector<2048x256xi1>, vector<2048x256xi32>
    %reduce_min3A_121 = arith.constant dense<2147483647> : vector<256xi32>
    %reduce_min3A_122 = vector.multi_reduction <minsi>, %select_n3A_120, %reduce_min3A_121 [0] : vector<2048x256xi32> to vector<256xi32>
    %broadcast_in_dim3A_123 = vector.shape_cast %reduce_min3A_122 : vector<256xi32> to vector<1x256xi32>
    %add3A_124 = vector.broadcast %mul3A_21 : i32 to vector<1x256xi32>
    %add3A_125 = arith.addi %broadcast_in_dim3A_123, %add3A_124 : vector<1x256xi32>
    %swap3A_126 = arith.constant 0 : index
    %swap3A_127 = arith.constant 4 : index
    %swap3A_128 = arith.constant 0 : index
    %swap3A_129 = vector.load %arg4[%swap3A_126, %swap3A_127, %swap3A_128] : memref<1x16x256xi32, #tpu.memory_space<vmem>>, vector<1x1x256xi32>
    %swap3A_130 = vector.shape_cast %swap3A_129 : vector<1x1x256xi32> to vector<1x256xi32>
    %swap3A_131 = vector.shape_cast %add3A_125 : vector<1x256xi32> to vector<1x1x256xi32>
    tpu.vector_store %arg4[%swap3A_126, %swap3A_127, %swap3A_128], %swap3A_131 {strides = array<i32>} : memref<1x16x256xi32, #tpu.memory_space<vmem>>, vector<1x1x256xi32>,
    %eq3A_132 = vector.broadcast %broadcast_in_dim3A_123 : vector<1x256xi32> to vector<2048x256xi32>
    %eq3A_133 = arith.cmpi eq, %iota3A, %eq3A_132 : vector<2048x256xi32>
    %jit3A_134 = arith.constant 3.000000e+38 : f32
    %broadcast_in_dim3A_135 = vector.broadcast %jit3A_134 : f32 to vector<2048x256xf32>
    %select_n3A_136 = arith.select %eq3A_133, %broadcast_in_dim3A_135, %select_n3A_112 : vector<2048x256xi1>, vector<2048x256xf32>
    %reduce_min3A_137 = arith.constant dense<0x7F800000> : vector<256xf32>
    %reduce_min3A_138 = vector.multi_reduction <minimumf>, %select_n3A_136, %reduce_min3A_137 [0] : vector<2048x256xf32> to vector<256xf32>
    %broadcast_in_dim3A_139 = vector.shape_cast %reduce_min3A_138 : vector<256xf32> to vector<1x256xf32>
    %eq3A_140 = vector.broadcast %broadcast_in_dim3A_139 : vector<1x256xf32> to vector<2048x256xf32>
    %eq3A_141 = arith.cmpf oeq, %select_n3A_136, %eq3A_140 : vector<2048x256xf32>
    %jit3A_142 = arith.constant 2048 : i32
    %broadcast_in_dim3A_143 = vector.broadcast %jit3A_142 : i32 to vector<2048x256xi32>
    %select_n3A_144 = arith.select %eq3A_141, %iota3A, %broadcast_in_dim3A_143 : vector<2048x256xi1>, vector<2048x256xi32>
    %reduce_min3A_145 = arith.constant dense<2147483647> : vector<256xi32>
    %reduce_min3A_146 = vector.multi_reduction <minsi>, %select_n3A_144, %reduce_min3A_145 [0] : vector<2048x256xi32> to vector<256xi32>
    %broadcast_in_dim3A_147 = vector.shape_cast %reduce_min3A_146 : vector<256xi32> to vector<1x256xi32>
    %add3A_148 = vector.broadcast %mul3A_21 : i32 to vector<1x256xi32>
    %add3A_149 = arith.addi %broadcast_in_dim3A_147, %add3A_148 : vector<1x256xi32>
    %swap3A_150 = arith.constant 0 : index
    %swap3A_151 = arith.constant 5 : index
    %swap3A_152 = arith.constant 0 : index
    %swap3A_153 = vector.load %arg4[%swap3A_150, %swap3A_151, %swap3A_152] : memref<1x16x256xi32, #tpu.memory_space<vmem>>, vector<1x1x256xi32>
    %swap3A_154 = vector.shape_cast %swap3A_153 : vector<1x1x256xi32> to vector<1x256xi32>
    %swap3A_155 = vector.shape_cast %add3A_149 : vector<1x256xi32> to vector<1x1x256xi32>
    tpu.vector_store %arg4[%swap3A_150, %swap3A_151, %swap3A_152], %swap3A_155 {strides = array<i32>} : memref<1x16x256xi32, #tpu.memory_space<vmem>>, vector<1x1x256xi32>,
    %eq3A_156 = vector.broadcast %broadcast_in_dim3A_147 : vector<1x256xi32> to vector<2048x256xi32>
    %eq3A_157 = arith.cmpi eq, %iota3A, %eq3A_156 : vector<2048x256xi32>
    %jit3A_158 = arith.constant 3.000000e+38 : f32
    %broadcast_in_dim3A_159 = vector.broadcast %jit3A_158 : f32 to vector<2048x256xf32>
    %select_n3A_160 = arith.select %eq3A_157, %broadcast_in_dim3A_159, %select_n3A_136 : vector<2048x256xi1>, vector<2048x256xf32>
    %reduce_min3A_161 = arith.constant dense<0x7F800000> : vector<256xf32>
    %reduce_min3A_162 = vector.multi_reduction <minimumf>, %select_n3A_160, %reduce_min3A_161 [0] : vector<2048x256xf32> to vector<256xf32>
    %broadcast_in_dim3A_163 = vector.shape_cast %reduce_min3A_162 : vector<256xf32> to vector<1x256xf32>
    %eq3A_164 = vector.broadcast %broadcast_in_dim3A_163 : vector<1x256xf32> to vector<2048x256xf32>
    %eq3A_165 = arith.cmpf oeq, %select_n3A_160, %eq3A_164 : vector<2048x256xf32>
    %jit3A_166 = arith.constant 2048 : i32
    %broadcast_in_dim3A_167 = vector.broadcast %jit3A_166 : i32 to vector<2048x256xi32>
    %select_n3A_168 = arith.select %eq3A_165, %iota3A, %broadcast_in_dim3A_167 : vector<2048x256xi1>, vector<2048x256xi32>
    %reduce_min3A_169 = arith.constant dense<2147483647> : vector<256xi32>
    %reduce_min3A_170 = vector.multi_reduction <minsi>, %select_n3A_168, %reduce_min3A_169 [0] : vector<2048x256xi32> to vector<256xi32>
    %broadcast_in_dim3A_171 = vector.shape_cast %reduce_min3A_170 : vector<256xi32> to vector<1x256xi32>
    %add3A_172 = vector.broadcast %mul3A_21 : i32 to vector<1x256xi32>
    %add3A_173 = arith.addi %broadcast_in_dim3A_171, %add3A_172 : vector<1x256xi32>
    %swap3A_174 = arith.constant 0 : index
    %swap3A_175 = arith.constant 6 : index
    %swap3A_176 = arith.constant 0 : index
    %swap3A_177 = vector.load %arg4[%swap3A_174, %swap3A_175, %swap3A_176] : memref<1x16x256xi32, #tpu.memory_space<vmem>>, vector<1x1x256xi32>
    %swap3A_178 = vector.shape_cast %swap3A_177 : vector<1x1x256xi32> to vector<1x256xi32>
    %swap3A_179 = vector.shape_cast %add3A_173 : vector<1x256xi32> to vector<1x1x256xi32>
    tpu.vector_store %arg4[%swap3A_174, %swap3A_175, %swap3A_176], %swap3A_179 {strides = array<i32>} : memref<1x16x256xi32, #tpu.memory_space<vmem>>, vector<1x1x256xi32>,
    %eq3A_180 = vector.broadcast %broadcast_in_dim3A_171 : vector<1x256xi32> to vector<2048x256xi32>
    %eq3A_181 = arith.cmpi eq, %iota3A, %eq3A_180 : vector<2048x256xi32>
    %jit3A_182 = arith.constant 3.000000e+38 : f32
    %broadcast_in_dim3A_183 = vector.broadcast %jit3A_182 : f32 to vector<2048x256xf32>
    %select_n3A_184 = arith.select %eq3A_181, %broadcast_in_dim3A_183, %select_n3A_160 : vector<2048x256xi1>, vector<2048x256xf32>
    %reduce_min3A_185 = arith.constant dense<0x7F800000> : vector<256xf32>
    %reduce_min3A_186 = vector.multi_reduction <minimumf>, %select_n3A_184, %reduce_min3A_185 [0] : vector<2048x256xf32> to vector<256xf32>
    %broadcast_in_dim3A_187 = vector.shape_cast %reduce_min3A_186 : vector<256xf32> to vector<1x256xf32>
    %eq3A_188 = vector.broadcast %broadcast_in_dim3A_187 : vector<1x256xf32> to vector<2048x256xf32>
    %eq3A_189 = arith.cmpf oeq, %select_n3A_184, %eq3A_188 : vector<2048x256xf32>
    %jit3A_190 = arith.constant 2048 : i32
    %broadcast_in_dim3A_191 = vector.broadcast %jit3A_190 : i32 to vector<2048x256xi32>
    %select_n3A_192 = arith.select %eq3A_189, %iota3A, %broadcast_in_dim3A_191 : vector<2048x256xi1>, vector<2048x256xi32>
    %reduce_min3A_193 = arith.constant dense<2147483647> : vector<256xi32>
    %reduce_min3A_194 = vector.multi_reduction <minsi>, %select_n3A_192, %reduce_min3A_193 [0] : vector<2048x256xi32> to vector<256xi32>
    %broadcast_in_dim3A_195 = vector.shape_cast %reduce_min3A_194 : vector<256xi32> to vector<1x256xi32>
    %add3A_196 = vector.broadcast %mul3A_21 : i32 to vector<1x256xi32>
    %add3A_197 = arith.addi %broadcast_in_dim3A_195, %add3A_196 : vector<1x256xi32>
    %swap3A_198 = arith.constant 0 : index
    %swap3A_199 = arith.constant 7 : index
    %swap3A_200 = arith.constant 0 : index
    %swap3A_201 = vector.load %arg4[%swap3A_198, %swap3A_199, %swap3A_200] : memref<1x16x256xi32, #tpu.memory_space<vmem>>, vector<1x1x256xi32>
    %swap3A_202 = vector.shape_cast %swap3A_201 : vector<1x1x256xi32> to vector<1x256xi32>
    %swap3A_203 = vector.shape_cast %add3A_197 : vector<1x256xi32> to vector<1x1x256xi32>
    tpu.vector_store %arg4[%swap3A_198, %swap3A_199, %swap3A_200], %swap3A_203 {strides = array<i32>} : memref<1x16x256xi32, #tpu.memory_space<vmem>>, vector<1x1x256xi32>,
    %eq3A_204 = vector.broadcast %broadcast_in_dim3A_195 : vector<1x256xi32> to vector<2048x256xi32>
    %eq3A_205 = arith.cmpi eq, %iota3A, %eq3A_204 : vector<2048x256xi32>
    %jit3A_206 = arith.constant 3.000000e+38 : f32
    %broadcast_in_dim3A_207 = vector.broadcast %jit3A_206 : f32 to vector<2048x256xf32>
    %select_n3A_208 = arith.select %eq3A_205, %broadcast_in_dim3A_207, %select_n3A_184 : vector<2048x256xi1>, vector<2048x256xf32>
    %reduce_min3A_209 = arith.constant dense<0x7F800000> : vector<256xf32>
    %reduce_min3A_210 = vector.multi_reduction <minimumf>, %select_n3A_208, %reduce_min3A_209 [0] : vector<2048x256xf32> to vector<256xf32>
    %broadcast_in_dim3A_211 = vector.shape_cast %reduce_min3A_210 : vector<256xf32> to vector<1x256xf32>
    %eq3A_212 = vector.broadcast %broadcast_in_dim3A_211 : vector<1x256xf32> to vector<2048x256xf32>
    %eq3A_213 = arith.cmpf oeq, %select_n3A_208, %eq3A_212 : vector<2048x256xf32>
    %jit3A_214 = arith.constant 2048 : i32
    %broadcast_in_dim3A_215 = vector.broadcast %jit3A_214 : i32 to vector<2048x256xi32>
    %select_n3A_216 = arith.select %eq3A_213, %iota3A, %broadcast_in_dim3A_215 : vector<2048x256xi1>, vector<2048x256xi32>
    %reduce_min3A_217 = arith.constant dense<2147483647> : vector<256xi32>
    %reduce_min3A_218 = vector.multi_reduction <minsi>, %select_n3A_216, %reduce_min3A_217 [0] : vector<2048x256xi32> to vector<256xi32>
    %broadcast_in_dim3A_219 = vector.shape_cast %reduce_min3A_218 : vector<256xi32> to vector<1x256xi32>
    %add3A_220 = vector.broadcast %mul3A_21 : i32 to vector<1x256xi32>
    %add3A_221 = arith.addi %broadcast_in_dim3A_219, %add3A_220 : vector<1x256xi32>
    %swap3A_222 = arith.constant 0 : index
    %swap3A_223 = arith.constant 8 : index
    %swap3A_224 = arith.constant 0 : index
    %swap3A_225 = vector.load %arg4[%swap3A_222, %swap3A_223, %swap3A_224] : memref<1x16x256xi32, #tpu.memory_space<vmem>>, vector<1x1x256xi32>
    %swap3A_226 = vector.shape_cast %swap3A_225 : vector<1x1x256xi32> to vector<1x256xi32>
    %swap3A_227 = vector.shape_cast %add3A_221 : vector<1x256xi32> to vector<1x1x256xi32>
    tpu.vector_store %arg4[%swap3A_222, %swap3A_223, %swap3A_224], %swap3A_227 {strides = array<i32>} : memref<1x16x256xi32, #tpu.memory_space<vmem>>, vector<1x1x256xi32>,
    %eq3A_228 = vector.broadcast %broadcast_in_dim3A_219 : vector<1x256xi32> to vector<2048x256xi32>
    %eq3A_229 = arith.cmpi eq, %iota3A, %eq3A_228 : vector<2048x256xi32>
    %jit3A_230 = arith.constant 3.000000e+38 : f32
    %broadcast_in_dim3A_231 = vector.broadcast %jit3A_230 : f32 to vector<2048x256xf32>
    %select_n3A_232 = arith.select %eq3A_229, %broadcast_in_dim3A_231, %select_n3A_208 : vector<2048x256xi1>, vector<2048x256xf32>
    %reduce_min3A_233 = arith.constant dense<0x7F800000> : vector<256xf32>
    %reduce_min3A_234 = vector.multi_reduction <minimumf>, %select_n3A_232, %reduce_min3A_233 [0] : vector<2048x256xf32> to vector<256xf32>
    %broadcast_in_dim3A_235 = vector.shape_cast %reduce_min3A_234 : vector<256xf32> to vector<1x256xf32>
    %eq3A_236 = vector.broadcast %broadcast_in_dim3A_235 : vector<1x256xf32> to vector<2048x256xf32>
    %eq3A_237 = arith.cmpf oeq, %select_n3A_232, %eq3A_236 : vector<2048x256xf32>
    %jit3A_238 = arith.constant 2048 : i32
    %broadcast_in_dim3A_239 = vector.broadcast %jit3A_238 : i32 to vector<2048x256xi32>
    %select_n3A_240 = arith.select %eq3A_237, %iota3A, %broadcast_in_dim3A_239 : vector<2048x256xi1>, vector<2048x256xi32>
    %reduce_min3A_241 = arith.constant dense<2147483647> : vector<256xi32>
    %reduce_min3A_242 = vector.multi_reduction <minsi>, %select_n3A_240, %reduce_min3A_241 [0] : vector<2048x256xi32> to vector<256xi32>
    %broadcast_in_dim3A_243 = vector.shape_cast %reduce_min3A_242 : vector<256xi32> to vector<1x256xi32>
    %add3A_244 = vector.broadcast %mul3A_21 : i32 to vector<1x256xi32>
    %add3A_245 = arith.addi %broadcast_in_dim3A_243, %add3A_244 : vector<1x256xi32>
    %swap3A_246 = arith.constant 0 : index
    %swap3A_247 = arith.constant 9 : index
    %swap3A_248 = arith.constant 0 : index
    %swap3A_249 = vector.load %arg4[%swap3A_246, %swap3A_247, %swap3A_248] : memref<1x16x256xi32, #tpu.memory_space<vmem>>, vector<1x1x256xi32>
    %swap3A_250 = vector.shape_cast %swap3A_249 : vector<1x1x256xi32> to vector<1x256xi32>
    %swap3A_251 = vector.shape_cast %add3A_245 : vector<1x256xi32> to vector<1x1x256xi32>
    tpu.vector_store %arg4[%swap3A_246, %swap3A_247, %swap3A_248], %swap3A_251 {strides = array<i32>} : memref<1x16x256xi32, #tpu.memory_space<vmem>>, vector<1x1x256xi32>,
    return
  }
  func.func @transform_0(%arg0: i32, %arg1: i32) -> (i32, i32, i32) {
    %c0_i32 = arith.constant 0 : i32
    %c0_i32_0 = arith.constant 0 : i32
    %c0_i32_1 = arith.constant 0 : i32
    return %arg0, %c0_i32, %c0_i32_0 : i32, i32, i32
  }
  func.func @transform_1(%arg0: i32, %arg1: i32) -> (i32, i32, i32) {
    %c0_i32 = arith.constant 0 : i32
    %c0_i32_0 = arith.constant 0 : i32
    return %arg0, %c0_i32, %arg1 : i32, i32, i32
  }
  func.func @transform_2(%arg0: i32, %arg1: i32) -> (i32, i32, i32) {
    %c0_i32 = arith.constant 0 : i32
    %c0_i32_0 = arith.constant 0 : i32
    return %arg0, %c0_i32, %arg1 : i32, i32, i32
  }
}

module attributes {stable_mosaic.version = 14 : i64} {
  func.func @_k3_body(%arg0: i32, %arg1: i32, %arg2: memref<1x256x16xf32, #tpu.memory_space<vmem>>, %arg3: memref<1x10x256x16xf32, #tpu.memory_space<vmem>>, %arg4: memref<6x64xf32, #tpu.memory_space<vmem>>, %arg5: memref<1x64xf32, #tpu.memory_space<vmem>>, %arg6: memref<1x10x256x64xf32, #tpu.memory_space<vmem>>, %arg7: memref<8x128xf32, #tpu.memory_space<vmem>>) attributes {dimension_semantics = [#tpu.dimension_semantics<arbitrary>, #tpu.dimension_semantics<arbitrary>], iteration_bounds = array<i64: 16, 8>, scalar_prefetch = 0 : i64, scratch_operands = 0 : i64, tpu.core_type = #tpu.core_type<tc>, window_params = [{transform_indices = @transform_0, window_bounds = array<i64: 1, 256, 16>}, {transform_indices = @transform_1, window_bounds = array<i64: 1, 10, 256, 16>}, {pipeline_mode = #tpu.pipeline_mode<synchronous>, transform_indices = @transform_2, window_bounds = array<i64: 6, 64>}, {pipeline_mode = #tpu.pipeline_mode<synchronous>, transform_indices = @transform_3, window_bounds = array<i64: 1, 64>}, {transform_indices = @transform_4, window_bounds = array<i64: 1, 10, 256, 64>}, {pipeline_mode = #tpu.pipeline_mode<synchronous>, transform_indices = @transform_5, window_bounds = array<i64: 8, 128>}]} {
    %get3A = arith.constant 0 : index
    %get3A_0 = arith.constant 0 : index
    %get3A_1 = arith.constant 0 : index
    %get3A_2 = vector.load %arg2[%get3A, %get3A_0, %get3A_1] : memref<1x256x16xf32, #tpu.memory_space<vmem>>, vector<1x256x16xf32>
    %get3A_3 = vector.shape_cast %get3A_2 : vector<1x256x16xf32> to vector<256x16xf32>
    %slice3A = vector.extract_strided_slice %get3A_3 {offsets = [0, 0], sizes = [256, 3], strides = [1, 1]} : vector<256x16xf32> to vector<256x3xf32>
    %get3A_4 = arith.constant 0 : index
    %get3A_5 = arith.constant 0 : index
    %get3A_6 = arith.constant 0 : index
    %get3A_7 = arith.constant 0 : index
    %get3A_8 = vector.load %arg3[%get3A_4, %get3A_5, %get3A_6, %get3A_7] : memref<1x10x256x16xf32, #tpu.memory_space<vmem>>, vector<1x10x256x16xf32>
    %get3A_9 = vector.shape_cast %get3A_8 : vector<1x10x256x16xf32> to vector<10x256x16xf32>
    %slice3A_10 = vector.extract_strided_slice %get3A_9 {offsets = [0, 0, 0], sizes = [10, 256, 3], strides = [1, 1, 1]} : vector<10x256x16xf32> to vector<10x256x3xf32>
    %broadcast_in_dim3A = vector.shape_cast %slice3A : vector<256x3xf32> to vector<1x256x3xf32>
    %broadcast_in_dim3A_11 = vector.shape_cast %broadcast_in_dim3A : vector<1x256x3xf32> to vector<1x256x3xf32>
    %broadcast_in_dim3A_12 = vector.broadcast %broadcast_in_dim3A_11 : vector<1x256x3xf32> to vector<10x256x3xf32>
    %sub3A = arith.subf %slice3A_10, %broadcast_in_dim3A_12 : vector<10x256x3xf32>
    %concatenate3A = tpu.concatenate %broadcast_in_dim3A_12, %sub3A in 2 : vector<10x256x3xf32>, vector<10x256x3xf32> -> vector<10x256x6xf32>
    %reshape3A = vector.shape_cast %concatenate3A : vector<10x256x6xf32> to vector<2560x6xf32>
    %get3A_13 = arith.constant 0 : index
    %get3A_14 = arith.constant 0 : index
    %get3A_15 = vector.load %arg4[%get3A_13, %get3A_14] : memref<6x64xf32, #tpu.memory_space<vmem>>, vector<6x64xf32>
    %dot_general3A = arith.constant dense<0.000000e+00> : vector<2560x64xf32>
    %dot_general3A_16 = tpu.matmul %reshape3A, %get3A_15, %dot_general3A {dimension_numbers = #tpu.dot_dimension_numbers<[1], [0], [0], [1], [0, 0, 1, 1], [], []>, transpose_lhs_hint = false} : vector<2560x6xf32>, vector<6x64xf32>, vector<2560x64xf32> -> vector<2560x64xf32>
    %get3A_17 = arith.constant 0 : index
    %get3A_18 = arith.constant 0 : index
    %get3A_19 = vector.load %arg5[%get3A_17, %get3A_18] : memref<1x64xf32, #tpu.memory_space<vmem>>, vector<1x64xf32>
    %add3A = vector.broadcast %get3A_19 : vector<1x64xf32> to vector<2560x64xf32>
    %add3A_20 = arith.addf %dot_general3A_16, %add3A : vector<2560x64xf32>
    %max3A = arith.constant 0.000000e+00 : f32
    %max3A_21 = vector.broadcast %max3A : f32 to vector<2560x64xf32>
    %max3A_22 = arith.maximumf %add3A_20, %max3A_21 : vector<2560x64xf32>
    %reshape3A_23 = vector.shape_cast %max3A_22 : vector<2560x64xf32> to vector<10x256x64xf32>
    %swap3A = arith.constant 0 : index
    %swap3A_24 = arith.constant 0 : index
    %swap3A_25 = arith.constant 0 : index
    %swap3A_26 = arith.constant 0 : index
    %swap3A_27 = vector.load %arg6[%swap3A, %swap3A_24, %swap3A_25, %swap3A_26] : memref<1x10x256x64xf32, #tpu.memory_space<vmem>>, vector<1x10x256x64xf32>
    %swap3A_28 = vector.shape_cast %swap3A_27 : vector<1x10x256x64xf32> to vector<10x256x64xf32>
    %swap3A_29 = vector.shape_cast %reshape3A_23 : vector<10x256x64xf32> to vector<1x10x256x64xf32>
    tpu.vector_store %arg6[%swap3A, %swap3A_24, %swap3A_25, %swap3A_26], %swap3A_29 {strides = array<i32>} : memref<1x10x256x64xf32, #tpu.memory_space<vmem>>, vector<1x10x256x64xf32>,
    %reduce_sum3A = arith.constant dense<0.000000e+00> : vector<64xf32>
    %reduce_sum3A_30 = vector.multi_reduction <add>, %max3A_22, %reduce_sum3A [0] : vector<2560x64xf32> to vector<64xf32>
    %broadcast_in_dim3A_31 = vector.shape_cast %reduce_sum3A_30 : vector<64xf32> to vector<1x64xf32>
    %div3A = arith.constant 2.560000e+03 : f32
    %div3A_32 = vector.broadcast %div3A : f32 to vector<1x64xf32>
    %div3A_33 = arith.divf %broadcast_in_dim3A_31, %div3A_32 : vector<1x64xf32>
    %eq3A = arith.constant 0 : i32
    %eq3A_34 = arith.cmpi eq, %arg0, %eq3A : i32
    %eq3A_35 = arith.constant 0 : i32
    %eq3A_36 = arith.cmpi eq, %arg1, %eq3A_35 : i32
    %and3A = arith.andi %eq3A_34, %eq3A_36 : i1
    %convert_element_type3A = arith.extui %and3A : i1 to i32
    %cond3A = arith.constant 0 : i32
    %cond3A_37 = arith.cmpi ne, %convert_element_type3A, %cond3A : i32
    scf.if %cond3A_37 {
      %broadcast_in_dim3A_87 = arith.constant 0.000000e+00 : f32
      %broadcast_in_dim3A_88 = vector.broadcast %broadcast_in_dim3A_87 : f32 to vector<8x128xf32>
      %swap3A_89 = arith.constant 0 : index
      %swap3A_90 = arith.constant 0 : index
      %swap3A_91 = vector.load %arg7[%swap3A_89, %swap3A_90] : memref<8x128xf32, #tpu.memory_space<vmem>>, vector<8x128xf32>
      tpu.vector_store %arg7[%swap3A_89, %swap3A_90], %broadcast_in_dim3A_88 {strides = array<i32>} : memref<8x128xf32, #tpu.memory_space<vmem>>, vector<8x128xf32>,
      %swap3A_92 = arith.constant 2 : index
      %swap3A_93 = arith.constant 0 : index
      %swap3A_94 = vector.load %arg7[%swap3A_92, %swap3A_93] : memref<8x128xf32, #tpu.memory_space<vmem>>, vector<1x64xf32>
      tpu.vector_store %arg7[%swap3A_92, %swap3A_93], %div3A_33 {strides = array<i32>} : memref<8x128xf32, #tpu.memory_space<vmem>>, vector<1x64xf32>,
    } else {
    }
    %get3A_38 = arith.constant 2 : index
    %get3A_39 = arith.constant 0 : index
    %get3A_40 = vector.load %arg7[%get3A_38, %get3A_39] : memref<8x128xf32, #tpu.memory_space<vmem>>, vector<1x64xf32>
    %sub3A_41 = vector.broadcast %get3A_40 : vector<1x64xf32> to vector<2560x64xf32>
    %sub3A_42 = arith.subf %max3A_22, %sub3A_41 : vector<2560x64xf32>
    %reduce_sum3A_43 = arith.constant dense<0.000000e+00> : vector<64xf32>
    %reduce_sum3A_44 = vector.multi_reduction <add>, %sub3A_42, %reduce_sum3A_43 [0] : vector<2560x64xf32> to vector<64xf32>
    %broadcast_in_dim3A_45 = vector.shape_cast %reduce_sum3A_44 : vector<64xf32> to vector<1x64xf32>
    %mul3A = arith.mulf %sub3A_42, %sub3A_42 : vector<2560x64xf32>
    %reduce_sum3A_46 = arith.constant dense<0.000000e+00> : vector<64xf32>
    %reduce_sum3A_47 = vector.multi_reduction <add>, %mul3A, %reduce_sum3A_46 [0] : vector<2560x64xf32> to vector<64xf32>
    %broadcast_in_dim3A_48 = vector.shape_cast %reduce_sum3A_47 : vector<64xf32> to vector<1x64xf32>
    %get3A_49 = arith.constant 3 : index
    %get3A_50 = arith.constant 0 : index
    %get3A_51 = vector.load %arg7[%get3A_49, %get3A_50] : memref<8x128xf32, #tpu.memory_space<vmem>>, vector<1x64xf32>
    %sub3A_52 = arith.subf %broadcast_in_dim3A_45, %get3A_51 : vector<1x64xf32>
    %get3A_53 = arith.constant 0 : index
    %get3A_54 = arith.constant 0 : index
    %get3A_55 = vector.load %arg7[%get3A_53, %get3A_54] : memref<8x128xf32, #tpu.memory_space<vmem>>, vector<1x64xf32>
    %add3A_56 = arith.addf %get3A_55, %sub3A_52 : vector<1x64xf32>
    %get3A_57 = arith.constant 0 : index
    %get3A_58 = arith.constant 0 : index
    %get3A_59 = vector.load %arg7[%get3A_57, %get3A_58] : memref<8x128xf32, #tpu.memory_space<vmem>>, vector<1x64xf32>
    %sub3A_60 = arith.subf %add3A_56, %get3A_59 : vector<1x64xf32>
    %sub3A_61 = arith.subf %sub3A_60, %sub3A_52 : vector<1x64xf32>
    %swap3A_62 = arith.constant 3 : index
    %swap3A_63 = arith.constant 0 : index
    %swap3A_64 = vector.load %arg7[%swap3A_62, %swap3A_63] : memref<8x128xf32, #tpu.memory_space<vmem>>, vector<1x64xf32>
    tpu.vector_store %arg7[%swap3A_62, %swap3A_63], %sub3A_61 {strides = array<i32>} : memref<8x128xf32, #tpu.memory_space<vmem>>, vector<1x64xf32>,
    %swap3A_65 = arith.constant 0 : index
    %swap3A_66 = arith.constant 0 : index
    %swap3A_67 = vector.load %arg7[%swap3A_65, %swap3A_66] : memref<8x128xf32, #tpu.memory_space<vmem>>, vector<1x64xf32>
    tpu.vector_store %arg7[%swap3A_65, %swap3A_66], %add3A_56 {strides = array<i32>} : memref<8x128xf32, #tpu.memory_space<vmem>>, vector<1x64xf32>,
    %get3A_68 = arith.constant 4 : index
    %get3A_69 = arith.constant 0 : index
    %get3A_70 = vector.load %arg7[%get3A_68, %get3A_69] : memref<8x128xf32, #tpu.memory_space<vmem>>, vector<1x64xf32>
    %sub3A_71 = arith.subf %broadcast_in_dim3A_48, %get3A_70 : vector<1x64xf32>
    %get3A_72 = arith.constant 1 : index
    %get3A_73 = arith.constant 0 : index
    %get3A_74 = vector.load %arg7[%get3A_72, %get3A_73] : memref<8x128xf32, #tpu.memory_space<vmem>>, vector<1x64xf32>
    %add3A_75 = arith.addf %get3A_74, %sub3A_71 : vector<1x64xf32>
    %get3A_76 = arith.constant 1 : index
    %get3A_77 = arith.constant 0 : index
    %get3A_78 = vector.load %arg7[%get3A_76, %get3A_77] : memref<8x128xf32, #tpu.memory_space<vmem>>, vector<1x64xf32>
    %sub3A_79 = arith.subf %add3A_75, %get3A_78 : vector<1x64xf32>
    %sub3A_80 = arith.subf %sub3A_79, %sub3A_71 : vector<1x64xf32>
    %swap3A_81 = arith.constant 4 : index
    %swap3A_82 = arith.constant 0 : index
    %swap3A_83 = vector.load %arg7[%swap3A_81, %swap3A_82] : memref<8x128xf32, #tpu.memory_space<vmem>>, vector<1x64xf32>
    tpu.vector_store %arg7[%swap3A_81, %swap3A_82], %sub3A_80 {strides = array<i32>} : memref<8x128xf32, #tpu.memory_space<vmem>>, vector<1x64xf32>,
    %swap3A_84 = arith.constant 1 : index
    %swap3A_85 = arith.constant 0 : index
    %swap3A_86 = vector.load %arg7[%swap3A_84, %swap3A_85] : memref<8x128xf32, #tpu.memory_space<vmem>>, vector<1x64xf32>
    tpu.vector_store %arg7[%swap3A_84, %swap3A_85], %add3A_75 {strides = array<i32>} : memref<8x128xf32, #tpu.memory_space<vmem>>, vector<1x64xf32>,
    return
  }
  func.func @transform_0(%arg0: i32, %arg1: i32) -> (i32, i32, i32) {
    %c0_i32 = arith.constant 0 : i32
    %c0_i32_0 = arith.constant 0 : i32
    return %arg0, %arg1, %c0_i32 : i32, i32, i32
  }
  func.func @transform_1(%arg0: i32, %arg1: i32) -> (i32, i32, i32, i32) {
    %c0_i32 = arith.constant 0 : i32
    %c0_i32_0 = arith.constant 0 : i32
    %c0_i32_1 = arith.constant 0 : i32
    return %arg0, %c0_i32, %arg1, %c0_i32_0 : i32, i32, i32, i32
  }
  func.func @transform_2(%arg0: i32, %arg1: i32) -> (i32, i32) {
    %c0_i32 = arith.constant 0 : i32
    %c0_i32_0 = arith.constant 0 : i32
    %c0_i32_1 = arith.constant 0 : i32
    return %c0_i32, %c0_i32_0 : i32, i32
  }
  func.func @transform_3(%arg0: i32, %arg1: i32) -> (i32, i32) {
    %c0_i32 = arith.constant 0 : i32
    %c0_i32_0 = arith.constant 0 : i32
    %c0_i32_1 = arith.constant 0 : i32
    return %c0_i32, %c0_i32_0 : i32, i32
  }
  func.func @transform_4(%arg0: i32, %arg1: i32) -> (i32, i32, i32, i32) {
    %c0_i32 = arith.constant 0 : i32
    %c0_i32_0 = arith.constant 0 : i32
    %c0_i32_1 = arith.constant 0 : i32
    return %arg0, %c0_i32, %arg1, %c0_i32_0 : i32, i32, i32, i32
  }
  func.func @transform_5(%arg0: i32, %arg1: i32) -> (i32, i32) {
    %c0_i32 = arith.constant 0 : i32
    %c0_i32_0 = arith.constant 0 : i32
    %c0_i32_1 = arith.constant 0 : i32
    return %c0_i32, %c0_i32_0 : i32, i32
  }
}

module attributes {stable_mosaic.version = 14 : i64} {
  func.func @_k4_body(%arg0: i32, %arg1: i32, %arg2: memref<1x10x256x64xf32, #tpu.memory_space<vmem>>, %arg3: memref<1x64xf32, #tpu.memory_space<vmem>>, %arg4: memref<1x64xf32, #tpu.memory_space<vmem>>, %arg5: memref<1x64xf32, #tpu.memory_space<vmem>>, %arg6: memref<1x64xf32, #tpu.memory_space<vmem>>, %arg7: memref<64x64xf32, #tpu.memory_space<vmem>>, %arg8: memref<1x64xf32, #tpu.memory_space<vmem>>, %arg9: memref<1x10x256x64xf32, #tpu.memory_space<vmem>>, %arg10: memref<8x128xf32, #tpu.memory_space<vmem>>) attributes {dimension_semantics = [#tpu.dimension_semantics<arbitrary>, #tpu.dimension_semantics<arbitrary>], iteration_bounds = array<i64: 16, 8>, scalar_prefetch = 0 : i64, scratch_operands = 0 : i64, tpu.core_type = #tpu.core_type<tc>, window_params = [{transform_indices = @transform_0, window_bounds = array<i64: 1, 10, 256, 64>}, {pipeline_mode = #tpu.pipeline_mode<synchronous>, transform_indices = @transform_1, window_bounds = array<i64: 1, 64>}, {pipeline_mode = #tpu.pipeline_mode<synchronous>, transform_indices = @transform_2, window_bounds = array<i64: 1, 64>}, {pipeline_mode = #tpu.pipeline_mode<synchronous>, transform_indices = @transform_3, window_bounds = array<i64: 1, 64>}, {pipeline_mode = #tpu.pipeline_mode<synchronous>, transform_indices = @transform_4, window_bounds = array<i64: 1, 64>}, {pipeline_mode = #tpu.pipeline_mode<synchronous>, transform_indices = @transform_5, window_bounds = array<i64: 64, 64>}, {pipeline_mode = #tpu.pipeline_mode<synchronous>, transform_indices = @transform_6, window_bounds = array<i64: 1, 64>}, {transform_indices = @transform_7, window_bounds = array<i64: 1, 10, 256, 64>}, {pipeline_mode = #tpu.pipeline_mode<synchronous>, transform_indices = @transform_8, window_bounds = array<i64: 8, 128>}]} {
    %get3A = arith.constant 0 : index
    %get3A_0 = arith.constant 0 : index
    %get3A_1 = arith.constant 0 : index
    %get3A_2 = arith.constant 0 : index
    %get3A_3 = vector.load %arg2[%get3A, %get3A_0, %get3A_1, %get3A_2] : memref<1x10x256x64xf32, #tpu.memory_space<vmem>>, vector<1x10x256x64xf32>
    %get3A_4 = vector.shape_cast %get3A_3 : vector<1x10x256x64xf32> to vector<10x256x64xf32>
    %get3A_5 = arith.constant 0 : index
    %get3A_6 = arith.constant 0 : index
    %get3A_7 = vector.load %arg5[%get3A_5, %get3A_6] : memref<1x64xf32, #tpu.memory_space<vmem>>, vector<1x64xf32>
    %get3A_8 = arith.constant 0 : index
    %get3A_9 = arith.constant 0 : index
    %get3A_10 = vector.load %arg3[%get3A_8, %get3A_9] : memref<1x64xf32, #tpu.memory_space<vmem>>, vector<1x64xf32>
    %broadcast_in_dim3A = vector.shape_cast %get3A_10 : vector<1x64xf32> to vector<1x1x64xf32>
    %sub3A = vector.broadcast %broadcast_in_dim3A : vector<1x1x64xf32> to vector<10x256x64xf32>
    %sub3A_11 = arith.subf %get3A_4, %sub3A : vector<10x256x64xf32>
    %broadcast_in_dim3A_12 = vector.shape_cast %get3A_7 : vector<1x64xf32> to vector<1x1x64xf32>
    %mul3A = vector.broadcast %broadcast_in_dim3A_12 : vector<1x1x64xf32> to vector<10x256x64xf32>
    %mul3A_13 = arith.mulf %mul3A, %sub3A_11 : vector<10x256x64xf32>
    %get3A_14 = arith.constant 0 : index
    %get3A_15 = arith.constant 0 : index
    %get3A_16 = vector.load %arg4[%get3A_14, %get3A_15] : memref<1x64xf32, #tpu.memory_space<vmem>>, vector<1x64xf32>
    %broadcast_in_dim3A_17 = vector.shape_cast %get3A_16 : vector<1x64xf32> to vector<1x1x64xf32>
    %div3A = vector.broadcast %broadcast_in_dim3A_17 : vector<1x1x64xf32> to vector<10x256x64xf32>
    %div3A_18 = arith.divf %mul3A_13, %div3A : vector<10x256x64xf32>
    %get3A_19 = arith.constant 0 : index
    %get3A_20 = arith.constant 0 : index
    %get3A_21 = vector.load %arg6[%get3A_19, %get3A_20] : memref<1x64xf32, #tpu.memory_space<vmem>>, vector<1x64xf32>
    %broadcast_in_dim3A_22 = vector.shape_cast %get3A_21 : vector<1x64xf32> to vector<1x1x64xf32>
    %add3A = vector.broadcast %broadcast_in_dim3A_22 : vector<1x1x64xf32> to vector<10x256x64xf32>
    %add3A_23 = arith.addf %div3A_18, %add3A : vector<10x256x64xf32>
    %reshape3A = vector.shape_cast %add3A_23 : vector<10x256x64xf32> to vector<2560x64xf32>
    %get3A_24 = arith.constant 0 : index
    %get3A_25 = arith.constant 0 : index
    %get3A_26 = vector.load %arg7[%get3A_24, %get3A_25] : memref<64x64xf32, #tpu.memory_space<vmem>>, vector<64x64xf32>
    %dot_general3A = arith.constant dense<0.000000e+00> : vector<2560x64xf32>
    %dot_general3A_27 = tpu.matmul %reshape3A, %get3A_26, %dot_general3A {dimension_numbers = #tpu.dot_dimension_numbers<[1], [0], [0], [1], [0, 0, 1, 1], [], []>, transpose_lhs_hint = false} : vector<2560x64xf32>, vector<64x64xf32>, vector<2560x64xf32> -> vector<2560x64xf32>
    %get3A_28 = arith.constant 0 : index
    %get3A_29 = arith.constant 0 : index
    %get3A_30 = vector.load %arg8[%get3A_28, %get3A_29] : memref<1x64xf32, #tpu.memory_space<vmem>>, vector<1x64xf32>
    %add3A_31 = vector.broadcast %get3A_30 : vector<1x64xf32> to vector<2560x64xf32>
    %add3A_32 = arith.addf %dot_general3A_27, %add3A_31 : vector<2560x64xf32>
    %max3A = arith.constant 0.000000e+00 : f32
    %max3A_33 = vector.broadcast %max3A : f32 to vector<2560x64xf32>
    %max3A_34 = arith.maximumf %add3A_32, %max3A_33 : vector<2560x64xf32>
    %reshape3A_35 = vector.shape_cast %max3A_34 : vector<2560x64xf32> to vector<10x256x64xf32>
    %swap3A = arith.constant 0 : index
    %swap3A_36 = arith.constant 0 : index
    %swap3A_37 = arith.constant 0 : index
    %swap3A_38 = arith.constant 0 : index
    %swap3A_39 = vector.load %arg9[%swap3A, %swap3A_36, %swap3A_37, %swap3A_38] : memref<1x10x256x64xf32, #tpu.memory_space<vmem>>, vector<1x10x256x64xf32>
    %swap3A_40 = vector.shape_cast %swap3A_39 : vector<1x10x256x64xf32> to vector<10x256x64xf32>
    %swap3A_41 = vector.shape_cast %reshape3A_35 : vector<10x256x64xf32> to vector<1x10x256x64xf32>
    tpu.vector_store %arg9[%swap3A, %swap3A_36, %swap3A_37, %swap3A_38], %swap3A_41 {strides = array<i32>} : memref<1x10x256x64xf32, #tpu.memory_space<vmem>>, vector<1x10x256x64xf32>,
    %reduce_sum3A = arith.constant dense<0.000000e+00> : vector<64xf32>
    %reduce_sum3A_42 = vector.multi_reduction <add>, %max3A_34, %reduce_sum3A [0] : vector<2560x64xf32> to vector<64xf32>
    %broadcast_in_dim3A_43 = vector.shape_cast %reduce_sum3A_42 : vector<64xf32> to vector<1x64xf32>
    %div3A_44 = arith.constant 2.560000e+03 : f32
    %div3A_45 = vector.broadcast %div3A_44 : f32 to vector<1x64xf32>
    %div3A_46 = arith.divf %broadcast_in_dim3A_43, %div3A_45 : vector<1x64xf32>
    %eq3A = arith.constant 0 : i32
    %eq3A_47 = arith.cmpi eq, %arg0, %eq3A : i32
    %eq3A_48 = arith.constant 0 : i32
    %eq3A_49 = arith.cmpi eq, %arg1, %eq3A_48 : i32
    %and3A = arith.andi %eq3A_47, %eq3A_49 : i1
    %convert_element_type3A = arith.extui %and3A : i1 to i32
    %cond3A = arith.constant 0 : i32
    %cond3A_50 = arith.cmpi ne, %convert_element_type3A, %cond3A : i32
    scf.if %cond3A_50 {
      %broadcast_in_dim3A_101 = arith.constant 0.000000e+00 : f32
      %broadcast_in_dim3A_102 = vector.broadcast %broadcast_in_dim3A_101 : f32 to vector<8x128xf32>
      %swap3A_103 = arith.constant 0 : index
      %swap3A_104 = arith.constant 0 : index
      %swap3A_105 = vector.load %arg10[%swap3A_103, %swap3A_104] : memref<8x128xf32, #tpu.memory_space<vmem>>, vector<8x128xf32>
      tpu.vector_store %arg10[%swap3A_103, %swap3A_104], %broadcast_in_dim3A_102 {strides = array<i32>} : memref<8x128xf32, #tpu.memory_space<vmem>>, vector<8x128xf32>,
      %swap3A_106 = arith.constant 2 : index
      %swap3A_107 = arith.constant 0 : index
      %swap3A_108 = vector.load %arg10[%swap3A_106, %swap3A_107] : memref<8x128xf32, #tpu.memory_space<vmem>>, vector<1x64xf32>
      tpu.vector_store %arg10[%swap3A_106, %swap3A_107], %div3A_46 {strides = array<i32>} : memref<8x128xf32, #tpu.memory_space<vmem>>, vector<1x64xf32>,
    } else {
    }
    %get3A_51 = arith.constant 2 : index
    %get3A_52 = arith.constant 0 : index
    %get3A_53 = vector.load %arg10[%get3A_51, %get3A_52] : memref<8x128xf32, #tpu.memory_space<vmem>>, vector<1x64xf32>
    %sub3A_54 = vector.broadcast %get3A_53 : vector<1x64xf32> to vector<2560x64xf32>
    %sub3A_55 = arith.subf %max3A_34, %sub3A_54 : vector<2560x64xf32>
    %reduce_sum3A_56 = arith.constant dense<0.000000e+00> : vector<64xf32>
    %reduce_sum3A_57 = vector.multi_reduction <add>, %sub3A_55, %reduce_sum3A_56 [0] : vector<2560x64xf32> to vector<64xf32>
    %broadcast_in_dim3A_58 = vector.shape_cast %reduce_sum3A_57 : vector<64xf32> to vector<1x64xf32>
    %mul3A_59 = arith.mulf %sub3A_55, %sub3A_55 : vector<2560x64xf32>
    %reduce_sum3A_60 = arith.constant dense<0.000000e+00> : vector<64xf32>
    %reduce_sum3A_61 = vector.multi_reduction <add>, %mul3A_59, %reduce_sum3A_60 [0] : vector<2560x64xf32> to vector<64xf32>
    %broadcast_in_dim3A_62 = vector.shape_cast %reduce_sum3A_61 : vector<64xf32> to vector<1x64xf32>
    %get3A_63 = arith.constant 3 : index
    %get3A_64 = arith.constant 0 : index
    %get3A_65 = vector.load %arg10[%get3A_63, %get3A_64] : memref<8x128xf32, #tpu.memory_space<vmem>>, vector<1x64xf32>
    %sub3A_66 = arith.subf %broadcast_in_dim3A_58, %get3A_65 : vector<1x64xf32>
    %get3A_67 = arith.constant 0 : index
    %get3A_68 = arith.constant 0 : index
    %get3A_69 = vector.load %arg10[%get3A_67, %get3A_68] : memref<8x128xf32, #tpu.memory_space<vmem>>, vector<1x64xf32>
    %add3A_70 = arith.addf %get3A_69, %sub3A_66 : vector<1x64xf32>
    %get3A_71 = arith.constant 0 : index
    %get3A_72 = arith.constant 0 : index
    %get3A_73 = vector.load %arg10[%get3A_71, %get3A_72] : memref<8x128xf32, #tpu.memory_space<vmem>>, vector<1x64xf32>
    %sub3A_74 = arith.subf %add3A_70, %get3A_73 : vector<1x64xf32>
    %sub3A_75 = arith.subf %sub3A_74, %sub3A_66 : vector<1x64xf32>
    %swap3A_76 = arith.constant 3 : index
    %swap3A_77 = arith.constant 0 : index
    %swap3A_78 = vector.load %arg10[%swap3A_76, %swap3A_77] : memref<8x128xf32, #tpu.memory_space<vmem>>, vector<1x64xf32>
    tpu.vector_store %arg10[%swap3A_76, %swap3A_77], %sub3A_75 {strides = array<i32>} : memref<8x128xf32, #tpu.memory_space<vmem>>, vector<1x64xf32>,
    %swap3A_79 = arith.constant 0 : index
    %swap3A_80 = arith.constant 0 : index
    %swap3A_81 = vector.load %arg10[%swap3A_79, %swap3A_80] : memref<8x128xf32, #tpu.memory_space<vmem>>, vector<1x64xf32>
    tpu.vector_store %arg10[%swap3A_79, %swap3A_80], %add3A_70 {strides = array<i32>} : memref<8x128xf32, #tpu.memory_space<vmem>>, vector<1x64xf32>,
    %get3A_82 = arith.constant 4 : index
    %get3A_83 = arith.constant 0 : index
    %get3A_84 = vector.load %arg10[%get3A_82, %get3A_83] : memref<8x128xf32, #tpu.memory_space<vmem>>, vector<1x64xf32>
    %sub3A_85 = arith.subf %broadcast_in_dim3A_62, %get3A_84 : vector<1x64xf32>
    %get3A_86 = arith.constant 1 : index
    %get3A_87 = arith.constant 0 : index
    %get3A_88 = vector.load %arg10[%get3A_86, %get3A_87] : memref<8x128xf32, #tpu.memory_space<vmem>>, vector<1x64xf32>
    %add3A_89 = arith.addf %get3A_88, %sub3A_85 : vector<1x64xf32>
    %get3A_90 = arith.constant 1 : index
    %get3A_91 = arith.constant 0 : index
    %get3A_92 = vector.load %arg10[%get3A_90, %get3A_91] : memref<8x128xf32, #tpu.memory_space<vmem>>, vector<1x64xf32>
    %sub3A_93 = arith.subf %add3A_89, %get3A_92 : vector<1x64xf32>
    %sub3A_94 = arith.subf %sub3A_93, %sub3A_85 : vector<1x64xf32>
    %swap3A_95 = arith.constant 4 : index
    %swap3A_96 = arith.constant 0 : index
    %swap3A_97 = vector.load %arg10[%swap3A_95, %swap3A_96] : memref<8x128xf32, #tpu.memory_space<vmem>>, vector<1x64xf32>
    tpu.vector_store %arg10[%swap3A_95, %swap3A_96], %sub3A_94 {strides = array<i32>} : memref<8x128xf32, #tpu.memory_space<vmem>>, vector<1x64xf32>,
    %swap3A_98 = arith.constant 1 : index
    %swap3A_99 = arith.constant 0 : index
    %swap3A_100 = vector.load %arg10[%swap3A_98, %swap3A_99] : memref<8x128xf32, #tpu.memory_space<vmem>>, vector<1x64xf32>
    tpu.vector_store %arg10[%swap3A_98, %swap3A_99], %add3A_89 {strides = array<i32>} : memref<8x128xf32, #tpu.memory_space<vmem>>, vector<1x64xf32>,
    return
  }
  func.func @transform_0(%arg0: i32, %arg1: i32) -> (i32, i32, i32, i32) {
    %c0_i32 = arith.constant 0 : i32
    %c0_i32_0 = arith.constant 0 : i32
    %c0_i32_1 = arith.constant 0 : i32
    return %arg0, %c0_i32, %arg1, %c0_i32_0 : i32, i32, i32, i32
  }
  func.func @transform_1(%arg0: i32, %arg1: i32) -> (i32, i32) {
    %c0_i32 = arith.constant 0 : i32
    %c0_i32_0 = arith.constant 0 : i32
    %c0_i32_1 = arith.constant 0 : i32
    return %c0_i32, %c0_i32_0 : i32, i32
  }
  func.func @transform_2(%arg0: i32, %arg1: i32) -> (i32, i32) {
    %c0_i32 = arith.constant 0 : i32
    %c0_i32_0 = arith.constant 0 : i32
    %c0_i32_1 = arith.constant 0 : i32
    return %c0_i32, %c0_i32_0 : i32, i32
  }
  func.func @transform_3(%arg0: i32, %arg1: i32) -> (i32, i32) {
    %c0_i32 = arith.constant 0 : i32
    %c0_i32_0 = arith.constant 0 : i32
    %c0_i32_1 = arith.constant 0 : i32
    return %c0_i32, %c0_i32_0 : i32, i32
  }
  func.func @transform_4(%arg0: i32, %arg1: i32) -> (i32, i32) {
    %c0_i32 = arith.constant 0 : i32
    %c0_i32_0 = arith.constant 0 : i32
    %c0_i32_1 = arith.constant 0 : i32
    return %c0_i32, %c0_i32_0 : i32, i32
  }
  func.func @transform_5(%arg0: i32, %arg1: i32) -> (i32, i32) {
    %c0_i32 = arith.constant 0 : i32
    %c0_i32_0 = arith.constant 0 : i32
    %c0_i32_1 = arith.constant 0 : i32
    return %c0_i32, %c0_i32_0 : i32, i32
  }
  func.func @transform_6(%arg0: i32, %arg1: i32) -> (i32, i32) {
    %c0_i32 = arith.constant 0 : i32
    %c0_i32_0 = arith.constant 0 : i32
    %c0_i32_1 = arith.constant 0 : i32
    return %c0_i32, %c0_i32_0 : i32, i32
  }
  func.func @transform_7(%arg0: i32, %arg1: i32) -> (i32, i32, i32, i32) {
    %c0_i32 = arith.constant 0 : i32
    %c0_i32_0 = arith.constant 0 : i32
    %c0_i32_1 = arith.constant 0 : i32
    return %arg0, %c0_i32, %arg1, %c0_i32_0 : i32, i32, i32, i32
  }
  func.func @transform_8(%arg0: i32, %arg1: i32) -> (i32, i32) {
    %c0_i32 = arith.constant 0 : i32
    %c0_i32_0 = arith.constant 0 : i32
    %c0_i32_1 = arith.constant 0 : i32
    return %c0_i32, %c0_i32_0 : i32, i32
  }
}

module attributes {stable_mosaic.version = 14 : i64} {
  func.func @_k4_body(%arg0: i32, %arg1: i32, %arg2: memref<1x10x256x64xf32, #tpu.memory_space<vmem>>, %arg3: memref<1x64xf32, #tpu.memory_space<vmem>>, %arg4: memref<1x64xf32, #tpu.memory_space<vmem>>, %arg5: memref<1x64xf32, #tpu.memory_space<vmem>>, %arg6: memref<1x64xf32, #tpu.memory_space<vmem>>, %arg7: memref<64x64xf32, #tpu.memory_space<vmem>>, %arg8: memref<1x64xf32, #tpu.memory_space<vmem>>, %arg9: memref<1x256x64xf32, #tpu.memory_space<vmem>>, %arg10: memref<1x256x64xf32, #tpu.memory_space<vmem>>, %arg11: memref<8x128xf32, #tpu.memory_space<vmem>>) attributes {dimension_semantics = [#tpu.dimension_semantics<arbitrary>, #tpu.dimension_semantics<arbitrary>], iteration_bounds = array<i64: 16, 8>, scalar_prefetch = 0 : i64, scratch_operands = 0 : i64, tpu.core_type = #tpu.core_type<tc>, window_params = [{transform_indices = @transform_0, window_bounds = array<i64: 1, 10, 256, 64>}, {pipeline_mode = #tpu.pipeline_mode<synchronous>, transform_indices = @transform_1, window_bounds = array<i64: 1, 64>}, {pipeline_mode = #tpu.pipeline_mode<synchronous>, transform_indices = @transform_2, window_bounds = array<i64: 1, 64>}, {pipeline_mode = #tpu.pipeline_mode<synchronous>, transform_indices = @transform_3, window_bounds = array<i64: 1, 64>}, {pipeline_mode = #tpu.pipeline_mode<synchronous>, transform_indices = @transform_4, window_bounds = array<i64: 1, 64>}, {pipeline_mode = #tpu.pipeline_mode<synchronous>, transform_indices = @transform_5, window_bounds = array<i64: 64, 64>}, {pipeline_mode = #tpu.pipeline_mode<synchronous>, transform_indices = @transform_6, window_bounds = array<i64: 1, 64>}, {transform_indices = @transform_7, window_bounds = array<i64: 1, 256, 64>}, {transform_indices = @transform_8, window_bounds = array<i64: 1, 256, 64>}, {pipeline_mode = #tpu.pipeline_mode<synchronous>, transform_indices = @transform_9, window_bounds = array<i64: 8, 128>}]} {
    %get3A = arith.constant 0 : index
    %get3A_0 = arith.constant 0 : index
    %get3A_1 = arith.constant 0 : index
    %get3A_2 = arith.constant 0 : index
    %get3A_3 = vector.load %arg2[%get3A, %get3A_0, %get3A_1, %get3A_2] : memref<1x10x256x64xf32, #tpu.memory_space<vmem>>, vector<1x10x256x64xf32>
    %get3A_4 = vector.shape_cast %get3A_3 : vector<1x10x256x64xf32> to vector<10x256x64xf32>
    %get3A_5 = arith.constant 0 : index
    %get3A_6 = arith.constant 0 : index
    %get3A_7 = vector.load %arg5[%get3A_5, %get3A_6] : memref<1x64xf32, #tpu.memory_space<vmem>>, vector<1x64xf32>
    %get3A_8 = arith.constant 0 : index
    %get3A_9 = arith.constant 0 : index
    %get3A_10 = vector.load %arg3[%get3A_8, %get3A_9] : memref<1x64xf32, #tpu.memory_space<vmem>>, vector<1x64xf32>
    %broadcast_in_dim3A = vector.shape_cast %get3A_10 : vector<1x64xf32> to vector<1x1x64xf32>
    %sub3A = vector.broadcast %broadcast_in_dim3A : vector<1x1x64xf32> to vector<10x256x64xf32>
    %sub3A_11 = arith.subf %get3A_4, %sub3A : vector<10x256x64xf32>
    %broadcast_in_dim3A_12 = vector.shape_cast %get3A_7 : vector<1x64xf32> to vector<1x1x64xf32>
    %mul3A = vector.broadcast %broadcast_in_dim3A_12 : vector<1x1x64xf32> to vector<10x256x64xf32>
    %mul3A_13 = arith.mulf %mul3A, %sub3A_11 : vector<10x256x64xf32>
    %get3A_14 = arith.constant 0 : index
    %get3A_15 = arith.constant 0 : index
    %get3A_16 = vector.load %arg4[%get3A_14, %get3A_15] : memref<1x64xf32, #tpu.memory_space<vmem>>, vector<1x64xf32>
    %broadcast_in_dim3A_17 = vector.shape_cast %get3A_16 : vector<1x64xf32> to vector<1x1x64xf32>
    %div3A = vector.broadcast %broadcast_in_dim3A_17 : vector<1x1x64xf32> to vector<10x256x64xf32>
    %div3A_18 = arith.divf %mul3A_13, %div3A : vector<10x256x64xf32>
    %get3A_19 = arith.constant 0 : index
    %get3A_20 = arith.constant 0 : index
    %get3A_21 = vector.load %arg6[%get3A_19, %get3A_20] : memref<1x64xf32, #tpu.memory_space<vmem>>, vector<1x64xf32>
    %broadcast_in_dim3A_22 = vector.shape_cast %get3A_21 : vector<1x64xf32> to vector<1x1x64xf32>
    %add3A = vector.broadcast %broadcast_in_dim3A_22 : vector<1x1x64xf32> to vector<10x256x64xf32>
    %add3A_23 = arith.addf %div3A_18, %add3A : vector<10x256x64xf32>
    %reshape3A = vector.shape_cast %add3A_23 : vector<10x256x64xf32> to vector<2560x64xf32>
    %get3A_24 = arith.constant 0 : index
    %get3A_25 = arith.constant 0 : index
    %get3A_26 = vector.load %arg7[%get3A_24, %get3A_25] : memref<64x64xf32, #tpu.memory_space<vmem>>, vector<64x64xf32>
    %dot_general3A = arith.constant dense<0.000000e+00> : vector<2560x64xf32>
    %dot_general3A_27 = tpu.matmul %reshape3A, %get3A_26, %dot_general3A {dimension_numbers = #tpu.dot_dimension_numbers<[1], [0], [0], [1], [0, 0, 1, 1], [], []>, transpose_lhs_hint = false} : vector<2560x64xf32>, vector<64x64xf32>, vector<2560x64xf32> -> vector<2560x64xf32>
    %get3A_28 = arith.constant 0 : index
    %get3A_29 = arith.constant 0 : index
    %get3A_30 = vector.load %arg8[%get3A_28, %get3A_29] : memref<1x64xf32, #tpu.memory_space<vmem>>, vector<1x64xf32>
    %add3A_31 = vector.broadcast %get3A_30 : vector<1x64xf32> to vector<2560x64xf32>
    %add3A_32 = arith.addf %dot_general3A_27, %add3A_31 : vector<2560x64xf32>
    %max3A = arith.constant 0.000000e+00 : f32
    %max3A_33 = vector.broadcast %max3A : f32 to vector<2560x64xf32>
    %max3A_34 = arith.maximumf %add3A_32, %max3A_33 : vector<2560x64xf32>
    %reshape3A_35 = vector.shape_cast %max3A_34 : vector<2560x64xf32> to vector<10x256x64xf32>
    %reduce_max3A = arith.constant dense<0xFF800000> : vector<256x64xf32>
    %reduce_max3A_36 = vector.multi_reduction <maximumf>, %reshape3A_35, %reduce_max3A [0] : vector<10x256x64xf32> to vector<256x64xf32>
    %swap3A = arith.constant 0 : index
    %swap3A_37 = arith.constant 0 : index
    %swap3A_38 = arith.constant 0 : index
    %swap3A_39 = vector.load %arg9[%swap3A, %swap3A_37, %swap3A_38] : memref<1x256x64xf32, #tpu.memory_space<vmem>>, vector<1x256x64xf32>
    %swap3A_40 = vector.shape_cast %swap3A_39 : vector<1x256x64xf32> to vector<256x64xf32>
    %swap3A_41 = vector.shape_cast %reduce_max3A_36 : vector<256x64xf32> to vector<1x256x64xf32>
    tpu.vector_store %arg9[%swap3A, %swap3A_37, %swap3A_38], %swap3A_41 {strides = array<i32>} : memref<1x256x64xf32, #tpu.memory_space<vmem>>, vector<1x256x64xf32>,
    %reduce_min3A = arith.constant dense<0x7F800000> : vector<256x64xf32>
    %reduce_min3A_42 = vector.multi_reduction <minimumf>, %reshape3A_35, %reduce_min3A [0] : vector<10x256x64xf32> to vector<256x64xf32>
    %swap3A_43 = arith.constant 0 : index
    %swap3A_44 = arith.constant 0 : index
    %swap3A_45 = arith.constant 0 : index
    %swap3A_46 = vector.load %arg10[%swap3A_43, %swap3A_44, %swap3A_45] : memref<1x256x64xf32, #tpu.memory_space<vmem>>, vector<1x256x64xf32>
    %swap3A_47 = vector.shape_cast %swap3A_46 : vector<1x256x64xf32> to vector<256x64xf32>
    %swap3A_48 = vector.shape_cast %reduce_min3A_42 : vector<256x64xf32> to vector<1x256x64xf32>
    tpu.vector_store %arg10[%swap3A_43, %swap3A_44, %swap3A_45], %swap3A_48 {strides = array<i32>} : memref<1x256x64xf32, #tpu.memory_space<vmem>>, vector<1x256x64xf32>,
    %reduce_sum3A = arith.constant dense<0.000000e+00> : vector<64xf32>
    %reduce_sum3A_49 = vector.multi_reduction <add>, %max3A_34, %reduce_sum3A [0] : vector<2560x64xf32> to vector<64xf32>
    %broadcast_in_dim3A_50 = vector.shape_cast %reduce_sum3A_49 : vector<64xf32> to vector<1x64xf32>
    %div3A_51 = arith.constant 2.560000e+03 : f32
    %div3A_52 = vector.broadcast %div3A_51 : f32 to vector<1x64xf32>
    %div3A_53 = arith.divf %broadcast_in_dim3A_50, %div3A_52 : vector<1x64xf32>
    %eq3A = arith.constant 0 : i32
    %eq3A_54 = arith.cmpi eq, %arg0, %eq3A : i32
    %eq3A_55 = arith.constant 0 : i32
    %eq3A_56 = arith.cmpi eq, %arg1, %eq3A_55 : i32
    %and3A = arith.andi %eq3A_54, %eq3A_56 : i1
    %convert_element_type3A = arith.extui %and3A : i1 to i32
    %cond3A = arith.constant 0 : i32
    %cond3A_57 = arith.cmpi ne, %convert_element_type3A, %cond3A : i32
    scf.if %cond3A_57 {
      %broadcast_in_dim3A_108 = arith.constant 0.000000e+00 : f32
      %broadcast_in_dim3A_109 = vector.broadcast %broadcast_in_dim3A_108 : f32 to vector<8x128xf32>
      %swap3A_110 = arith.constant 0 : index
      %swap3A_111 = arith.constant 0 : index
      %swap3A_112 = vector.load %arg11[%swap3A_110, %swap3A_111] : memref<8x128xf32, #tpu.memory_space<vmem>>, vector<8x128xf32>
      tpu.vector_store %arg11[%swap3A_110, %swap3A_111], %broadcast_in_dim3A_109 {strides = array<i32>} : memref<8x128xf32, #tpu.memory_space<vmem>>, vector<8x128xf32>,
      %swap3A_113 = arith.constant 2 : index
      %swap3A_114 = arith.constant 0 : index
      %swap3A_115 = vector.load %arg11[%swap3A_113, %swap3A_114] : memref<8x128xf32, #tpu.memory_space<vmem>>, vector<1x64xf32>
      tpu.vector_store %arg11[%swap3A_113, %swap3A_114], %div3A_53 {strides = array<i32>} : memref<8x128xf32, #tpu.memory_space<vmem>>, vector<1x64xf32>,
    } else {
    }
    %get3A_58 = arith.constant 2 : index
    %get3A_59 = arith.constant 0 : index
    %get3A_60 = vector.load %arg11[%get3A_58, %get3A_59] : memref<8x128xf32, #tpu.memory_space<vmem>>, vector<1x64xf32>
    %sub3A_61 = vector.broadcast %get3A_60 : vector<1x64xf32> to vector<2560x64xf32>
    %sub3A_62 = arith.subf %max3A_34, %sub3A_61 : vector<2560x64xf32>
    %reduce_sum3A_63 = arith.constant dense<0.000000e+00> : vector<64xf32>
    %reduce_sum3A_64 = vector.multi_reduction <add>, %sub3A_62, %reduce_sum3A_63 [0] : vector<2560x64xf32> to vector<64xf32>
    %broadcast_in_dim3A_65 = vector.shape_cast %reduce_sum3A_64 : vector<64xf32> to vector<1x64xf32>
    %mul3A_66 = arith.mulf %sub3A_62, %sub3A_62 : vector<2560x64xf32>
    %reduce_sum3A_67 = arith.constant dense<0.000000e+00> : vector<64xf32>
    %reduce_sum3A_68 = vector.multi_reduction <add>, %mul3A_66, %reduce_sum3A_67 [0] : vector<2560x64xf32> to vector<64xf32>
    %broadcast_in_dim3A_69 = vector.shape_cast %reduce_sum3A_68 : vector<64xf32> to vector<1x64xf32>
    %get3A_70 = arith.constant 3 : index
    %get3A_71 = arith.constant 0 : index
    %get3A_72 = vector.load %arg11[%get3A_70, %get3A_71] : memref<8x128xf32, #tpu.memory_space<vmem>>, vector<1x64xf32>
    %sub3A_73 = arith.subf %broadcast_in_dim3A_65, %get3A_72 : vector<1x64xf32>
    %get3A_74 = arith.constant 0 : index
    %get3A_75 = arith.constant 0 : index
    %get3A_76 = vector.load %arg11[%get3A_74, %get3A_75] : memref<8x128xf32, #tpu.memory_space<vmem>>, vector<1x64xf32>
    %add3A_77 = arith.addf %get3A_76, %sub3A_73 : vector<1x64xf32>
    %get3A_78 = arith.constant 0 : index
    %get3A_79 = arith.constant 0 : index
    %get3A_80 = vector.load %arg11[%get3A_78, %get3A_79] : memref<8x128xf32, #tpu.memory_space<vmem>>, vector<1x64xf32>
    %sub3A_81 = arith.subf %add3A_77, %get3A_80 : vector<1x64xf32>
    %sub3A_82 = arith.subf %sub3A_81, %sub3A_73 : vector<1x64xf32>
    %swap3A_83 = arith.constant 3 : index
    %swap3A_84 = arith.constant 0 : index
    %swap3A_85 = vector.load %arg11[%swap3A_83, %swap3A_84] : memref<8x128xf32, #tpu.memory_space<vmem>>, vector<1x64xf32>
    tpu.vector_store %arg11[%swap3A_83, %swap3A_84], %sub3A_82 {strides = array<i32>} : memref<8x128xf32, #tpu.memory_space<vmem>>, vector<1x64xf32>,
    %swap3A_86 = arith.constant 0 : index
    %swap3A_87 = arith.constant 0 : index
    %swap3A_88 = vector.load %arg11[%swap3A_86, %swap3A_87] : memref<8x128xf32, #tpu.memory_space<vmem>>, vector<1x64xf32>
    tpu.vector_store %arg11[%swap3A_86, %swap3A_87], %add3A_77 {strides = array<i32>} : memref<8x128xf32, #tpu.memory_space<vmem>>, vector<1x64xf32>,
    %get3A_89 = arith.constant 4 : index
    %get3A_90 = arith.constant 0 : index
    %get3A_91 = vector.load %arg11[%get3A_89, %get3A_90] : memref<8x128xf32, #tpu.memory_space<vmem>>, vector<1x64xf32>
    %sub3A_92 = arith.subf %broadcast_in_dim3A_69, %get3A_91 : vector<1x64xf32>
    %get3A_93 = arith.constant 1 : index
    %get3A_94 = arith.constant 0 : index
    %get3A_95 = vector.load %arg11[%get3A_93, %get3A_94] : memref<8x128xf32, #tpu.memory_space<vmem>>, vector<1x64xf32>
    %add3A_96 = arith.addf %get3A_95, %sub3A_92 : vector<1x64xf32>
    %get3A_97 = arith.constant 1 : index
    %get3A_98 = arith.constant 0 : index
    %get3A_99 = vector.load %arg11[%get3A_97, %get3A_98] : memref<8x128xf32, #tpu.memory_space<vmem>>, vector<1x64xf32>
    %sub3A_100 = arith.subf %add3A_96, %get3A_99 : vector<1x64xf32>
    %sub3A_101 = arith.subf %sub3A_100, %sub3A_92 : vector<1x64xf32>
    %swap3A_102 = arith.constant 4 : index
    %swap3A_103 = arith.constant 0 : index
    %swap3A_104 = vector.load %arg11[%swap3A_102, %swap3A_103] : memref<8x128xf32, #tpu.memory_space<vmem>>, vector<1x64xf32>
    tpu.vector_store %arg11[%swap3A_102, %swap3A_103], %sub3A_101 {strides = array<i32>} : memref<8x128xf32, #tpu.memory_space<vmem>>, vector<1x64xf32>,
    %swap3A_105 = arith.constant 1 : index
    %swap3A_106 = arith.constant 0 : index
    %swap3A_107 = vector.load %arg11[%swap3A_105, %swap3A_106] : memref<8x128xf32, #tpu.memory_space<vmem>>, vector<1x64xf32>
    tpu.vector_store %arg11[%swap3A_105, %swap3A_106], %add3A_96 {strides = array<i32>} : memref<8x128xf32, #tpu.memory_space<vmem>>, vector<1x64xf32>,
    return
  }
  func.func @transform_0(%arg0: i32, %arg1: i32) -> (i32, i32, i32, i32) {
    %c0_i32 = arith.constant 0 : i32
    %c0_i32_0 = arith.constant 0 : i32
    %c0_i32_1 = arith.constant 0 : i32
    return %arg0, %c0_i32, %arg1, %c0_i32_0 : i32, i32, i32, i32
  }
  func.func @transform_1(%arg0: i32, %arg1: i32) -> (i32, i32) {
    %c0_i32 = arith.constant 0 : i32
    %c0_i32_0 = arith.constant 0 : i32
    %c0_i32_1 = arith.constant 0 : i32
    return %c0_i32, %c0_i32_0 : i32, i32
  }
  func.func @transform_2(%arg0: i32, %arg1: i32) -> (i32, i32) {
    %c0_i32 = arith.constant 0 : i32
    %c0_i32_0 = arith.constant 0 : i32
    %c0_i32_1 = arith.constant 0 : i32
    return %c0_i32, %c0_i32_0 : i32, i32
  }
  func.func @transform_3(%arg0: i32, %arg1: i32) -> (i32, i32) {
    %c0_i32 = arith.constant 0 : i32
    %c0_i32_0 = arith.constant 0 : i32
    %c0_i32_1 = arith.constant 0 : i32
    return %c0_i32, %c0_i32_0 : i32, i32
  }
  func.func @transform_4(%arg0: i32, %arg1: i32) -> (i32, i32) {
    %c0_i32 = arith.constant 0 : i32
    %c0_i32_0 = arith.constant 0 : i32
    %c0_i32_1 = arith.constant 0 : i32
    return %c0_i32, %c0_i32_0 : i32, i32
  }
  func.func @transform_5(%arg0: i32, %arg1: i32) -> (i32, i32) {
    %c0_i32 = arith.constant 0 : i32
    %c0_i32_0 = arith.constant 0 : i32
    %c0_i32_1 = arith.constant 0 : i32
    return %c0_i32, %c0_i32_0 : i32, i32
  }
  func.func @transform_6(%arg0: i32, %arg1: i32) -> (i32, i32) {
    %c0_i32 = arith.constant 0 : i32
    %c0_i32_0 = arith.constant 0 : i32
    %c0_i32_1 = arith.constant 0 : i32
    return %c0_i32, %c0_i32_0 : i32, i32
  }
  func.func @transform_7(%arg0: i32, %arg1: i32) -> (i32, i32, i32) {
    %c0_i32 = arith.constant 0 : i32
    %c0_i32_0 = arith.constant 0 : i32
    return %arg0, %arg1, %c0_i32 : i32, i32, i32
  }
  func.func @transform_8(%arg0: i32, %arg1: i32) -> (i32, i32, i32) {
    %c0_i32 = arith.constant 0 : i32
    %c0_i32_0 = arith.constant 0 : i32
    return %arg0, %arg1, %c0_i32 : i32, i32, i32
  }
  func.func @transform_9(%arg0: i32, %arg1: i32) -> (i32, i32) {
    %c0_i32 = arith.constant 0 : i32
    %c0_i32_0 = arith.constant 0 : i32
    %c0_i32_1 = arith.constant 0 : i32
    return %c0_i32, %c0_i32_0 : i32, i32
  }
}

module attributes {stable_mosaic.version = 14 : i64} {
  func.func @_k6_body(%arg0: i32, %arg1: memref<1x2048x64xf32, #tpu.memory_space<vmem>>, %arg2: memref<1x2048x64xf32, #tpu.memory_space<vmem>>, %arg3: memref<1x64xf32, #tpu.memory_space<vmem>>, %arg4: memref<1x64xf32, #tpu.memory_space<vmem>>, %arg5: memref<1x64xf32, #tpu.memory_space<vmem>>, %arg6: memref<1x64xf32, #tpu.memory_space<vmem>>, %arg7: memref<64x1xf32, #tpu.memory_space<vmem>>, %arg8: memref<1x1xf32, #tpu.memory_space<vmem>>, %arg9: memref<1x1024x64xf32, #tpu.memory_space<vmem>>, %arg10: memref<1x1x64xf32, #tpu.memory_space<vmem>>) attributes {dimension_semantics = [#tpu.dimension_semantics<arbitrary>], iteration_bounds = array<i64: 16>, scalar_prefetch = 0 : i64, scratch_operands = 0 : i64, tpu.core_type = #tpu.core_type<tc>, window_params = [{transform_indices = @transform_0, window_bounds = array<i64: 1, 2048, 64>}, {transform_indices = @transform_1, window_bounds = array<i64: 1, 2048, 64>}, {pipeline_mode = #tpu.pipeline_mode<synchronous>, transform_indices = @transform_2, window_bounds = array<i64: 1, 64>}, {pipeline_mode = #tpu.pipeline_mode<synchronous>, transform_indices = @transform_3, window_bounds = array<i64: 1, 64>}, {pipeline_mode = #tpu.pipeline_mode<synchronous>, transform_indices = @transform_4, window_bounds = array<i64: 1, 64>}, {pipeline_mode = #tpu.pipeline_mode<synchronous>, transform_indices = @transform_5, window_bounds = array<i64: 1, 64>}, {pipeline_mode = #tpu.pipeline_mode<synchronous>, transform_indices = @transform_6, window_bounds = array<i64: 64, 1>}, {pipeline_mode = #tpu.pipeline_mode<synchronous>, transform_indices = @transform_7, window_bounds = array<i64: 1, 1>}, {transform_indices = @transform_8, window_bounds = array<i64: 1, 1024, 64>}, {transform_indices = @transform_9, window_bounds = array<i64: 1, 1, 64>}]} {
    %get3A = arith.constant 0 : index
    %get3A_0 = arith.constant 0 : index
    %get3A_1 = vector.load %arg3[%get3A, %get3A_0] : memref<1x64xf32, #tpu.memory_space<vmem>>, vector<1x64xf32>
    %get3A_2 = arith.constant 0 : index
    %get3A_3 = arith.constant 0 : index
    %get3A_4 = vector.load %arg4[%get3A_2, %get3A_3] : memref<1x64xf32, #tpu.memory_space<vmem>>, vector<1x64xf32>
    %get3A_5 = arith.constant 0 : index
    %get3A_6 = arith.constant 0 : index
    %get3A_7 = vector.load %arg5[%get3A_5, %get3A_6] : memref<1x64xf32, #tpu.memory_space<vmem>>, vector<1x64xf32>
    %get3A_8 = arith.constant 0 : index
    %get3A_9 = arith.constant 0 : index
    %get3A_10 = vector.load %arg6[%get3A_8, %get3A_9] : memref<1x64xf32, #tpu.memory_space<vmem>>, vector<1x64xf32>
    %gt3A = arith.constant 0.000000e+00 : f32
    %gt3A_11 = vector.broadcast %gt3A : f32 to vector<1x64xf32>
    %gt3A_12 = arith.cmpf ogt, %get3A_7, %gt3A_11 : vector<1x64xf32>
    %get3A_13 = arith.constant 0 : index
    %get3A_14 = arith.constant 0 : index
    %get3A_15 = arith.constant 0 : index
    %get3A_16 = vector.load %arg1[%get3A_13, %get3A_14, %get3A_15] : memref<1x2048x64xf32, #tpu.memory_space<vmem>>, vector<1x2048x64xf32>
    %get3A_17 = vector.shape_cast %get3A_16 : vector<1x2048x64xf32> to vector<2048x64xf32>
    %get3A_18 = arith.constant 0 : index
    %get3A_19 = arith.constant 0 : index
    %get3A_20 = arith.constant 0 : index
    %get3A_21 = vector.load %arg2[%get3A_18, %get3A_19, %get3A_20] : memref<1x2048x64xf32, #tpu.memory_space<vmem>>, vector<1x2048x64xf32>
    %get3A_22 = vector.shape_cast %get3A_21 : vector<1x2048x64xf32> to vector<2048x64xf32>
    %broadcast_in_dim3A = vector.shape_cast %gt3A_12 : vector<1x64xi1> to vector<1x64xi1>
    %broadcast_in_dim3A_23 = vector.broadcast %broadcast_in_dim3A : vector<1x64xi1> to vector<2048x64xi1>
    %select_n3A = arith.select %broadcast_in_dim3A_23, %get3A_17, %get3A_22 : vector<2048x64xi1>, vector<2048x64xf32>
    %sub3A = vector.broadcast %get3A_1 : vector<1x64xf32> to vector<2048x64xf32>
    %sub3A_24 = arith.subf %select_n3A, %sub3A : vector<2048x64xf32>
    %mul3A = vector.broadcast %get3A_7 : vector<1x64xf32> to vector<2048x64xf32>
    %mul3A_25 = arith.mulf %mul3A, %sub3A_24 : vector<2048x64xf32>
    %div3A = vector.broadcast %get3A_4 : vector<1x64xf32> to vector<2048x64xf32>
    %div3A_26 = arith.divf %mul3A_25, %div3A : vector<2048x64xf32>
    %add3A = vector.broadcast %get3A_10 : vector<1x64xf32> to vector<2048x64xf32>
    %add3A_27 = arith.addf %div3A_26, %add3A : vector<2048x64xf32>
    %get3A_28 = arith.constant 0 : index
    %get3A_29 = arith.constant 0 : index
    %get3A_30 = vector.load %arg7[%get3A_28, %get3A_29] : memref<64x1xf32, #tpu.memory_space<vmem>>, vector<64x1xf32>
    %dot_general3A = arith.constant dense<0.000000e+00> : vector<2048x1xf32>
    %dot_general3A_31 = tpu.matmul %add3A_27, %get3A_30, %dot_general3A {dimension_numbers = #tpu.dot_dimension_numbers<[1], [0], [0], [1], [0, 0, 1, 1], [], []>, transpose_lhs_hint = false} : vector<2048x64xf32>, vector<64x1xf32>, vector<2048x1xf32> -> vector<2048x1xf32>
    %get3A_32 = arith.constant 0 : index
    %get3A_33 = arith.constant 0 : index
    %get3A_34 = vector.load %arg8[%get3A_32, %get3A_33] : memref<1x1xf32, #tpu.memory_space<vmem>>, vector<1x1xf32>
    %get3A_35 = vector.extract %get3A_34[0, 0] : f32 from vector<1x1xf32>
    %div3A_36 = vector.broadcast %get3A_35 : f32 to vector<2048x1xf32>
    %div3A_37 = arith.divf %dot_general3A_31, %div3A_36 : vector<2048x1xf32>
    %tanh3A = math.tanh %div3A_37 : vector<2048x1xf32>
    %broadcast_in_dim3A_38 = arith.constant 0.000000e+00 : f32
    %broadcast_in_dim3A_39 = vector.broadcast %broadcast_in_dim3A_38 : f32 to vector<1x2048xf32>
    %iota3A = tpu.iota {dimensions = array<i32: 0>} : vector<256x2048xi32>
    %add3A_40 = arith.constant 0 : i32
    %add3A_41 = vector.broadcast %add3A_40 : i32 to vector<256x2048xi32>
    %add3A_42 = arith.addi %iota3A, %add3A_41 : vector<256x2048xi32>
    %iota3A_43 = tpu.iota {dimensions = array<i32: 1>} : vector<256x2048xi32>
    %slice3A = vector.extract_strided_slice %tanh3A {offsets = [0, 0], sizes = [256, 1], strides = [1, 1]} : vector<2048x1xf32> to vector<256x1xf32>
    %eq3A = arith.cmpi eq, %add3A_42, %iota3A_43 : vector<256x2048xi32>
    %jit3A = arith.constant 0.000000e+00 : f32
    %broadcast_in_dim3A_44 = vector.shape_cast %slice3A : vector<256x1xf32> to vector<256x1xf32>
    %broadcast_in_dim3A_45 = vector.broadcast %broadcast_in_dim3A_44 : vector<256x1xf32> to vector<256x2048xf32>
    %broadcast_in_dim3A_46 = vector.broadcast %jit3A : f32 to vector<256x2048xf32>
    %select_n3A_47 = arith.select %eq3A, %broadcast_in_dim3A_45, %broadcast_in_dim3A_46 : vector<256x2048xi1>, vector<256x2048xf32>
    %reduce_sum3A = arith.constant dense<0.000000e+00> : vector<2048xf32>
    %reduce_sum3A_48 = vector.multi_reduction <add>, %select_n3A_47, %reduce_sum3A [0] : vector<256x2048xf32> to vector<2048xf32>
    %broadcast_in_dim3A_49 = vector.shape_cast %reduce_sum3A_48 : vector<2048xf32> to vector<1x2048xf32>
    %add3A_50 = arith.addf %broadcast_in_dim3A_39, %broadcast_in_dim3A_49 : vector<1x2048xf32>
    %iota3A_51 = tpu.iota {dimensions = array<i32: 0>} : vector<256x2048xi32>
    %add3A_52 = arith.constant 256 : i32
    %add3A_53 = vector.broadcast %add3A_52 : i32 to vector<256x2048xi32>
    %add3A_54 = arith.addi %iota3A_51, %add3A_53 : vector<256x2048xi32>
    %iota3A_55 = tpu.iota {dimensions = array<i32: 1>} : vector<256x2048xi32>
    %slice3A_56 = vector.extract_strided_slice %tanh3A {offsets = [256, 0], sizes = [256, 1], strides = [1, 1]} : vector<2048x1xf32> to vector<256x1xf32>
    %eq3A_57 = arith.cmpi eq, %add3A_54, %iota3A_55 : vector<256x2048xi32>
    %jit3A_58 = arith.constant 0.000000e+00 : f32
    %broadcast_in_dim3A_59 = vector.shape_cast %slice3A_56 : vector<256x1xf32> to vector<256x1xf32>
    %broadcast_in_dim3A_60 = vector.broadcast %broadcast_in_dim3A_59 : vector<256x1xf32> to vector<256x2048xf32>
    %broadcast_in_dim3A_61 = vector.broadcast %jit3A_58 : f32 to vector<256x2048xf32>
    %select_n3A_62 = arith.select %eq3A_57, %broadcast_in_dim3A_60, %broadcast_in_dim3A_61 : vector<256x2048xi1>, vector<256x2048xf32>
    %reduce_sum3A_63 = arith.constant dense<0.000000e+00> : vector<2048xf32>
    %reduce_sum3A_64 = vector.multi_reduction <add>, %select_n3A_62, %reduce_sum3A_63 [0] : vector<256x2048xf32> to vector<2048xf32>
    %broadcast_in_dim3A_65 = vector.shape_cast %reduce_sum3A_64 : vector<2048xf32> to vector<1x2048xf32>
    %add3A_66 = arith.addf %add3A_50, %broadcast_in_dim3A_65 : vector<1x2048xf32>
    %iota3A_67 = tpu.iota {dimensions = array<i32: 0>} : vector<256x2048xi32>
    %add3A_68 = arith.constant 512 : i32
    %add3A_69 = vector.broadcast %add3A_68 : i32 to vector<256x2048xi32>
    %add3A_70 = arith.addi %iota3A_67, %add3A_69 : vector<256x2048xi32>
    %iota3A_71 = tpu.iota {dimensions = array<i32: 1>} : vector<256x2048xi32>
    %slice3A_72 = vector.extract_strided_slice %tanh3A {offsets = [512, 0], sizes = [256, 1], strides = [1, 1]} : vector<2048x1xf32> to vector<256x1xf32>
    %eq3A_73 = arith.cmpi eq, %add3A_70, %iota3A_71 : vector<256x2048xi32>
    %jit3A_74 = arith.constant 0.000000e+00 : f32
    %broadcast_in_dim3A_75 = vector.shape_cast %slice3A_72 : vector<256x1xf32> to vector<256x1xf32>
    %broadcast_in_dim3A_76 = vector.broadcast %broadcast_in_dim3A_75 : vector<256x1xf32> to vector<256x2048xf32>
    %broadcast_in_dim3A_77 = vector.broadcast %jit3A_74 : f32 to vector<256x2048xf32>
    %select_n3A_78 = arith.select %eq3A_73, %broadcast_in_dim3A_76, %broadcast_in_dim3A_77 : vector<256x2048xi1>, vector<256x2048xf32>
    %reduce_sum3A_79 = arith.constant dense<0.000000e+00> : vector<2048xf32>
    %reduce_sum3A_80 = vector.multi_reduction <add>, %select_n3A_78, %reduce_sum3A_79 [0] : vector<256x2048xf32> to vector<2048xf32>
    %broadcast_in_dim3A_81 = vector.shape_cast %reduce_sum3A_80 : vector<2048xf32> to vector<1x2048xf32>
    %add3A_82 = arith.addf %add3A_66, %broadcast_in_dim3A_81 : vector<1x2048xf32>
    %iota3A_83 = tpu.iota {dimensions = array<i32: 0>} : vector<256x2048xi32>
    %add3A_84 = arith.constant 768 : i32
    %add3A_85 = vector.broadcast %add3A_84 : i32 to vector<256x2048xi32>
    %add3A_86 = arith.addi %iota3A_83, %add3A_85 : vector<256x2048xi32>
    %iota3A_87 = tpu.iota {dimensions = array<i32: 1>} : vector<256x2048xi32>
    %slice3A_88 = vector.extract_strided_slice %tanh3A {offsets = [768, 0], sizes = [256, 1], strides = [1, 1]} : vector<2048x1xf32> to vector<256x1xf32>
    %eq3A_89 = arith.cmpi eq, %add3A_86, %iota3A_87 : vector<256x2048xi32>
    %jit3A_90 = arith.constant 0.000000e+00 : f32
    %broadcast_in_dim3A_91 = vector.shape_cast %slice3A_88 : vector<256x1xf32> to vector<256x1xf32>
    %broadcast_in_dim3A_92 = vector.broadcast %broadcast_in_dim3A_91 : vector<256x1xf32> to vector<256x2048xf32>
    %broadcast_in_dim3A_93 = vector.broadcast %jit3A_90 : f32 to vector<256x2048xf32>
    %select_n3A_94 = arith.select %eq3A_89, %broadcast_in_dim3A_92, %broadcast_in_dim3A_93 : vector<256x2048xi1>, vector<256x2048xf32>
    %reduce_sum3A_95 = arith.constant dense<0.000000e+00> : vector<2048xf32>
    %reduce_sum3A_96 = vector.multi_reduction <add>, %select_n3A_94, %reduce_sum3A_95 [0] : vector<256x2048xf32> to vector<2048xf32>
    %broadcast_in_dim3A_97 = vector.shape_cast %reduce_sum3A_96 : vector<2048xf32> to vector<1x2048xf32>
    %add3A_98 = arith.addf %add3A_82, %broadcast_in_dim3A_97 : vector<1x2048xf32>
    %iota3A_99 = tpu.iota {dimensions = array<i32: 0>} : vector<256x2048xi32>
    %add3A_100 = arith.constant 1024 : i32
    %add3A_101 = vector.broadcast %add3A_100 : i32 to vector<256x2048xi32>
    %add3A_102 = arith.addi %iota3A_99, %add3A_101 : vector<256x2048xi32>
    %iota3A_103 = tpu.iota {dimensions = array<i32: 1>} : vector<256x2048xi32>
    %slice3A_104 = vector.extract_strided_slice %tanh3A {offsets = [1024, 0], sizes = [256, 1], strides = [1, 1]} : vector<2048x1xf32> to vector<256x1xf32>
    %eq3A_105 = arith.cmpi eq, %add3A_102, %iota3A_103 : vector<256x2048xi32>
    %jit3A_106 = arith.constant 0.000000e+00 : f32
    %broadcast_in_dim3A_107 = vector.shape_cast %slice3A_104 : vector<256x1xf32> to vector<256x1xf32>
    %broadcast_in_dim3A_108 = vector.broadcast %broadcast_in_dim3A_107 : vector<256x1xf32> to vector<256x2048xf32>
    %broadcast_in_dim3A_109 = vector.broadcast %jit3A_106 : f32 to vector<256x2048xf32>
    %select_n3A_110 = arith.select %eq3A_105, %broadcast_in_dim3A_108, %broadcast_in_dim3A_109 : vector<256x2048xi1>, vector<256x2048xf32>
    %reduce_sum3A_111 = arith.constant dense<0.000000e+00> : vector<2048xf32>
    %reduce_sum3A_112 = vector.multi_reduction <add>, %select_n3A_110, %reduce_sum3A_111 [0] : vector<256x2048xf32> to vector<2048xf32>
    %broadcast_in_dim3A_113 = vector.shape_cast %reduce_sum3A_112 : vector<2048xf32> to vector<1x2048xf32>
    %add3A_114 = arith.addf %add3A_98, %broadcast_in_dim3A_113 : vector<1x2048xf32>
    %iota3A_115 = tpu.iota {dimensions = array<i32: 0>} : vector<256x2048xi32>
    %add3A_116 = arith.constant 1280 : i32
    %add3A_117 = vector.broadcast %add3A_116 : i32 to vector<256x2048xi32>
    %add3A_118 = arith.addi %iota3A_115, %add3A_117 : vector<256x2048xi32>
    %iota3A_119 = tpu.iota {dimensions = array<i32: 1>} : vector<256x2048xi32>
    %slice3A_120 = vector.extract_strided_slice %tanh3A {offsets = [1280, 0], sizes = [256, 1], strides = [1, 1]} : vector<2048x1xf32> to vector<256x1xf32>
    %eq3A_121 = arith.cmpi eq, %add3A_118, %iota3A_119 : vector<256x2048xi32>
    %jit3A_122 = arith.constant 0.000000e+00 : f32
    %broadcast_in_dim3A_123 = vector.shape_cast %slice3A_120 : vector<256x1xf32> to vector<256x1xf32>
    %broadcast_in_dim3A_124 = vector.broadcast %broadcast_in_dim3A_123 : vector<256x1xf32> to vector<256x2048xf32>
    %broadcast_in_dim3A_125 = vector.broadcast %jit3A_122 : f32 to vector<256x2048xf32>
    %select_n3A_126 = arith.select %eq3A_121, %broadcast_in_dim3A_124, %broadcast_in_dim3A_125 : vector<256x2048xi1>, vector<256x2048xf32>
    %reduce_sum3A_127 = arith.constant dense<0.000000e+00> : vector<2048xf32>
    %reduce_sum3A_128 = vector.multi_reduction <add>, %select_n3A_126, %reduce_sum3A_127 [0] : vector<256x2048xf32> to vector<2048xf32>
    %broadcast_in_dim3A_129 = vector.shape_cast %reduce_sum3A_128 : vector<2048xf32> to vector<1x2048xf32>
    %add3A_130 = arith.addf %add3A_114, %broadcast_in_dim3A_129 : vector<1x2048xf32>
    %iota3A_131 = tpu.iota {dimensions = array<i32: 0>} : vector<256x2048xi32>
    %add3A_132 = arith.constant 1536 : i32
    %add3A_133 = vector.broadcast %add3A_132 : i32 to vector<256x2048xi32>
    %add3A_134 = arith.addi %iota3A_131, %add3A_133 : vector<256x2048xi32>
    %iota3A_135 = tpu.iota {dimensions = array<i32: 1>} : vector<256x2048xi32>
    %slice3A_136 = vector.extract_strided_slice %tanh3A {offsets = [1536, 0], sizes = [256, 1], strides = [1, 1]} : vector<2048x1xf32> to vector<256x1xf32>
    %eq3A_137 = arith.cmpi eq, %add3A_134, %iota3A_135 : vector<256x2048xi32>
    %jit3A_138 = arith.constant 0.000000e+00 : f32
    %broadcast_in_dim3A_139 = vector.shape_cast %slice3A_136 : vector<256x1xf32> to vector<256x1xf32>
    %broadcast_in_dim3A_140 = vector.broadcast %broadcast_in_dim3A_139 : vector<256x1xf32> to vector<256x2048xf32>
    %broadcast_in_dim3A_141 = vector.broadcast %jit3A_138 : f32 to vector<256x2048xf32>
    %select_n3A_142 = arith.select %eq3A_137, %broadcast_in_dim3A_140, %broadcast_in_dim3A_141 : vector<256x2048xi1>, vector<256x2048xf32>
    %reduce_sum3A_143 = arith.constant dense<0.000000e+00> : vector<2048xf32>
    %reduce_sum3A_144 = vector.multi_reduction <add>, %select_n3A_142, %reduce_sum3A_143 [0] : vector<256x2048xf32> to vector<2048xf32>
    %broadcast_in_dim3A_145 = vector.shape_cast %reduce_sum3A_144 : vector<2048xf32> to vector<1x2048xf32>
    %add3A_146 = arith.addf %add3A_130, %broadcast_in_dim3A_145 : vector<1x2048xf32>
    %iota3A_147 = tpu.iota {dimensions = array<i32: 0>} : vector<256x2048xi32>
    %add3A_148 = arith.constant 1792 : i32
    %add3A_149 = vector.broadcast %add3A_148 : i32 to vector<256x2048xi32>
    %add3A_150 = arith.addi %iota3A_147, %add3A_149 : vector<256x2048xi32>
    %iota3A_151 = tpu.iota {dimensions = array<i32: 1>} : vector<256x2048xi32>
    %slice3A_152 = vector.extract_strided_slice %tanh3A {offsets = [1792, 0], sizes = [256, 1], strides = [1, 1]} : vector<2048x1xf32> to vector<256x1xf32>
    %eq3A_153 = arith.cmpi eq, %add3A_150, %iota3A_151 : vector<256x2048xi32>
    %jit3A_154 = arith.constant 0.000000e+00 : f32
    %broadcast_in_dim3A_155 = vector.shape_cast %slice3A_152 : vector<256x1xf32> to vector<256x1xf32>
    %broadcast_in_dim3A_156 = vector.broadcast %broadcast_in_dim3A_155 : vector<256x1xf32> to vector<256x2048xf32>
    %broadcast_in_dim3A_157 = vector.broadcast %jit3A_154 : f32 to vector<256x2048xf32>
    %select_n3A_158 = arith.select %eq3A_153, %broadcast_in_dim3A_156, %broadcast_in_dim3A_157 : vector<256x2048xi1>, vector<256x2048xf32>
    %reduce_sum3A_159 = arith.constant dense<0.000000e+00> : vector<2048xf32>
    %reduce_sum3A_160 = vector.multi_reduction <add>, %select_n3A_158, %reduce_sum3A_159 [0] : vector<256x2048xf32> to vector<2048xf32>
    %broadcast_in_dim3A_161 = vector.shape_cast %reduce_sum3A_160 : vector<2048xf32> to vector<1x2048xf32>
    %add3A_162 = arith.addf %add3A_146, %broadcast_in_dim3A_161 : vector<1x2048xf32>
    %broadcast_in_dim3A_163 = arith.constant 0 : i32
    %broadcast_in_dim3A_164 = vector.broadcast %broadcast_in_dim3A_163 : i32 to vector<1x2048xi32>
    %broadcast_in_dim3A_165 = arith.constant -3.000000e+38 : f32
    %broadcast_in_dim3A_166 = vector.broadcast %broadcast_in_dim3A_165 : f32 to vector<1x64xf32>
    %iota3A_167 = tpu.iota {dimensions = array<i32: 0>} : vector<256x2048xi32>
    %add3A_168 = arith.constant 0 : i32
    %add3A_169 = vector.broadcast %add3A_168 : i32 to vector<256x2048xi32>
    %add3A_170 = arith.addi %iota3A_167, %add3A_169 : vector<256x2048xi32>
    %iota3A_171 = tpu.iota {dimensions = array<i32: 1>} : vector<256x2048xi32>
    %slice3A_172 = vector.extract_strided_slice %tanh3A {offsets = [0, 0], sizes = [256, 1], strides = [1, 1]} : vector<2048x1xf32> to vector<256x1xf32>
    %gt3A_173 = vector.broadcast %add3A_162 : vector<1x2048xf32> to vector<256x2048xf32>
    %gt3A_174 = vector.broadcast %slice3A_172 : vector<256x1xf32> to vector<256x2048xf32>
    %gt3A_175 = arith.cmpf ogt, %gt3A_173, %gt3A_174 : vector<256x2048xf32>
    %eq3A_176 = vector.broadcast %add3A_162 : vector<1x2048xf32> to vector<256x2048xf32>
    %eq3A_177 = vector.broadcast %slice3A_172 : vector<256x1xf32> to vector<256x2048xf32>
    %eq3A_178 = arith.cmpf oeq, %eq3A_176, %eq3A_177 : vector<256x2048xf32>
    %lt3A = arith.cmpi slt, %iota3A_171, %add3A_170 : vector<256x2048xi32>
    %and3A = arith.andi %eq3A_178, %lt3A : vector<256x2048xi1>
    %or3A = arith.ori %gt3A_175, %and3A : vector<256x2048xi1>
    %convert_element_type3A = arith.extui %or3A : vector<256x2048xi1> to vector<256x2048xi32>
    %reduce_sum3A_179 = arith.constant dense<0> : vector<256xi32>
    %reduce_sum3A_180 = vector.multi_reduction <add>, %convert_element_type3A, %reduce_sum3A_179 [1] : vector<256x2048xi32> to vector<256xi32>
    %broadcast_in_dim3A_181 = vector.shape_cast %reduce_sum3A_180 : vector<256xi32> to vector<256x1xi32>
    %eq3A_182 = arith.cmpi eq, %add3A_170, %iota3A_171 : vector<256x2048xi32>
    %jit3A_183 = arith.constant 0 : i32
    %broadcast_in_dim3A_184 = vector.shape_cast %broadcast_in_dim3A_181 : vector<256x1xi32> to vector<256x1xi32>
    %broadcast_in_dim3A_185 = vector.broadcast %broadcast_in_dim3A_184 : vector<256x1xi32> to vector<256x2048xi32>
    %broadcast_in_dim3A_186 = vector.broadcast %jit3A_183 : i32 to vector<256x2048xi32>
    %select_n3A_187 = arith.select %eq3A_182, %broadcast_in_dim3A_185, %broadcast_in_dim3A_186 : vector<256x2048xi1>, vector<256x2048xi32>
    %reduce_sum3A_188 = arith.constant dense<0> : vector<2048xi32>
    %reduce_sum3A_189 = vector.multi_reduction <add>, %select_n3A_187, %reduce_sum3A_188 [0] : vector<256x2048xi32> to vector<2048xi32>
    %broadcast_in_dim3A_190 = vector.shape_cast %reduce_sum3A_189 : vector<2048xi32> to vector<1x2048xi32>
    %add3A_191 = arith.addi %broadcast_in_dim3A_164, %broadcast_in_dim3A_190 : vector<1x2048xi32>
    %slice3A_192 = vector.extract_strided_slice %add3A_27 {offsets = [0, 0], sizes = [256, 64], strides = [1, 1]} : vector<2048x64xf32> to vector<256x64xf32>
    %mul3A_193 = vector.broadcast %slice3A_172 : vector<256x1xf32> to vector<256x64xf32>
    %mul3A_194 = arith.mulf %slice3A_192, %mul3A_193 : vector<256x64xf32>
    %lt3A_195 = arith.constant 1024 : i32
    %lt3A_196 = vector.broadcast %lt3A_195 : i32 to vector<256x1xi32>
    %lt3A_197 = arith.cmpi slt, %broadcast_in_dim3A_181, %lt3A_196 : vector<256x1xi32>
    %jit3A_198 = arith.constant -3.000000e+38 : f32
    %broadcast_in_dim3A_199 = vector.shape_cast %lt3A_197 : vector<256x1xi1> to vector<256x1xi1>
    %broadcast_in_dim3A_200 = vector.broadcast %broadcast_in_dim3A_199 : vector<256x1xi1> to vector<256x64xi1>
    %broadcast_in_dim3A_201 = vector.broadcast %jit3A_198 : f32 to vector<256x64xf32>
    %select_n3A_202 = arith.select %broadcast_in_dim3A_200, %mul3A_194, %broadcast_in_dim3A_201 : vector<256x64xi1>, vector<256x64xf32>
    %reduce_max3A = arith.constant dense<0xFF800000> : vector<64xf32>
    %reduce_max3A_203 = vector.multi_reduction <maximumf>, %select_n3A_202, %reduce_max3A [0] : vector<256x64xf32> to vector<64xf32>
    %broadcast_in_dim3A_204 = vector.shape_cast %reduce_max3A_203 : vector<64xf32> to vector<1x64xf32>
    %max3A = arith.maximumf %broadcast_in_dim3A_166, %broadcast_in_dim3A_204 : vector<1x64xf32>
    %iota3A_205 = tpu.iota {dimensions = array<i32: 0>} : vector<256x2048xi32>
    %add3A_206 = arith.constant 256 : i32
    %add3A_207 = vector.broadcast %add3A_206 : i32 to vector<256x2048xi32>
    %add3A_208 = arith.addi %iota3A_205, %add3A_207 : vector<256x2048xi32>
    %iota3A_209 = tpu.iota {dimensions = array<i32: 1>} : vector<256x2048xi32>
    %slice3A_210 = vector.extract_strided_slice %tanh3A {offsets = [256, 0], sizes = [256, 1], strides = [1, 1]} : vector<2048x1xf32> to vector<256x1xf32>
    %gt3A_211 = vector.broadcast %add3A_162 : vector<1x2048xf32> to vector<256x2048xf32>
    %gt3A_212 = vector.broadcast %slice3A_210 : vector<256x1xf32> to vector<256x2048xf32>
    %gt3A_213 = arith.cmpf ogt, %gt3A_211, %gt3A_212 : vector<256x2048xf32>
    %eq3A_214 = vector.broadcast %add3A_162 : vector<1x2048xf32> to vector<256x2048xf32>
    %eq3A_215 = vector.broadcast %slice3A_210 : vector<256x1xf32> to vector<256x2048xf32>
    %eq3A_216 = arith.cmpf oeq, %eq3A_214, %eq3A_215 : vector<256x2048xf32>
    %lt3A_217 = arith.cmpi slt, %iota3A_209, %add3A_208 : vector<256x2048xi32>
    %and3A_218 = arith.andi %eq3A_216, %lt3A_217 : vector<256x2048xi1>
    %or3A_219 = arith.ori %gt3A_213, %and3A_218 : vector<256x2048xi1>
    %convert_element_type3A_220 = arith.extui %or3A_219 : vector<256x2048xi1> to vector<256x2048xi32>
    %reduce_sum3A_221 = arith.constant dense<0> : vector<256xi32>
    %reduce_sum3A_222 = vector.multi_reduction <add>, %convert_element_type3A_220, %reduce_sum3A_221 [1] : vector<256x2048xi32> to vector<256xi32>
    %broadcast_in_dim3A_223 = vector.shape_cast %reduce_sum3A_222 : vector<256xi32> to vector<256x1xi32>
    %eq3A_224 = arith.cmpi eq, %add3A_208, %iota3A_209 : vector<256x2048xi32>
    %jit3A_225 = arith.constant 0 : i32
    %broadcast_in_dim3A_226 = vector.shape_cast %broadcast_in_dim3A_223 : vector<256x1xi32> to vector<256x1xi32>
    %broadcast_in_dim3A_227 = vector.broadcast %broadcast_in_dim3A_226 : vector<256x1xi32> to vector<256x2048xi32>
    %broadcast_in_dim3A_228 = vector.broadcast %jit3A_225 : i32 to vector<256x2048xi32>
    %select_n3A_229 = arith.select %eq3A_224, %broadcast_in_dim3A_227, %broadcast_in_dim3A_228 : vector<256x2048xi1>, vector<256x2048xi32>
    %reduce_sum3A_230 = arith.constant dense<0> : vector<2048xi32>
    %reduce_sum3A_231 = vector.multi_reduction <add>, %select_n3A_229, %reduce_sum3A_230 [0] : vector<256x2048xi32> to vector<2048xi32>
    %broadcast_in_dim3A_232 = vector.shape_cast %reduce_sum3A_231 : vector<2048xi32> to vector<1x2048xi32>
    %add3A_233 = arith.addi %add3A_191, %broadcast_in_dim3A_232 : vector<1x2048xi32>
    %slice3A_234 = vector.extract_strided_slice %add3A_27 {offsets = [256, 0], sizes = [256, 64], strides = [1, 1]} : vector<2048x64xf32> to vector<256x64xf32>
    %mul3A_235 = vector.broadcast %slice3A_210 : vector<256x1xf32> to vector<256x64xf32>
    %mul3A_236 = arith.mulf %slice3A_234, %mul3A_235 : vector<256x64xf32>
    %lt3A_237 = arith.constant 1024 : i32
    %lt3A_238 = vector.broadcast %lt3A_237 : i32 to vector<256x1xi32>
    %lt3A_239 = arith.cmpi slt, %broadcast_in_dim3A_223, %lt3A_238 : vector<256x1xi32>
    %jit3A_240 = arith.constant -3.000000e+38 : f32
    %broadcast_in_dim3A_241 = vector.shape_cast %lt3A_239 : vector<256x1xi1> to vector<256x1xi1>
    %broadcast_in_dim3A_242 = vector.broadcast %broadcast_in_dim3A_241 : vector<256x1xi1> to vector<256x64xi1>
    %broadcast_in_dim3A_243 = vector.broadcast %jit3A_240 : f32 to vector<256x64xf32>
    %select_n3A_244 = arith.select %broadcast_in_dim3A_242, %mul3A_236, %broadcast_in_dim3A_243 : vector<256x64xi1>, vector<256x64xf32>
    %reduce_max3A_245 = arith.constant dense<0xFF800000> : vector<64xf32>
    %reduce_max3A_246 = vector.multi_reduction <maximumf>, %select_n3A_244, %reduce_max3A_245 [0] : vector<256x64xf32> to vector<64xf32>
    %broadcast_in_dim3A_247 = vector.shape_cast %reduce_max3A_246 : vector<64xf32> to vector<1x64xf32>
    %max3A_248 = arith.maximumf %max3A, %broadcast_in_dim3A_247 : vector<1x64xf32>
    %iota3A_249 = tpu.iota {dimensions = array<i32: 0>} : vector<256x2048xi32>
    %add3A_250 = arith.constant 512 : i32
    %add3A_251 = vector.broadcast %add3A_250 : i32 to vector<256x2048xi32>
    %add3A_252 = arith.addi %iota3A_249, %add3A_251 : vector<256x2048xi32>
    %iota3A_253 = tpu.iota {dimensions = array<i32: 1>} : vector<256x2048xi32>
    %slice3A_254 = vector.extract_strided_slice %tanh3A {offsets = [512, 0], sizes = [256, 1], strides = [1, 1]} : vector<2048x1xf32> to vector<256x1xf32>
    %gt3A_255 = vector.broadcast %add3A_162 : vector<1x2048xf32> to vector<256x2048xf32>
    %gt3A_256 = vector.broadcast %slice3A_254 : vector<256x1xf32> to vector<256x2048xf32>
    %gt3A_257 = arith.cmpf ogt, %gt3A_255, %gt3A_256 : vector<256x2048xf32>
    %eq3A_258 = vector.broadcast %add3A_162 : vector<1x2048xf32> to vector<256x2048xf32>
    %eq3A_259 = vector.broadcast %slice3A_254 : vector<256x1xf32> to vector<256x2048xf32>
    %eq3A_260 = arith.cmpf oeq, %eq3A_258, %eq3A_259 : vector<256x2048xf32>
    %lt3A_261 = arith.cmpi slt, %iota3A_253, %add3A_252 : vector<256x2048xi32>
    %and3A_262 = arith.andi %eq3A_260, %lt3A_261 : vector<256x2048xi1>
    %or3A_263 = arith.ori %gt3A_257, %and3A_262 : vector<256x2048xi1>
    %convert_element_type3A_264 = arith.extui %or3A_263 : vector<256x2048xi1> to vector<256x2048xi32>
    %reduce_sum3A_265 = arith.constant dense<0> : vector<256xi32>
    %reduce_sum3A_266 = vector.multi_reduction <add>, %convert_element_type3A_264, %reduce_sum3A_265 [1] : vector<256x2048xi32> to vector<256xi32>
    %broadcast_in_dim3A_267 = vector.shape_cast %reduce_sum3A_266 : vector<256xi32> to vector<256x1xi32>
    %eq3A_268 = arith.cmpi eq, %add3A_252, %iota3A_253 : vector<256x2048xi32>
    %jit3A_269 = arith.constant 0 : i32
    %broadcast_in_dim3A_270 = vector.shape_cast %broadcast_in_dim3A_267 : vector<256x1xi32> to vector<256x1xi32>
    %broadcast_in_dim3A_271 = vector.broadcast %broadcast_in_dim3A_270 : vector<256x1xi32> to vector<256x2048xi32>
    %broadcast_in_dim3A_272 = vector.broadcast %jit3A_269 : i32 to vector<256x2048xi32>
    %select_n3A_273 = arith.select %eq3A_268, %broadcast_in_dim3A_271, %broadcast_in_dim3A_272 : vector<256x2048xi1>, vector<256x2048xi32>
    %reduce_sum3A_274 = arith.constant dense<0> : vector<2048xi32>
    %reduce_sum3A_275 = vector.multi_reduction <add>, %select_n3A_273, %reduce_sum3A_274 [0] : vector<256x2048xi32> to vector<2048xi32>
    %broadcast_in_dim3A_276 = vector.shape_cast %reduce_sum3A_275 : vector<2048xi32> to vector<1x2048xi32>
    %add3A_277 = arith.addi %add3A_233, %broadcast_in_dim3A_276 : vector<1x2048xi32>
    %slice3A_278 = vector.extract_strided_slice %add3A_27 {offsets = [512, 0], sizes = [256, 64], strides = [1, 1]} : vector<2048x64xf32> to vector<256x64xf32>
    %mul3A_279 = vector.broadcast %slice3A_254 : vector<256x1xf32> to vector<256x64xf32>
    %mul3A_280 = arith.mulf %slice3A_278, %mul3A_279 : vector<256x64xf32>
    %lt3A_281 = arith.constant 1024 : i32
    %lt3A_282 = vector.broadcast %lt3A_281 : i32 to vector<256x1xi32>
    %lt3A_283 = arith.cmpi slt, %broadcast_in_dim3A_267, %lt3A_282 : vector<256x1xi32>
    %jit3A_284 = arith.constant -3.000000e+38 : f32
    %broadcast_in_dim3A_285 = vector.shape_cast %lt3A_283 : vector<256x1xi1> to vector<256x1xi1>
    %broadcast_in_dim3A_286 = vector.broadcast %broadcast_in_dim3A_285 : vector<256x1xi1> to vector<256x64xi1>
    %broadcast_in_dim3A_287 = vector.broadcast %jit3A_284 : f32 to vector<256x64xf32>
    %select_n3A_288 = arith.select %broadcast_in_dim3A_286, %mul3A_280, %broadcast_in_dim3A_287 : vector<256x64xi1>, vector<256x64xf32>
    %reduce_max3A_289 = arith.constant dense<0xFF800000> : vector<64xf32>
    %reduce_max3A_290 = vector.multi_reduction <maximumf>, %select_n3A_288, %reduce_max3A_289 [0] : vector<256x64xf32> to vector<64xf32>
    %broadcast_in_dim3A_291 = vector.shape_cast %reduce_max3A_290 : vector<64xf32> to vector<1x64xf32>
    %max3A_292 = arith.maximumf %max3A_248, %broadcast_in_dim3A_291 : vector<1x64xf32>
    %iota3A_293 = tpu.iota {dimensions = array<i32: 0>} : vector<256x2048xi32>
    %add3A_294 = arith.constant 768 : i32
    %add3A_295 = vector.broadcast %add3A_294 : i32 to vector<256x2048xi32>
    %add3A_296 = arith.addi %iota3A_293, %add3A_295 : vector<256x2048xi32>
    %iota3A_297 = tpu.iota {dimensions = array<i32: 1>} : vector<256x2048xi32>
    %slice3A_298 = vector.extract_strided_slice %tanh3A {offsets = [768, 0], sizes = [256, 1], strides = [1, 1]} : vector<2048x1xf32> to vector<256x1xf32>
    %gt3A_299 = vector.broadcast %add3A_162 : vector<1x2048xf32> to vector<256x2048xf32>
    %gt3A_300 = vector.broadcast %slice3A_298 : vector<256x1xf32> to vector<256x2048xf32>
    %gt3A_301 = arith.cmpf ogt, %gt3A_299, %gt3A_300 : vector<256x2048xf32>
    %eq3A_302 = vector.broadcast %add3A_162 : vector<1x2048xf32> to vector<256x2048xf32>
    %eq3A_303 = vector.broadcast %slice3A_298 : vector<256x1xf32> to vector<256x2048xf32>
    %eq3A_304 = arith.cmpf oeq, %eq3A_302, %eq3A_303 : vector<256x2048xf32>
    %lt3A_305 = arith.cmpi slt, %iota3A_297, %add3A_296 : vector<256x2048xi32>
    %and3A_306 = arith.andi %eq3A_304, %lt3A_305 : vector<256x2048xi1>
    %or3A_307 = arith.ori %gt3A_301, %and3A_306 : vector<256x2048xi1>
    %convert_element_type3A_308 = arith.extui %or3A_307 : vector<256x2048xi1> to vector<256x2048xi32>
    %reduce_sum3A_309 = arith.constant dense<0> : vector<256xi32>
    %reduce_sum3A_310 = vector.multi_reduction <add>, %convert_element_type3A_308, %reduce_sum3A_309 [1] : vector<256x2048xi32> to vector<256xi32>
    %broadcast_in_dim3A_311 = vector.shape_cast %reduce_sum3A_310 : vector<256xi32> to vector<256x1xi32>
    %eq3A_312 = arith.cmpi eq, %add3A_296, %iota3A_297 : vector<256x2048xi32>
    %jit3A_313 = arith.constant 0 : i32
    %broadcast_in_dim3A_314 = vector.shape_cast %broadcast_in_dim3A_311 : vector<256x1xi32> to vector<256x1xi32>
    %broadcast_in_dim3A_315 = vector.broadcast %broadcast_in_dim3A_314 : vector<256x1xi32> to vector<256x2048xi32>
    %broadcast_in_dim3A_316 = vector.broadcast %jit3A_313 : i32 to vector<256x2048xi32>
    %select_n3A_317 = arith.select %eq3A_312, %broadcast_in_dim3A_315, %broadcast_in_dim3A_316 : vector<256x2048xi1>, vector<256x2048xi32>
    %reduce_sum3A_318 = arith.constant dense<0> : vector<2048xi32>
    %reduce_sum3A_319 = vector.multi_reduction <add>, %select_n3A_317, %reduce_sum3A_318 [0] : vector<256x2048xi32> to vector<2048xi32>
    %broadcast_in_dim3A_320 = vector.shape_cast %reduce_sum3A_319 : vector<2048xi32> to vector<1x2048xi32>
    %add3A_321 = arith.addi %add3A_277, %broadcast_in_dim3A_320 : vector<1x2048xi32>
    %slice3A_322 = vector.extract_strided_slice %add3A_27 {offsets = [768, 0], sizes = [256, 64], strides = [1, 1]} : vector<2048x64xf32> to vector<256x64xf32>
    %mul3A_323 = vector.broadcast %slice3A_298 : vector<256x1xf32> to vector<256x64xf32>
    %mul3A_324 = arith.mulf %slice3A_322, %mul3A_323 : vector<256x64xf32>
    %lt3A_325 = arith.constant 1024 : i32
    %lt3A_326 = vector.broadcast %lt3A_325 : i32 to vector<256x1xi32>
    %lt3A_327 = arith.cmpi slt, %broadcast_in_dim3A_311, %lt3A_326 : vector<256x1xi32>
    %jit3A_328 = arith.constant -3.000000e+38 : f32
    %broadcast_in_dim3A_329 = vector.shape_cast %lt3A_327 : vector<256x1xi1> to vector<256x1xi1>
    %broadcast_in_dim3A_330 = vector.broadcast %broadcast_in_dim3A_329 : vector<256x1xi1> to vector<256x64xi1>
    %broadcast_in_dim3A_331 = vector.broadcast %jit3A_328 : f32 to vector<256x64xf32>
    %select_n3A_332 = arith.select %broadcast_in_dim3A_330, %mul3A_324, %broadcast_in_dim3A_331 : vector<256x64xi1>, vector<256x64xf32>
    %reduce_max3A_333 = arith.constant dense<0xFF800000> : vector<64xf32>
    %reduce_max3A_334 = vector.multi_reduction <maximumf>, %select_n3A_332, %reduce_max3A_333 [0] : vector<256x64xf32> to vector<64xf32>
    %broadcast_in_dim3A_335 = vector.shape_cast %reduce_max3A_334 : vector<64xf32> to vector<1x64xf32>
    %max3A_336 = arith.maximumf %max3A_292, %broadcast_in_dim3A_335 : vector<1x64xf32>
    %iota3A_337 = tpu.iota {dimensions = array<i32: 0>} : vector<256x2048xi32>
    %add3A_338 = arith.constant 1024 : i32
    %add3A_339 = vector.broadcast %add3A_338 : i32 to vector<256x2048xi32>
    %add3A_340 = arith.addi %iota3A_337, %add3A_339 : vector<256x2048xi32>
    %iota3A_341 = tpu.iota {dimensions = array<i32: 1>} : vector<256x2048xi32>
    %slice3A_342 = vector.extract_strided_slice %tanh3A {offsets = [1024, 0], sizes = [256, 1], strides = [1, 1]} : vector<2048x1xf32> to vector<256x1xf32>
    %gt3A_343 = vector.broadcast %add3A_162 : vector<1x2048xf32> to vector<256x2048xf32>
    %gt3A_344 = vector.broadcast %slice3A_342 : vector<256x1xf32> to vector<256x2048xf32>
    %gt3A_345 = arith.cmpf ogt, %gt3A_343, %gt3A_344 : vector<256x2048xf32>
    %eq3A_346 = vector.broadcast %add3A_162 : vector<1x2048xf32> to vector<256x2048xf32>
    %eq3A_347 = vector.broadcast %slice3A_342 : vector<256x1xf32> to vector<256x2048xf32>
    %eq3A_348 = arith.cmpf oeq, %eq3A_346, %eq3A_347 : vector<256x2048xf32>
    %lt3A_349 = arith.cmpi slt, %iota3A_341, %add3A_340 : vector<256x2048xi32>
    %and3A_350 = arith.andi %eq3A_348, %lt3A_349 : vector<256x2048xi1>
    %or3A_351 = arith.ori %gt3A_345, %and3A_350 : vector<256x2048xi1>
    %convert_element_type3A_352 = arith.extui %or3A_351 : vector<256x2048xi1> to vector<256x2048xi32>
    %reduce_sum3A_353 = arith.constant dense<0> : vector<256xi32>
    %reduce_sum3A_354 = vector.multi_reduction <add>, %convert_element_type3A_352, %reduce_sum3A_353 [1] : vector<256x2048xi32> to vector<256xi32>
    %broadcast_in_dim3A_355 = vector.shape_cast %reduce_sum3A_354 : vector<256xi32> to vector<256x1xi32>
    %eq3A_356 = arith.cmpi eq, %add3A_340, %iota3A_341 : vector<256x2048xi32>
    %jit3A_357 = arith.constant 0 : i32
    %broadcast_in_dim3A_358 = vector.shape_cast %broadcast_in_dim3A_355 : vector<256x1xi32> to vector<256x1xi32>
    %broadcast_in_dim3A_359 = vector.broadcast %broadcast_in_dim3A_358 : vector<256x1xi32> to vector<256x2048xi32>
    %broadcast_in_dim3A_360 = vector.broadcast %jit3A_357 : i32 to vector<256x2048xi32>
    %select_n3A_361 = arith.select %eq3A_356, %broadcast_in_dim3A_359, %broadcast_in_dim3A_360 : vector<256x2048xi1>, vector<256x2048xi32>
    %reduce_sum3A_362 = arith.constant dense<0> : vector<2048xi32>
    %reduce_sum3A_363 = vector.multi_reduction <add>, %select_n3A_361, %reduce_sum3A_362 [0] : vector<256x2048xi32> to vector<2048xi32>
    %broadcast_in_dim3A_364 = vector.shape_cast %reduce_sum3A_363 : vector<2048xi32> to vector<1x2048xi32>
    %add3A_365 = arith.addi %add3A_321, %broadcast_in_dim3A_364 : vector<1x2048xi32>
    %slice3A_366 = vector.extract_strided_slice %add3A_27 {offsets = [1024, 0], sizes = [256, 64], strides = [1, 1]} : vector<2048x64xf32> to vector<256x64xf32>
    %mul3A_367 = vector.broadcast %slice3A_342 : vector<256x1xf32> to vector<256x64xf32>
    %mul3A_368 = arith.mulf %slice3A_366, %mul3A_367 : vector<256x64xf32>
    %lt3A_369 = arith.constant 1024 : i32
    %lt3A_370 = vector.broadcast %lt3A_369 : i32 to vector<256x1xi32>
    %lt3A_371 = arith.cmpi slt, %broadcast_in_dim3A_355, %lt3A_370 : vector<256x1xi32>
    %jit3A_372 = arith.constant -3.000000e+38 : f32
    %broadcast_in_dim3A_373 = vector.shape_cast %lt3A_371 : vector<256x1xi1> to vector<256x1xi1>
    %broadcast_in_dim3A_374 = vector.broadcast %broadcast_in_dim3A_373 : vector<256x1xi1> to vector<256x64xi1>
    %broadcast_in_dim3A_375 = vector.broadcast %jit3A_372 : f32 to vector<256x64xf32>
    %select_n3A_376 = arith.select %broadcast_in_dim3A_374, %mul3A_368, %broadcast_in_dim3A_375 : vector<256x64xi1>, vector<256x64xf32>
    %reduce_max3A_377 = arith.constant dense<0xFF800000> : vector<64xf32>
    %reduce_max3A_378 = vector.multi_reduction <maximumf>, %select_n3A_376, %reduce_max3A_377 [0] : vector<256x64xf32> to vector<64xf32>
    %broadcast_in_dim3A_379 = vector.shape_cast %reduce_max3A_378 : vector<64xf32> to vector<1x64xf32>
    %max3A_380 = arith.maximumf %max3A_336, %broadcast_in_dim3A_379 : vector<1x64xf32>
    %iota3A_381 = tpu.iota {dimensions = array<i32: 0>} : vector<256x2048xi32>
    %add3A_382 = arith.constant 1280 : i32
    %add3A_383 = vector.broadcast %add3A_382 : i32 to vector<256x2048xi32>
    %add3A_384 = arith.addi %iota3A_381, %add3A_383 : vector<256x2048xi32>
    %iota3A_385 = tpu.iota {dimensions = array<i32: 1>} : vector<256x2048xi32>
    %slice3A_386 = vector.extract_strided_slice %tanh3A {offsets = [1280, 0], sizes = [256, 1], strides = [1, 1]} : vector<2048x1xf32> to vector<256x1xf32>
    %gt3A_387 = vector.broadcast %add3A_162 : vector<1x2048xf32> to vector<256x2048xf32>
    %gt3A_388 = vector.broadcast %slice3A_386 : vector<256x1xf32> to vector<256x2048xf32>
    %gt3A_389 = arith.cmpf ogt, %gt3A_387, %gt3A_388 : vector<256x2048xf32>
    %eq3A_390 = vector.broadcast %add3A_162 : vector<1x2048xf32> to vector<256x2048xf32>
    %eq3A_391 = vector.broadcast %slice3A_386 : vector<256x1xf32> to vector<256x2048xf32>
    %eq3A_392 = arith.cmpf oeq, %eq3A_390, %eq3A_391 : vector<256x2048xf32>
    %lt3A_393 = arith.cmpi slt, %iota3A_385, %add3A_384 : vector<256x2048xi32>
    %and3A_394 = arith.andi %eq3A_392, %lt3A_393 : vector<256x2048xi1>
    %or3A_395 = arith.ori %gt3A_389, %and3A_394 : vector<256x2048xi1>
    %convert_element_type3A_396 = arith.extui %or3A_395 : vector<256x2048xi1> to vector<256x2048xi32>
    %reduce_sum3A_397 = arith.constant dense<0> : vector<256xi32>
    %reduce_sum3A_398 = vector.multi_reduction <add>, %convert_element_type3A_396, %reduce_sum3A_397 [1] : vector<256x2048xi32> to vector<256xi32>
    %broadcast_in_dim3A_399 = vector.shape_cast %reduce_sum3A_398 : vector<256xi32> to vector<256x1xi32>
    %eq3A_400 = arith.cmpi eq, %add3A_384, %iota3A_385 : vector<256x2048xi32>
    %jit3A_401 = arith.constant 0 : i32
    %broadcast_in_dim3A_402 = vector.shape_cast %broadcast_in_dim3A_399 : vector<256x1xi32> to vector<256x1xi32>
    %broadcast_in_dim3A_403 = vector.broadcast %broadcast_in_dim3A_402 : vector<256x1xi32> to vector<256x2048xi32>
    %broadcast_in_dim3A_404 = vector.broadcast %jit3A_401 : i32 to vector<256x2048xi32>
    %select_n3A_405 = arith.select %eq3A_400, %broadcast_in_dim3A_403, %broadcast_in_dim3A_404 : vector<256x2048xi1>, vector<256x2048xi32>
    %reduce_sum3A_406 = arith.constant dense<0> : vector<2048xi32>
    %reduce_sum3A_407 = vector.multi_reduction <add>, %select_n3A_405, %reduce_sum3A_406 [0] : vector<256x2048xi32> to vector<2048xi32>
    %broadcast_in_dim3A_408 = vector.shape_cast %reduce_sum3A_407 : vector<2048xi32> to vector<1x2048xi32>
    %add3A_409 = arith.addi %add3A_365, %broadcast_in_dim3A_408 : vector<1x2048xi32>
    %slice3A_410 = vector.extract_strided_slice %add3A_27 {offsets = [1280, 0], sizes = [256, 64], strides = [1, 1]} : vector<2048x64xf32> to vector<256x64xf32>
    %mul3A_411 = vector.broadcast %slice3A_386 : vector<256x1xf32> to vector<256x64xf32>
    %mul3A_412 = arith.mulf %slice3A_410, %mul3A_411 : vector<256x64xf32>
    %lt3A_413 = arith.constant 1024 : i32
    %lt3A_414 = vector.broadcast %lt3A_413 : i32 to vector<256x1xi32>
    %lt3A_415 = arith.cmpi slt, %broadcast_in_dim3A_399, %lt3A_414 : vector<256x1xi32>
    %jit3A_416 = arith.constant -3.000000e+38 : f32
    %broadcast_in_dim3A_417 = vector.shape_cast %lt3A_415 : vector<256x1xi1> to vector<256x1xi1>
    %broadcast_in_dim3A_418 = vector.broadcast %broadcast_in_dim3A_417 : vector<256x1xi1> to vector<256x64xi1>
    %broadcast_in_dim3A_419 = vector.broadcast %jit3A_416 : f32 to vector<256x64xf32>
    %select_n3A_420 = arith.select %broadcast_in_dim3A_418, %mul3A_412, %broadcast_in_dim3A_419 : vector<256x64xi1>, vector<256x64xf32>
    %reduce_max3A_421 = arith.constant dense<0xFF800000> : vector<64xf32>
    %reduce_max3A_422 = vector.multi_reduction <maximumf>, %select_n3A_420, %reduce_max3A_421 [0] : vector<256x64xf32> to vector<64xf32>
    %broadcast_in_dim3A_423 = vector.shape_cast %reduce_max3A_422 : vector<64xf32> to vector<1x64xf32>
    %max3A_424 = arith.maximumf %max3A_380, %broadcast_in_dim3A_423 : vector<1x64xf32>
    %iota3A_425 = tpu.iota {dimensions = array<i32: 0>} : vector<256x2048xi32>
    %add3A_426 = arith.constant 1536 : i32
    %add3A_427 = vector.broadcast %add3A_426 : i32 to vector<256x2048xi32>
    %add3A_428 = arith.addi %iota3A_425, %add3A_427 : vector<256x2048xi32>
    %iota3A_429 = tpu.iota {dimensions = array<i32: 1>} : vector<256x2048xi32>
    %slice3A_430 = vector.extract_strided_slice %tanh3A {offsets = [1536, 0], sizes = [256, 1], strides = [1, 1]} : vector<2048x1xf32> to vector<256x1xf32>
    %gt3A_431 = vector.broadcast %add3A_162 : vector<1x2048xf32> to vector<256x2048xf32>
    %gt3A_432 = vector.broadcast %slice3A_430 : vector<256x1xf32> to vector<256x2048xf32>
    %gt3A_433 = arith.cmpf ogt, %gt3A_431, %gt3A_432 : vector<256x2048xf32>
    %eq3A_434 = vector.broadcast %add3A_162 : vector<1x2048xf32> to vector<256x2048xf32>
    %eq3A_435 = vector.broadcast %slice3A_430 : vector<256x1xf32> to vector<256x2048xf32>
    %eq3A_436 = arith.cmpf oeq, %eq3A_434, %eq3A_435 : vector<256x2048xf32>
    %lt3A_437 = arith.cmpi slt, %iota3A_429, %add3A_428 : vector<256x2048xi32>
    %and3A_438 = arith.andi %eq3A_436, %lt3A_437 : vector<256x2048xi1>
    %or3A_439 = arith.ori %gt3A_433, %and3A_438 : vector<256x2048xi1>
    %convert_element_type3A_440 = arith.extui %or3A_439 : vector<256x2048xi1> to vector<256x2048xi32>
    %reduce_sum3A_441 = arith.constant dense<0> : vector<256xi32>
    %reduce_sum3A_442 = vector.multi_reduction <add>, %convert_element_type3A_440, %reduce_sum3A_441 [1] : vector<256x2048xi32> to vector<256xi32>
    %broadcast_in_dim3A_443 = vector.shape_cast %reduce_sum3A_442 : vector<256xi32> to vector<256x1xi32>
    %eq3A_444 = arith.cmpi eq, %add3A_428, %iota3A_429 : vector<256x2048xi32>
    %jit3A_445 = arith.constant 0 : i32
    %broadcast_in_dim3A_446 = vector.shape_cast %broadcast_in_dim3A_443 : vector<256x1xi32> to vector<256x1xi32>
    %broadcast_in_dim3A_447 = vector.broadcast %broadcast_in_dim3A_446 : vector<256x1xi32> to vector<256x2048xi32>
    %broadcast_in_dim3A_448 = vector.broadcast %jit3A_445 : i32 to vector<256x2048xi32>
    %select_n3A_449 = arith.select %eq3A_444, %broadcast_in_dim3A_447, %broadcast_in_dim3A_448 : vector<256x2048xi1>, vector<256x2048xi32>
    %reduce_sum3A_450 = arith.constant dense<0> : vector<2048xi32>
    %reduce_sum3A_451 = vector.multi_reduction <add>, %select_n3A_449, %reduce_sum3A_450 [0] : vector<256x2048xi32> to vector<2048xi32>
    %broadcast_in_dim3A_452 = vector.shape_cast %reduce_sum3A_451 : vector<2048xi32> to vector<1x2048xi32>
    %add3A_453 = arith.addi %add3A_409, %broadcast_in_dim3A_452 : vector<1x2048xi32>
    %slice3A_454 = vector.extract_strided_slice %add3A_27 {offsets = [1536, 0], sizes = [256, 64], strides = [1, 1]} : vector<2048x64xf32> to vector<256x64xf32>
    %mul3A_455 = vector.broadcast %slice3A_430 : vector<256x1xf32> to vector<256x64xf32>
    %mul3A_456 = arith.mulf %slice3A_454, %mul3A_455 : vector<256x64xf32>
    %lt3A_457 = arith.constant 1024 : i32
    %lt3A_458 = vector.broadcast %lt3A_457 : i32 to vector<256x1xi32>
    %lt3A_459 = arith.cmpi slt, %broadcast_in_dim3A_443, %lt3A_458 : vector<256x1xi32>
    %jit3A_460 = arith.constant -3.000000e+38 : f32
    %broadcast_in_dim3A_461 = vector.shape_cast %lt3A_459 : vector<256x1xi1> to vector<256x1xi1>
    %broadcast_in_dim3A_462 = vector.broadcast %broadcast_in_dim3A_461 : vector<256x1xi1> to vector<256x64xi1>
    %broadcast_in_dim3A_463 = vector.broadcast %jit3A_460 : f32 to vector<256x64xf32>
    %select_n3A_464 = arith.select %broadcast_in_dim3A_462, %mul3A_456, %broadcast_in_dim3A_463 : vector<256x64xi1>, vector<256x64xf32>
    %reduce_max3A_465 = arith.constant dense<0xFF800000> : vector<64xf32>
    %reduce_max3A_466 = vector.multi_reduction <maximumf>, %select_n3A_464, %reduce_max3A_465 [0] : vector<256x64xf32> to vector<64xf32>
    %broadcast_in_dim3A_467 = vector.shape_cast %reduce_max3A_466 : vector<64xf32> to vector<1x64xf32>
    %max3A_468 = arith.maximumf %max3A_424, %broadcast_in_dim3A_467 : vector<1x64xf32>
    %iota3A_469 = tpu.iota {dimensions = array<i32: 0>} : vector<256x2048xi32>
    %add3A_470 = arith.constant 1792 : i32
    %add3A_471 = vector.broadcast %add3A_470 : i32 to vector<256x2048xi32>
    %add3A_472 = arith.addi %iota3A_469, %add3A_471 : vector<256x2048xi32>
    %iota3A_473 = tpu.iota {dimensions = array<i32: 1>} : vector<256x2048xi32>
    %slice3A_474 = vector.extract_strided_slice %tanh3A {offsets = [1792, 0], sizes = [256, 1], strides = [1, 1]} : vector<2048x1xf32> to vector<256x1xf32>
    %gt3A_475 = vector.broadcast %add3A_162 : vector<1x2048xf32> to vector<256x2048xf32>
    %gt3A_476 = vector.broadcast %slice3A_474 : vector<256x1xf32> to vector<256x2048xf32>
    %gt3A_477 = arith.cmpf ogt, %gt3A_475, %gt3A_476 : vector<256x2048xf32>
    %eq3A_478 = vector.broadcast %add3A_162 : vector<1x2048xf32> to vector<256x2048xf32>
    %eq3A_479 = vector.broadcast %slice3A_474 : vector<256x1xf32> to vector<256x2048xf32>
    %eq3A_480 = arith.cmpf oeq, %eq3A_478, %eq3A_479 : vector<256x2048xf32>
    %lt3A_481 = arith.cmpi slt, %iota3A_473, %add3A_472 : vector<256x2048xi32>
    %and3A_482 = arith.andi %eq3A_480, %lt3A_481 : vector<256x2048xi1>
    %or3A_483 = arith.ori %gt3A_477, %and3A_482 : vector<256x2048xi1>
    %convert_element_type3A_484 = arith.extui %or3A_483 : vector<256x2048xi1> to vector<256x2048xi32>
    %reduce_sum3A_485 = arith.constant dense<0> : vector<256xi32>
    %reduce_sum3A_486 = vector.multi_reduction <add>, %convert_element_type3A_484, %reduce_sum3A_485 [1] : vector<256x2048xi32> to vector<256xi32>
    %broadcast_in_dim3A_487 = vector.shape_cast %reduce_sum3A_486 : vector<256xi32> to vector<256x1xi32>
    %eq3A_488 = arith.cmpi eq, %add3A_472, %iota3A_473 : vector<256x2048xi32>
    %jit3A_489 = arith.constant 0 : i32
    %broadcast_in_dim3A_490 = vector.shape_cast %broadcast_in_dim3A_487 : vector<256x1xi32> to vector<256x1xi32>
    %broadcast_in_dim3A_491 = vector.broadcast %broadcast_in_dim3A_490 : vector<256x1xi32> to vector<256x2048xi32>
    %broadcast_in_dim3A_492 = vector.broadcast %jit3A_489 : i32 to vector<256x2048xi32>
    %select_n3A_493 = arith.select %eq3A_488, %broadcast_in_dim3A_491, %broadcast_in_dim3A_492 : vector<256x2048xi1>, vector<256x2048xi32>
    %reduce_sum3A_494 = arith.constant dense<0> : vector<2048xi32>
    %reduce_sum3A_495 = vector.multi_reduction <add>, %select_n3A_493, %reduce_sum3A_494 [0] : vector<256x2048xi32> to vector<2048xi32>
    %broadcast_in_dim3A_496 = vector.shape_cast %reduce_sum3A_495 : vector<2048xi32> to vector<1x2048xi32>
    %add3A_497 = arith.addi %add3A_453, %broadcast_in_dim3A_496 : vector<1x2048xi32>
    %slice3A_498 = vector.extract_strided_slice %add3A_27 {offsets = [1792, 0], sizes = [256, 64], strides = [1, 1]} : vector<2048x64xf32> to vector<256x64xf32>
    %mul3A_499 = vector.broadcast %slice3A_474 : vector<256x1xf32> to vector<256x64xf32>
    %mul3A_500 = arith.mulf %slice3A_498, %mul3A_499 : vector<256x64xf32>
    %lt3A_501 = arith.constant 1024 : i32
    %lt3A_502 = vector.broadcast %lt3A_501 : i32 to vector<256x1xi32>
    %lt3A_503 = arith.cmpi slt, %broadcast_in_dim3A_487, %lt3A_502 : vector<256x1xi32>
    %jit3A_504 = arith.constant -3.000000e+38 : f32
    %broadcast_in_dim3A_505 = vector.shape_cast %lt3A_503 : vector<256x1xi1> to vector<256x1xi1>
    %broadcast_in_dim3A_506 = vector.broadcast %broadcast_in_dim3A_505 : vector<256x1xi1> to vector<256x64xi1>
    %broadcast_in_dim3A_507 = vector.broadcast %jit3A_504 : f32 to vector<256x64xf32>
    %select_n3A_508 = arith.select %broadcast_in_dim3A_506, %mul3A_500, %broadcast_in_dim3A_507 : vector<256x64xi1>, vector<256x64xf32>
    %reduce_max3A_509 = arith.constant dense<0xFF800000> : vector<64xf32>
    %reduce_max3A_510 = vector.multi_reduction <maximumf>, %select_n3A_508, %reduce_max3A_509 [0] : vector<256x64xf32> to vector<64xf32>
    %broadcast_in_dim3A_511 = vector.shape_cast %reduce_max3A_510 : vector<64xf32> to vector<1x64xf32>
    %max3A_512 = arith.maximumf %max3A_468, %broadcast_in_dim3A_511 : vector<1x64xf32>
    %concatenate3A = tpu.concatenate %mul3A_194, %mul3A_236, %mul3A_280, %mul3A_324, %mul3A_368, %mul3A_412, %mul3A_456, %mul3A_500 in 0 : vector<256x64xf32>, vector<256x64xf32>, vector<256x64xf32>, vector<256x64xf32>, vector<256x64xf32>, vector<256x64xf32>, vector<256x64xf32>, vector<256x64xf32> -> vector<2048x64xf32>
    %swap3A = arith.constant 0 : index
    %swap3A_513 = arith.constant 0 : index
    %swap3A_514 = arith.constant 0 : index
    %swap3A_515 = vector.load %arg10[%swap3A, %swap3A_513, %swap3A_514] : memref<1x1x64xf32, #tpu.memory_space<vmem>>, vector<1x1x64xf32>
    %swap3A_516 = vector.shape_cast %swap3A_515 : vector<1x1x64xf32> to vector<1x64xf32>
    %swap3A_517 = vector.shape_cast %max3A_512 : vector<1x64xf32> to vector<1x1x64xf32>
    tpu.vector_store %arg10[%swap3A, %swap3A_513, %swap3A_514], %swap3A_517 {strides = array<i32>} : memref<1x1x64xf32, #tpu.memory_space<vmem>>, vector<1x1x64xf32>,
    %iota3A_518 = tpu.iota {dimensions = array<i32: 0>} : vector<256x2048xi32>
    %add3A_519 = arith.constant 0 : i32
    %add3A_520 = vector.broadcast %add3A_519 : i32 to vector<256x2048xi32>
    %add3A_521 = arith.addi %iota3A_518, %add3A_520 : vector<256x2048xi32>
    %eq3A_522 = vector.broadcast %add3A_497 : vector<1x2048xi32> to vector<256x2048xi32>
    %eq3A_523 = arith.cmpi eq, %add3A_521, %eq3A_522 : vector<256x2048xi32>
    %jit3A_524 = arith.constant 1.000000e+00 : f32
    %jit3A_525 = arith.constant 0.000000e+00 : f32
    %broadcast_in_dim3A_526 = vector.broadcast %jit3A_524 : f32 to vector<256x2048xf32>
    %broadcast_in_dim3A_527 = vector.broadcast %jit3A_525 : f32 to vector<256x2048xf32>
    %select_n3A_528 = arith.select %eq3A_523, %broadcast_in_dim3A_526, %broadcast_in_dim3A_527 : vector<256x2048xi1>, vector<256x2048xf32>
    %dot_general3A_529 = arith.constant dense<0.000000e+00> : vector<256x64xf32>
    %dot_general3A_530 = tpu.matmul %select_n3A_528, %concatenate3A, %dot_general3A_529 {dimension_numbers = #tpu.dot_dimension_numbers<[1], [0], [0], [1], [0, 0, 1, 1], [], []>, precision = #tpu.contract_precision<fp32>, transpose_lhs_hint = false} : vector<256x2048xf32>, vector<2048x64xf32>, vector<256x64xf32> -> vector<256x64xf32>
    %swap3A_531 = arith.constant 0 : index
    %swap3A_532 = arith.constant 0 : index
    %swap3A_533 = arith.constant 0 : index
    %swap3A_534 = vector.load %arg9[%swap3A_531, %swap3A_532, %swap3A_533] : memref<1x1024x64xf32, #tpu.memory_space<vmem>>, vector<1x256x64xf32>
    %swap3A_535 = vector.shape_cast %swap3A_534 : vector<1x256x64xf32> to vector<256x64xf32>
    %swap3A_536 = vector.shape_cast %dot_general3A_530 : vector<256x64xf32> to vector<1x256x64xf32>
    tpu.vector_store %arg9[%swap3A_531, %swap3A_532, %swap3A_533], %swap3A_536 {strides = array<i32>} : memref<1x1024x64xf32, #tpu.memory_space<vmem>>, vector<1x256x64xf32>,
    %iota3A_537 = tpu.iota {dimensions = array<i32: 0>} : vector<256x2048xi32>
    %add3A_538 = arith.constant 256 : i32
    %add3A_539 = vector.broadcast %add3A_538 : i32 to vector<256x2048xi32>
    %add3A_540 = arith.addi %iota3A_537, %add3A_539 : vector<256x2048xi32>
    %eq3A_541 = vector.broadcast %add3A_497 : vector<1x2048xi32> to vector<256x2048xi32>
    %eq3A_542 = arith.cmpi eq, %add3A_540, %eq3A_541 : vector<256x2048xi32>
    %jit3A_543 = arith.constant 1.000000e+00 : f32
    %jit3A_544 = arith.constant 0.000000e+00 : f32
    %broadcast_in_dim3A_545 = vector.broadcast %jit3A_543 : f32 to vector<256x2048xf32>
    %broadcast_in_dim3A_546 = vector.broadcast %jit3A_544 : f32 to vector<256x2048xf32>
    %select_n3A_547 = arith.select %eq3A_542, %broadcast_in_dim3A_545, %broadcast_in_dim3A_546 : vector<256x2048xi1>, vector<256x2048xf32>
    %dot_general3A_548 = arith.constant dense<0.000000e+00> : vector<256x64xf32>
    %dot_general3A_549 = tpu.matmul %select_n3A_547, %concatenate3A, %dot_general3A_548 {dimension_numbers = #tpu.dot_dimension_numbers<[1], [0], [0], [1], [0, 0, 1, 1], [], []>, precision = #tpu.contract_precision<fp32>, transpose_lhs_hint = false} : vector<256x2048xf32>, vector<2048x64xf32>, vector<256x64xf32> -> vector<256x64xf32>
    %swap3A_550 = arith.constant 0 : index
    %swap3A_551 = arith.constant 256 : index
    %swap3A_552 = arith.constant 0 : index
    %swap3A_553 = vector.load %arg9[%swap3A_550, %swap3A_551, %swap3A_552] : memref<1x1024x64xf32, #tpu.memory_space<vmem>>, vector<1x256x64xf32>
    %swap3A_554 = vector.shape_cast %swap3A_553 : vector<1x256x64xf32> to vector<256x64xf32>
    %swap3A_555 = vector.shape_cast %dot_general3A_549 : vector<256x64xf32> to vector<1x256x64xf32>
    tpu.vector_store %arg9[%swap3A_550, %swap3A_551, %swap3A_552], %swap3A_555 {strides = array<i32>} : memref<1x1024x64xf32, #tpu.memory_space<vmem>>, vector<1x256x64xf32>,
    %iota3A_556 = tpu.iota {dimensions = array<i32: 0>} : vector<256x2048xi32>
    %add3A_557 = arith.constant 512 : i32
    %add3A_558 = vector.broadcast %add3A_557 : i32 to vector<256x2048xi32>
    %add3A_559 = arith.addi %iota3A_556, %add3A_558 : vector<256x2048xi32>
    %eq3A_560 = vector.broadcast %add3A_497 : vector<1x2048xi32> to vector<256x2048xi32>
    %eq3A_561 = arith.cmpi eq, %add3A_559, %eq3A_560 : vector<256x2048xi32>
    %jit3A_562 = arith.constant 1.000000e+00 : f32
    %jit3A_563 = arith.constant 0.000000e+00 : f32
    %broadcast_in_dim3A_564 = vector.broadcast %jit3A_562 : f32 to vector<256x2048xf32>
    %broadcast_in_dim3A_565 = vector.broadcast %jit3A_563 : f32 to vector<256x2048xf32>
    %select_n3A_566 = arith.select %eq3A_561, %broadcast_in_dim3A_564, %broadcast_in_dim3A_565 : vector<256x2048xi1>, vector<256x2048xf32>
    %dot_general3A_567 = arith.constant dense<0.000000e+00> : vector<256x64xf32>
    %dot_general3A_568 = tpu.matmul %select_n3A_566, %concatenate3A, %dot_general3A_567 {dimension_numbers = #tpu.dot_dimension_numbers<[1], [0], [0], [1], [0, 0, 1, 1], [], []>, precision = #tpu.contract_precision<fp32>, transpose_lhs_hint = false} : vector<256x2048xf32>, vector<2048x64xf32>, vector<256x64xf32> -> vector<256x64xf32>
    %swap3A_569 = arith.constant 0 : index
    %swap3A_570 = arith.constant 512 : index
    %swap3A_571 = arith.constant 0 : index
    %swap3A_572 = vector.load %arg9[%swap3A_569, %swap3A_570, %swap3A_571] : memref<1x1024x64xf32, #tpu.memory_space<vmem>>, vector<1x256x64xf32>
    %swap3A_573 = vector.shape_cast %swap3A_572 : vector<1x256x64xf32> to vector<256x64xf32>
    %swap3A_574 = vector.shape_cast %dot_general3A_568 : vector<256x64xf32> to vector<1x256x64xf32>
    tpu.vector_store %arg9[%swap3A_569, %swap3A_570, %swap3A_571], %swap3A_574 {strides = array<i32>} : memref<1x1024x64xf32, #tpu.memory_space<vmem>>, vector<1x256x64xf32>,
    %iota3A_575 = tpu.iota {dimensions = array<i32: 0>} : vector<256x2048xi32>
    %add3A_576 = arith.constant 768 : i32
    %add3A_577 = vector.broadcast %add3A_576 : i32 to vector<256x2048xi32>
    %add3A_578 = arith.addi %iota3A_575, %add3A_577 : vector<256x2048xi32>
    %eq3A_579 = vector.broadcast %add3A_497 : vector<1x2048xi32> to vector<256x2048xi32>
    %eq3A_580 = arith.cmpi eq, %add3A_578, %eq3A_579 : vector<256x2048xi32>
    %jit3A_581 = arith.constant 1.000000e+00 : f32
    %jit3A_582 = arith.constant 0.000000e+00 : f32
    %broadcast_in_dim3A_583 = vector.broadcast %jit3A_581 : f32 to vector<256x2048xf32>
    %broadcast_in_dim3A_584 = vector.broadcast %jit3A_582 : f32 to vector<256x2048xf32>
    %select_n3A_585 = arith.select %eq3A_580, %broadcast_in_dim3A_583, %broadcast_in_dim3A_584 : vector<256x2048xi1>, vector<256x2048xf32>
    %dot_general3A_586 = arith.constant dense<0.000000e+00> : vector<256x64xf32>
    %dot_general3A_587 = tpu.matmul %select_n3A_585, %concatenate3A, %dot_general3A_586 {dimension_numbers = #tpu.dot_dimension_numbers<[1], [0], [0], [1], [0, 0, 1, 1], [], []>, precision = #tpu.contract_precision<fp32>, transpose_lhs_hint = false} : vector<256x2048xf32>, vector<2048x64xf32>, vector<256x64xf32> -> vector<256x64xf32>
    %swap3A_588 = arith.constant 0 : index
    %swap3A_589 = arith.constant 768 : index
    %swap3A_590 = arith.constant 0 : index
    %swap3A_591 = vector.load %arg9[%swap3A_588, %swap3A_589, %swap3A_590] : memref<1x1024x64xf32, #tpu.memory_space<vmem>>, vector<1x256x64xf32>
    %swap3A_592 = vector.shape_cast %swap3A_591 : vector<1x256x64xf32> to vector<256x64xf32>
    %swap3A_593 = vector.shape_cast %dot_general3A_587 : vector<256x64xf32> to vector<1x256x64xf32>
    tpu.vector_store %arg9[%swap3A_588, %swap3A_589, %swap3A_590], %swap3A_593 {strides = array<i32>} : memref<1x1024x64xf32, #tpu.memory_space<vmem>>, vector<1x256x64xf32>,
    return
  }
  func.func @transform_0(%arg0: i32) -> (i32, i32, i32) {
    %c0_i32 = arith.constant 0 : i32
    %c0_i32_0 = arith.constant 0 : i32
    %c0_i32_1 = arith.constant 0 : i32
    return %arg0, %c0_i32, %c0_i32_0 : i32, i32, i32
  }
  func.func @transform_1(%arg0: i32) -> (i32, i32, i32) {
    %c0_i32 = arith.constant 0 : i32
    %c0_i32_0 = arith.constant 0 : i32
    %c0_i32_1 = arith.constant 0 : i32
    return %arg0, %c0_i32, %c0_i32_0 : i32, i32, i32
  }
  func.func @transform_2(%arg0: i32) -> (i32, i32) {
    %c0_i32 = arith.constant 0 : i32
    %c0_i32_0 = arith.constant 0 : i32
    %c0_i32_1 = arith.constant 0 : i32
    return %c0_i32, %c0_i32_0 : i32, i32
  }
  func.func @transform_3(%arg0: i32) -> (i32, i32) {
    %c0_i32 = arith.constant 0 : i32
    %c0_i32_0 = arith.constant 0 : i32
    %c0_i32_1 = arith.constant 0 : i32
    return %c0_i32, %c0_i32_0 : i32, i32
  }
  func.func @transform_4(%arg0: i32) -> (i32, i32) {
    %c0_i32 = arith.constant 0 : i32
    %c0_i32_0 = arith.constant 0 : i32
    %c0_i32_1 = arith.constant 0 : i32
    return %c0_i32, %c0_i32_0 : i32, i32
  }
  func.func @transform_5(%arg0: i32) -> (i32, i32) {
    %c0_i32 = arith.constant 0 : i32
    %c0_i32_0 = arith.constant 0 : i32
    %c0_i32_1 = arith.constant 0 : i32
    return %c0_i32, %c0_i32_0 : i32, i32
  }
  func.func @transform_6(%arg0: i32) -> (i32, i32) {
    %c0_i32 = arith.constant 0 : i32
    %c0_i32_0 = arith.constant 0 : i32
    %c0_i32_1 = arith.constant 0 : i32
    return %c0_i32, %c0_i32_0 : i32, i32
  }
  func.func @transform_7(%arg0: i32) -> (i32, i32) {
    %c0_i32 = arith.constant 0 : i32
    %c0_i32_0 = arith.constant 0 : i32
    %c0_i32_1 = arith.constant 0 : i32
    return %c0_i32, %c0_i32_0 : i32, i32
  }
  func.func @transform_8(%arg0: i32) -> (i32, i32, i32) {
    %c0_i32 = arith.constant 0 : i32
    %c0_i32_0 = arith.constant 0 : i32
    %c0_i32_1 = arith.constant 0 : i32
    return %arg0, %c0_i32, %c0_i32_0 : i32, i32, i32
  }
  func.func @transform_9(%arg0: i32) -> (i32, i32, i32) {
    %c0_i32 = arith.constant 0 : i32
    %c0_i32_0 = arith.constant 0 : i32
    %c0_i32_1 = arith.constant 0 : i32
    return %arg0, %c0_i32, %c0_i32_0 : i32, i32, i32
  }
}

module attributes {stable_mosaic.version = 14 : i64} {
  func.func @_k1_body(%arg0: i32, %arg1: i32, %arg2: memref<1x1024x64xf32, #tpu.memory_space<vmem>>, %arg3: memref<1x64x256xf32, #tpu.memory_space<vmem>>, %arg4: memref<1x16x256xi32, #tpu.memory_space<vmem>>) attributes {dimension_semantics = [#tpu.dimension_semantics<arbitrary>, #tpu.dimension_semantics<arbitrary>], iteration_bounds = array<i64: 16, 4>, scalar_prefetch = 0 : i64, scratch_operands = 0 : i64, tpu.core_type = #tpu.core_type<tc>, window_params = [{transform_indices = @transform_0, window_bounds = array<i64: 1, 1024, 64>}, {transform_indices = @transform_1, window_bounds = array<i64: 1, 64, 256>}, {transform_indices = @transform_2, window_bounds = array<i64: 1, 16, 256>}]} {
    %get3A = arith.constant 0 : index
    %get3A_0 = arith.constant 0 : index
    %get3A_1 = arith.constant 0 : index
    %get3A_2 = vector.load %arg2[%get3A, %get3A_0, %get3A_1] : memref<1x1024x64xf32, #tpu.memory_space<vmem>>, vector<1x1024x64xf32>
    %get3A_3 = vector.shape_cast %get3A_2 : vector<1x1024x64xf32> to vector<1024x64xf32>
    %get3A_4 = arith.constant 0 : index
    %get3A_5 = arith.constant 0 : index
    %get3A_6 = arith.constant 0 : index
    %get3A_7 = vector.load %arg3[%get3A_4, %get3A_5, %get3A_6] : memref<1x64x256xf32, #tpu.memory_space<vmem>>, vector<1x64x256xf32>
    %get3A_8 = vector.shape_cast %get3A_7 : vector<1x64x256xf32> to vector<64x256xf32>
    %mul3A = arith.mulf %get3A_3, %get3A_3 : vector<1024x64xf32>
    %reduce_sum3A = arith.constant dense<0.000000e+00> : vector<1024xf32>
    %reduce_sum3A_9 = vector.multi_reduction <add>, %mul3A, %reduce_sum3A [1] : vector<1024x64xf32> to vector<1024xf32>
    %broadcast_in_dim3A = vector.shape_cast %reduce_sum3A_9 : vector<1024xf32> to vector<1024x1xf32>
    %mul3A_10 = arith.mulf %get3A_8, %get3A_8 : vector<64x256xf32>
    %reduce_sum3A_11 = arith.constant dense<0.000000e+00> : vector<256xf32>
    %reduce_sum3A_12 = vector.multi_reduction <add>, %mul3A_10, %reduce_sum3A_11 [0] : vector<64x256xf32> to vector<256xf32>
    %broadcast_in_dim3A_13 = vector.shape_cast %reduce_sum3A_12 : vector<256xf32> to vector<1x256xf32>
    %dot_general3A = arith.constant dense<0.000000e+00> : vector<1024x256xf32>
    %dot_general3A_14 = tpu.matmul %get3A_3, %get3A_8, %dot_general3A {dimension_numbers = #tpu.dot_dimension_numbers<[1], [0], [0], [1], [0, 0, 1, 1], [], []>, transpose_lhs_hint = false} : vector<1024x64xf32>, vector<64x256xf32>, vector<1024x256xf32> -> vector<1024x256xf32>
    %add3A = vector.broadcast %broadcast_in_dim3A : vector<1024x1xf32> to vector<1024x256xf32>
    %add3A_15 = vector.broadcast %broadcast_in_dim3A_13 : vector<1x256xf32> to vector<1024x256xf32>
    %add3A_16 = arith.addf %add3A, %add3A_15 : vector<1024x256xf32>
    %mul3A_17 = arith.constant 2.000000e+00 : f32
    %mul3A_18 = vector.broadcast %mul3A_17 : f32 to vector<1024x256xf32>
    %mul3A_19 = arith.mulf %mul3A_18, %dot_general3A_14 : vector<1024x256xf32>
    %sub3A = arith.subf %add3A_16, %mul3A_19 : vector<1024x256xf32>
    %iota3A = tpu.iota {dimensions = array<i32: 0>} : vector<1024x256xi32>
    %mul3A_20 = arith.constant 1024 : i32
    %mul3A_21 = arith.muli %arg0, %mul3A_20 : i32
    %reduce_min3A = arith.constant dense<0x7F800000> : vector<256xf32>
    %reduce_min3A_22 = vector.multi_reduction <minimumf>, %sub3A, %reduce_min3A [0] : vector<1024x256xf32> to vector<256xf32>
    %broadcast_in_dim3A_23 = vector.shape_cast %reduce_min3A_22 : vector<256xf32> to vector<1x256xf32>
    %eq3A = vector.broadcast %broadcast_in_dim3A_23 : vector<1x256xf32> to vector<1024x256xf32>
    %eq3A_24 = arith.cmpf oeq, %sub3A, %eq3A : vector<1024x256xf32>
    %jit3A = arith.constant 1024 : i32
    %broadcast_in_dim3A_25 = vector.broadcast %jit3A : i32 to vector<1024x256xi32>
    %select_n3A = arith.select %eq3A_24, %iota3A, %broadcast_in_dim3A_25 : vector<1024x256xi1>, vector<1024x256xi32>
    %reduce_min3A_26 = arith.constant dense<2147483647> : vector<256xi32>
    %reduce_min3A_27 = vector.multi_reduction <minsi>, %select_n3A, %reduce_min3A_26 [0] : vector<1024x256xi32> to vector<256xi32>
    %broadcast_in_dim3A_28 = vector.shape_cast %reduce_min3A_27 : vector<256xi32> to vector<1x256xi32>
    %add3A_29 = vector.broadcast %mul3A_21 : i32 to vector<1x256xi32>
    %add3A_30 = arith.addi %broadcast_in_dim3A_28, %add3A_29 : vector<1x256xi32>
    %swap3A = arith.constant 0 : index
    %swap3A_31 = arith.constant 0 : index
    %swap3A_32 = arith.constant 0 : index
    %swap3A_33 = vector.load %arg4[%swap3A, %swap3A_31, %swap3A_32] : memref<1x16x256xi32, #tpu.memory_space<vmem>>, vector<1x1x256xi32>
    %swap3A_34 = vector.shape_cast %swap3A_33 : vector<1x1x256xi32> to vector<1x256xi32>
    %swap3A_35 = vector.shape_cast %add3A_30 : vector<1x256xi32> to vector<1x1x256xi32>
    tpu.vector_store %arg4[%swap3A, %swap3A_31, %swap3A_32], %swap3A_35 {strides = array<i32>} : memref<1x16x256xi32, #tpu.memory_space<vmem>>, vector<1x1x256xi32>,
    %eq3A_36 = vector.broadcast %broadcast_in_dim3A_28 : vector<1x256xi32> to vector<1024x256xi32>
    %eq3A_37 = arith.cmpi eq, %iota3A, %eq3A_36 : vector<1024x256xi32>
    %jit3A_38 = arith.constant 3.000000e+38 : f32
    %broadcast_in_dim3A_39 = vector.broadcast %jit3A_38 : f32 to vector<1024x256xf32>
    %select_n3A_40 = arith.select %eq3A_37, %broadcast_in_dim3A_39, %sub3A : vector<1024x256xi1>, vector<1024x256xf32>
    %reduce_min3A_41 = arith.constant dense<0x7F800000> : vector<256xf32>
    %reduce_min3A_42 = vector.multi_reduction <minimumf>, %select_n3A_40, %reduce_min3A_41 [0] : vector<1024x256xf32> to vector<256xf32>
    %broadcast_in_dim3A_43 = vector.shape_cast %reduce_min3A_42 : vector<256xf32> to vector<1x256xf32>
    %eq3A_44 = vector.broadcast %broadcast_in_dim3A_43 : vector<1x256xf32> to vector<1024x256xf32>
    %eq3A_45 = arith.cmpf oeq, %select_n3A_40, %eq3A_44 : vector<1024x256xf32>
    %jit3A_46 = arith.constant 1024 : i32
    %broadcast_in_dim3A_47 = vector.broadcast %jit3A_46 : i32 to vector<1024x256xi32>
    %select_n3A_48 = arith.select %eq3A_45, %iota3A, %broadcast_in_dim3A_47 : vector<1024x256xi1>, vector<1024x256xi32>
    %reduce_min3A_49 = arith.constant dense<2147483647> : vector<256xi32>
    %reduce_min3A_50 = vector.multi_reduction <minsi>, %select_n3A_48, %reduce_min3A_49 [0] : vector<1024x256xi32> to vector<256xi32>
    %broadcast_in_dim3A_51 = vector.shape_cast %reduce_min3A_50 : vector<256xi32> to vector<1x256xi32>
    %add3A_52 = vector.broadcast %mul3A_21 : i32 to vector<1x256xi32>
    %add3A_53 = arith.addi %broadcast_in_dim3A_51, %add3A_52 : vector<1x256xi32>
    %swap3A_54 = arith.constant 0 : index
    %swap3A_55 = arith.constant 1 : index
    %swap3A_56 = arith.constant 0 : index
    %swap3A_57 = vector.load %arg4[%swap3A_54, %swap3A_55, %swap3A_56] : memref<1x16x256xi32, #tpu.memory_space<vmem>>, vector<1x1x256xi32>
    %swap3A_58 = vector.shape_cast %swap3A_57 : vector<1x1x256xi32> to vector<1x256xi32>
    %swap3A_59 = vector.shape_cast %add3A_53 : vector<1x256xi32> to vector<1x1x256xi32>
    tpu.vector_store %arg4[%swap3A_54, %swap3A_55, %swap3A_56], %swap3A_59 {strides = array<i32>} : memref<1x16x256xi32, #tpu.memory_space<vmem>>, vector<1x1x256xi32>,
    %eq3A_60 = vector.broadcast %broadcast_in_dim3A_51 : vector<1x256xi32> to vector<1024x256xi32>
    %eq3A_61 = arith.cmpi eq, %iota3A, %eq3A_60 : vector<1024x256xi32>
    %jit3A_62 = arith.constant 3.000000e+38 : f32
    %broadcast_in_dim3A_63 = vector.broadcast %jit3A_62 : f32 to vector<1024x256xf32>
    %select_n3A_64 = arith.select %eq3A_61, %broadcast_in_dim3A_63, %select_n3A_40 : vector<1024x256xi1>, vector<1024x256xf32>
    %reduce_min3A_65 = arith.constant dense<0x7F800000> : vector<256xf32>
    %reduce_min3A_66 = vector.multi_reduction <minimumf>, %select_n3A_64, %reduce_min3A_65 [0] : vector<1024x256xf32> to vector<256xf32>
    %broadcast_in_dim3A_67 = vector.shape_cast %reduce_min3A_66 : vector<256xf32> to vector<1x256xf32>
    %eq3A_68 = vector.broadcast %broadcast_in_dim3A_67 : vector<1x256xf32> to vector<1024x256xf32>
    %eq3A_69 = arith.cmpf oeq, %select_n3A_64, %eq3A_68 : vector<1024x256xf32>
    %jit3A_70 = arith.constant 1024 : i32
    %broadcast_in_dim3A_71 = vector.broadcast %jit3A_70 : i32 to vector<1024x256xi32>
    %select_n3A_72 = arith.select %eq3A_69, %iota3A, %broadcast_in_dim3A_71 : vector<1024x256xi1>, vector<1024x256xi32>
    %reduce_min3A_73 = arith.constant dense<2147483647> : vector<256xi32>
    %reduce_min3A_74 = vector.multi_reduction <minsi>, %select_n3A_72, %reduce_min3A_73 [0] : vector<1024x256xi32> to vector<256xi32>
    %broadcast_in_dim3A_75 = vector.shape_cast %reduce_min3A_74 : vector<256xi32> to vector<1x256xi32>
    %add3A_76 = vector.broadcast %mul3A_21 : i32 to vector<1x256xi32>
    %add3A_77 = arith.addi %broadcast_in_dim3A_75, %add3A_76 : vector<1x256xi32>
    %swap3A_78 = arith.constant 0 : index
    %swap3A_79 = arith.constant 2 : index
    %swap3A_80 = arith.constant 0 : index
    %swap3A_81 = vector.load %arg4[%swap3A_78, %swap3A_79, %swap3A_80] : memref<1x16x256xi32, #tpu.memory_space<vmem>>, vector<1x1x256xi32>
    %swap3A_82 = vector.shape_cast %swap3A_81 : vector<1x1x256xi32> to vector<1x256xi32>
    %swap3A_83 = vector.shape_cast %add3A_77 : vector<1x256xi32> to vector<1x1x256xi32>
    tpu.vector_store %arg4[%swap3A_78, %swap3A_79, %swap3A_80], %swap3A_83 {strides = array<i32>} : memref<1x16x256xi32, #tpu.memory_space<vmem>>, vector<1x1x256xi32>,
    %eq3A_84 = vector.broadcast %broadcast_in_dim3A_75 : vector<1x256xi32> to vector<1024x256xi32>
    %eq3A_85 = arith.cmpi eq, %iota3A, %eq3A_84 : vector<1024x256xi32>
    %jit3A_86 = arith.constant 3.000000e+38 : f32
    %broadcast_in_dim3A_87 = vector.broadcast %jit3A_86 : f32 to vector<1024x256xf32>
    %select_n3A_88 = arith.select %eq3A_85, %broadcast_in_dim3A_87, %select_n3A_64 : vector<1024x256xi1>, vector<1024x256xf32>
    %reduce_min3A_89 = arith.constant dense<0x7F800000> : vector<256xf32>
    %reduce_min3A_90 = vector.multi_reduction <minimumf>, %select_n3A_88, %reduce_min3A_89 [0] : vector<1024x256xf32> to vector<256xf32>
    %broadcast_in_dim3A_91 = vector.shape_cast %reduce_min3A_90 : vector<256xf32> to vector<1x256xf32>
    %eq3A_92 = vector.broadcast %broadcast_in_dim3A_91 : vector<1x256xf32> to vector<1024x256xf32>
    %eq3A_93 = arith.cmpf oeq, %select_n3A_88, %eq3A_92 : vector<1024x256xf32>
    %jit3A_94 = arith.constant 1024 : i32
    %broadcast_in_dim3A_95 = vector.broadcast %jit3A_94 : i32 to vector<1024x256xi32>
    %select_n3A_96 = arith.select %eq3A_93, %iota3A, %broadcast_in_dim3A_95 : vector<1024x256xi1>, vector<1024x256xi32>
    %reduce_min3A_97 = arith.constant dense<2147483647> : vector<256xi32>
    %reduce_min3A_98 = vector.multi_reduction <minsi>, %select_n3A_96, %reduce_min3A_97 [0] : vector<1024x256xi32> to vector<256xi32>
    %broadcast_in_dim3A_99 = vector.shape_cast %reduce_min3A_98 : vector<256xi32> to vector<1x256xi32>
    %add3A_100 = vector.broadcast %mul3A_21 : i32 to vector<1x256xi32>
    %add3A_101 = arith.addi %broadcast_in_dim3A_99, %add3A_100 : vector<1x256xi32>
    %swap3A_102 = arith.constant 0 : index
    %swap3A_103 = arith.constant 3 : index
    %swap3A_104 = arith.constant 0 : index
    %swap3A_105 = vector.load %arg4[%swap3A_102, %swap3A_103, %swap3A_104] : memref<1x16x256xi32, #tpu.memory_space<vmem>>, vector<1x1x256xi32>
    %swap3A_106 = vector.shape_cast %swap3A_105 : vector<1x1x256xi32> to vector<1x256xi32>
    %swap3A_107 = vector.shape_cast %add3A_101 : vector<1x256xi32> to vector<1x1x256xi32>
    tpu.vector_store %arg4[%swap3A_102, %swap3A_103, %swap3A_104], %swap3A_107 {strides = array<i32>} : memref<1x16x256xi32, #tpu.memory_space<vmem>>, vector<1x1x256xi32>,
    %eq3A_108 = vector.broadcast %broadcast_in_dim3A_99 : vector<1x256xi32> to vector<1024x256xi32>
    %eq3A_109 = arith.cmpi eq, %iota3A, %eq3A_108 : vector<1024x256xi32>
    %jit3A_110 = arith.constant 3.000000e+38 : f32
    %broadcast_in_dim3A_111 = vector.broadcast %jit3A_110 : f32 to vector<1024x256xf32>
    %select_n3A_112 = arith.select %eq3A_109, %broadcast_in_dim3A_111, %select_n3A_88 : vector<1024x256xi1>, vector<1024x256xf32>
    %reduce_min3A_113 = arith.constant dense<0x7F800000> : vector<256xf32>
    %reduce_min3A_114 = vector.multi_reduction <minimumf>, %select_n3A_112, %reduce_min3A_113 [0] : vector<1024x256xf32> to vector<256xf32>
    %broadcast_in_dim3A_115 = vector.shape_cast %reduce_min3A_114 : vector<256xf32> to vector<1x256xf32>
    %eq3A_116 = vector.broadcast %broadcast_in_dim3A_115 : vector<1x256xf32> to vector<1024x256xf32>
    %eq3A_117 = arith.cmpf oeq, %select_n3A_112, %eq3A_116 : vector<1024x256xf32>
    %jit3A_118 = arith.constant 1024 : i32
    %broadcast_in_dim3A_119 = vector.broadcast %jit3A_118 : i32 to vector<1024x256xi32>
    %select_n3A_120 = arith.select %eq3A_117, %iota3A, %broadcast_in_dim3A_119 : vector<1024x256xi1>, vector<1024x256xi32>
    %reduce_min3A_121 = arith.constant dense<2147483647> : vector<256xi32>
    %reduce_min3A_122 = vector.multi_reduction <minsi>, %select_n3A_120, %reduce_min3A_121 [0] : vector<1024x256xi32> to vector<256xi32>
    %broadcast_in_dim3A_123 = vector.shape_cast %reduce_min3A_122 : vector<256xi32> to vector<1x256xi32>
    %add3A_124 = vector.broadcast %mul3A_21 : i32 to vector<1x256xi32>
    %add3A_125 = arith.addi %broadcast_in_dim3A_123, %add3A_124 : vector<1x256xi32>
    %swap3A_126 = arith.constant 0 : index
    %swap3A_127 = arith.constant 4 : index
    %swap3A_128 = arith.constant 0 : index
    %swap3A_129 = vector.load %arg4[%swap3A_126, %swap3A_127, %swap3A_128] : memref<1x16x256xi32, #tpu.memory_space<vmem>>, vector<1x1x256xi32>
    %swap3A_130 = vector.shape_cast %swap3A_129 : vector<1x1x256xi32> to vector<1x256xi32>
    %swap3A_131 = vector.shape_cast %add3A_125 : vector<1x256xi32> to vector<1x1x256xi32>
    tpu.vector_store %arg4[%swap3A_126, %swap3A_127, %swap3A_128], %swap3A_131 {strides = array<i32>} : memref<1x16x256xi32, #tpu.memory_space<vmem>>, vector<1x1x256xi32>,
    %eq3A_132 = vector.broadcast %broadcast_in_dim3A_123 : vector<1x256xi32> to vector<1024x256xi32>
    %eq3A_133 = arith.cmpi eq, %iota3A, %eq3A_132 : vector<1024x256xi32>
    %jit3A_134 = arith.constant 3.000000e+38 : f32
    %broadcast_in_dim3A_135 = vector.broadcast %jit3A_134 : f32 to vector<1024x256xf32>
    %select_n3A_136 = arith.select %eq3A_133, %broadcast_in_dim3A_135, %select_n3A_112 : vector<1024x256xi1>, vector<1024x256xf32>
    %reduce_min3A_137 = arith.constant dense<0x7F800000> : vector<256xf32>
    %reduce_min3A_138 = vector.multi_reduction <minimumf>, %select_n3A_136, %reduce_min3A_137 [0] : vector<1024x256xf32> to vector<256xf32>
    %broadcast_in_dim3A_139 = vector.shape_cast %reduce_min3A_138 : vector<256xf32> to vector<1x256xf32>
    %eq3A_140 = vector.broadcast %broadcast_in_dim3A_139 : vector<1x256xf32> to vector<1024x256xf32>
    %eq3A_141 = arith.cmpf oeq, %select_n3A_136, %eq3A_140 : vector<1024x256xf32>
    %jit3A_142 = arith.constant 1024 : i32
    %broadcast_in_dim3A_143 = vector.broadcast %jit3A_142 : i32 to vector<1024x256xi32>
    %select_n3A_144 = arith.select %eq3A_141, %iota3A, %broadcast_in_dim3A_143 : vector<1024x256xi1>, vector<1024x256xi32>
    %reduce_min3A_145 = arith.constant dense<2147483647> : vector<256xi32>
    %reduce_min3A_146 = vector.multi_reduction <minsi>, %select_n3A_144, %reduce_min3A_145 [0] : vector<1024x256xi32> to vector<256xi32>
    %broadcast_in_dim3A_147 = vector.shape_cast %reduce_min3A_146 : vector<256xi32> to vector<1x256xi32>
    %add3A_148 = vector.broadcast %mul3A_21 : i32 to vector<1x256xi32>
    %add3A_149 = arith.addi %broadcast_in_dim3A_147, %add3A_148 : vector<1x256xi32>
    %swap3A_150 = arith.constant 0 : index
    %swap3A_151 = arith.constant 5 : index
    %swap3A_152 = arith.constant 0 : index
    %swap3A_153 = vector.load %arg4[%swap3A_150, %swap3A_151, %swap3A_152] : memref<1x16x256xi32, #tpu.memory_space<vmem>>, vector<1x1x256xi32>
    %swap3A_154 = vector.shape_cast %swap3A_153 : vector<1x1x256xi32> to vector<1x256xi32>
    %swap3A_155 = vector.shape_cast %add3A_149 : vector<1x256xi32> to vector<1x1x256xi32>
    tpu.vector_store %arg4[%swap3A_150, %swap3A_151, %swap3A_152], %swap3A_155 {strides = array<i32>} : memref<1x16x256xi32, #tpu.memory_space<vmem>>, vector<1x1x256xi32>,
    %eq3A_156 = vector.broadcast %broadcast_in_dim3A_147 : vector<1x256xi32> to vector<1024x256xi32>
    %eq3A_157 = arith.cmpi eq, %iota3A, %eq3A_156 : vector<1024x256xi32>
    %jit3A_158 = arith.constant 3.000000e+38 : f32
    %broadcast_in_dim3A_159 = vector.broadcast %jit3A_158 : f32 to vector<1024x256xf32>
    %select_n3A_160 = arith.select %eq3A_157, %broadcast_in_dim3A_159, %select_n3A_136 : vector<1024x256xi1>, vector<1024x256xf32>
    %reduce_min3A_161 = arith.constant dense<0x7F800000> : vector<256xf32>
    %reduce_min3A_162 = vector.multi_reduction <minimumf>, %select_n3A_160, %reduce_min3A_161 [0] : vector<1024x256xf32> to vector<256xf32>
    %broadcast_in_dim3A_163 = vector.shape_cast %reduce_min3A_162 : vector<256xf32> to vector<1x256xf32>
    %eq3A_164 = vector.broadcast %broadcast_in_dim3A_163 : vector<1x256xf32> to vector<1024x256xf32>
    %eq3A_165 = arith.cmpf oeq, %select_n3A_160, %eq3A_164 : vector<1024x256xf32>
    %jit3A_166 = arith.constant 1024 : i32
    %broadcast_in_dim3A_167 = vector.broadcast %jit3A_166 : i32 to vector<1024x256xi32>
    %select_n3A_168 = arith.select %eq3A_165, %iota3A, %broadcast_in_dim3A_167 : vector<1024x256xi1>, vector<1024x256xi32>
    %reduce_min3A_169 = arith.constant dense<2147483647> : vector<256xi32>
    %reduce_min3A_170 = vector.multi_reduction <minsi>, %select_n3A_168, %reduce_min3A_169 [0] : vector<1024x256xi32> to vector<256xi32>
    %broadcast_in_dim3A_171 = vector.shape_cast %reduce_min3A_170 : vector<256xi32> to vector<1x256xi32>
    %add3A_172 = vector.broadcast %mul3A_21 : i32 to vector<1x256xi32>
    %add3A_173 = arith.addi %broadcast_in_dim3A_171, %add3A_172 : vector<1x256xi32>
    %swap3A_174 = arith.constant 0 : index
    %swap3A_175 = arith.constant 6 : index
    %swap3A_176 = arith.constant 0 : index
    %swap3A_177 = vector.load %arg4[%swap3A_174, %swap3A_175, %swap3A_176] : memref<1x16x256xi32, #tpu.memory_space<vmem>>, vector<1x1x256xi32>
    %swap3A_178 = vector.shape_cast %swap3A_177 : vector<1x1x256xi32> to vector<1x256xi32>
    %swap3A_179 = vector.shape_cast %add3A_173 : vector<1x256xi32> to vector<1x1x256xi32>
    tpu.vector_store %arg4[%swap3A_174, %swap3A_175, %swap3A_176], %swap3A_179 {strides = array<i32>} : memref<1x16x256xi32, #tpu.memory_space<vmem>>, vector<1x1x256xi32>,
    %eq3A_180 = vector.broadcast %broadcast_in_dim3A_171 : vector<1x256xi32> to vector<1024x256xi32>
    %eq3A_181 = arith.cmpi eq, %iota3A, %eq3A_180 : vector<1024x256xi32>
    %jit3A_182 = arith.constant 3.000000e+38 : f32
    %broadcast_in_dim3A_183 = vector.broadcast %jit3A_182 : f32 to vector<1024x256xf32>
    %select_n3A_184 = arith.select %eq3A_181, %broadcast_in_dim3A_183, %select_n3A_160 : vector<1024x256xi1>, vector<1024x256xf32>
    %reduce_min3A_185 = arith.constant dense<0x7F800000> : vector<256xf32>
    %reduce_min3A_186 = vector.multi_reduction <minimumf>, %select_n3A_184, %reduce_min3A_185 [0] : vector<1024x256xf32> to vector<256xf32>
    %broadcast_in_dim3A_187 = vector.shape_cast %reduce_min3A_186 : vector<256xf32> to vector<1x256xf32>
    %eq3A_188 = vector.broadcast %broadcast_in_dim3A_187 : vector<1x256xf32> to vector<1024x256xf32>
    %eq3A_189 = arith.cmpf oeq, %select_n3A_184, %eq3A_188 : vector<1024x256xf32>
    %jit3A_190 = arith.constant 1024 : i32
    %broadcast_in_dim3A_191 = vector.broadcast %jit3A_190 : i32 to vector<1024x256xi32>
    %select_n3A_192 = arith.select %eq3A_189, %iota3A, %broadcast_in_dim3A_191 : vector<1024x256xi1>, vector<1024x256xi32>
    %reduce_min3A_193 = arith.constant dense<2147483647> : vector<256xi32>
    %reduce_min3A_194 = vector.multi_reduction <minsi>, %select_n3A_192, %reduce_min3A_193 [0] : vector<1024x256xi32> to vector<256xi32>
    %broadcast_in_dim3A_195 = vector.shape_cast %reduce_min3A_194 : vector<256xi32> to vector<1x256xi32>
    %add3A_196 = vector.broadcast %mul3A_21 : i32 to vector<1x256xi32>
    %add3A_197 = arith.addi %broadcast_in_dim3A_195, %add3A_196 : vector<1x256xi32>
    %swap3A_198 = arith.constant 0 : index
    %swap3A_199 = arith.constant 7 : index
    %swap3A_200 = arith.constant 0 : index
    %swap3A_201 = vector.load %arg4[%swap3A_198, %swap3A_199, %swap3A_200] : memref<1x16x256xi32, #tpu.memory_space<vmem>>, vector<1x1x256xi32>
    %swap3A_202 = vector.shape_cast %swap3A_201 : vector<1x1x256xi32> to vector<1x256xi32>
    %swap3A_203 = vector.shape_cast %add3A_197 : vector<1x256xi32> to vector<1x1x256xi32>
    tpu.vector_store %arg4[%swap3A_198, %swap3A_199, %swap3A_200], %swap3A_203 {strides = array<i32>} : memref<1x16x256xi32, #tpu.memory_space<vmem>>, vector<1x1x256xi32>,
    %eq3A_204 = vector.broadcast %broadcast_in_dim3A_195 : vector<1x256xi32> to vector<1024x256xi32>
    %eq3A_205 = arith.cmpi eq, %iota3A, %eq3A_204 : vector<1024x256xi32>
    %jit3A_206 = arith.constant 3.000000e+38 : f32
    %broadcast_in_dim3A_207 = vector.broadcast %jit3A_206 : f32 to vector<1024x256xf32>
    %select_n3A_208 = arith.select %eq3A_205, %broadcast_in_dim3A_207, %select_n3A_184 : vector<1024x256xi1>, vector<1024x256xf32>
    %reduce_min3A_209 = arith.constant dense<0x7F800000> : vector<256xf32>
    %reduce_min3A_210 = vector.multi_reduction <minimumf>, %select_n3A_208, %reduce_min3A_209 [0] : vector<1024x256xf32> to vector<256xf32>
    %broadcast_in_dim3A_211 = vector.shape_cast %reduce_min3A_210 : vector<256xf32> to vector<1x256xf32>
    %eq3A_212 = vector.broadcast %broadcast_in_dim3A_211 : vector<1x256xf32> to vector<1024x256xf32>
    %eq3A_213 = arith.cmpf oeq, %select_n3A_208, %eq3A_212 : vector<1024x256xf32>
    %jit3A_214 = arith.constant 1024 : i32
    %broadcast_in_dim3A_215 = vector.broadcast %jit3A_214 : i32 to vector<1024x256xi32>
    %select_n3A_216 = arith.select %eq3A_213, %iota3A, %broadcast_in_dim3A_215 : vector<1024x256xi1>, vector<1024x256xi32>
    %reduce_min3A_217 = arith.constant dense<2147483647> : vector<256xi32>
    %reduce_min3A_218 = vector.multi_reduction <minsi>, %select_n3A_216, %reduce_min3A_217 [0] : vector<1024x256xi32> to vector<256xi32>
    %broadcast_in_dim3A_219 = vector.shape_cast %reduce_min3A_218 : vector<256xi32> to vector<1x256xi32>
    %add3A_220 = vector.broadcast %mul3A_21 : i32 to vector<1x256xi32>
    %add3A_221 = arith.addi %broadcast_in_dim3A_219, %add3A_220 : vector<1x256xi32>
    %swap3A_222 = arith.constant 0 : index
    %swap3A_223 = arith.constant 8 : index
    %swap3A_224 = arith.constant 0 : index
    %swap3A_225 = vector.load %arg4[%swap3A_222, %swap3A_223, %swap3A_224] : memref<1x16x256xi32, #tpu.memory_space<vmem>>, vector<1x1x256xi32>
    %swap3A_226 = vector.shape_cast %swap3A_225 : vector<1x1x256xi32> to vector<1x256xi32>
    %swap3A_227 = vector.shape_cast %add3A_221 : vector<1x256xi32> to vector<1x1x256xi32>
    tpu.vector_store %arg4[%swap3A_222, %swap3A_223, %swap3A_224], %swap3A_227 {strides = array<i32>} : memref<1x16x256xi32, #tpu.memory_space<vmem>>, vector<1x1x256xi32>,
    %eq3A_228 = vector.broadcast %broadcast_in_dim3A_219 : vector<1x256xi32> to vector<1024x256xi32>
    %eq3A_229 = arith.cmpi eq, %iota3A, %eq3A_228 : vector<1024x256xi32>
    %jit3A_230 = arith.constant 3.000000e+38 : f32
    %broadcast_in_dim3A_231 = vector.broadcast %jit3A_230 : f32 to vector<1024x256xf32>
    %select_n3A_232 = arith.select %eq3A_229, %broadcast_in_dim3A_231, %select_n3A_208 : vector<1024x256xi1>, vector<1024x256xf32>
    %reduce_min3A_233 = arith.constant dense<0x7F800000> : vector<256xf32>
    %reduce_min3A_234 = vector.multi_reduction <minimumf>, %select_n3A_232, %reduce_min3A_233 [0] : vector<1024x256xf32> to vector<256xf32>
    %broadcast_in_dim3A_235 = vector.shape_cast %reduce_min3A_234 : vector<256xf32> to vector<1x256xf32>
    %eq3A_236 = vector.broadcast %broadcast_in_dim3A_235 : vector<1x256xf32> to vector<1024x256xf32>
    %eq3A_237 = arith.cmpf oeq, %select_n3A_232, %eq3A_236 : vector<1024x256xf32>
    %jit3A_238 = arith.constant 1024 : i32
    %broadcast_in_dim3A_239 = vector.broadcast %jit3A_238 : i32 to vector<1024x256xi32>
    %select_n3A_240 = arith.select %eq3A_237, %iota3A, %broadcast_in_dim3A_239 : vector<1024x256xi1>, vector<1024x256xi32>
    %reduce_min3A_241 = arith.constant dense<2147483647> : vector<256xi32>
    %reduce_min3A_242 = vector.multi_reduction <minsi>, %select_n3A_240, %reduce_min3A_241 [0] : vector<1024x256xi32> to vector<256xi32>
    %broadcast_in_dim3A_243 = vector.shape_cast %reduce_min3A_242 : vector<256xi32> to vector<1x256xi32>
    %add3A_244 = vector.broadcast %mul3A_21 : i32 to vector<1x256xi32>
    %add3A_245 = arith.addi %broadcast_in_dim3A_243, %add3A_244 : vector<1x256xi32>
    %swap3A_246 = arith.constant 0 : index
    %swap3A_247 = arith.constant 9 : index
    %swap3A_248 = arith.constant 0 : index
    %swap3A_249 = vector.load %arg4[%swap3A_246, %swap3A_247, %swap3A_248] : memref<1x16x256xi32, #tpu.memory_space<vmem>>, vector<1x1x256xi32>
    %swap3A_250 = vector.shape_cast %swap3A_249 : vector<1x1x256xi32> to vector<1x256xi32>
    %swap3A_251 = vector.shape_cast %add3A_245 : vector<1x256xi32> to vector<1x1x256xi32>
    tpu.vector_store %arg4[%swap3A_246, %swap3A_247, %swap3A_248], %swap3A_251 {strides = array<i32>} : memref<1x16x256xi32, #tpu.memory_space<vmem>>, vector<1x1x256xi32>,
    return
  }
  func.func @transform_0(%arg0: i32, %arg1: i32) -> (i32, i32, i32) {
    %c0_i32 = arith.constant 0 : i32
    %c0_i32_0 = arith.constant 0 : i32
    %c0_i32_1 = arith.constant 0 : i32
    return %arg0, %c0_i32, %c0_i32_0 : i32, i32, i32
  }
  func.func @transform_1(%arg0: i32, %arg1: i32) -> (i32, i32, i32) {
    %c0_i32 = arith.constant 0 : i32
    %c0_i32_0 = arith.constant 0 : i32
    return %arg0, %c0_i32, %arg1 : i32, i32, i32
  }
  func.func @transform_2(%arg0: i32, %arg1: i32) -> (i32, i32, i32) {
    %c0_i32 = arith.constant 0 : i32
    %c0_i32_0 = arith.constant 0 : i32
    return %arg0, %c0_i32, %arg1 : i32, i32, i32
  }
}

module attributes {stable_mosaic.version = 14 : i64} {
  func.func @_k3_body(%arg0: i32, %arg1: i32, %arg2: memref<1x256x64xf32, #tpu.memory_space<vmem>>, %arg3: memref<1x10x256x64xf32, #tpu.memory_space<vmem>>, %arg4: memref<128x64xf32, #tpu.memory_space<vmem>>, %arg5: memref<1x64xf32, #tpu.memory_space<vmem>>, %arg6: memref<1x10x256x64xf32, #tpu.memory_space<vmem>>, %arg7: memref<8x128xf32, #tpu.memory_space<vmem>>) attributes {dimension_semantics = [#tpu.dimension_semantics<arbitrary>, #tpu.dimension_semantics<arbitrary>], iteration_bounds = array<i64: 16, 4>, scalar_prefetch = 0 : i64, scratch_operands = 0 : i64, tpu.core_type = #tpu.core_type<tc>, window_params = [{transform_indices = @transform_0, window_bounds = array<i64: 1, 256, 64>}, {transform_indices = @transform_1, window_bounds = array<i64: 1, 10, 256, 64>}, {pipeline_mode = #tpu.pipeline_mode<synchronous>, transform_indices = @transform_2, window_bounds = array<i64: 128, 64>}, {pipeline_mode = #tpu.pipeline_mode<synchronous>, transform_indices = @transform_3, window_bounds = array<i64: 1, 64>}, {transform_indices = @transform_4, window_bounds = array<i64: 1, 10, 256, 64>}, {pipeline_mode = #tpu.pipeline_mode<synchronous>, transform_indices = @transform_5, window_bounds = array<i64: 8, 128>}]} {
    %get3A = arith.constant 0 : index
    %get3A_0 = arith.constant 0 : index
    %get3A_1 = arith.constant 0 : index
    %get3A_2 = vector.load %arg2[%get3A, %get3A_0, %get3A_1] : memref<1x256x64xf32, #tpu.memory_space<vmem>>, vector<1x256x64xf32>
    %get3A_3 = vector.shape_cast %get3A_2 : vector<1x256x64xf32> to vector<256x64xf32>
    %get3A_4 = arith.constant 0 : index
    %get3A_5 = arith.constant 0 : index
    %get3A_6 = arith.constant 0 : index
    %get3A_7 = arith.constant 0 : index
    %get3A_8 = vector.load %arg3[%get3A_4, %get3A_5, %get3A_6, %get3A_7] : memref<1x10x256x64xf32, #tpu.memory_space<vmem>>, vector<1x10x256x64xf32>
    %get3A_9 = vector.shape_cast %get3A_8 : vector<1x10x256x64xf32> to vector<10x256x64xf32>
    %broadcast_in_dim3A = vector.shape_cast %get3A_3 : vector<256x64xf32> to vector<1x256x64xf32>
    %broadcast_in_dim3A_10 = vector.shape_cast %broadcast_in_dim3A : vector<1x256x64xf32> to vector<1x256x64xf32>
    %broadcast_in_dim3A_11 = vector.broadcast %broadcast_in_dim3A_10 : vector<1x256x64xf32> to vector<10x256x64xf32>
    %sub3A = arith.subf %get3A_9, %broadcast_in_dim3A_11 : vector<10x256x64xf32>
    %concatenate3A = tpu.concatenate %broadcast_in_dim3A_11, %sub3A in 2 : vector<10x256x64xf32>, vector<10x256x64xf32> -> vector<10x256x128xf32>
    %reshape3A = vector.shape_cast %concatenate3A : vector<10x256x128xf32> to vector<2560x128xf32>
    %get3A_12 = arith.constant 0 : index
    %get3A_13 = arith.constant 0 : index
    %get3A_14 = vector.load %arg4[%get3A_12, %get3A_13] : memref<128x64xf32, #tpu.memory_space<vmem>>, vector<128x64xf32>
    %dot_general3A = arith.constant dense<0.000000e+00> : vector<2560x64xf32>
    %dot_general3A_15 = tpu.matmul %reshape3A, %get3A_14, %dot_general3A {dimension_numbers = #tpu.dot_dimension_numbers<[1], [0], [0], [1], [0, 0, 1, 1], [], []>, transpose_lhs_hint = false} : vector<2560x128xf32>, vector<128x64xf32>, vector<2560x64xf32> -> vector<2560x64xf32>
    %get3A_16 = arith.constant 0 : index
    %get3A_17 = arith.constant 0 : index
    %get3A_18 = vector.load %arg5[%get3A_16, %get3A_17] : memref<1x64xf32, #tpu.memory_space<vmem>>, vector<1x64xf32>
    %add3A = vector.broadcast %get3A_18 : vector<1x64xf32> to vector<2560x64xf32>
    %add3A_19 = arith.addf %dot_general3A_15, %add3A : vector<2560x64xf32>
    %max3A = arith.constant 0.000000e+00 : f32
    %max3A_20 = vector.broadcast %max3A : f32 to vector<2560x64xf32>
    %max3A_21 = arith.maximumf %add3A_19, %max3A_20 : vector<2560x64xf32>
    %reshape3A_22 = vector.shape_cast %max3A_21 : vector<2560x64xf32> to vector<10x256x64xf32>
    %swap3A = arith.constant 0 : index
    %swap3A_23 = arith.constant 0 : index
    %swap3A_24 = arith.constant 0 : index
    %swap3A_25 = arith.constant 0 : index
    %swap3A_26 = vector.load %arg6[%swap3A, %swap3A_23, %swap3A_24, %swap3A_25] : memref<1x10x256x64xf32, #tpu.memory_space<vmem>>, vector<1x10x256x64xf32>
    %swap3A_27 = vector.shape_cast %swap3A_26 : vector<1x10x256x64xf32> to vector<10x256x64xf32>
    %swap3A_28 = vector.shape_cast %reshape3A_22 : vector<10x256x64xf32> to vector<1x10x256x64xf32>
    tpu.vector_store %arg6[%swap3A, %swap3A_23, %swap3A_24, %swap3A_25], %swap3A_28 {strides = array<i32>} : memref<1x10x256x64xf32, #tpu.memory_space<vmem>>, vector<1x10x256x64xf32>,
    %reduce_sum3A = arith.constant dense<0.000000e+00> : vector<64xf32>
    %reduce_sum3A_29 = vector.multi_reduction <add>, %max3A_21, %reduce_sum3A [0] : vector<2560x64xf32> to vector<64xf32>
    %broadcast_in_dim3A_30 = vector.shape_cast %reduce_sum3A_29 : vector<64xf32> to vector<1x64xf32>
    %div3A = arith.constant 2.560000e+03 : f32
    %div3A_31 = vector.broadcast %div3A : f32 to vector<1x64xf32>
    %div3A_32 = arith.divf %broadcast_in_dim3A_30, %div3A_31 : vector<1x64xf32>
    %eq3A = arith.constant 0 : i32
    %eq3A_33 = arith.cmpi eq, %arg0, %eq3A : i32
    %eq3A_34 = arith.constant 0 : i32
    %eq3A_35 = arith.cmpi eq, %arg1, %eq3A_34 : i32
    %and3A = arith.andi %eq3A_33, %eq3A_35 : i1
    %convert_element_type3A = arith.extui %and3A : i1 to i32
    %cond3A = arith.constant 0 : i32
    %cond3A_36 = arith.cmpi ne, %convert_element_type3A, %cond3A : i32
    scf.if %cond3A_36 {
      %broadcast_in_dim3A_86 = arith.constant 0.000000e+00 : f32
      %broadcast_in_dim3A_87 = vector.broadcast %broadcast_in_dim3A_86 : f32 to vector<8x128xf32>
      %swap3A_88 = arith.constant 0 : index
      %swap3A_89 = arith.constant 0 : index
      %swap3A_90 = vector.load %arg7[%swap3A_88, %swap3A_89] : memref<8x128xf32, #tpu.memory_space<vmem>>, vector<8x128xf32>
      tpu.vector_store %arg7[%swap3A_88, %swap3A_89], %broadcast_in_dim3A_87 {strides = array<i32>} : memref<8x128xf32, #tpu.memory_space<vmem>>, vector<8x128xf32>,
      %swap3A_91 = arith.constant 2 : index
      %swap3A_92 = arith.constant 0 : index
      %swap3A_93 = vector.load %arg7[%swap3A_91, %swap3A_92] : memref<8x128xf32, #tpu.memory_space<vmem>>, vector<1x64xf32>
      tpu.vector_store %arg7[%swap3A_91, %swap3A_92], %div3A_32 {strides = array<i32>} : memref<8x128xf32, #tpu.memory_space<vmem>>, vector<1x64xf32>,
    } else {
    }
    %get3A_37 = arith.constant 2 : index
    %get3A_38 = arith.constant 0 : index
    %get3A_39 = vector.load %arg7[%get3A_37, %get3A_38] : memref<8x128xf32, #tpu.memory_space<vmem>>, vector<1x64xf32>
    %sub3A_40 = vector.broadcast %get3A_39 : vector<1x64xf32> to vector<2560x64xf32>
    %sub3A_41 = arith.subf %max3A_21, %sub3A_40 : vector<2560x64xf32>
    %reduce_sum3A_42 = arith.constant dense<0.000000e+00> : vector<64xf32>
    %reduce_sum3A_43 = vector.multi_reduction <add>, %sub3A_41, %reduce_sum3A_42 [0] : vector<2560x64xf32> to vector<64xf32>
    %broadcast_in_dim3A_44 = vector.shape_cast %reduce_sum3A_43 : vector<64xf32> to vector<1x64xf32>
    %mul3A = arith.mulf %sub3A_41, %sub3A_41 : vector<2560x64xf32>
    %reduce_sum3A_45 = arith.constant dense<0.000000e+00> : vector<64xf32>
    %reduce_sum3A_46 = vector.multi_reduction <add>, %mul3A, %reduce_sum3A_45 [0] : vector<2560x64xf32> to vector<64xf32>
    %broadcast_in_dim3A_47 = vector.shape_cast %reduce_sum3A_46 : vector<64xf32> to vector<1x64xf32>
    %get3A_48 = arith.constant 3 : index
    %get3A_49 = arith.constant 0 : index
    %get3A_50 = vector.load %arg7[%get3A_48, %get3A_49] : memref<8x128xf32, #tpu.memory_space<vmem>>, vector<1x64xf32>
    %sub3A_51 = arith.subf %broadcast_in_dim3A_44, %get3A_50 : vector<1x64xf32>
    %get3A_52 = arith.constant 0 : index
    %get3A_53 = arith.constant 0 : index
    %get3A_54 = vector.load %arg7[%get3A_52, %get3A_53] : memref<8x128xf32, #tpu.memory_space<vmem>>, vector<1x64xf32>
    %add3A_55 = arith.addf %get3A_54, %sub3A_51 : vector<1x64xf32>
    %get3A_56 = arith.constant 0 : index
    %get3A_57 = arith.constant 0 : index
    %get3A_58 = vector.load %arg7[%get3A_56, %get3A_57] : memref<8x128xf32, #tpu.memory_space<vmem>>, vector<1x64xf32>
    %sub3A_59 = arith.subf %add3A_55, %get3A_58 : vector<1x64xf32>
    %sub3A_60 = arith.subf %sub3A_59, %sub3A_51 : vector<1x64xf32>
    %swap3A_61 = arith.constant 3 : index
    %swap3A_62 = arith.constant 0 : index
    %swap3A_63 = vector.load %arg7[%swap3A_61, %swap3A_62] : memref<8x128xf32, #tpu.memory_space<vmem>>, vector<1x64xf32>
    tpu.vector_store %arg7[%swap3A_61, %swap3A_62], %sub3A_60 {strides = array<i32>} : memref<8x128xf32, #tpu.memory_space<vmem>>, vector<1x64xf32>,
    %swap3A_64 = arith.constant 0 : index
    %swap3A_65 = arith.constant 0 : index
    %swap3A_66 = vector.load %arg7[%swap3A_64, %swap3A_65] : memref<8x128xf32, #tpu.memory_space<vmem>>, vector<1x64xf32>
    tpu.vector_store %arg7[%swap3A_64, %swap3A_65], %add3A_55 {strides = array<i32>} : memref<8x128xf32, #tpu.memory_space<vmem>>, vector<1x64xf32>,
    %get3A_67 = arith.constant 4 : index
    %get3A_68 = arith.constant 0 : index
    %get3A_69 = vector.load %arg7[%get3A_67, %get3A_68] : memref<8x128xf32, #tpu.memory_space<vmem>>, vector<1x64xf32>
    %sub3A_70 = arith.subf %broadcast_in_dim3A_47, %get3A_69 : vector<1x64xf32>
    %get3A_71 = arith.constant 1 : index
    %get3A_72 = arith.constant 0 : index
    %get3A_73 = vector.load %arg7[%get3A_71, %get3A_72] : memref<8x128xf32, #tpu.memory_space<vmem>>, vector<1x64xf32>
    %add3A_74 = arith.addf %get3A_73, %sub3A_70 : vector<1x64xf32>
    %get3A_75 = arith.constant 1 : index
    %get3A_76 = arith.constant 0 : index
    %get3A_77 = vector.load %arg7[%get3A_75, %get3A_76] : memref<8x128xf32, #tpu.memory_space<vmem>>, vector<1x64xf32>
    %sub3A_78 = arith.subf %add3A_74, %get3A_77 : vector<1x64xf32>
    %sub3A_79 = arith.subf %sub3A_78, %sub3A_70 : vector<1x64xf32>
    %swap3A_80 = arith.constant 4 : index
    %swap3A_81 = arith.constant 0 : index
    %swap3A_82 = vector.load %arg7[%swap3A_80, %swap3A_81] : memref<8x128xf32, #tpu.memory_space<vmem>>, vector<1x64xf32>
    tpu.vector_store %arg7[%swap3A_80, %swap3A_81], %sub3A_79 {strides = array<i32>} : memref<8x128xf32, #tpu.memory_space<vmem>>, vector<1x64xf32>,
    %swap3A_83 = arith.constant 1 : index
    %swap3A_84 = arith.constant 0 : index
    %swap3A_85 = vector.load %arg7[%swap3A_83, %swap3A_84] : memref<8x128xf32, #tpu.memory_space<vmem>>, vector<1x64xf32>
    tpu.vector_store %arg7[%swap3A_83, %swap3A_84], %add3A_74 {strides = array<i32>} : memref<8x128xf32, #tpu.memory_space<vmem>>, vector<1x64xf32>,
    return
  }
  func.func @transform_0(%arg0: i32, %arg1: i32) -> (i32, i32, i32) {
    %c0_i32 = arith.constant 0 : i32
    %c0_i32_0 = arith.constant 0 : i32
    return %arg0, %arg1, %c0_i32 : i32, i32, i32
  }
  func.func @transform_1(%arg0: i32, %arg1: i32) -> (i32, i32, i32, i32) {
    %c0_i32 = arith.constant 0 : i32
    %c0_i32_0 = arith.constant 0 : i32
    %c0_i32_1 = arith.constant 0 : i32
    return %arg0, %c0_i32, %arg1, %c0_i32_0 : i32, i32, i32, i32
  }
  func.func @transform_2(%arg0: i32, %arg1: i32) -> (i32, i32) {
    %c0_i32 = arith.constant 0 : i32
    %c0_i32_0 = arith.constant 0 : i32
    %c0_i32_1 = arith.constant 0 : i32
    return %c0_i32, %c0_i32_0 : i32, i32
  }
  func.func @transform_3(%arg0: i32, %arg1: i32) -> (i32, i32) {
    %c0_i32 = arith.constant 0 : i32
    %c0_i32_0 = arith.constant 0 : i32
    %c0_i32_1 = arith.constant 0 : i32
    return %c0_i32, %c0_i32_0 : i32, i32
  }
  func.func @transform_4(%arg0: i32, %arg1: i32) -> (i32, i32, i32, i32) {
    %c0_i32 = arith.constant 0 : i32
    %c0_i32_0 = arith.constant 0 : i32
    %c0_i32_1 = arith.constant 0 : i32
    return %arg0, %c0_i32, %arg1, %c0_i32_0 : i32, i32, i32, i32
  }
  func.func @transform_5(%arg0: i32, %arg1: i32) -> (i32, i32) {
    %c0_i32 = arith.constant 0 : i32
    %c0_i32_0 = arith.constant 0 : i32
    %c0_i32_1 = arith.constant 0 : i32
    return %c0_i32, %c0_i32_0 : i32, i32
  }
}

module attributes {stable_mosaic.version = 14 : i64} {
  func.func @_k4_body(%arg0: i32, %arg1: i32, %arg2: memref<1x10x256x64xf32, #tpu.memory_space<vmem>>, %arg3: memref<1x64xf32, #tpu.memory_space<vmem>>, %arg4: memref<1x64xf32, #tpu.memory_space<vmem>>, %arg5: memref<1x64xf32, #tpu.memory_space<vmem>>, %arg6: memref<1x64xf32, #tpu.memory_space<vmem>>, %arg7: memref<64x64xf32, #tpu.memory_space<vmem>>, %arg8: memref<1x64xf32, #tpu.memory_space<vmem>>, %arg9: memref<1x10x256x64xf32, #tpu.memory_space<vmem>>, %arg10: memref<8x128xf32, #tpu.memory_space<vmem>>) attributes {dimension_semantics = [#tpu.dimension_semantics<arbitrary>, #tpu.dimension_semantics<arbitrary>], iteration_bounds = array<i64: 16, 4>, scalar_prefetch = 0 : i64, scratch_operands = 0 : i64, tpu.core_type = #tpu.core_type<tc>, window_params = [{transform_indices = @transform_0, window_bounds = array<i64: 1, 10, 256, 64>}, {pipeline_mode = #tpu.pipeline_mode<synchronous>, transform_indices = @transform_1, window_bounds = array<i64: 1, 64>}, {pipeline_mode = #tpu.pipeline_mode<synchronous>, transform_indices = @transform_2, window_bounds = array<i64: 1, 64>}, {pipeline_mode = #tpu.pipeline_mode<synchronous>, transform_indices = @transform_3, window_bounds = array<i64: 1, 64>}, {pipeline_mode = #tpu.pipeline_mode<synchronous>, transform_indices = @transform_4, window_bounds = array<i64: 1, 64>}, {pipeline_mode = #tpu.pipeline_mode<synchronous>, transform_indices = @transform_5, window_bounds = array<i64: 64, 64>}, {pipeline_mode = #tpu.pipeline_mode<synchronous>, transform_indices = @transform_6, window_bounds = array<i64: 1, 64>}, {transform_indices = @transform_7, window_bounds = array<i64: 1, 10, 256, 64>}, {pipeline_mode = #tpu.pipeline_mode<synchronous>, transform_indices = @transform_8, window_bounds = array<i64: 8, 128>}]} {
    %get3A = arith.constant 0 : index
    %get3A_0 = arith.constant 0 : index
    %get3A_1 = arith.constant 0 : index
    %get3A_2 = arith.constant 0 : index
    %get3A_3 = vector.load %arg2[%get3A, %get3A_0, %get3A_1, %get3A_2] : memref<1x10x256x64xf32, #tpu.memory_space<vmem>>, vector<1x10x256x64xf32>
    %get3A_4 = vector.shape_cast %get3A_3 : vector<1x10x256x64xf32> to vector<10x256x64xf32>
    %get3A_5 = arith.constant 0 : index
    %get3A_6 = arith.constant 0 : index
    %get3A_7 = vector.load %arg5[%get3A_5, %get3A_6] : memref<1x64xf32, #tpu.memory_space<vmem>>, vector<1x64xf32>
    %get3A_8 = arith.constant 0 : index
    %get3A_9 = arith.constant 0 : index
    %get3A_10 = vector.load %arg3[%get3A_8, %get3A_9] : memref<1x64xf32, #tpu.memory_space<vmem>>, vector<1x64xf32>
    %broadcast_in_dim3A = vector.shape_cast %get3A_10 : vector<1x64xf32> to vector<1x1x64xf32>
    %sub3A = vector.broadcast %broadcast_in_dim3A : vector<1x1x64xf32> to vector<10x256x64xf32>
    %sub3A_11 = arith.subf %get3A_4, %sub3A : vector<10x256x64xf32>
    %broadcast_in_dim3A_12 = vector.shape_cast %get3A_7 : vector<1x64xf32> to vector<1x1x64xf32>
    %mul3A = vector.broadcast %broadcast_in_dim3A_12 : vector<1x1x64xf32> to vector<10x256x64xf32>
    %mul3A_13 = arith.mulf %mul3A, %sub3A_11 : vector<10x256x64xf32>
    %get3A_14 = arith.constant 0 : index
    %get3A_15 = arith.constant 0 : index
    %get3A_16 = vector.load %arg4[%get3A_14, %get3A_15] : memref<1x64xf32, #tpu.memory_space<vmem>>, vector<1x64xf32>
    %broadcast_in_dim3A_17 = vector.shape_cast %get3A_16 : vector<1x64xf32> to vector<1x1x64xf32>
    %div3A = vector.broadcast %broadcast_in_dim3A_17 : vector<1x1x64xf32> to vector<10x256x64xf32>
    %div3A_18 = arith.divf %mul3A_13, %div3A : vector<10x256x64xf32>
    %get3A_19 = arith.constant 0 : index
    %get3A_20 = arith.constant 0 : index
    %get3A_21 = vector.load %arg6[%get3A_19, %get3A_20] : memref<1x64xf32, #tpu.memory_space<vmem>>, vector<1x64xf32>
    %broadcast_in_dim3A_22 = vector.shape_cast %get3A_21 : vector<1x64xf32> to vector<1x1x64xf32>
    %add3A = vector.broadcast %broadcast_in_dim3A_22 : vector<1x1x64xf32> to vector<10x256x64xf32>
    %add3A_23 = arith.addf %div3A_18, %add3A : vector<10x256x64xf32>
    %reshape3A = vector.shape_cast %add3A_23 : vector<10x256x64xf32> to vector<2560x64xf32>
    %get3A_24 = arith.constant 0 : index
    %get3A_25 = arith.constant 0 : index
    %get3A_26 = vector.load %arg7[%get3A_24, %get3A_25] : memref<64x64xf32, #tpu.memory_space<vmem>>, vector<64x64xf32>
    %dot_general3A = arith.constant dense<0.000000e+00> : vector<2560x64xf32>
    %dot_general3A_27 = tpu.matmul %reshape3A, %get3A_26, %dot_general3A {dimension_numbers = #tpu.dot_dimension_numbers<[1], [0], [0], [1], [0, 0, 1, 1], [], []>, transpose_lhs_hint = false} : vector<2560x64xf32>, vector<64x64xf32>, vector<2560x64xf32> -> vector<2560x64xf32>
    %get3A_28 = arith.constant 0 : index
    %get3A_29 = arith.constant 0 : index
    %get3A_30 = vector.load %arg8[%get3A_28, %get3A_29] : memref<1x64xf32, #tpu.memory_space<vmem>>, vector<1x64xf32>
    %add3A_31 = vector.broadcast %get3A_30 : vector<1x64xf32> to vector<2560x64xf32>
    %add3A_32 = arith.addf %dot_general3A_27, %add3A_31 : vector<2560x64xf32>
    %max3A = arith.constant 0.000000e+00 : f32
    %max3A_33 = vector.broadcast %max3A : f32 to vector<2560x64xf32>
    %max3A_34 = arith.maximumf %add3A_32, %max3A_33 : vector<2560x64xf32>
    %reshape3A_35 = vector.shape_cast %max3A_34 : vector<2560x64xf32> to vector<10x256x64xf32>
    %swap3A = arith.constant 0 : index
    %swap3A_36 = arith.constant 0 : index
    %swap3A_37 = arith.constant 0 : index
    %swap3A_38 = arith.constant 0 : index
    %swap3A_39 = vector.load %arg9[%swap3A, %swap3A_36, %swap3A_37, %swap3A_38] : memref<1x10x256x64xf32, #tpu.memory_space<vmem>>, vector<1x10x256x64xf32>
    %swap3A_40 = vector.shape_cast %swap3A_39 : vector<1x10x256x64xf32> to vector<10x256x64xf32>
    %swap3A_41 = vector.shape_cast %reshape3A_35 : vector<10x256x64xf32> to vector<1x10x256x64xf32>
    tpu.vector_store %arg9[%swap3A, %swap3A_36, %swap3A_37, %swap3A_38], %swap3A_41 {strides = array<i32>} : memref<1x10x256x64xf32, #tpu.memory_space<vmem>>, vector<1x10x256x64xf32>,
    %reduce_sum3A = arith.constant dense<0.000000e+00> : vector<64xf32>
    %reduce_sum3A_42 = vector.multi_reduction <add>, %max3A_34, %reduce_sum3A [0] : vector<2560x64xf32> to vector<64xf32>
    %broadcast_in_dim3A_43 = vector.shape_cast %reduce_sum3A_42 : vector<64xf32> to vector<1x64xf32>
    %div3A_44 = arith.constant 2.560000e+03 : f32
    %div3A_45 = vector.broadcast %div3A_44 : f32 to vector<1x64xf32>
    %div3A_46 = arith.divf %broadcast_in_dim3A_43, %div3A_45 : vector<1x64xf32>
    %eq3A = arith.constant 0 : i32
    %eq3A_47 = arith.cmpi eq, %arg0, %eq3A : i32
    %eq3A_48 = arith.constant 0 : i32
    %eq3A_49 = arith.cmpi eq, %arg1, %eq3A_48 : i32
    %and3A = arith.andi %eq3A_47, %eq3A_49 : i1
    %convert_element_type3A = arith.extui %and3A : i1 to i32
    %cond3A = arith.constant 0 : i32
    %cond3A_50 = arith.cmpi ne, %convert_element_type3A, %cond3A : i32
    scf.if %cond3A_50 {
      %broadcast_in_dim3A_101 = arith.constant 0.000000e+00 : f32
      %broadcast_in_dim3A_102 = vector.broadcast %broadcast_in_dim3A_101 : f32 to vector<8x128xf32>
      %swap3A_103 = arith.constant 0 : index
      %swap3A_104 = arith.constant 0 : index
      %swap3A_105 = vector.load %arg10[%swap3A_103, %swap3A_104] : memref<8x128xf32, #tpu.memory_space<vmem>>, vector<8x128xf32>
      tpu.vector_store %arg10[%swap3A_103, %swap3A_104], %broadcast_in_dim3A_102 {strides = array<i32>} : memref<8x128xf32, #tpu.memory_space<vmem>>, vector<8x128xf32>,
      %swap3A_106 = arith.constant 2 : index
      %swap3A_107 = arith.constant 0 : index
      %swap3A_108 = vector.load %arg10[%swap3A_106, %swap3A_107] : memref<8x128xf32, #tpu.memory_space<vmem>>, vector<1x64xf32>
      tpu.vector_store %arg10[%swap3A_106, %swap3A_107], %div3A_46 {strides = array<i32>} : memref<8x128xf32, #tpu.memory_space<vmem>>, vector<1x64xf32>,
    } else {
    }
    %get3A_51 = arith.constant 2 : index
    %get3A_52 = arith.constant 0 : index
    %get3A_53 = vector.load %arg10[%get3A_51, %get3A_52] : memref<8x128xf32, #tpu.memory_space<vmem>>, vector<1x64xf32>
    %sub3A_54 = vector.broadcast %get3A_53 : vector<1x64xf32> to vector<2560x64xf32>
    %sub3A_55 = arith.subf %max3A_34, %sub3A_54 : vector<2560x64xf32>
    %reduce_sum3A_56 = arith.constant dense<0.000000e+00> : vector<64xf32>
    %reduce_sum3A_57 = vector.multi_reduction <add>, %sub3A_55, %reduce_sum3A_56 [0] : vector<2560x64xf32> to vector<64xf32>
    %broadcast_in_dim3A_58 = vector.shape_cast %reduce_sum3A_57 : vector<64xf32> to vector<1x64xf32>
    %mul3A_59 = arith.mulf %sub3A_55, %sub3A_55 : vector<2560x64xf32>
    %reduce_sum3A_60 = arith.constant dense<0.000000e+00> : vector<64xf32>
    %reduce_sum3A_61 = vector.multi_reduction <add>, %mul3A_59, %reduce_sum3A_60 [0] : vector<2560x64xf32> to vector<64xf32>
    %broadcast_in_dim3A_62 = vector.shape_cast %reduce_sum3A_61 : vector<64xf32> to vector<1x64xf32>
    %get3A_63 = arith.constant 3 : index
    %get3A_64 = arith.constant 0 : index
    %get3A_65 = vector.load %arg10[%get3A_63, %get3A_64] : memref<8x128xf32, #tpu.memory_space<vmem>>, vector<1x64xf32>
    %sub3A_66 = arith.subf %broadcast_in_dim3A_58, %get3A_65 : vector<1x64xf32>
    %get3A_67 = arith.constant 0 : index
    %get3A_68 = arith.constant 0 : index
    %get3A_69 = vector.load %arg10[%get3A_67, %get3A_68] : memref<8x128xf32, #tpu.memory_space<vmem>>, vector<1x64xf32>
    %add3A_70 = arith.addf %get3A_69, %sub3A_66 : vector<1x64xf32>
    %get3A_71 = arith.constant 0 : index
    %get3A_72 = arith.constant 0 : index
    %get3A_73 = vector.load %arg10[%get3A_71, %get3A_72] : memref<8x128xf32, #tpu.memory_space<vmem>>, vector<1x64xf32>
    %sub3A_74 = arith.subf %add3A_70, %get3A_73 : vector<1x64xf32>
    %sub3A_75 = arith.subf %sub3A_74, %sub3A_66 : vector<1x64xf32>
    %swap3A_76 = arith.constant 3 : index
    %swap3A_77 = arith.constant 0 : index
    %swap3A_78 = vector.load %arg10[%swap3A_76, %swap3A_77] : memref<8x128xf32, #tpu.memory_space<vmem>>, vector<1x64xf32>
    tpu.vector_store %arg10[%swap3A_76, %swap3A_77], %sub3A_75 {strides = array<i32>} : memref<8x128xf32, #tpu.memory_space<vmem>>, vector<1x64xf32>,
    %swap3A_79 = arith.constant 0 : index
    %swap3A_80 = arith.constant 0 : index
    %swap3A_81 = vector.load %arg10[%swap3A_79, %swap3A_80] : memref<8x128xf32, #tpu.memory_space<vmem>>, vector<1x64xf32>
    tpu.vector_store %arg10[%swap3A_79, %swap3A_80], %add3A_70 {strides = array<i32>} : memref<8x128xf32, #tpu.memory_space<vmem>>, vector<1x64xf32>,
    %get3A_82 = arith.constant 4 : index
    %get3A_83 = arith.constant 0 : index
    %get3A_84 = vector.load %arg10[%get3A_82, %get3A_83] : memref<8x128xf32, #tpu.memory_space<vmem>>, vector<1x64xf32>
    %sub3A_85 = arith.subf %broadcast_in_dim3A_62, %get3A_84 : vector<1x64xf32>
    %get3A_86 = arith.constant 1 : index
    %get3A_87 = arith.constant 0 : index
    %get3A_88 = vector.load %arg10[%get3A_86, %get3A_87] : memref<8x128xf32, #tpu.memory_space<vmem>>, vector<1x64xf32>
    %add3A_89 = arith.addf %get3A_88, %sub3A_85 : vector<1x64xf32>
    %get3A_90 = arith.constant 1 : index
    %get3A_91 = arith.constant 0 : index
    %get3A_92 = vector.load %arg10[%get3A_90, %get3A_91] : memref<8x128xf32, #tpu.memory_space<vmem>>, vector<1x64xf32>
    %sub3A_93 = arith.subf %add3A_89, %get3A_92 : vector<1x64xf32>
    %sub3A_94 = arith.subf %sub3A_93, %sub3A_85 : vector<1x64xf32>
    %swap3A_95 = arith.constant 4 : index
    %swap3A_96 = arith.constant 0 : index
    %swap3A_97 = vector.load %arg10[%swap3A_95, %swap3A_96] : memref<8x128xf32, #tpu.memory_space<vmem>>, vector<1x64xf32>
    tpu.vector_store %arg10[%swap3A_95, %swap3A_96], %sub3A_94 {strides = array<i32>} : memref<8x128xf32, #tpu.memory_space<vmem>>, vector<1x64xf32>,
    %swap3A_98 = arith.constant 1 : index
    %swap3A_99 = arith.constant 0 : index
    %swap3A_100 = vector.load %arg10[%swap3A_98, %swap3A_99] : memref<8x128xf32, #tpu.memory_space<vmem>>, vector<1x64xf32>
    tpu.vector_store %arg10[%swap3A_98, %swap3A_99], %add3A_89 {strides = array<i32>} : memref<8x128xf32, #tpu.memory_space<vmem>>, vector<1x64xf32>,
    return
  }
  func.func @transform_0(%arg0: i32, %arg1: i32) -> (i32, i32, i32, i32) {
    %c0_i32 = arith.constant 0 : i32
    %c0_i32_0 = arith.constant 0 : i32
    %c0_i32_1 = arith.constant 0 : i32
    return %arg0, %c0_i32, %arg1, %c0_i32_0 : i32, i32, i32, i32
  }
  func.func @transform_1(%arg0: i32, %arg1: i32) -> (i32, i32) {
    %c0_i32 = arith.constant 0 : i32
    %c0_i32_0 = arith.constant 0 : i32
    %c0_i32_1 = arith.constant 0 : i32
    return %c0_i32, %c0_i32_0 : i32, i32
  }
  func.func @transform_2(%arg0: i32, %arg1: i32) -> (i32, i32) {
    %c0_i32 = arith.constant 0 : i32
    %c0_i32_0 = arith.constant 0 : i32
    %c0_i32_1 = arith.constant 0 : i32
    return %c0_i32, %c0_i32_0 : i32, i32
  }
  func.func @transform_3(%arg0: i32, %arg1: i32) -> (i32, i32) {
    %c0_i32 = arith.constant 0 : i32
    %c0_i32_0 = arith.constant 0 : i32
    %c0_i32_1 = arith.constant 0 : i32
    return %c0_i32, %c0_i32_0 : i32, i32
  }
  func.func @transform_4(%arg0: i32, %arg1: i32) -> (i32, i32) {
    %c0_i32 = arith.constant 0 : i32
    %c0_i32_0 = arith.constant 0 : i32
    %c0_i32_1 = arith.constant 0 : i32
    return %c0_i32, %c0_i32_0 : i32, i32
  }
  func.func @transform_5(%arg0: i32, %arg1: i32) -> (i32, i32) {
    %c0_i32 = arith.constant 0 : i32
    %c0_i32_0 = arith.constant 0 : i32
    %c0_i32_1 = arith.constant 0 : i32
    return %c0_i32, %c0_i32_0 : i32, i32
  }
  func.func @transform_6(%arg0: i32, %arg1: i32) -> (i32, i32) {
    %c0_i32 = arith.constant 0 : i32
    %c0_i32_0 = arith.constant 0 : i32
    %c0_i32_1 = arith.constant 0 : i32
    return %c0_i32, %c0_i32_0 : i32, i32
  }
  func.func @transform_7(%arg0: i32, %arg1: i32) -> (i32, i32, i32, i32) {
    %c0_i32 = arith.constant 0 : i32
    %c0_i32_0 = arith.constant 0 : i32
    %c0_i32_1 = arith.constant 0 : i32
    return %arg0, %c0_i32, %arg1, %c0_i32_0 : i32, i32, i32, i32
  }
  func.func @transform_8(%arg0: i32, %arg1: i32) -> (i32, i32) {
    %c0_i32 = arith.constant 0 : i32
    %c0_i32_0 = arith.constant 0 : i32
    %c0_i32_1 = arith.constant 0 : i32
    return %c0_i32, %c0_i32_0 : i32, i32
  }
}

module attributes {stable_mosaic.version = 14 : i64} {
  func.func @_k4_body(%arg0: i32, %arg1: i32, %arg2: memref<1x10x256x64xf32, #tpu.memory_space<vmem>>, %arg3: memref<1x64xf32, #tpu.memory_space<vmem>>, %arg4: memref<1x64xf32, #tpu.memory_space<vmem>>, %arg5: memref<1x64xf32, #tpu.memory_space<vmem>>, %arg6: memref<1x64xf32, #tpu.memory_space<vmem>>, %arg7: memref<64x64xf32, #tpu.memory_space<vmem>>, %arg8: memref<1x64xf32, #tpu.memory_space<vmem>>, %arg9: memref<1x256x64xf32, #tpu.memory_space<vmem>>, %arg10: memref<1x256x64xf32, #tpu.memory_space<vmem>>, %arg11: memref<8x128xf32, #tpu.memory_space<vmem>>) attributes {dimension_semantics = [#tpu.dimension_semantics<arbitrary>, #tpu.dimension_semantics<arbitrary>], iteration_bounds = array<i64: 16, 4>, scalar_prefetch = 0 : i64, scratch_operands = 0 : i64, tpu.core_type = #tpu.core_type<tc>, window_params = [{transform_indices = @transform_0, window_bounds = array<i64: 1, 10, 256, 64>}, {pipeline_mode = #tpu.pipeline_mode<synchronous>, transform_indices = @transform_1, window_bounds = array<i64: 1, 64>}, {pipeline_mode = #tpu.pipeline_mode<synchronous>, transform_indices = @transform_2, window_bounds = array<i64: 1, 64>}, {pipeline_mode = #tpu.pipeline_mode<synchronous>, transform_indices = @transform_3, window_bounds = array<i64: 1, 64>}, {pipeline_mode = #tpu.pipeline_mode<synchronous>, transform_indices = @transform_4, window_bounds = array<i64: 1, 64>}, {pipeline_mode = #tpu.pipeline_mode<synchronous>, transform_indices = @transform_5, window_bounds = array<i64: 64, 64>}, {pipeline_mode = #tpu.pipeline_mode<synchronous>, transform_indices = @transform_6, window_bounds = array<i64: 1, 64>}, {transform_indices = @transform_7, window_bounds = array<i64: 1, 256, 64>}, {transform_indices = @transform_8, window_bounds = array<i64: 1, 256, 64>}, {pipeline_mode = #tpu.pipeline_mode<synchronous>, transform_indices = @transform_9, window_bounds = array<i64: 8, 128>}]} {
    %get3A = arith.constant 0 : index
    %get3A_0 = arith.constant 0 : index
    %get3A_1 = arith.constant 0 : index
    %get3A_2 = arith.constant 0 : index
    %get3A_3 = vector.load %arg2[%get3A, %get3A_0, %get3A_1, %get3A_2] : memref<1x10x256x64xf32, #tpu.memory_space<vmem>>, vector<1x10x256x64xf32>
    %get3A_4 = vector.shape_cast %get3A_3 : vector<1x10x256x64xf32> to vector<10x256x64xf32>
    %get3A_5 = arith.constant 0 : index
    %get3A_6 = arith.constant 0 : index
    %get3A_7 = vector.load %arg5[%get3A_5, %get3A_6] : memref<1x64xf32, #tpu.memory_space<vmem>>, vector<1x64xf32>
    %get3A_8 = arith.constant 0 : index
    %get3A_9 = arith.constant 0 : index
    %get3A_10 = vector.load %arg3[%get3A_8, %get3A_9] : memref<1x64xf32, #tpu.memory_space<vmem>>, vector<1x64xf32>
    %broadcast_in_dim3A = vector.shape_cast %get3A_10 : vector<1x64xf32> to vector<1x1x64xf32>
    %sub3A = vector.broadcast %broadcast_in_dim3A : vector<1x1x64xf32> to vector<10x256x64xf32>
    %sub3A_11 = arith.subf %get3A_4, %sub3A : vector<10x256x64xf32>
    %broadcast_in_dim3A_12 = vector.shape_cast %get3A_7 : vector<1x64xf32> to vector<1x1x64xf32>
    %mul3A = vector.broadcast %broadcast_in_dim3A_12 : vector<1x1x64xf32> to vector<10x256x64xf32>
    %mul3A_13 = arith.mulf %mul3A, %sub3A_11 : vector<10x256x64xf32>
    %get3A_14 = arith.constant 0 : index
    %get3A_15 = arith.constant 0 : index
    %get3A_16 = vector.load %arg4[%get3A_14, %get3A_15] : memref<1x64xf32, #tpu.memory_space<vmem>>, vector<1x64xf32>
    %broadcast_in_dim3A_17 = vector.shape_cast %get3A_16 : vector<1x64xf32> to vector<1x1x64xf32>
    %div3A = vector.broadcast %broadcast_in_dim3A_17 : vector<1x1x64xf32> to vector<10x256x64xf32>
    %div3A_18 = arith.divf %mul3A_13, %div3A : vector<10x256x64xf32>
    %get3A_19 = arith.constant 0 : index
    %get3A_20 = arith.constant 0 : index
    %get3A_21 = vector.load %arg6[%get3A_19, %get3A_20] : memref<1x64xf32, #tpu.memory_space<vmem>>, vector<1x64xf32>
    %broadcast_in_dim3A_22 = vector.shape_cast %get3A_21 : vector<1x64xf32> to vector<1x1x64xf32>
    %add3A = vector.broadcast %broadcast_in_dim3A_22 : vector<1x1x64xf32> to vector<10x256x64xf32>
    %add3A_23 = arith.addf %div3A_18, %add3A : vector<10x256x64xf32>
    %reshape3A = vector.shape_cast %add3A_23 : vector<10x256x64xf32> to vector<2560x64xf32>
    %get3A_24 = arith.constant 0 : index
    %get3A_25 = arith.constant 0 : index
    %get3A_26 = vector.load %arg7[%get3A_24, %get3A_25] : memref<64x64xf32, #tpu.memory_space<vmem>>, vector<64x64xf32>
    %dot_general3A = arith.constant dense<0.000000e+00> : vector<2560x64xf32>
    %dot_general3A_27 = tpu.matmul %reshape3A, %get3A_26, %dot_general3A {dimension_numbers = #tpu.dot_dimension_numbers<[1], [0], [0], [1], [0, 0, 1, 1], [], []>, transpose_lhs_hint = false} : vector<2560x64xf32>, vector<64x64xf32>, vector<2560x64xf32> -> vector<2560x64xf32>
    %get3A_28 = arith.constant 0 : index
    %get3A_29 = arith.constant 0 : index
    %get3A_30 = vector.load %arg8[%get3A_28, %get3A_29] : memref<1x64xf32, #tpu.memory_space<vmem>>, vector<1x64xf32>
    %add3A_31 = vector.broadcast %get3A_30 : vector<1x64xf32> to vector<2560x64xf32>
    %add3A_32 = arith.addf %dot_general3A_27, %add3A_31 : vector<2560x64xf32>
    %max3A = arith.constant 0.000000e+00 : f32
    %max3A_33 = vector.broadcast %max3A : f32 to vector<2560x64xf32>
    %max3A_34 = arith.maximumf %add3A_32, %max3A_33 : vector<2560x64xf32>
    %reshape3A_35 = vector.shape_cast %max3A_34 : vector<2560x64xf32> to vector<10x256x64xf32>
    %reduce_max3A = arith.constant dense<0xFF800000> : vector<256x64xf32>
    %reduce_max3A_36 = vector.multi_reduction <maximumf>, %reshape3A_35, %reduce_max3A [0] : vector<10x256x64xf32> to vector<256x64xf32>
    %swap3A = arith.constant 0 : index
    %swap3A_37 = arith.constant 0 : index
    %swap3A_38 = arith.constant 0 : index
    %swap3A_39 = vector.load %arg9[%swap3A, %swap3A_37, %swap3A_38] : memref<1x256x64xf32, #tpu.memory_space<vmem>>, vector<1x256x64xf32>
    %swap3A_40 = vector.shape_cast %swap3A_39 : vector<1x256x64xf32> to vector<256x64xf32>
    %swap3A_41 = vector.shape_cast %reduce_max3A_36 : vector<256x64xf32> to vector<1x256x64xf32>
    tpu.vector_store %arg9[%swap3A, %swap3A_37, %swap3A_38], %swap3A_41 {strides = array<i32>} : memref<1x256x64xf32, #tpu.memory_space<vmem>>, vector<1x256x64xf32>,
    %reduce_min3A = arith.constant dense<0x7F800000> : vector<256x64xf32>
    %reduce_min3A_42 = vector.multi_reduction <minimumf>, %reshape3A_35, %reduce_min3A [0] : vector<10x256x64xf32> to vector<256x64xf32>
    %swap3A_43 = arith.constant 0 : index
    %swap3A_44 = arith.constant 0 : index
    %swap3A_45 = arith.constant 0 : index
    %swap3A_46 = vector.load %arg10[%swap3A_43, %swap3A_44, %swap3A_45] : memref<1x256x64xf32, #tpu.memory_space<vmem>>, vector<1x256x64xf32>
    %swap3A_47 = vector.shape_cast %swap3A_46 : vector<1x256x64xf32> to vector<256x64xf32>
    %swap3A_48 = vector.shape_cast %reduce_min3A_42 : vector<256x64xf32> to vector<1x256x64xf32>
    tpu.vector_store %arg10[%swap3A_43, %swap3A_44, %swap3A_45], %swap3A_48 {strides = array<i32>} : memref<1x256x64xf32, #tpu.memory_space<vmem>>, vector<1x256x64xf32>,
    %reduce_sum3A = arith.constant dense<0.000000e+00> : vector<64xf32>
    %reduce_sum3A_49 = vector.multi_reduction <add>, %max3A_34, %reduce_sum3A [0] : vector<2560x64xf32> to vector<64xf32>
    %broadcast_in_dim3A_50 = vector.shape_cast %reduce_sum3A_49 : vector<64xf32> to vector<1x64xf32>
    %div3A_51 = arith.constant 2.560000e+03 : f32
    %div3A_52 = vector.broadcast %div3A_51 : f32 to vector<1x64xf32>
    %div3A_53 = arith.divf %broadcast_in_dim3A_50, %div3A_52 : vector<1x64xf32>
    %eq3A = arith.constant 0 : i32
    %eq3A_54 = arith.cmpi eq, %arg0, %eq3A : i32
    %eq3A_55 = arith.constant 0 : i32
    %eq3A_56 = arith.cmpi eq, %arg1, %eq3A_55 : i32
    %and3A = arith.andi %eq3A_54, %eq3A_56 : i1
    %convert_element_type3A = arith.extui %and3A : i1 to i32
    %cond3A = arith.constant 0 : i32
    %cond3A_57 = arith.cmpi ne, %convert_element_type3A, %cond3A : i32
    scf.if %cond3A_57 {
      %broadcast_in_dim3A_108 = arith.constant 0.000000e+00 : f32
      %broadcast_in_dim3A_109 = vector.broadcast %broadcast_in_dim3A_108 : f32 to vector<8x128xf32>
      %swap3A_110 = arith.constant 0 : index
      %swap3A_111 = arith.constant 0 : index
      %swap3A_112 = vector.load %arg11[%swap3A_110, %swap3A_111] : memref<8x128xf32, #tpu.memory_space<vmem>>, vector<8x128xf32>
      tpu.vector_store %arg11[%swap3A_110, %swap3A_111], %broadcast_in_dim3A_109 {strides = array<i32>} : memref<8x128xf32, #tpu.memory_space<vmem>>, vector<8x128xf32>,
      %swap3A_113 = arith.constant 2 : index
      %swap3A_114 = arith.constant 0 : index
      %swap3A_115 = vector.load %arg11[%swap3A_113, %swap3A_114] : memref<8x128xf32, #tpu.memory_space<vmem>>, vector<1x64xf32>
      tpu.vector_store %arg11[%swap3A_113, %swap3A_114], %div3A_53 {strides = array<i32>} : memref<8x128xf32, #tpu.memory_space<vmem>>, vector<1x64xf32>,
    } else {
    }
    %get3A_58 = arith.constant 2 : index
    %get3A_59 = arith.constant 0 : index
    %get3A_60 = vector.load %arg11[%get3A_58, %get3A_59] : memref<8x128xf32, #tpu.memory_space<vmem>>, vector<1x64xf32>
    %sub3A_61 = vector.broadcast %get3A_60 : vector<1x64xf32> to vector<2560x64xf32>
    %sub3A_62 = arith.subf %max3A_34, %sub3A_61 : vector<2560x64xf32>
    %reduce_sum3A_63 = arith.constant dense<0.000000e+00> : vector<64xf32>
    %reduce_sum3A_64 = vector.multi_reduction <add>, %sub3A_62, %reduce_sum3A_63 [0] : vector<2560x64xf32> to vector<64xf32>
    %broadcast_in_dim3A_65 = vector.shape_cast %reduce_sum3A_64 : vector<64xf32> to vector<1x64xf32>
    %mul3A_66 = arith.mulf %sub3A_62, %sub3A_62 : vector<2560x64xf32>
    %reduce_sum3A_67 = arith.constant dense<0.000000e+00> : vector<64xf32>
    %reduce_sum3A_68 = vector.multi_reduction <add>, %mul3A_66, %reduce_sum3A_67 [0] : vector<2560x64xf32> to vector<64xf32>
    %broadcast_in_dim3A_69 = vector.shape_cast %reduce_sum3A_68 : vector<64xf32> to vector<1x64xf32>
    %get3A_70 = arith.constant 3 : index
    %get3A_71 = arith.constant 0 : index
    %get3A_72 = vector.load %arg11[%get3A_70, %get3A_71] : memref<8x128xf32, #tpu.memory_space<vmem>>, vector<1x64xf32>
    %sub3A_73 = arith.subf %broadcast_in_dim3A_65, %get3A_72 : vector<1x64xf32>
    %get3A_74 = arith.constant 0 : index
    %get3A_75 = arith.constant 0 : index
    %get3A_76 = vector.load %arg11[%get3A_74, %get3A_75] : memref<8x128xf32, #tpu.memory_space<vmem>>, vector<1x64xf32>
    %add3A_77 = arith.addf %get3A_76, %sub3A_73 : vector<1x64xf32>
    %get3A_78 = arith.constant 0 : index
    %get3A_79 = arith.constant 0 : index
    %get3A_80 = vector.load %arg11[%get3A_78, %get3A_79] : memref<8x128xf32, #tpu.memory_space<vmem>>, vector<1x64xf32>
    %sub3A_81 = arith.subf %add3A_77, %get3A_80 : vector<1x64xf32>
    %sub3A_82 = arith.subf %sub3A_81, %sub3A_73 : vector<1x64xf32>
    %swap3A_83 = arith.constant 3 : index
    %swap3A_84 = arith.constant 0 : index
    %swap3A_85 = vector.load %arg11[%swap3A_83, %swap3A_84] : memref<8x128xf32, #tpu.memory_space<vmem>>, vector<1x64xf32>
    tpu.vector_store %arg11[%swap3A_83, %swap3A_84], %sub3A_82 {strides = array<i32>} : memref<8x128xf32, #tpu.memory_space<vmem>>, vector<1x64xf32>,
    %swap3A_86 = arith.constant 0 : index
    %swap3A_87 = arith.constant 0 : index
    %swap3A_88 = vector.load %arg11[%swap3A_86, %swap3A_87] : memref<8x128xf32, #tpu.memory_space<vmem>>, vector<1x64xf32>
    tpu.vector_store %arg11[%swap3A_86, %swap3A_87], %add3A_77 {strides = array<i32>} : memref<8x128xf32, #tpu.memory_space<vmem>>, vector<1x64xf32>,
    %get3A_89 = arith.constant 4 : index
    %get3A_90 = arith.constant 0 : index
    %get3A_91 = vector.load %arg11[%get3A_89, %get3A_90] : memref<8x128xf32, #tpu.memory_space<vmem>>, vector<1x64xf32>
    %sub3A_92 = arith.subf %broadcast_in_dim3A_69, %get3A_91 : vector<1x64xf32>
    %get3A_93 = arith.constant 1 : index
    %get3A_94 = arith.constant 0 : index
    %get3A_95 = vector.load %arg11[%get3A_93, %get3A_94] : memref<8x128xf32, #tpu.memory_space<vmem>>, vector<1x64xf32>
    %add3A_96 = arith.addf %get3A_95, %sub3A_92 : vector<1x64xf32>
    %get3A_97 = arith.constant 1 : index
    %get3A_98 = arith.constant 0 : index
    %get3A_99 = vector.load %arg11[%get3A_97, %get3A_98] : memref<8x128xf32, #tpu.memory_space<vmem>>, vector<1x64xf32>
    %sub3A_100 = arith.subf %add3A_96, %get3A_99 : vector<1x64xf32>
    %sub3A_101 = arith.subf %sub3A_100, %sub3A_92 : vector<1x64xf32>
    %swap3A_102 = arith.constant 4 : index
    %swap3A_103 = arith.constant 0 : index
    %swap3A_104 = vector.load %arg11[%swap3A_102, %swap3A_103] : memref<8x128xf32, #tpu.memory_space<vmem>>, vector<1x64xf32>
    tpu.vector_store %arg11[%swap3A_102, %swap3A_103], %sub3A_101 {strides = array<i32>} : memref<8x128xf32, #tpu.memory_space<vmem>>, vector<1x64xf32>,
    %swap3A_105 = arith.constant 1 : index
    %swap3A_106 = arith.constant 0 : index
    %swap3A_107 = vector.load %arg11[%swap3A_105, %swap3A_106] : memref<8x128xf32, #tpu.memory_space<vmem>>, vector<1x64xf32>
    tpu.vector_store %arg11[%swap3A_105, %swap3A_106], %add3A_96 {strides = array<i32>} : memref<8x128xf32, #tpu.memory_space<vmem>>, vector<1x64xf32>,
    return
  }
  func.func @transform_0(%arg0: i32, %arg1: i32) -> (i32, i32, i32, i32) {
    %c0_i32 = arith.constant 0 : i32
    %c0_i32_0 = arith.constant 0 : i32
    %c0_i32_1 = arith.constant 0 : i32
    return %arg0, %c0_i32, %arg1, %c0_i32_0 : i32, i32, i32, i32
  }
  func.func @transform_1(%arg0: i32, %arg1: i32) -> (i32, i32) {
    %c0_i32 = arith.constant 0 : i32
    %c0_i32_0 = arith.constant 0 : i32
    %c0_i32_1 = arith.constant 0 : i32
    return %c0_i32, %c0_i32_0 : i32, i32
  }
  func.func @transform_2(%arg0: i32, %arg1: i32) -> (i32, i32) {
    %c0_i32 = arith.constant 0 : i32
    %c0_i32_0 = arith.constant 0 : i32
    %c0_i32_1 = arith.constant 0 : i32
    return %c0_i32, %c0_i32_0 : i32, i32
  }
  func.func @transform_3(%arg0: i32, %arg1: i32) -> (i32, i32) {
    %c0_i32 = arith.constant 0 : i32
    %c0_i32_0 = arith.constant 0 : i32
    %c0_i32_1 = arith.constant 0 : i32
    return %c0_i32, %c0_i32_0 : i32, i32
  }
  func.func @transform_4(%arg0: i32, %arg1: i32) -> (i32, i32) {
    %c0_i32 = arith.constant 0 : i32
    %c0_i32_0 = arith.constant 0 : i32
    %c0_i32_1 = arith.constant 0 : i32
    return %c0_i32, %c0_i32_0 : i32, i32
  }
  func.func @transform_5(%arg0: i32, %arg1: i32) -> (i32, i32) {
    %c0_i32 = arith.constant 0 : i32
    %c0_i32_0 = arith.constant 0 : i32
    %c0_i32_1 = arith.constant 0 : i32
    return %c0_i32, %c0_i32_0 : i32, i32
  }
  func.func @transform_6(%arg0: i32, %arg1: i32) -> (i32, i32) {
    %c0_i32 = arith.constant 0 : i32
    %c0_i32_0 = arith.constant 0 : i32
    %c0_i32_1 = arith.constant 0 : i32
    return %c0_i32, %c0_i32_0 : i32, i32
  }
  func.func @transform_7(%arg0: i32, %arg1: i32) -> (i32, i32, i32) {
    %c0_i32 = arith.constant 0 : i32
    %c0_i32_0 = arith.constant 0 : i32
    return %arg0, %arg1, %c0_i32 : i32, i32, i32
  }
  func.func @transform_8(%arg0: i32, %arg1: i32) -> (i32, i32, i32) {
    %c0_i32 = arith.constant 0 : i32
    %c0_i32_0 = arith.constant 0 : i32
    return %arg0, %arg1, %c0_i32 : i32, i32, i32
  }
  func.func @transform_9(%arg0: i32, %arg1: i32) -> (i32, i32) {
    %c0_i32 = arith.constant 0 : i32
    %c0_i32_0 = arith.constant 0 : i32
    %c0_i32_1 = arith.constant 0 : i32
    return %c0_i32, %c0_i32_0 : i32, i32
  }
}

module attributes {stable_mosaic.version = 14 : i64} {
  func.func @_k6_body(%arg0: i32, %arg1: memref<1x1024x64xf32, #tpu.memory_space<vmem>>, %arg2: memref<1x1024x64xf32, #tpu.memory_space<vmem>>, %arg3: memref<1x64xf32, #tpu.memory_space<vmem>>, %arg4: memref<1x64xf32, #tpu.memory_space<vmem>>, %arg5: memref<1x64xf32, #tpu.memory_space<vmem>>, %arg6: memref<1x64xf32, #tpu.memory_space<vmem>>, %arg7: memref<64x1xf32, #tpu.memory_space<vmem>>, %arg8: memref<1x1xf32, #tpu.memory_space<vmem>>, %arg9: memref<1x512x64xf32, #tpu.memory_space<vmem>>, %arg10: memref<1x1x64xf32, #tpu.memory_space<vmem>>) attributes {dimension_semantics = [#tpu.dimension_semantics<arbitrary>], iteration_bounds = array<i64: 16>, scalar_prefetch = 0 : i64, scratch_operands = 0 : i64, tpu.core_type = #tpu.core_type<tc>, window_params = [{transform_indices = @transform_0, window_bounds = array<i64: 1, 1024, 64>}, {transform_indices = @transform_1, window_bounds = array<i64: 1, 1024, 64>}, {pipeline_mode = #tpu.pipeline_mode<synchronous>, transform_indices = @transform_2, window_bounds = array<i64: 1, 64>}, {pipeline_mode = #tpu.pipeline_mode<synchronous>, transform_indices = @transform_3, window_bounds = array<i64: 1, 64>}, {pipeline_mode = #tpu.pipeline_mode<synchronous>, transform_indices = @transform_4, window_bounds = array<i64: 1, 64>}, {pipeline_mode = #tpu.pipeline_mode<synchronous>, transform_indices = @transform_5, window_bounds = array<i64: 1, 64>}, {pipeline_mode = #tpu.pipeline_mode<synchronous>, transform_indices = @transform_6, window_bounds = array<i64: 64, 1>}, {pipeline_mode = #tpu.pipeline_mode<synchronous>, transform_indices = @transform_7, window_bounds = array<i64: 1, 1>}, {transform_indices = @transform_8, window_bounds = array<i64: 1, 512, 64>}, {transform_indices = @transform_9, window_bounds = array<i64: 1, 1, 64>}]} {
    %get3A = arith.constant 0 : index
    %get3A_0 = arith.constant 0 : index
    %get3A_1 = vector.load %arg3[%get3A, %get3A_0] : memref<1x64xf32, #tpu.memory_space<vmem>>, vector<1x64xf32>
    %get3A_2 = arith.constant 0 : index
    %get3A_3 = arith.constant 0 : index
    %get3A_4 = vector.load %arg4[%get3A_2, %get3A_3] : memref<1x64xf32, #tpu.memory_space<vmem>>, vector<1x64xf32>
    %get3A_5 = arith.constant 0 : index
    %get3A_6 = arith.constant 0 : index
    %get3A_7 = vector.load %arg5[%get3A_5, %get3A_6] : memref<1x64xf32, #tpu.memory_space<vmem>>, vector<1x64xf32>
    %get3A_8 = arith.constant 0 : index
    %get3A_9 = arith.constant 0 : index
    %get3A_10 = vector.load %arg6[%get3A_8, %get3A_9] : memref<1x64xf32, #tpu.memory_space<vmem>>, vector<1x64xf32>
    %gt3A = arith.constant 0.000000e+00 : f32
    %gt3A_11 = vector.broadcast %gt3A : f32 to vector<1x64xf32>
    %gt3A_12 = arith.cmpf ogt, %get3A_7, %gt3A_11 : vector<1x64xf32>
    %get3A_13 = arith.constant 0 : index
    %get3A_14 = arith.constant 0 : index
    %get3A_15 = arith.constant 0 : index
    %get3A_16 = vector.load %arg1[%get3A_13, %get3A_14, %get3A_15] : memref<1x1024x64xf32, #tpu.memory_space<vmem>>, vector<1x1024x64xf32>
    %get3A_17 = vector.shape_cast %get3A_16 : vector<1x1024x64xf32> to vector<1024x64xf32>
    %get3A_18 = arith.constant 0 : index
    %get3A_19 = arith.constant 0 : index
    %get3A_20 = arith.constant 0 : index
    %get3A_21 = vector.load %arg2[%get3A_18, %get3A_19, %get3A_20] : memref<1x1024x64xf32, #tpu.memory_space<vmem>>, vector<1x1024x64xf32>
    %get3A_22 = vector.shape_cast %get3A_21 : vector<1x1024x64xf32> to vector<1024x64xf32>
    %broadcast_in_dim3A = vector.shape_cast %gt3A_12 : vector<1x64xi1> to vector<1x64xi1>
    %broadcast_in_dim3A_23 = vector.broadcast %broadcast_in_dim3A : vector<1x64xi1> to vector<1024x64xi1>
    %select_n3A = arith.select %broadcast_in_dim3A_23, %get3A_17, %get3A_22 : vector<1024x64xi1>, vector<1024x64xf32>
    %sub3A = vector.broadcast %get3A_1 : vector<1x64xf32> to vector<1024x64xf32>
    %sub3A_24 = arith.subf %select_n3A, %sub3A : vector<1024x64xf32>
    %mul3A = vector.broadcast %get3A_7 : vector<1x64xf32> to vector<1024x64xf32>
    %mul3A_25 = arith.mulf %mul3A, %sub3A_24 : vector<1024x64xf32>
    %div3A = vector.broadcast %get3A_4 : vector<1x64xf32> to vector<1024x64xf32>
    %div3A_26 = arith.divf %mul3A_25, %div3A : vector<1024x64xf32>
    %add3A = vector.broadcast %get3A_10 : vector<1x64xf32> to vector<1024x64xf32>
    %add3A_27 = arith.addf %div3A_26, %add3A : vector<1024x64xf32>
    %get3A_28 = arith.constant 0 : index
    %get3A_29 = arith.constant 0 : index
    %get3A_30 = vector.load %arg7[%get3A_28, %get3A_29] : memref<64x1xf32, #tpu.memory_space<vmem>>, vector<64x1xf32>
    %dot_general3A = arith.constant dense<0.000000e+00> : vector<1024x1xf32>
    %dot_general3A_31 = tpu.matmul %add3A_27, %get3A_30, %dot_general3A {dimension_numbers = #tpu.dot_dimension_numbers<[1], [0], [0], [1], [0, 0, 1, 1], [], []>, transpose_lhs_hint = false} : vector<1024x64xf32>, vector<64x1xf32>, vector<1024x1xf32> -> vector<1024x1xf32>
    %get3A_32 = arith.constant 0 : index
    %get3A_33 = arith.constant 0 : index
    %get3A_34 = vector.load %arg8[%get3A_32, %get3A_33] : memref<1x1xf32, #tpu.memory_space<vmem>>, vector<1x1xf32>
    %get3A_35 = vector.extract %get3A_34[0, 0] : f32 from vector<1x1xf32>
    %div3A_36 = vector.broadcast %get3A_35 : f32 to vector<1024x1xf32>
    %div3A_37 = arith.divf %dot_general3A_31, %div3A_36 : vector<1024x1xf32>
    %tanh3A = math.tanh %div3A_37 : vector<1024x1xf32>
    %broadcast_in_dim3A_38 = arith.constant 0.000000e+00 : f32
    %broadcast_in_dim3A_39 = vector.broadcast %broadcast_in_dim3A_38 : f32 to vector<1x1024xf32>
    %iota3A = tpu.iota {dimensions = array<i32: 0>} : vector<256x1024xi32>
    %add3A_40 = arith.constant 0 : i32
    %add3A_41 = vector.broadcast %add3A_40 : i32 to vector<256x1024xi32>
    %add3A_42 = arith.addi %iota3A, %add3A_41 : vector<256x1024xi32>
    %iota3A_43 = tpu.iota {dimensions = array<i32: 1>} : vector<256x1024xi32>
    %slice3A = vector.extract_strided_slice %tanh3A {offsets = [0, 0], sizes = [256, 1], strides = [1, 1]} : vector<1024x1xf32> to vector<256x1xf32>
    %eq3A = arith.cmpi eq, %add3A_42, %iota3A_43 : vector<256x1024xi32>
    %jit3A = arith.constant 0.000000e+00 : f32
    %broadcast_in_dim3A_44 = vector.shape_cast %slice3A : vector<256x1xf32> to vector<256x1xf32>
    %broadcast_in_dim3A_45 = vector.broadcast %broadcast_in_dim3A_44 : vector<256x1xf32> to vector<256x1024xf32>
    %broadcast_in_dim3A_46 = vector.broadcast %jit3A : f32 to vector<256x1024xf32>
    %select_n3A_47 = arith.select %eq3A, %broadcast_in_dim3A_45, %broadcast_in_dim3A_46 : vector<256x1024xi1>, vector<256x1024xf32>
    %reduce_sum3A = arith.constant dense<0.000000e+00> : vector<1024xf32>
    %reduce_sum3A_48 = vector.multi_reduction <add>, %select_n3A_47, %reduce_sum3A [0] : vector<256x1024xf32> to vector<1024xf32>
    %broadcast_in_dim3A_49 = vector.shape_cast %reduce_sum3A_48 : vector<1024xf32> to vector<1x1024xf32>
    %add3A_50 = arith.addf %broadcast_in_dim3A_39, %broadcast_in_dim3A_49 : vector<1x1024xf32>
    %iota3A_51 = tpu.iota {dimensions = array<i32: 0>} : vector<256x1024xi32>
    %add3A_52 = arith.constant 256 : i32
    %add3A_53 = vector.broadcast %add3A_52 : i32 to vector<256x1024xi32>
    %add3A_54 = arith.addi %iota3A_51, %add3A_53 : vector<256x1024xi32>
    %iota3A_55 = tpu.iota {dimensions = array<i32: 1>} : vector<256x1024xi32>
    %slice3A_56 = vector.extract_strided_slice %tanh3A {offsets = [256, 0], sizes = [256, 1], strides = [1, 1]} : vector<1024x1xf32> to vector<256x1xf32>
    %eq3A_57 = arith.cmpi eq, %add3A_54, %iota3A_55 : vector<256x1024xi32>
    %jit3A_58 = arith.constant 0.000000e+00 : f32
    %broadcast_in_dim3A_59 = vector.shape_cast %slice3A_56 : vector<256x1xf32> to vector<256x1xf32>
    %broadcast_in_dim3A_60 = vector.broadcast %broadcast_in_dim3A_59 : vector<256x1xf32> to vector<256x1024xf32>
    %broadcast_in_dim3A_61 = vector.broadcast %jit3A_58 : f32 to vector<256x1024xf32>
    %select_n3A_62 = arith.select %eq3A_57, %broadcast_in_dim3A_60, %broadcast_in_dim3A_61 : vector<256x1024xi1>, vector<256x1024xf32>
    %reduce_sum3A_63 = arith.constant dense<0.000000e+00> : vector<1024xf32>
    %reduce_sum3A_64 = vector.multi_reduction <add>, %select_n3A_62, %reduce_sum3A_63 [0] : vector<256x1024xf32> to vector<1024xf32>
    %broadcast_in_dim3A_65 = vector.shape_cast %reduce_sum3A_64 : vector<1024xf32> to vector<1x1024xf32>
    %add3A_66 = arith.addf %add3A_50, %broadcast_in_dim3A_65 : vector<1x1024xf32>
    %iota3A_67 = tpu.iota {dimensions = array<i32: 0>} : vector<256x1024xi32>
    %add3A_68 = arith.constant 512 : i32
    %add3A_69 = vector.broadcast %add3A_68 : i32 to vector<256x1024xi32>
    %add3A_70 = arith.addi %iota3A_67, %add3A_69 : vector<256x1024xi32>
    %iota3A_71 = tpu.iota {dimensions = array<i32: 1>} : vector<256x1024xi32>
    %slice3A_72 = vector.extract_strided_slice %tanh3A {offsets = [512, 0], sizes = [256, 1], strides = [1, 1]} : vector<1024x1xf32> to vector<256x1xf32>
    %eq3A_73 = arith.cmpi eq, %add3A_70, %iota3A_71 : vector<256x1024xi32>
    %jit3A_74 = arith.constant 0.000000e+00 : f32
    %broadcast_in_dim3A_75 = vector.shape_cast %slice3A_72 : vector<256x1xf32> to vector<256x1xf32>
    %broadcast_in_dim3A_76 = vector.broadcast %broadcast_in_dim3A_75 : vector<256x1xf32> to vector<256x1024xf32>
    %broadcast_in_dim3A_77 = vector.broadcast %jit3A_74 : f32 to vector<256x1024xf32>
    %select_n3A_78 = arith.select %eq3A_73, %broadcast_in_dim3A_76, %broadcast_in_dim3A_77 : vector<256x1024xi1>, vector<256x1024xf32>
    %reduce_sum3A_79 = arith.constant dense<0.000000e+00> : vector<1024xf32>
    %reduce_sum3A_80 = vector.multi_reduction <add>, %select_n3A_78, %reduce_sum3A_79 [0] : vector<256x1024xf32> to vector<1024xf32>
    %broadcast_in_dim3A_81 = vector.shape_cast %reduce_sum3A_80 : vector<1024xf32> to vector<1x1024xf32>
    %add3A_82 = arith.addf %add3A_66, %broadcast_in_dim3A_81 : vector<1x1024xf32>
    %iota3A_83 = tpu.iota {dimensions = array<i32: 0>} : vector<256x1024xi32>
    %add3A_84 = arith.constant 768 : i32
    %add3A_85 = vector.broadcast %add3A_84 : i32 to vector<256x1024xi32>
    %add3A_86 = arith.addi %iota3A_83, %add3A_85 : vector<256x1024xi32>
    %iota3A_87 = tpu.iota {dimensions = array<i32: 1>} : vector<256x1024xi32>
    %slice3A_88 = vector.extract_strided_slice %tanh3A {offsets = [768, 0], sizes = [256, 1], strides = [1, 1]} : vector<1024x1xf32> to vector<256x1xf32>
    %eq3A_89 = arith.cmpi eq, %add3A_86, %iota3A_87 : vector<256x1024xi32>
    %jit3A_90 = arith.constant 0.000000e+00 : f32
    %broadcast_in_dim3A_91 = vector.shape_cast %slice3A_88 : vector<256x1xf32> to vector<256x1xf32>
    %broadcast_in_dim3A_92 = vector.broadcast %broadcast_in_dim3A_91 : vector<256x1xf32> to vector<256x1024xf32>
    %broadcast_in_dim3A_93 = vector.broadcast %jit3A_90 : f32 to vector<256x1024xf32>
    %select_n3A_94 = arith.select %eq3A_89, %broadcast_in_dim3A_92, %broadcast_in_dim3A_93 : vector<256x1024xi1>, vector<256x1024xf32>
    %reduce_sum3A_95 = arith.constant dense<0.000000e+00> : vector<1024xf32>
    %reduce_sum3A_96 = vector.multi_reduction <add>, %select_n3A_94, %reduce_sum3A_95 [0] : vector<256x1024xf32> to vector<1024xf32>
    %broadcast_in_dim3A_97 = vector.shape_cast %reduce_sum3A_96 : vector<1024xf32> to vector<1x1024xf32>
    %add3A_98 = arith.addf %add3A_82, %broadcast_in_dim3A_97 : vector<1x1024xf32>
    %broadcast_in_dim3A_99 = arith.constant 0 : i32
    %broadcast_in_dim3A_100 = vector.broadcast %broadcast_in_dim3A_99 : i32 to vector<1x1024xi32>
    %broadcast_in_dim3A_101 = arith.constant -3.000000e+38 : f32
    %broadcast_in_dim3A_102 = vector.broadcast %broadcast_in_dim3A_101 : f32 to vector<1x64xf32>
    %iota3A_103 = tpu.iota {dimensions = array<i32: 0>} : vector<256x1024xi32>
    %add3A_104 = arith.constant 0 : i32
    %add3A_105 = vector.broadcast %add3A_104 : i32 to vector<256x1024xi32>
    %add3A_106 = arith.addi %iota3A_103, %add3A_105 : vector<256x1024xi32>
    %iota3A_107 = tpu.iota {dimensions = array<i32: 1>} : vector<256x1024xi32>
    %slice3A_108 = vector.extract_strided_slice %tanh3A {offsets = [0, 0], sizes = [256, 1], strides = [1, 1]} : vector<1024x1xf32> to vector<256x1xf32>
    %gt3A_109 = vector.broadcast %add3A_98 : vector<1x1024xf32> to vector<256x1024xf32>
    %gt3A_110 = vector.broadcast %slice3A_108 : vector<256x1xf32> to vector<256x1024xf32>
    %gt3A_111 = arith.cmpf ogt, %gt3A_109, %gt3A_110 : vector<256x1024xf32>
    %eq3A_112 = vector.broadcast %add3A_98 : vector<1x1024xf32> to vector<256x1024xf32>
    %eq3A_113 = vector.broadcast %slice3A_108 : vector<256x1xf32> to vector<256x1024xf32>
    %eq3A_114 = arith.cmpf oeq, %eq3A_112, %eq3A_113 : vector<256x1024xf32>
    %lt3A = arith.cmpi slt, %iota3A_107, %add3A_106 : vector<256x1024xi32>
    %and3A = arith.andi %eq3A_114, %lt3A : vector<256x1024xi1>
    %or3A = arith.ori %gt3A_111, %and3A : vector<256x1024xi1>
    %convert_element_type3A = arith.extui %or3A : vector<256x1024xi1> to vector<256x1024xi32>
    %reduce_sum3A_115 = arith.constant dense<0> : vector<256xi32>
    %reduce_sum3A_116 = vector.multi_reduction <add>, %convert_element_type3A, %reduce_sum3A_115 [1] : vector<256x1024xi32> to vector<256xi32>
    %broadcast_in_dim3A_117 = vector.shape_cast %reduce_sum3A_116 : vector<256xi32> to vector<256x1xi32>
    %eq3A_118 = arith.cmpi eq, %add3A_106, %iota3A_107 : vector<256x1024xi32>
    %jit3A_119 = arith.constant 0 : i32
    %broadcast_in_dim3A_120 = vector.shape_cast %broadcast_in_dim3A_117 : vector<256x1xi32> to vector<256x1xi32>
    %broadcast_in_dim3A_121 = vector.broadcast %broadcast_in_dim3A_120 : vector<256x1xi32> to vector<256x1024xi32>
    %broadcast_in_dim3A_122 = vector.broadcast %jit3A_119 : i32 to vector<256x1024xi32>
    %select_n3A_123 = arith.select %eq3A_118, %broadcast_in_dim3A_121, %broadcast_in_dim3A_122 : vector<256x1024xi1>, vector<256x1024xi32>
    %reduce_sum3A_124 = arith.constant dense<0> : vector<1024xi32>
    %reduce_sum3A_125 = vector.multi_reduction <add>, %select_n3A_123, %reduce_sum3A_124 [0] : vector<256x1024xi32> to vector<1024xi32>
    %broadcast_in_dim3A_126 = vector.shape_cast %reduce_sum3A_125 : vector<1024xi32> to vector<1x1024xi32>
    %add3A_127 = arith.addi %broadcast_in_dim3A_100, %broadcast_in_dim3A_126 : vector<1x1024xi32>
    %slice3A_128 = vector.extract_strided_slice %add3A_27 {offsets = [0, 0], sizes = [256, 64], strides = [1, 1]} : vector<1024x64xf32> to vector<256x64xf32>
    %mul3A_129 = vector.broadcast %slice3A_108 : vector<256x1xf32> to vector<256x64xf32>
    %mul3A_130 = arith.mulf %slice3A_128, %mul3A_129 : vector<256x64xf32>
    %lt3A_131 = arith.constant 512 : i32
    %lt3A_132 = vector.broadcast %lt3A_131 : i32 to vector<256x1xi32>
    %lt3A_133 = arith.cmpi slt, %broadcast_in_dim3A_117, %lt3A_132 : vector<256x1xi32>
    %jit3A_134 = arith.constant -3.000000e+38 : f32
    %broadcast_in_dim3A_135 = vector.shape_cast %lt3A_133 : vector<256x1xi1> to vector<256x1xi1>
    %broadcast_in_dim3A_136 = vector.broadcast %broadcast_in_dim3A_135 : vector<256x1xi1> to vector<256x64xi1>
    %broadcast_in_dim3A_137 = vector.broadcast %jit3A_134 : f32 to vector<256x64xf32>
    %select_n3A_138 = arith.select %broadcast_in_dim3A_136, %mul3A_130, %broadcast_in_dim3A_137 : vector<256x64xi1>, vector<256x64xf32>
    %reduce_max3A = arith.constant dense<0xFF800000> : vector<64xf32>
    %reduce_max3A_139 = vector.multi_reduction <maximumf>, %select_n3A_138, %reduce_max3A [0] : vector<256x64xf32> to vector<64xf32>
    %broadcast_in_dim3A_140 = vector.shape_cast %reduce_max3A_139 : vector<64xf32> to vector<1x64xf32>
    %max3A = arith.maximumf %broadcast_in_dim3A_102, %broadcast_in_dim3A_140 : vector<1x64xf32>
    %iota3A_141 = tpu.iota {dimensions = array<i32: 0>} : vector<256x1024xi32>
    %add3A_142 = arith.constant 256 : i32
    %add3A_143 = vector.broadcast %add3A_142 : i32 to vector<256x1024xi32>
    %add3A_144 = arith.addi %iota3A_141, %add3A_143 : vector<256x1024xi32>
    %iota3A_145 = tpu.iota {dimensions = array<i32: 1>} : vector<256x1024xi32>
    %slice3A_146 = vector.extract_strided_slice %tanh3A {offsets = [256, 0], sizes = [256, 1], strides = [1, 1]} : vector<1024x1xf32> to vector<256x1xf32>
    %gt3A_147 = vector.broadcast %add3A_98 : vector<1x1024xf32> to vector<256x1024xf32>
    %gt3A_148 = vector.broadcast %slice3A_146 : vector<256x1xf32> to vector<256x1024xf32>
    %gt3A_149 = arith.cmpf ogt, %gt3A_147, %gt3A_148 : vector<256x1024xf32>
    %eq3A_150 = vector.broadcast %add3A_98 : vector<1x1024xf32> to vector<256x1024xf32>
    %eq3A_151 = vector.broadcast %slice3A_146 : vector<256x1xf32> to vector<256x1024xf32>
    %eq3A_152 = arith.cmpf oeq, %eq3A_150, %eq3A_151 : vector<256x1024xf32>
    %lt3A_153 = arith.cmpi slt, %iota3A_145, %add3A_144 : vector<256x1024xi32>
    %and3A_154 = arith.andi %eq3A_152, %lt3A_153 : vector<256x1024xi1>
    %or3A_155 = arith.ori %gt3A_149, %and3A_154 : vector<256x1024xi1>
    %convert_element_type3A_156 = arith.extui %or3A_155 : vector<256x1024xi1> to vector<256x1024xi32>
    %reduce_sum3A_157 = arith.constant dense<0> : vector<256xi32>
    %reduce_sum3A_158 = vector.multi_reduction <add>, %convert_element_type3A_156, %reduce_sum3A_157 [1] : vector<256x1024xi32> to vector<256xi32>
    %broadcast_in_dim3A_159 = vector.shape_cast %reduce_sum3A_158 : vector<256xi32> to vector<256x1xi32>
    %eq3A_160 = arith.cmpi eq, %add3A_144, %iota3A_145 : vector<256x1024xi32>
    %jit3A_161 = arith.constant 0 : i32
    %broadcast_in_dim3A_162 = vector.shape_cast %broadcast_in_dim3A_159 : vector<256x1xi32> to vector<256x1xi32>
    %broadcast_in_dim3A_163 = vector.broadcast %broadcast_in_dim3A_162 : vector<256x1xi32> to vector<256x1024xi32>
    %broadcast_in_dim3A_164 = vector.broadcast %jit3A_161 : i32 to vector<256x1024xi32>
    %select_n3A_165 = arith.select %eq3A_160, %broadcast_in_dim3A_163, %broadcast_in_dim3A_164 : vector<256x1024xi1>, vector<256x1024xi32>
    %reduce_sum3A_166 = arith.constant dense<0> : vector<1024xi32>
    %reduce_sum3A_167 = vector.multi_reduction <add>, %select_n3A_165, %reduce_sum3A_166 [0] : vector<256x1024xi32> to vector<1024xi32>
    %broadcast_in_dim3A_168 = vector.shape_cast %reduce_sum3A_167 : vector<1024xi32> to vector<1x1024xi32>
    %add3A_169 = arith.addi %add3A_127, %broadcast_in_dim3A_168 : vector<1x1024xi32>
    %slice3A_170 = vector.extract_strided_slice %add3A_27 {offsets = [256, 0], sizes = [256, 64], strides = [1, 1]} : vector<1024x64xf32> to vector<256x64xf32>
    %mul3A_171 = vector.broadcast %slice3A_146 : vector<256x1xf32> to vector<256x64xf32>
    %mul3A_172 = arith.mulf %slice3A_170, %mul3A_171 : vector<256x64xf32>
    %lt3A_173 = arith.constant 512 : i32
    %lt3A_174 = vector.broadcast %lt3A_173 : i32 to vector<256x1xi32>
    %lt3A_175 = arith.cmpi slt, %broadcast_in_dim3A_159, %lt3A_174 : vector<256x1xi32>
    %jit3A_176 = arith.constant -3.000000e+38 : f32
    %broadcast_in_dim3A_177 = vector.shape_cast %lt3A_175 : vector<256x1xi1> to vector<256x1xi1>
    %broadcast_in_dim3A_178 = vector.broadcast %broadcast_in_dim3A_177 : vector<256x1xi1> to vector<256x64xi1>
    %broadcast_in_dim3A_179 = vector.broadcast %jit3A_176 : f32 to vector<256x64xf32>
    %select_n3A_180 = arith.select %broadcast_in_dim3A_178, %mul3A_172, %broadcast_in_dim3A_179 : vector<256x64xi1>, vector<256x64xf32>
    %reduce_max3A_181 = arith.constant dense<0xFF800000> : vector<64xf32>
    %reduce_max3A_182 = vector.multi_reduction <maximumf>, %select_n3A_180, %reduce_max3A_181 [0] : vector<256x64xf32> to vector<64xf32>
    %broadcast_in_dim3A_183 = vector.shape_cast %reduce_max3A_182 : vector<64xf32> to vector<1x64xf32>
    %max3A_184 = arith.maximumf %max3A, %broadcast_in_dim3A_183 : vector<1x64xf32>
    %iota3A_185 = tpu.iota {dimensions = array<i32: 0>} : vector<256x1024xi32>
    %add3A_186 = arith.constant 512 : i32
    %add3A_187 = vector.broadcast %add3A_186 : i32 to vector<256x1024xi32>
    %add3A_188 = arith.addi %iota3A_185, %add3A_187 : vector<256x1024xi32>
    %iota3A_189 = tpu.iota {dimensions = array<i32: 1>} : vector<256x1024xi32>
    %slice3A_190 = vector.extract_strided_slice %tanh3A {offsets = [512, 0], sizes = [256, 1], strides = [1, 1]} : vector<1024x1xf32> to vector<256x1xf32>
    %gt3A_191 = vector.broadcast %add3A_98 : vector<1x1024xf32> to vector<256x1024xf32>
    %gt3A_192 = vector.broadcast %slice3A_190 : vector<256x1xf32> to vector<256x1024xf32>
    %gt3A_193 = arith.cmpf ogt, %gt3A_191, %gt3A_192 : vector<256x1024xf32>
    %eq3A_194 = vector.broadcast %add3A_98 : vector<1x1024xf32> to vector<256x1024xf32>
    %eq3A_195 = vector.broadcast %slice3A_190 : vector<256x1xf32> to vector<256x1024xf32>
    %eq3A_196 = arith.cmpf oeq, %eq3A_194, %eq3A_195 : vector<256x1024xf32>
    %lt3A_197 = arith.cmpi slt, %iota3A_189, %add3A_188 : vector<256x1024xi32>
    %and3A_198 = arith.andi %eq3A_196, %lt3A_197 : vector<256x1024xi1>
    %or3A_199 = arith.ori %gt3A_193, %and3A_198 : vector<256x1024xi1>
    %convert_element_type3A_200 = arith.extui %or3A_199 : vector<256x1024xi1> to vector<256x1024xi32>
    %reduce_sum3A_201 = arith.constant dense<0> : vector<256xi32>
    %reduce_sum3A_202 = vector.multi_reduction <add>, %convert_element_type3A_200, %reduce_sum3A_201 [1] : vector<256x1024xi32> to vector<256xi32>
    %broadcast_in_dim3A_203 = vector.shape_cast %reduce_sum3A_202 : vector<256xi32> to vector<256x1xi32>
    %eq3A_204 = arith.cmpi eq, %add3A_188, %iota3A_189 : vector<256x1024xi32>
    %jit3A_205 = arith.constant 0 : i32
    %broadcast_in_dim3A_206 = vector.shape_cast %broadcast_in_dim3A_203 : vector<256x1xi32> to vector<256x1xi32>
    %broadcast_in_dim3A_207 = vector.broadcast %broadcast_in_dim3A_206 : vector<256x1xi32> to vector<256x1024xi32>
    %broadcast_in_dim3A_208 = vector.broadcast %jit3A_205 : i32 to vector<256x1024xi32>
    %select_n3A_209 = arith.select %eq3A_204, %broadcast_in_dim3A_207, %broadcast_in_dim3A_208 : vector<256x1024xi1>, vector<256x1024xi32>
    %reduce_sum3A_210 = arith.constant dense<0> : vector<1024xi32>
    %reduce_sum3A_211 = vector.multi_reduction <add>, %select_n3A_209, %reduce_sum3A_210 [0] : vector<256x1024xi32> to vector<1024xi32>
    %broadcast_in_dim3A_212 = vector.shape_cast %reduce_sum3A_211 : vector<1024xi32> to vector<1x1024xi32>
    %add3A_213 = arith.addi %add3A_169, %broadcast_in_dim3A_212 : vector<1x1024xi32>
    %slice3A_214 = vector.extract_strided_slice %add3A_27 {offsets = [512, 0], sizes = [256, 64], strides = [1, 1]} : vector<1024x64xf32> to vector<256x64xf32>
    %mul3A_215 = vector.broadcast %slice3A_190 : vector<256x1xf32> to vector<256x64xf32>
    %mul3A_216 = arith.mulf %slice3A_214, %mul3A_215 : vector<256x64xf32>
    %lt3A_217 = arith.constant 512 : i32
    %lt3A_218 = vector.broadcast %lt3A_217 : i32 to vector<256x1xi32>
    %lt3A_219 = arith.cmpi slt, %broadcast_in_dim3A_203, %lt3A_218 : vector<256x1xi32>
    %jit3A_220 = arith.constant -3.000000e+38 : f32
    %broadcast_in_dim3A_221 = vector.shape_cast %lt3A_219 : vector<256x1xi1> to vector<256x1xi1>
    %broadcast_in_dim3A_222 = vector.broadcast %broadcast_in_dim3A_221 : vector<256x1xi1> to vector<256x64xi1>
    %broadcast_in_dim3A_223 = vector.broadcast %jit3A_220 : f32 to vector<256x64xf32>
    %select_n3A_224 = arith.select %broadcast_in_dim3A_222, %mul3A_216, %broadcast_in_dim3A_223 : vector<256x64xi1>, vector<256x64xf32>
    %reduce_max3A_225 = arith.constant dense<0xFF800000> : vector<64xf32>
    %reduce_max3A_226 = vector.multi_reduction <maximumf>, %select_n3A_224, %reduce_max3A_225 [0] : vector<256x64xf32> to vector<64xf32>
    %broadcast_in_dim3A_227 = vector.shape_cast %reduce_max3A_226 : vector<64xf32> to vector<1x64xf32>
    %max3A_228 = arith.maximumf %max3A_184, %broadcast_in_dim3A_227 : vector<1x64xf32>
    %iota3A_229 = tpu.iota {dimensions = array<i32: 0>} : vector<256x1024xi32>
    %add3A_230 = arith.constant 768 : i32
    %add3A_231 = vector.broadcast %add3A_230 : i32 to vector<256x1024xi32>
    %add3A_232 = arith.addi %iota3A_229, %add3A_231 : vector<256x1024xi32>
    %iota3A_233 = tpu.iota {dimensions = array<i32: 1>} : vector<256x1024xi32>
    %slice3A_234 = vector.extract_strided_slice %tanh3A {offsets = [768, 0], sizes = [256, 1], strides = [1, 1]} : vector<1024x1xf32> to vector<256x1xf32>
    %gt3A_235 = vector.broadcast %add3A_98 : vector<1x1024xf32> to vector<256x1024xf32>
    %gt3A_236 = vector.broadcast %slice3A_234 : vector<256x1xf32> to vector<256x1024xf32>
    %gt3A_237 = arith.cmpf ogt, %gt3A_235, %gt3A_236 : vector<256x1024xf32>
    %eq3A_238 = vector.broadcast %add3A_98 : vector<1x1024xf32> to vector<256x1024xf32>
    %eq3A_239 = vector.broadcast %slice3A_234 : vector<256x1xf32> to vector<256x1024xf32>
    %eq3A_240 = arith.cmpf oeq, %eq3A_238, %eq3A_239 : vector<256x1024xf32>
    %lt3A_241 = arith.cmpi slt, %iota3A_233, %add3A_232 : vector<256x1024xi32>
    %and3A_242 = arith.andi %eq3A_240, %lt3A_241 : vector<256x1024xi1>
    %or3A_243 = arith.ori %gt3A_237, %and3A_242 : vector<256x1024xi1>
    %convert_element_type3A_244 = arith.extui %or3A_243 : vector<256x1024xi1> to vector<256x1024xi32>
    %reduce_sum3A_245 = arith.constant dense<0> : vector<256xi32>
    %reduce_sum3A_246 = vector.multi_reduction <add>, %convert_element_type3A_244, %reduce_sum3A_245 [1] : vector<256x1024xi32> to vector<256xi32>
    %broadcast_in_dim3A_247 = vector.shape_cast %reduce_sum3A_246 : vector<256xi32> to vector<256x1xi32>
    %eq3A_248 = arith.cmpi eq, %add3A_232, %iota3A_233 : vector<256x1024xi32>
    %jit3A_249 = arith.constant 0 : i32
    %broadcast_in_dim3A_250 = vector.shape_cast %broadcast_in_dim3A_247 : vector<256x1xi32> to vector<256x1xi32>
    %broadcast_in_dim3A_251 = vector.broadcast %broadcast_in_dim3A_250 : vector<256x1xi32> to vector<256x1024xi32>
    %broadcast_in_dim3A_252 = vector.broadcast %jit3A_249 : i32 to vector<256x1024xi32>
    %select_n3A_253 = arith.select %eq3A_248, %broadcast_in_dim3A_251, %broadcast_in_dim3A_252 : vector<256x1024xi1>, vector<256x1024xi32>
    %reduce_sum3A_254 = arith.constant dense<0> : vector<1024xi32>
    %reduce_sum3A_255 = vector.multi_reduction <add>, %select_n3A_253, %reduce_sum3A_254 [0] : vector<256x1024xi32> to vector<1024xi32>
    %broadcast_in_dim3A_256 = vector.shape_cast %reduce_sum3A_255 : vector<1024xi32> to vector<1x1024xi32>
    %add3A_257 = arith.addi %add3A_213, %broadcast_in_dim3A_256 : vector<1x1024xi32>
    %slice3A_258 = vector.extract_strided_slice %add3A_27 {offsets = [768, 0], sizes = [256, 64], strides = [1, 1]} : vector<1024x64xf32> to vector<256x64xf32>
    %mul3A_259 = vector.broadcast %slice3A_234 : vector<256x1xf32> to vector<256x64xf32>
    %mul3A_260 = arith.mulf %slice3A_258, %mul3A_259 : vector<256x64xf32>
    %lt3A_261 = arith.constant 512 : i32
    %lt3A_262 = vector.broadcast %lt3A_261 : i32 to vector<256x1xi32>
    %lt3A_263 = arith.cmpi slt, %broadcast_in_dim3A_247, %lt3A_262 : vector<256x1xi32>
    %jit3A_264 = arith.constant -3.000000e+38 : f32
    %broadcast_in_dim3A_265 = vector.shape_cast %lt3A_263 : vector<256x1xi1> to vector<256x1xi1>
    %broadcast_in_dim3A_266 = vector.broadcast %broadcast_in_dim3A_265 : vector<256x1xi1> to vector<256x64xi1>
    %broadcast_in_dim3A_267 = vector.broadcast %jit3A_264 : f32 to vector<256x64xf32>
    %select_n3A_268 = arith.select %broadcast_in_dim3A_266, %mul3A_260, %broadcast_in_dim3A_267 : vector<256x64xi1>, vector<256x64xf32>
    %reduce_max3A_269 = arith.constant dense<0xFF800000> : vector<64xf32>
    %reduce_max3A_270 = vector.multi_reduction <maximumf>, %select_n3A_268, %reduce_max3A_269 [0] : vector<256x64xf32> to vector<64xf32>
    %broadcast_in_dim3A_271 = vector.shape_cast %reduce_max3A_270 : vector<64xf32> to vector<1x64xf32>
    %max3A_272 = arith.maximumf %max3A_228, %broadcast_in_dim3A_271 : vector<1x64xf32>
    %concatenate3A = tpu.concatenate %mul3A_130, %mul3A_172, %mul3A_216, %mul3A_260 in 0 : vector<256x64xf32>, vector<256x64xf32>, vector<256x64xf32>, vector<256x64xf32> -> vector<1024x64xf32>
    %swap3A = arith.constant 0 : index
    %swap3A_273 = arith.constant 0 : index
    %swap3A_274 = arith.constant 0 : index
    %swap3A_275 = vector.load %arg10[%swap3A, %swap3A_273, %swap3A_274] : memref<1x1x64xf32, #tpu.memory_space<vmem>>, vector<1x1x64xf32>
    %swap3A_276 = vector.shape_cast %swap3A_275 : vector<1x1x64xf32> to vector<1x64xf32>
    %swap3A_277 = vector.shape_cast %max3A_272 : vector<1x64xf32> to vector<1x1x64xf32>
    tpu.vector_store %arg10[%swap3A, %swap3A_273, %swap3A_274], %swap3A_277 {strides = array<i32>} : memref<1x1x64xf32, #tpu.memory_space<vmem>>, vector<1x1x64xf32>,
    %iota3A_278 = tpu.iota {dimensions = array<i32: 0>} : vector<256x1024xi32>
    %add3A_279 = arith.constant 0 : i32
    %add3A_280 = vector.broadcast %add3A_279 : i32 to vector<256x1024xi32>
    %add3A_281 = arith.addi %iota3A_278, %add3A_280 : vector<256x1024xi32>
    %eq3A_282 = vector.broadcast %add3A_257 : vector<1x1024xi32> to vector<256x1024xi32>
    %eq3A_283 = arith.cmpi eq, %add3A_281, %eq3A_282 : vector<256x1024xi32>
    %jit3A_284 = arith.constant 1.000000e+00 : f32
    %jit3A_285 = arith.constant 0.000000e+00 : f32
    %broadcast_in_dim3A_286 = vector.broadcast %jit3A_284 : f32 to vector<256x1024xf32>
    %broadcast_in_dim3A_287 = vector.broadcast %jit3A_285 : f32 to vector<256x1024xf32>
    %select_n3A_288 = arith.select %eq3A_283, %broadcast_in_dim3A_286, %broadcast_in_dim3A_287 : vector<256x1024xi1>, vector<256x1024xf32>
    %dot_general3A_289 = arith.constant dense<0.000000e+00> : vector<256x64xf32>
    %dot_general3A_290 = tpu.matmul %select_n3A_288, %concatenate3A, %dot_general3A_289 {dimension_numbers = #tpu.dot_dimension_numbers<[1], [0], [0], [1], [0, 0, 1, 1], [], []>, precision = #tpu.contract_precision<fp32>, transpose_lhs_hint = false} : vector<256x1024xf32>, vector<1024x64xf32>, vector<256x64xf32> -> vector<256x64xf32>
    %swap3A_291 = arith.constant 0 : index
    %swap3A_292 = arith.constant 0 : index
    %swap3A_293 = arith.constant 0 : index
    %swap3A_294 = vector.load %arg9[%swap3A_291, %swap3A_292, %swap3A_293] : memref<1x512x64xf32, #tpu.memory_space<vmem>>, vector<1x256x64xf32>
    %swap3A_295 = vector.shape_cast %swap3A_294 : vector<1x256x64xf32> to vector<256x64xf32>
    %swap3A_296 = vector.shape_cast %dot_general3A_290 : vector<256x64xf32> to vector<1x256x64xf32>
    tpu.vector_store %arg9[%swap3A_291, %swap3A_292, %swap3A_293], %swap3A_296 {strides = array<i32>} : memref<1x512x64xf32, #tpu.memory_space<vmem>>, vector<1x256x64xf32>,
    %iota3A_297 = tpu.iota {dimensions = array<i32: 0>} : vector<256x1024xi32>
    %add3A_298 = arith.constant 256 : i32
    %add3A_299 = vector.broadcast %add3A_298 : i32 to vector<256x1024xi32>
    %add3A_300 = arith.addi %iota3A_297, %add3A_299 : vector<256x1024xi32>
    %eq3A_301 = vector.broadcast %add3A_257 : vector<1x1024xi32> to vector<256x1024xi32>
    %eq3A_302 = arith.cmpi eq, %add3A_300, %eq3A_301 : vector<256x1024xi32>
    %jit3A_303 = arith.constant 1.000000e+00 : f32
    %jit3A_304 = arith.constant 0.000000e+00 : f32
    %broadcast_in_dim3A_305 = vector.broadcast %jit3A_303 : f32 to vector<256x1024xf32>
    %broadcast_in_dim3A_306 = vector.broadcast %jit3A_304 : f32 to vector<256x1024xf32>
    %select_n3A_307 = arith.select %eq3A_302, %broadcast_in_dim3A_305, %broadcast_in_dim3A_306 : vector<256x1024xi1>, vector<256x1024xf32>
    %dot_general3A_308 = arith.constant dense<0.000000e+00> : vector<256x64xf32>
    %dot_general3A_309 = tpu.matmul %select_n3A_307, %concatenate3A, %dot_general3A_308 {dimension_numbers = #tpu.dot_dimension_numbers<[1], [0], [0], [1], [0, 0, 1, 1], [], []>, precision = #tpu.contract_precision<fp32>, transpose_lhs_hint = false} : vector<256x1024xf32>, vector<1024x64xf32>, vector<256x64xf32> -> vector<256x64xf32>
    %swap3A_310 = arith.constant 0 : index
    %swap3A_311 = arith.constant 256 : index
    %swap3A_312 = arith.constant 0 : index
    %swap3A_313 = vector.load %arg9[%swap3A_310, %swap3A_311, %swap3A_312] : memref<1x512x64xf32, #tpu.memory_space<vmem>>, vector<1x256x64xf32>
    %swap3A_314 = vector.shape_cast %swap3A_313 : vector<1x256x64xf32> to vector<256x64xf32>
    %swap3A_315 = vector.shape_cast %dot_general3A_309 : vector<256x64xf32> to vector<1x256x64xf32>
    tpu.vector_store %arg9[%swap3A_310, %swap3A_311, %swap3A_312], %swap3A_315 {strides = array<i32>} : memref<1x512x64xf32, #tpu.memory_space<vmem>>, vector<1x256x64xf32>,
    return
  }
  func.func @transform_0(%arg0: i32) -> (i32, i32, i32) {
    %c0_i32 = arith.constant 0 : i32
    %c0_i32_0 = arith.constant 0 : i32
    %c0_i32_1 = arith.constant 0 : i32
    return %arg0, %c0_i32, %c0_i32_0 : i32, i32, i32
  }
  func.func @transform_1(%arg0: i32) -> (i32, i32, i32) {
    %c0_i32 = arith.constant 0 : i32
    %c0_i32_0 = arith.constant 0 : i32
    %c0_i32_1 = arith.constant 0 : i32
    return %arg0, %c0_i32, %c0_i32_0 : i32, i32, i32
  }
  func.func @transform_2(%arg0: i32) -> (i32, i32) {
    %c0_i32 = arith.constant 0 : i32
    %c0_i32_0 = arith.constant 0 : i32
    %c0_i32_1 = arith.constant 0 : i32
    return %c0_i32, %c0_i32_0 : i32, i32
  }
  func.func @transform_3(%arg0: i32) -> (i32, i32) {
    %c0_i32 = arith.constant 0 : i32
    %c0_i32_0 = arith.constant 0 : i32
    %c0_i32_1 = arith.constant 0 : i32
    return %c0_i32, %c0_i32_0 : i32, i32
  }
  func.func @transform_4(%arg0: i32) -> (i32, i32) {
    %c0_i32 = arith.constant 0 : i32
    %c0_i32_0 = arith.constant 0 : i32
    %c0_i32_1 = arith.constant 0 : i32
    return %c0_i32, %c0_i32_0 : i32, i32
  }
  func.func @transform_5(%arg0: i32) -> (i32, i32) {
    %c0_i32 = arith.constant 0 : i32
    %c0_i32_0 = arith.constant 0 : i32
    %c0_i32_1 = arith.constant 0 : i32
    return %c0_i32, %c0_i32_0 : i32, i32
  }
  func.func @transform_6(%arg0: i32) -> (i32, i32) {
    %c0_i32 = arith.constant 0 : i32
    %c0_i32_0 = arith.constant 0 : i32
    %c0_i32_1 = arith.constant 0 : i32
    return %c0_i32, %c0_i32_0 : i32, i32
  }
  func.func @transform_7(%arg0: i32) -> (i32, i32) {
    %c0_i32 = arith.constant 0 : i32
    %c0_i32_0 = arith.constant 0 : i32
    %c0_i32_1 = arith.constant 0 : i32
    return %c0_i32, %c0_i32_0 : i32, i32
  }
  func.func @transform_8(%arg0: i32) -> (i32, i32, i32) {
    %c0_i32 = arith.constant 0 : i32
    %c0_i32_0 = arith.constant 0 : i32
    %c0_i32_1 = arith.constant 0 : i32
    return %arg0, %c0_i32, %c0_i32_0 : i32, i32, i32
  }
  func.func @transform_9(%arg0: i32) -> (i32, i32, i32) {
    %c0_i32 = arith.constant 0 : i32
    %c0_i32_0 = arith.constant 0 : i32
    %c0_i32_1 = arith.constant 0 : i32
    return %arg0, %c0_i32, %c0_i32_0 : i32, i32, i32
  }
}

module attributes {stable_mosaic.version = 14 : i64} {
  func.func @_k1_body(%arg0: i32, %arg1: i32, %arg2: memref<1x512x64xf32, #tpu.memory_space<vmem>>, %arg3: memref<1x64x256xf32, #tpu.memory_space<vmem>>, %arg4: memref<1x16x256xi32, #tpu.memory_space<vmem>>) attributes {dimension_semantics = [#tpu.dimension_semantics<arbitrary>, #tpu.dimension_semantics<arbitrary>], iteration_bounds = array<i64: 16, 2>, scalar_prefetch = 0 : i64, scratch_operands = 0 : i64, tpu.core_type = #tpu.core_type<tc>, window_params = [{transform_indices = @transform_0, window_bounds = array<i64: 1, 512, 64>}, {transform_indices = @transform_1, window_bounds = array<i64: 1, 64, 256>}, {transform_indices = @transform_2, window_bounds = array<i64: 1, 16, 256>}]} {
    %get3A = arith.constant 0 : index
    %get3A_0 = arith.constant 0 : index
    %get3A_1 = arith.constant 0 : index
    %get3A_2 = vector.load %arg2[%get3A, %get3A_0, %get3A_1] : memref<1x512x64xf32, #tpu.memory_space<vmem>>, vector<1x512x64xf32>
    %get3A_3 = vector.shape_cast %get3A_2 : vector<1x512x64xf32> to vector<512x64xf32>
    %get3A_4 = arith.constant 0 : index
    %get3A_5 = arith.constant 0 : index
    %get3A_6 = arith.constant 0 : index
    %get3A_7 = vector.load %arg3[%get3A_4, %get3A_5, %get3A_6] : memref<1x64x256xf32, #tpu.memory_space<vmem>>, vector<1x64x256xf32>
    %get3A_8 = vector.shape_cast %get3A_7 : vector<1x64x256xf32> to vector<64x256xf32>
    %mul3A = arith.mulf %get3A_3, %get3A_3 : vector<512x64xf32>
    %reduce_sum3A = arith.constant dense<0.000000e+00> : vector<512xf32>
    %reduce_sum3A_9 = vector.multi_reduction <add>, %mul3A, %reduce_sum3A [1] : vector<512x64xf32> to vector<512xf32>
    %broadcast_in_dim3A = vector.shape_cast %reduce_sum3A_9 : vector<512xf32> to vector<512x1xf32>
    %mul3A_10 = arith.mulf %get3A_8, %get3A_8 : vector<64x256xf32>
    %reduce_sum3A_11 = arith.constant dense<0.000000e+00> : vector<256xf32>
    %reduce_sum3A_12 = vector.multi_reduction <add>, %mul3A_10, %reduce_sum3A_11 [0] : vector<64x256xf32> to vector<256xf32>
    %broadcast_in_dim3A_13 = vector.shape_cast %reduce_sum3A_12 : vector<256xf32> to vector<1x256xf32>
    %dot_general3A = arith.constant dense<0.000000e+00> : vector<512x256xf32>
    %dot_general3A_14 = tpu.matmul %get3A_3, %get3A_8, %dot_general3A {dimension_numbers = #tpu.dot_dimension_numbers<[1], [0], [0], [1], [0, 0, 1, 1], [], []>, transpose_lhs_hint = false} : vector<512x64xf32>, vector<64x256xf32>, vector<512x256xf32> -> vector<512x256xf32>
    %add3A = vector.broadcast %broadcast_in_dim3A : vector<512x1xf32> to vector<512x256xf32>
    %add3A_15 = vector.broadcast %broadcast_in_dim3A_13 : vector<1x256xf32> to vector<512x256xf32>
    %add3A_16 = arith.addf %add3A, %add3A_15 : vector<512x256xf32>
    %mul3A_17 = arith.constant 2.000000e+00 : f32
    %mul3A_18 = vector.broadcast %mul3A_17 : f32 to vector<512x256xf32>
    %mul3A_19 = arith.mulf %mul3A_18, %dot_general3A_14 : vector<512x256xf32>
    %sub3A = arith.subf %add3A_16, %mul3A_19 : vector<512x256xf32>
    %iota3A = tpu.iota {dimensions = array<i32: 0>} : vector<512x256xi32>
    %mul3A_20 = arith.constant 512 : i32
    %mul3A_21 = arith.muli %arg0, %mul3A_20 : i32
    %reduce_min3A = arith.constant dense<0x7F800000> : vector<256xf32>
    %reduce_min3A_22 = vector.multi_reduction <minimumf>, %sub3A, %reduce_min3A [0] : vector<512x256xf32> to vector<256xf32>
    %broadcast_in_dim3A_23 = vector.shape_cast %reduce_min3A_22 : vector<256xf32> to vector<1x256xf32>
    %eq3A = vector.broadcast %broadcast_in_dim3A_23 : vector<1x256xf32> to vector<512x256xf32>
    %eq3A_24 = arith.cmpf oeq, %sub3A, %eq3A : vector<512x256xf32>
    %jit3A = arith.constant 512 : i32
    %broadcast_in_dim3A_25 = vector.broadcast %jit3A : i32 to vector<512x256xi32>
    %select_n3A = arith.select %eq3A_24, %iota3A, %broadcast_in_dim3A_25 : vector<512x256xi1>, vector<512x256xi32>
    %reduce_min3A_26 = arith.constant dense<2147483647> : vector<256xi32>
    %reduce_min3A_27 = vector.multi_reduction <minsi>, %select_n3A, %reduce_min3A_26 [0] : vector<512x256xi32> to vector<256xi32>
    %broadcast_in_dim3A_28 = vector.shape_cast %reduce_min3A_27 : vector<256xi32> to vector<1x256xi32>
    %add3A_29 = vector.broadcast %mul3A_21 : i32 to vector<1x256xi32>
    %add3A_30 = arith.addi %broadcast_in_dim3A_28, %add3A_29 : vector<1x256xi32>
    %swap3A = arith.constant 0 : index
    %swap3A_31 = arith.constant 0 : index
    %swap3A_32 = arith.constant 0 : index
    %swap3A_33 = vector.load %arg4[%swap3A, %swap3A_31, %swap3A_32] : memref<1x16x256xi32, #tpu.memory_space<vmem>>, vector<1x1x256xi32>
    %swap3A_34 = vector.shape_cast %swap3A_33 : vector<1x1x256xi32> to vector<1x256xi32>
    %swap3A_35 = vector.shape_cast %add3A_30 : vector<1x256xi32> to vector<1x1x256xi32>
    tpu.vector_store %arg4[%swap3A, %swap3A_31, %swap3A_32], %swap3A_35 {strides = array<i32>} : memref<1x16x256xi32, #tpu.memory_space<vmem>>, vector<1x1x256xi32>,
    %eq3A_36 = vector.broadcast %broadcast_in_dim3A_28 : vector<1x256xi32> to vector<512x256xi32>
    %eq3A_37 = arith.cmpi eq, %iota3A, %eq3A_36 : vector<512x256xi32>
    %jit3A_38 = arith.constant 3.000000e+38 : f32
    %broadcast_in_dim3A_39 = vector.broadcast %jit3A_38 : f32 to vector<512x256xf32>
    %select_n3A_40 = arith.select %eq3A_37, %broadcast_in_dim3A_39, %sub3A : vector<512x256xi1>, vector<512x256xf32>
    %reduce_min3A_41 = arith.constant dense<0x7F800000> : vector<256xf32>
    %reduce_min3A_42 = vector.multi_reduction <minimumf>, %select_n3A_40, %reduce_min3A_41 [0] : vector<512x256xf32> to vector<256xf32>
    %broadcast_in_dim3A_43 = vector.shape_cast %reduce_min3A_42 : vector<256xf32> to vector<1x256xf32>
    %eq3A_44 = vector.broadcast %broadcast_in_dim3A_43 : vector<1x256xf32> to vector<512x256xf32>
    %eq3A_45 = arith.cmpf oeq, %select_n3A_40, %eq3A_44 : vector<512x256xf32>
    %jit3A_46 = arith.constant 512 : i32
    %broadcast_in_dim3A_47 = vector.broadcast %jit3A_46 : i32 to vector<512x256xi32>
    %select_n3A_48 = arith.select %eq3A_45, %iota3A, %broadcast_in_dim3A_47 : vector<512x256xi1>, vector<512x256xi32>
    %reduce_min3A_49 = arith.constant dense<2147483647> : vector<256xi32>
    %reduce_min3A_50 = vector.multi_reduction <minsi>, %select_n3A_48, %reduce_min3A_49 [0] : vector<512x256xi32> to vector<256xi32>
    %broadcast_in_dim3A_51 = vector.shape_cast %reduce_min3A_50 : vector<256xi32> to vector<1x256xi32>
    %add3A_52 = vector.broadcast %mul3A_21 : i32 to vector<1x256xi32>
    %add3A_53 = arith.addi %broadcast_in_dim3A_51, %add3A_52 : vector<1x256xi32>
    %swap3A_54 = arith.constant 0 : index
    %swap3A_55 = arith.constant 1 : index
    %swap3A_56 = arith.constant 0 : index
    %swap3A_57 = vector.load %arg4[%swap3A_54, %swap3A_55, %swap3A_56] : memref<1x16x256xi32, #tpu.memory_space<vmem>>, vector<1x1x256xi32>
    %swap3A_58 = vector.shape_cast %swap3A_57 : vector<1x1x256xi32> to vector<1x256xi32>
    %swap3A_59 = vector.shape_cast %add3A_53 : vector<1x256xi32> to vector<1x1x256xi32>
    tpu.vector_store %arg4[%swap3A_54, %swap3A_55, %swap3A_56], %swap3A_59 {strides = array<i32>} : memref<1x16x256xi32, #tpu.memory_space<vmem>>, vector<1x1x256xi32>,
    %eq3A_60 = vector.broadcast %broadcast_in_dim3A_51 : vector<1x256xi32> to vector<512x256xi32>
    %eq3A_61 = arith.cmpi eq, %iota3A, %eq3A_60 : vector<512x256xi32>
    %jit3A_62 = arith.constant 3.000000e+38 : f32
    %broadcast_in_dim3A_63 = vector.broadcast %jit3A_62 : f32 to vector<512x256xf32>
    %select_n3A_64 = arith.select %eq3A_61, %broadcast_in_dim3A_63, %select_n3A_40 : vector<512x256xi1>, vector<512x256xf32>
    %reduce_min3A_65 = arith.constant dense<0x7F800000> : vector<256xf32>
    %reduce_min3A_66 = vector.multi_reduction <minimumf>, %select_n3A_64, %reduce_min3A_65 [0] : vector<512x256xf32> to vector<256xf32>
    %broadcast_in_dim3A_67 = vector.shape_cast %reduce_min3A_66 : vector<256xf32> to vector<1x256xf32>
    %eq3A_68 = vector.broadcast %broadcast_in_dim3A_67 : vector<1x256xf32> to vector<512x256xf32>
    %eq3A_69 = arith.cmpf oeq, %select_n3A_64, %eq3A_68 : vector<512x256xf32>
    %jit3A_70 = arith.constant 512 : i32
    %broadcast_in_dim3A_71 = vector.broadcast %jit3A_70 : i32 to vector<512x256xi32>
    %select_n3A_72 = arith.select %eq3A_69, %iota3A, %broadcast_in_dim3A_71 : vector<512x256xi1>, vector<512x256xi32>
    %reduce_min3A_73 = arith.constant dense<2147483647> : vector<256xi32>
    %reduce_min3A_74 = vector.multi_reduction <minsi>, %select_n3A_72, %reduce_min3A_73 [0] : vector<512x256xi32> to vector<256xi32>
    %broadcast_in_dim3A_75 = vector.shape_cast %reduce_min3A_74 : vector<256xi32> to vector<1x256xi32>
    %add3A_76 = vector.broadcast %mul3A_21 : i32 to vector<1x256xi32>
    %add3A_77 = arith.addi %broadcast_in_dim3A_75, %add3A_76 : vector<1x256xi32>
    %swap3A_78 = arith.constant 0 : index
    %swap3A_79 = arith.constant 2 : index
    %swap3A_80 = arith.constant 0 : index
    %swap3A_81 = vector.load %arg4[%swap3A_78, %swap3A_79, %swap3A_80] : memref<1x16x256xi32, #tpu.memory_space<vmem>>, vector<1x1x256xi32>
    %swap3A_82 = vector.shape_cast %swap3A_81 : vector<1x1x256xi32> to vector<1x256xi32>
    %swap3A_83 = vector.shape_cast %add3A_77 : vector<1x256xi32> to vector<1x1x256xi32>
    tpu.vector_store %arg4[%swap3A_78, %swap3A_79, %swap3A_80], %swap3A_83 {strides = array<i32>} : memref<1x16x256xi32, #tpu.memory_space<vmem>>, vector<1x1x256xi32>,
    %eq3A_84 = vector.broadcast %broadcast_in_dim3A_75 : vector<1x256xi32> to vector<512x256xi32>
    %eq3A_85 = arith.cmpi eq, %iota3A, %eq3A_84 : vector<512x256xi32>
    %jit3A_86 = arith.constant 3.000000e+38 : f32
    %broadcast_in_dim3A_87 = vector.broadcast %jit3A_86 : f32 to vector<512x256xf32>
    %select_n3A_88 = arith.select %eq3A_85, %broadcast_in_dim3A_87, %select_n3A_64 : vector<512x256xi1>, vector<512x256xf32>
    %reduce_min3A_89 = arith.constant dense<0x7F800000> : vector<256xf32>
    %reduce_min3A_90 = vector.multi_reduction <minimumf>, %select_n3A_88, %reduce_min3A_89 [0] : vector<512x256xf32> to vector<256xf32>
    %broadcast_in_dim3A_91 = vector.shape_cast %reduce_min3A_90 : vector<256xf32> to vector<1x256xf32>
    %eq3A_92 = vector.broadcast %broadcast_in_dim3A_91 : vector<1x256xf32> to vector<512x256xf32>
    %eq3A_93 = arith.cmpf oeq, %select_n3A_88, %eq3A_92 : vector<512x256xf32>
    %jit3A_94 = arith.constant 512 : i32
    %broadcast_in_dim3A_95 = vector.broadcast %jit3A_94 : i32 to vector<512x256xi32>
    %select_n3A_96 = arith.select %eq3A_93, %iota3A, %broadcast_in_dim3A_95 : vector<512x256xi1>, vector<512x256xi32>
    %reduce_min3A_97 = arith.constant dense<2147483647> : vector<256xi32>
    %reduce_min3A_98 = vector.multi_reduction <minsi>, %select_n3A_96, %reduce_min3A_97 [0] : vector<512x256xi32> to vector<256xi32>
    %broadcast_in_dim3A_99 = vector.shape_cast %reduce_min3A_98 : vector<256xi32> to vector<1x256xi32>
    %add3A_100 = vector.broadcast %mul3A_21 : i32 to vector<1x256xi32>
    %add3A_101 = arith.addi %broadcast_in_dim3A_99, %add3A_100 : vector<1x256xi32>
    %swap3A_102 = arith.constant 0 : index
    %swap3A_103 = arith.constant 3 : index
    %swap3A_104 = arith.constant 0 : index
    %swap3A_105 = vector.load %arg4[%swap3A_102, %swap3A_103, %swap3A_104] : memref<1x16x256xi32, #tpu.memory_space<vmem>>, vector<1x1x256xi32>
    %swap3A_106 = vector.shape_cast %swap3A_105 : vector<1x1x256xi32> to vector<1x256xi32>
    %swap3A_107 = vector.shape_cast %add3A_101 : vector<1x256xi32> to vector<1x1x256xi32>
    tpu.vector_store %arg4[%swap3A_102, %swap3A_103, %swap3A_104], %swap3A_107 {strides = array<i32>} : memref<1x16x256xi32, #tpu.memory_space<vmem>>, vector<1x1x256xi32>,
    %eq3A_108 = vector.broadcast %broadcast_in_dim3A_99 : vector<1x256xi32> to vector<512x256xi32>
    %eq3A_109 = arith.cmpi eq, %iota3A, %eq3A_108 : vector<512x256xi32>
    %jit3A_110 = arith.constant 3.000000e+38 : f32
    %broadcast_in_dim3A_111 = vector.broadcast %jit3A_110 : f32 to vector<512x256xf32>
    %select_n3A_112 = arith.select %eq3A_109, %broadcast_in_dim3A_111, %select_n3A_88 : vector<512x256xi1>, vector<512x256xf32>
    %reduce_min3A_113 = arith.constant dense<0x7F800000> : vector<256xf32>
    %reduce_min3A_114 = vector.multi_reduction <minimumf>, %select_n3A_112, %reduce_min3A_113 [0] : vector<512x256xf32> to vector<256xf32>
    %broadcast_in_dim3A_115 = vector.shape_cast %reduce_min3A_114 : vector<256xf32> to vector<1x256xf32>
    %eq3A_116 = vector.broadcast %broadcast_in_dim3A_115 : vector<1x256xf32> to vector<512x256xf32>
    %eq3A_117 = arith.cmpf oeq, %select_n3A_112, %eq3A_116 : vector<512x256xf32>
    %jit3A_118 = arith.constant 512 : i32
    %broadcast_in_dim3A_119 = vector.broadcast %jit3A_118 : i32 to vector<512x256xi32>
    %select_n3A_120 = arith.select %eq3A_117, %iota3A, %broadcast_in_dim3A_119 : vector<512x256xi1>, vector<512x256xi32>
    %reduce_min3A_121 = arith.constant dense<2147483647> : vector<256xi32>
    %reduce_min3A_122 = vector.multi_reduction <minsi>, %select_n3A_120, %reduce_min3A_121 [0] : vector<512x256xi32> to vector<256xi32>
    %broadcast_in_dim3A_123 = vector.shape_cast %reduce_min3A_122 : vector<256xi32> to vector<1x256xi32>
    %add3A_124 = vector.broadcast %mul3A_21 : i32 to vector<1x256xi32>
    %add3A_125 = arith.addi %broadcast_in_dim3A_123, %add3A_124 : vector<1x256xi32>
    %swap3A_126 = arith.constant 0 : index
    %swap3A_127 = arith.constant 4 : index
    %swap3A_128 = arith.constant 0 : index
    %swap3A_129 = vector.load %arg4[%swap3A_126, %swap3A_127, %swap3A_128] : memref<1x16x256xi32, #tpu.memory_space<vmem>>, vector<1x1x256xi32>
    %swap3A_130 = vector.shape_cast %swap3A_129 : vector<1x1x256xi32> to vector<1x256xi32>
    %swap3A_131 = vector.shape_cast %add3A_125 : vector<1x256xi32> to vector<1x1x256xi32>
    tpu.vector_store %arg4[%swap3A_126, %swap3A_127, %swap3A_128], %swap3A_131 {strides = array<i32>} : memref<1x16x256xi32, #tpu.memory_space<vmem>>, vector<1x1x256xi32>,
    %eq3A_132 = vector.broadcast %broadcast_in_dim3A_123 : vector<1x256xi32> to vector<512x256xi32>
    %eq3A_133 = arith.cmpi eq, %iota3A, %eq3A_132 : vector<512x256xi32>
    %jit3A_134 = arith.constant 3.000000e+38 : f32
    %broadcast_in_dim3A_135 = vector.broadcast %jit3A_134 : f32 to vector<512x256xf32>
    %select_n3A_136 = arith.select %eq3A_133, %broadcast_in_dim3A_135, %select_n3A_112 : vector<512x256xi1>, vector<512x256xf32>
    %reduce_min3A_137 = arith.constant dense<0x7F800000> : vector<256xf32>
    %reduce_min3A_138 = vector.multi_reduction <minimumf>, %select_n3A_136, %reduce_min3A_137 [0] : vector<512x256xf32> to vector<256xf32>
    %broadcast_in_dim3A_139 = vector.shape_cast %reduce_min3A_138 : vector<256xf32> to vector<1x256xf32>
    %eq3A_140 = vector.broadcast %broadcast_in_dim3A_139 : vector<1x256xf32> to vector<512x256xf32>
    %eq3A_141 = arith.cmpf oeq, %select_n3A_136, %eq3A_140 : vector<512x256xf32>
    %jit3A_142 = arith.constant 512 : i32
    %broadcast_in_dim3A_143 = vector.broadcast %jit3A_142 : i32 to vector<512x256xi32>
    %select_n3A_144 = arith.select %eq3A_141, %iota3A, %broadcast_in_dim3A_143 : vector<512x256xi1>, vector<512x256xi32>
    %reduce_min3A_145 = arith.constant dense<2147483647> : vector<256xi32>
    %reduce_min3A_146 = vector.multi_reduction <minsi>, %select_n3A_144, %reduce_min3A_145 [0] : vector<512x256xi32> to vector<256xi32>
    %broadcast_in_dim3A_147 = vector.shape_cast %reduce_min3A_146 : vector<256xi32> to vector<1x256xi32>
    %add3A_148 = vector.broadcast %mul3A_21 : i32 to vector<1x256xi32>
    %add3A_149 = arith.addi %broadcast_in_dim3A_147, %add3A_148 : vector<1x256xi32>
    %swap3A_150 = arith.constant 0 : index
    %swap3A_151 = arith.constant 5 : index
    %swap3A_152 = arith.constant 0 : index
    %swap3A_153 = vector.load %arg4[%swap3A_150, %swap3A_151, %swap3A_152] : memref<1x16x256xi32, #tpu.memory_space<vmem>>, vector<1x1x256xi32>
    %swap3A_154 = vector.shape_cast %swap3A_153 : vector<1x1x256xi32> to vector<1x256xi32>
    %swap3A_155 = vector.shape_cast %add3A_149 : vector<1x256xi32> to vector<1x1x256xi32>
    tpu.vector_store %arg4[%swap3A_150, %swap3A_151, %swap3A_152], %swap3A_155 {strides = array<i32>} : memref<1x16x256xi32, #tpu.memory_space<vmem>>, vector<1x1x256xi32>,
    %eq3A_156 = vector.broadcast %broadcast_in_dim3A_147 : vector<1x256xi32> to vector<512x256xi32>
    %eq3A_157 = arith.cmpi eq, %iota3A, %eq3A_156 : vector<512x256xi32>
    %jit3A_158 = arith.constant 3.000000e+38 : f32
    %broadcast_in_dim3A_159 = vector.broadcast %jit3A_158 : f32 to vector<512x256xf32>
    %select_n3A_160 = arith.select %eq3A_157, %broadcast_in_dim3A_159, %select_n3A_136 : vector<512x256xi1>, vector<512x256xf32>
    %reduce_min3A_161 = arith.constant dense<0x7F800000> : vector<256xf32>
    %reduce_min3A_162 = vector.multi_reduction <minimumf>, %select_n3A_160, %reduce_min3A_161 [0] : vector<512x256xf32> to vector<256xf32>
    %broadcast_in_dim3A_163 = vector.shape_cast %reduce_min3A_162 : vector<256xf32> to vector<1x256xf32>
    %eq3A_164 = vector.broadcast %broadcast_in_dim3A_163 : vector<1x256xf32> to vector<512x256xf32>
    %eq3A_165 = arith.cmpf oeq, %select_n3A_160, %eq3A_164 : vector<512x256xf32>
    %jit3A_166 = arith.constant 512 : i32
    %broadcast_in_dim3A_167 = vector.broadcast %jit3A_166 : i32 to vector<512x256xi32>
    %select_n3A_168 = arith.select %eq3A_165, %iota3A, %broadcast_in_dim3A_167 : vector<512x256xi1>, vector<512x256xi32>
    %reduce_min3A_169 = arith.constant dense<2147483647> : vector<256xi32>
    %reduce_min3A_170 = vector.multi_reduction <minsi>, %select_n3A_168, %reduce_min3A_169 [0] : vector<512x256xi32> to vector<256xi32>
    %broadcast_in_dim3A_171 = vector.shape_cast %reduce_min3A_170 : vector<256xi32> to vector<1x256xi32>
    %add3A_172 = vector.broadcast %mul3A_21 : i32 to vector<1x256xi32>
    %add3A_173 = arith.addi %broadcast_in_dim3A_171, %add3A_172 : vector<1x256xi32>
    %swap3A_174 = arith.constant 0 : index
    %swap3A_175 = arith.constant 6 : index
    %swap3A_176 = arith.constant 0 : index
    %swap3A_177 = vector.load %arg4[%swap3A_174, %swap3A_175, %swap3A_176] : memref<1x16x256xi32, #tpu.memory_space<vmem>>, vector<1x1x256xi32>
    %swap3A_178 = vector.shape_cast %swap3A_177 : vector<1x1x256xi32> to vector<1x256xi32>
    %swap3A_179 = vector.shape_cast %add3A_173 : vector<1x256xi32> to vector<1x1x256xi32>
    tpu.vector_store %arg4[%swap3A_174, %swap3A_175, %swap3A_176], %swap3A_179 {strides = array<i32>} : memref<1x16x256xi32, #tpu.memory_space<vmem>>, vector<1x1x256xi32>,
    %eq3A_180 = vector.broadcast %broadcast_in_dim3A_171 : vector<1x256xi32> to vector<512x256xi32>
    %eq3A_181 = arith.cmpi eq, %iota3A, %eq3A_180 : vector<512x256xi32>
    %jit3A_182 = arith.constant 3.000000e+38 : f32
    %broadcast_in_dim3A_183 = vector.broadcast %jit3A_182 : f32 to vector<512x256xf32>
    %select_n3A_184 = arith.select %eq3A_181, %broadcast_in_dim3A_183, %select_n3A_160 : vector<512x256xi1>, vector<512x256xf32>
    %reduce_min3A_185 = arith.constant dense<0x7F800000> : vector<256xf32>
    %reduce_min3A_186 = vector.multi_reduction <minimumf>, %select_n3A_184, %reduce_min3A_185 [0] : vector<512x256xf32> to vector<256xf32>
    %broadcast_in_dim3A_187 = vector.shape_cast %reduce_min3A_186 : vector<256xf32> to vector<1x256xf32>
    %eq3A_188 = vector.broadcast %broadcast_in_dim3A_187 : vector<1x256xf32> to vector<512x256xf32>
    %eq3A_189 = arith.cmpf oeq, %select_n3A_184, %eq3A_188 : vector<512x256xf32>
    %jit3A_190 = arith.constant 512 : i32
    %broadcast_in_dim3A_191 = vector.broadcast %jit3A_190 : i32 to vector<512x256xi32>
    %select_n3A_192 = arith.select %eq3A_189, %iota3A, %broadcast_in_dim3A_191 : vector<512x256xi1>, vector<512x256xi32>
    %reduce_min3A_193 = arith.constant dense<2147483647> : vector<256xi32>
    %reduce_min3A_194 = vector.multi_reduction <minsi>, %select_n3A_192, %reduce_min3A_193 [0] : vector<512x256xi32> to vector<256xi32>
    %broadcast_in_dim3A_195 = vector.shape_cast %reduce_min3A_194 : vector<256xi32> to vector<1x256xi32>
    %add3A_196 = vector.broadcast %mul3A_21 : i32 to vector<1x256xi32>
    %add3A_197 = arith.addi %broadcast_in_dim3A_195, %add3A_196 : vector<1x256xi32>
    %swap3A_198 = arith.constant 0 : index
    %swap3A_199 = arith.constant 7 : index
    %swap3A_200 = arith.constant 0 : index
    %swap3A_201 = vector.load %arg4[%swap3A_198, %swap3A_199, %swap3A_200] : memref<1x16x256xi32, #tpu.memory_space<vmem>>, vector<1x1x256xi32>
    %swap3A_202 = vector.shape_cast %swap3A_201 : vector<1x1x256xi32> to vector<1x256xi32>
    %swap3A_203 = vector.shape_cast %add3A_197 : vector<1x256xi32> to vector<1x1x256xi32>
    tpu.vector_store %arg4[%swap3A_198, %swap3A_199, %swap3A_200], %swap3A_203 {strides = array<i32>} : memref<1x16x256xi32, #tpu.memory_space<vmem>>, vector<1x1x256xi32>,
    %eq3A_204 = vector.broadcast %broadcast_in_dim3A_195 : vector<1x256xi32> to vector<512x256xi32>
    %eq3A_205 = arith.cmpi eq, %iota3A, %eq3A_204 : vector<512x256xi32>
    %jit3A_206 = arith.constant 3.000000e+38 : f32
    %broadcast_in_dim3A_207 = vector.broadcast %jit3A_206 : f32 to vector<512x256xf32>
    %select_n3A_208 = arith.select %eq3A_205, %broadcast_in_dim3A_207, %select_n3A_184 : vector<512x256xi1>, vector<512x256xf32>
    %reduce_min3A_209 = arith.constant dense<0x7F800000> : vector<256xf32>
    %reduce_min3A_210 = vector.multi_reduction <minimumf>, %select_n3A_208, %reduce_min3A_209 [0] : vector<512x256xf32> to vector<256xf32>
    %broadcast_in_dim3A_211 = vector.shape_cast %reduce_min3A_210 : vector<256xf32> to vector<1x256xf32>
    %eq3A_212 = vector.broadcast %broadcast_in_dim3A_211 : vector<1x256xf32> to vector<512x256xf32>
    %eq3A_213 = arith.cmpf oeq, %select_n3A_208, %eq3A_212 : vector<512x256xf32>
    %jit3A_214 = arith.constant 512 : i32
    %broadcast_in_dim3A_215 = vector.broadcast %jit3A_214 : i32 to vector<512x256xi32>
    %select_n3A_216 = arith.select %eq3A_213, %iota3A, %broadcast_in_dim3A_215 : vector<512x256xi1>, vector<512x256xi32>
    %reduce_min3A_217 = arith.constant dense<2147483647> : vector<256xi32>
    %reduce_min3A_218 = vector.multi_reduction <minsi>, %select_n3A_216, %reduce_min3A_217 [0] : vector<512x256xi32> to vector<256xi32>
    %broadcast_in_dim3A_219 = vector.shape_cast %reduce_min3A_218 : vector<256xi32> to vector<1x256xi32>
    %add3A_220 = vector.broadcast %mul3A_21 : i32 to vector<1x256xi32>
    %add3A_221 = arith.addi %broadcast_in_dim3A_219, %add3A_220 : vector<1x256xi32>
    %swap3A_222 = arith.constant 0 : index
    %swap3A_223 = arith.constant 8 : index
    %swap3A_224 = arith.constant 0 : index
    %swap3A_225 = vector.load %arg4[%swap3A_222, %swap3A_223, %swap3A_224] : memref<1x16x256xi32, #tpu.memory_space<vmem>>, vector<1x1x256xi32>
    %swap3A_226 = vector.shape_cast %swap3A_225 : vector<1x1x256xi32> to vector<1x256xi32>
    %swap3A_227 = vector.shape_cast %add3A_221 : vector<1x256xi32> to vector<1x1x256xi32>
    tpu.vector_store %arg4[%swap3A_222, %swap3A_223, %swap3A_224], %swap3A_227 {strides = array<i32>} : memref<1x16x256xi32, #tpu.memory_space<vmem>>, vector<1x1x256xi32>,
    %eq3A_228 = vector.broadcast %broadcast_in_dim3A_219 : vector<1x256xi32> to vector<512x256xi32>
    %eq3A_229 = arith.cmpi eq, %iota3A, %eq3A_228 : vector<512x256xi32>
    %jit3A_230 = arith.constant 3.000000e+38 : f32
    %broadcast_in_dim3A_231 = vector.broadcast %jit3A_230 : f32 to vector<512x256xf32>
    %select_n3A_232 = arith.select %eq3A_229, %broadcast_in_dim3A_231, %select_n3A_208 : vector<512x256xi1>, vector<512x256xf32>
    %reduce_min3A_233 = arith.constant dense<0x7F800000> : vector<256xf32>
    %reduce_min3A_234 = vector.multi_reduction <minimumf>, %select_n3A_232, %reduce_min3A_233 [0] : vector<512x256xf32> to vector<256xf32>
    %broadcast_in_dim3A_235 = vector.shape_cast %reduce_min3A_234 : vector<256xf32> to vector<1x256xf32>
    %eq3A_236 = vector.broadcast %broadcast_in_dim3A_235 : vector<1x256xf32> to vector<512x256xf32>
    %eq3A_237 = arith.cmpf oeq, %select_n3A_232, %eq3A_236 : vector<512x256xf32>
    %jit3A_238 = arith.constant 512 : i32
    %broadcast_in_dim3A_239 = vector.broadcast %jit3A_238 : i32 to vector<512x256xi32>
    %select_n3A_240 = arith.select %eq3A_237, %iota3A, %broadcast_in_dim3A_239 : vector<512x256xi1>, vector<512x256xi32>
    %reduce_min3A_241 = arith.constant dense<2147483647> : vector<256xi32>
    %reduce_min3A_242 = vector.multi_reduction <minsi>, %select_n3A_240, %reduce_min3A_241 [0] : vector<512x256xi32> to vector<256xi32>
    %broadcast_in_dim3A_243 = vector.shape_cast %reduce_min3A_242 : vector<256xi32> to vector<1x256xi32>
    %add3A_244 = vector.broadcast %mul3A_21 : i32 to vector<1x256xi32>
    %add3A_245 = arith.addi %broadcast_in_dim3A_243, %add3A_244 : vector<1x256xi32>
    %swap3A_246 = arith.constant 0 : index
    %swap3A_247 = arith.constant 9 : index
    %swap3A_248 = arith.constant 0 : index
    %swap3A_249 = vector.load %arg4[%swap3A_246, %swap3A_247, %swap3A_248] : memref<1x16x256xi32, #tpu.memory_space<vmem>>, vector<1x1x256xi32>
    %swap3A_250 = vector.shape_cast %swap3A_249 : vector<1x1x256xi32> to vector<1x256xi32>
    %swap3A_251 = vector.shape_cast %add3A_245 : vector<1x256xi32> to vector<1x1x256xi32>
    tpu.vector_store %arg4[%swap3A_246, %swap3A_247, %swap3A_248], %swap3A_251 {strides = array<i32>} : memref<1x16x256xi32, #tpu.memory_space<vmem>>, vector<1x1x256xi32>,
    return
  }
  func.func @transform_0(%arg0: i32, %arg1: i32) -> (i32, i32, i32) {
    %c0_i32 = arith.constant 0 : i32
    %c0_i32_0 = arith.constant 0 : i32
    %c0_i32_1 = arith.constant 0 : i32
    return %arg0, %c0_i32, %c0_i32_0 : i32, i32, i32
  }
  func.func @transform_1(%arg0: i32, %arg1: i32) -> (i32, i32, i32) {
    %c0_i32 = arith.constant 0 : i32
    %c0_i32_0 = arith.constant 0 : i32
    return %arg0, %c0_i32, %arg1 : i32, i32, i32
  }
  func.func @transform_2(%arg0: i32, %arg1: i32) -> (i32, i32, i32) {
    %c0_i32 = arith.constant 0 : i32
    %c0_i32_0 = arith.constant 0 : i32
    return %arg0, %c0_i32, %arg1 : i32, i32, i32
  }
}

module attributes {stable_mosaic.version = 14 : i64} {
  func.func @_k3_body(%arg0: i32, %arg1: i32, %arg2: memref<1x256x64xf32, #tpu.memory_space<vmem>>, %arg3: memref<1x10x256x64xf32, #tpu.memory_space<vmem>>, %arg4: memref<128x64xf32, #tpu.memory_space<vmem>>, %arg5: memref<1x64xf32, #tpu.memory_space<vmem>>, %arg6: memref<1x10x256x64xf32, #tpu.memory_space<vmem>>, %arg7: memref<8x128xf32, #tpu.memory_space<vmem>>) attributes {dimension_semantics = [#tpu.dimension_semantics<arbitrary>, #tpu.dimension_semantics<arbitrary>], iteration_bounds = array<i64: 16, 2>, scalar_prefetch = 0 : i64, scratch_operands = 0 : i64, tpu.core_type = #tpu.core_type<tc>, window_params = [{transform_indices = @transform_0, window_bounds = array<i64: 1, 256, 64>}, {transform_indices = @transform_1, window_bounds = array<i64: 1, 10, 256, 64>}, {pipeline_mode = #tpu.pipeline_mode<synchronous>, transform_indices = @transform_2, window_bounds = array<i64: 128, 64>}, {pipeline_mode = #tpu.pipeline_mode<synchronous>, transform_indices = @transform_3, window_bounds = array<i64: 1, 64>}, {transform_indices = @transform_4, window_bounds = array<i64: 1, 10, 256, 64>}, {pipeline_mode = #tpu.pipeline_mode<synchronous>, transform_indices = @transform_5, window_bounds = array<i64: 8, 128>}]} {
    %get3A = arith.constant 0 : index
    %get3A_0 = arith.constant 0 : index
    %get3A_1 = arith.constant 0 : index
    %get3A_2 = vector.load %arg2[%get3A, %get3A_0, %get3A_1] : memref<1x256x64xf32, #tpu.memory_space<vmem>>, vector<1x256x64xf32>
    %get3A_3 = vector.shape_cast %get3A_2 : vector<1x256x64xf32> to vector<256x64xf32>
    %get3A_4 = arith.constant 0 : index
    %get3A_5 = arith.constant 0 : index
    %get3A_6 = arith.constant 0 : index
    %get3A_7 = arith.constant 0 : index
    %get3A_8 = vector.load %arg3[%get3A_4, %get3A_5, %get3A_6, %get3A_7] : memref<1x10x256x64xf32, #tpu.memory_space<vmem>>, vector<1x10x256x64xf32>
    %get3A_9 = vector.shape_cast %get3A_8 : vector<1x10x256x64xf32> to vector<10x256x64xf32>
    %broadcast_in_dim3A = vector.shape_cast %get3A_3 : vector<256x64xf32> to vector<1x256x64xf32>
    %broadcast_in_dim3A_10 = vector.shape_cast %broadcast_in_dim3A : vector<1x256x64xf32> to vector<1x256x64xf32>
    %broadcast_in_dim3A_11 = vector.broadcast %broadcast_in_dim3A_10 : vector<1x256x64xf32> to vector<10x256x64xf32>
    %sub3A = arith.subf %get3A_9, %broadcast_in_dim3A_11 : vector<10x256x64xf32>
    %concatenate3A = tpu.concatenate %broadcast_in_dim3A_11, %sub3A in 2 : vector<10x256x64xf32>, vector<10x256x64xf32> -> vector<10x256x128xf32>
    %reshape3A = vector.shape_cast %concatenate3A : vector<10x256x128xf32> to vector<2560x128xf32>
    %get3A_12 = arith.constant 0 : index
    %get3A_13 = arith.constant 0 : index
    %get3A_14 = vector.load %arg4[%get3A_12, %get3A_13] : memref<128x64xf32, #tpu.memory_space<vmem>>, vector<128x64xf32>
    %dot_general3A = arith.constant dense<0.000000e+00> : vector<2560x64xf32>
    %dot_general3A_15 = tpu.matmul %reshape3A, %get3A_14, %dot_general3A {dimension_numbers = #tpu.dot_dimension_numbers<[1], [0], [0], [1], [0, 0, 1, 1], [], []>, transpose_lhs_hint = false} : vector<2560x128xf32>, vector<128x64xf32>, vector<2560x64xf32> -> vector<2560x64xf32>
    %get3A_16 = arith.constant 0 : index
    %get3A_17 = arith.constant 0 : index
    %get3A_18 = vector.load %arg5[%get3A_16, %get3A_17] : memref<1x64xf32, #tpu.memory_space<vmem>>, vector<1x64xf32>
    %add3A = vector.broadcast %get3A_18 : vector<1x64xf32> to vector<2560x64xf32>
    %add3A_19 = arith.addf %dot_general3A_15, %add3A : vector<2560x64xf32>
    %max3A = arith.constant 0.000000e+00 : f32
    %max3A_20 = vector.broadcast %max3A : f32 to vector<2560x64xf32>
    %max3A_21 = arith.maximumf %add3A_19, %max3A_20 : vector<2560x64xf32>
    %reshape3A_22 = vector.shape_cast %max3A_21 : vector<2560x64xf32> to vector<10x256x64xf32>
    %swap3A = arith.constant 0 : index
    %swap3A_23 = arith.constant 0 : index
    %swap3A_24 = arith.constant 0 : index
    %swap3A_25 = arith.constant 0 : index
    %swap3A_26 = vector.load %arg6[%swap3A, %swap3A_23, %swap3A_24, %swap3A_25] : memref<1x10x256x64xf32, #tpu.memory_space<vmem>>, vector<1x10x256x64xf32>
    %swap3A_27 = vector.shape_cast %swap3A_26 : vector<1x10x256x64xf32> to vector<10x256x64xf32>
    %swap3A_28 = vector.shape_cast %reshape3A_22 : vector<10x256x64xf32> to vector<1x10x256x64xf32>
    tpu.vector_store %arg6[%swap3A, %swap3A_23, %swap3A_24, %swap3A_25], %swap3A_28 {strides = array<i32>} : memref<1x10x256x64xf32, #tpu.memory_space<vmem>>, vector<1x10x256x64xf32>,
    %reduce_sum3A = arith.constant dense<0.000000e+00> : vector<64xf32>
    %reduce_sum3A_29 = vector.multi_reduction <add>, %max3A_21, %reduce_sum3A [0] : vector<2560x64xf32> to vector<64xf32>
    %broadcast_in_dim3A_30 = vector.shape_cast %reduce_sum3A_29 : vector<64xf32> to vector<1x64xf32>
    %div3A = arith.constant 2.560000e+03 : f32
    %div3A_31 = vector.broadcast %div3A : f32 to vector<1x64xf32>
    %div3A_32 = arith.divf %broadcast_in_dim3A_30, %div3A_31 : vector<1x64xf32>
    %eq3A = arith.constant 0 : i32
    %eq3A_33 = arith.cmpi eq, %arg0, %eq3A : i32
    %eq3A_34 = arith.constant 0 : i32
    %eq3A_35 = arith.cmpi eq, %arg1, %eq3A_34 : i32
    %and3A = arith.andi %eq3A_33, %eq3A_35 : i1
    %convert_element_type3A = arith.extui %and3A : i1 to i32
    %cond3A = arith.constant 0 : i32
    %cond3A_36 = arith.cmpi ne, %convert_element_type3A, %cond3A : i32
    scf.if %cond3A_36 {
      %broadcast_in_dim3A_86 = arith.constant 0.000000e+00 : f32
      %broadcast_in_dim3A_87 = vector.broadcast %broadcast_in_dim3A_86 : f32 to vector<8x128xf32>
      %swap3A_88 = arith.constant 0 : index
      %swap3A_89 = arith.constant 0 : index
      %swap3A_90 = vector.load %arg7[%swap3A_88, %swap3A_89] : memref<8x128xf32, #tpu.memory_space<vmem>>, vector<8x128xf32>
      tpu.vector_store %arg7[%swap3A_88, %swap3A_89], %broadcast_in_dim3A_87 {strides = array<i32>} : memref<8x128xf32, #tpu.memory_space<vmem>>, vector<8x128xf32>,
      %swap3A_91 = arith.constant 2 : index
      %swap3A_92 = arith.constant 0 : index
      %swap3A_93 = vector.load %arg7[%swap3A_91, %swap3A_92] : memref<8x128xf32, #tpu.memory_space<vmem>>, vector<1x64xf32>
      tpu.vector_store %arg7[%swap3A_91, %swap3A_92], %div3A_32 {strides = array<i32>} : memref<8x128xf32, #tpu.memory_space<vmem>>, vector<1x64xf32>,
    } else {
    }
    %get3A_37 = arith.constant 2 : index
    %get3A_38 = arith.constant 0 : index
    %get3A_39 = vector.load %arg7[%get3A_37, %get3A_38] : memref<8x128xf32, #tpu.memory_space<vmem>>, vector<1x64xf32>
    %sub3A_40 = vector.broadcast %get3A_39 : vector<1x64xf32> to vector<2560x64xf32>
    %sub3A_41 = arith.subf %max3A_21, %sub3A_40 : vector<2560x64xf32>
    %reduce_sum3A_42 = arith.constant dense<0.000000e+00> : vector<64xf32>
    %reduce_sum3A_43 = vector.multi_reduction <add>, %sub3A_41, %reduce_sum3A_42 [0] : vector<2560x64xf32> to vector<64xf32>
    %broadcast_in_dim3A_44 = vector.shape_cast %reduce_sum3A_43 : vector<64xf32> to vector<1x64xf32>
    %mul3A = arith.mulf %sub3A_41, %sub3A_41 : vector<2560x64xf32>
    %reduce_sum3A_45 = arith.constant dense<0.000000e+00> : vector<64xf32>
    %reduce_sum3A_46 = vector.multi_reduction <add>, %mul3A, %reduce_sum3A_45 [0] : vector<2560x64xf32> to vector<64xf32>
    %broadcast_in_dim3A_47 = vector.shape_cast %reduce_sum3A_46 : vector<64xf32> to vector<1x64xf32>
    %get3A_48 = arith.constant 3 : index
    %get3A_49 = arith.constant 0 : index
    %get3A_50 = vector.load %arg7[%get3A_48, %get3A_49] : memref<8x128xf32, #tpu.memory_space<vmem>>, vector<1x64xf32>
    %sub3A_51 = arith.subf %broadcast_in_dim3A_44, %get3A_50 : vector<1x64xf32>
    %get3A_52 = arith.constant 0 : index
    %get3A_53 = arith.constant 0 : index
    %get3A_54 = vector.load %arg7[%get3A_52, %get3A_53] : memref<8x128xf32, #tpu.memory_space<vmem>>, vector<1x64xf32>
    %add3A_55 = arith.addf %get3A_54, %sub3A_51 : vector<1x64xf32>
    %get3A_56 = arith.constant 0 : index
    %get3A_57 = arith.constant 0 : index
    %get3A_58 = vector.load %arg7[%get3A_56, %get3A_57] : memref<8x128xf32, #tpu.memory_space<vmem>>, vector<1x64xf32>
    %sub3A_59 = arith.subf %add3A_55, %get3A_58 : vector<1x64xf32>
    %sub3A_60 = arith.subf %sub3A_59, %sub3A_51 : vector<1x64xf32>
    %swap3A_61 = arith.constant 3 : index
    %swap3A_62 = arith.constant 0 : index
    %swap3A_63 = vector.load %arg7[%swap3A_61, %swap3A_62] : memref<8x128xf32, #tpu.memory_space<vmem>>, vector<1x64xf32>
    tpu.vector_store %arg7[%swap3A_61, %swap3A_62], %sub3A_60 {strides = array<i32>} : memref<8x128xf32, #tpu.memory_space<vmem>>, vector<1x64xf32>,
    %swap3A_64 = arith.constant 0 : index
    %swap3A_65 = arith.constant 0 : index
    %swap3A_66 = vector.load %arg7[%swap3A_64, %swap3A_65] : memref<8x128xf32, #tpu.memory_space<vmem>>, vector<1x64xf32>
    tpu.vector_store %arg7[%swap3A_64, %swap3A_65], %add3A_55 {strides = array<i32>} : memref<8x128xf32, #tpu.memory_space<vmem>>, vector<1x64xf32>,
    %get3A_67 = arith.constant 4 : index
    %get3A_68 = arith.constant 0 : index
    %get3A_69 = vector.load %arg7[%get3A_67, %get3A_68] : memref<8x128xf32, #tpu.memory_space<vmem>>, vector<1x64xf32>
    %sub3A_70 = arith.subf %broadcast_in_dim3A_47, %get3A_69 : vector<1x64xf32>
    %get3A_71 = arith.constant 1 : index
    %get3A_72 = arith.constant 0 : index
    %get3A_73 = vector.load %arg7[%get3A_71, %get3A_72] : memref<8x128xf32, #tpu.memory_space<vmem>>, vector<1x64xf32>
    %add3A_74 = arith.addf %get3A_73, %sub3A_70 : vector<1x64xf32>
    %get3A_75 = arith.constant 1 : index
    %get3A_76 = arith.constant 0 : index
    %get3A_77 = vector.load %arg7[%get3A_75, %get3A_76] : memref<8x128xf32, #tpu.memory_space<vmem>>, vector<1x64xf32>
    %sub3A_78 = arith.subf %add3A_74, %get3A_77 : vector<1x64xf32>
    %sub3A_79 = arith.subf %sub3A_78, %sub3A_70 : vector<1x64xf32>
    %swap3A_80 = arith.constant 4 : index
    %swap3A_81 = arith.constant 0 : index
    %swap3A_82 = vector.load %arg7[%swap3A_80, %swap3A_81] : memref<8x128xf32, #tpu.memory_space<vmem>>, vector<1x64xf32>
    tpu.vector_store %arg7[%swap3A_80, %swap3A_81], %sub3A_79 {strides = array<i32>} : memref<8x128xf32, #tpu.memory_space<vmem>>, vector<1x64xf32>,
    %swap3A_83 = arith.constant 1 : index
    %swap3A_84 = arith.constant 0 : index
    %swap3A_85 = vector.load %arg7[%swap3A_83, %swap3A_84] : memref<8x128xf32, #tpu.memory_space<vmem>>, vector<1x64xf32>
    tpu.vector_store %arg7[%swap3A_83, %swap3A_84], %add3A_74 {strides = array<i32>} : memref<8x128xf32, #tpu.memory_space<vmem>>, vector<1x64xf32>,
    return
  }
  func.func @transform_0(%arg0: i32, %arg1: i32) -> (i32, i32, i32) {
    %c0_i32 = arith.constant 0 : i32
    %c0_i32_0 = arith.constant 0 : i32
    return %arg0, %arg1, %c0_i32 : i32, i32, i32
  }
  func.func @transform_1(%arg0: i32, %arg1: i32) -> (i32, i32, i32, i32) {
    %c0_i32 = arith.constant 0 : i32
    %c0_i32_0 = arith.constant 0 : i32
    %c0_i32_1 = arith.constant 0 : i32
    return %arg0, %c0_i32, %arg1, %c0_i32_0 : i32, i32, i32, i32
  }
  func.func @transform_2(%arg0: i32, %arg1: i32) -> (i32, i32) {
    %c0_i32 = arith.constant 0 : i32
    %c0_i32_0 = arith.constant 0 : i32
    %c0_i32_1 = arith.constant 0 : i32
    return %c0_i32, %c0_i32_0 : i32, i32
  }
  func.func @transform_3(%arg0: i32, %arg1: i32) -> (i32, i32) {
    %c0_i32 = arith.constant 0 : i32
    %c0_i32_0 = arith.constant 0 : i32
    %c0_i32_1 = arith.constant 0 : i32
    return %c0_i32, %c0_i32_0 : i32, i32
  }
  func.func @transform_4(%arg0: i32, %arg1: i32) -> (i32, i32, i32, i32) {
    %c0_i32 = arith.constant 0 : i32
    %c0_i32_0 = arith.constant 0 : i32
    %c0_i32_1 = arith.constant 0 : i32
    return %arg0, %c0_i32, %arg1, %c0_i32_0 : i32, i32, i32, i32
  }
  func.func @transform_5(%arg0: i32, %arg1: i32) -> (i32, i32) {
    %c0_i32 = arith.constant 0 : i32
    %c0_i32_0 = arith.constant 0 : i32
    %c0_i32_1 = arith.constant 0 : i32
    return %c0_i32, %c0_i32_0 : i32, i32
  }
}

module attributes {stable_mosaic.version = 14 : i64} {
  func.func @_k4_body(%arg0: i32, %arg1: i32, %arg2: memref<1x10x256x64xf32, #tpu.memory_space<vmem>>, %arg3: memref<1x64xf32, #tpu.memory_space<vmem>>, %arg4: memref<1x64xf32, #tpu.memory_space<vmem>>, %arg5: memref<1x64xf32, #tpu.memory_space<vmem>>, %arg6: memref<1x64xf32, #tpu.memory_space<vmem>>, %arg7: memref<64x64xf32, #tpu.memory_space<vmem>>, %arg8: memref<1x64xf32, #tpu.memory_space<vmem>>, %arg9: memref<1x10x256x64xf32, #tpu.memory_space<vmem>>, %arg10: memref<8x128xf32, #tpu.memory_space<vmem>>) attributes {dimension_semantics = [#tpu.dimension_semantics<arbitrary>, #tpu.dimension_semantics<arbitrary>], iteration_bounds = array<i64: 16, 2>, scalar_prefetch = 0 : i64, scratch_operands = 0 : i64, tpu.core_type = #tpu.core_type<tc>, window_params = [{transform_indices = @transform_0, window_bounds = array<i64: 1, 10, 256, 64>}, {pipeline_mode = #tpu.pipeline_mode<synchronous>, transform_indices = @transform_1, window_bounds = array<i64: 1, 64>}, {pipeline_mode = #tpu.pipeline_mode<synchronous>, transform_indices = @transform_2, window_bounds = array<i64: 1, 64>}, {pipeline_mode = #tpu.pipeline_mode<synchronous>, transform_indices = @transform_3, window_bounds = array<i64: 1, 64>}, {pipeline_mode = #tpu.pipeline_mode<synchronous>, transform_indices = @transform_4, window_bounds = array<i64: 1, 64>}, {pipeline_mode = #tpu.pipeline_mode<synchronous>, transform_indices = @transform_5, window_bounds = array<i64: 64, 64>}, {pipeline_mode = #tpu.pipeline_mode<synchronous>, transform_indices = @transform_6, window_bounds = array<i64: 1, 64>}, {transform_indices = @transform_7, window_bounds = array<i64: 1, 10, 256, 64>}, {pipeline_mode = #tpu.pipeline_mode<synchronous>, transform_indices = @transform_8, window_bounds = array<i64: 8, 128>}]} {
    %get3A = arith.constant 0 : index
    %get3A_0 = arith.constant 0 : index
    %get3A_1 = arith.constant 0 : index
    %get3A_2 = arith.constant 0 : index
    %get3A_3 = vector.load %arg2[%get3A, %get3A_0, %get3A_1, %get3A_2] : memref<1x10x256x64xf32, #tpu.memory_space<vmem>>, vector<1x10x256x64xf32>
    %get3A_4 = vector.shape_cast %get3A_3 : vector<1x10x256x64xf32> to vector<10x256x64xf32>
    %get3A_5 = arith.constant 0 : index
    %get3A_6 = arith.constant 0 : index
    %get3A_7 = vector.load %arg5[%get3A_5, %get3A_6] : memref<1x64xf32, #tpu.memory_space<vmem>>, vector<1x64xf32>
    %get3A_8 = arith.constant 0 : index
    %get3A_9 = arith.constant 0 : index
    %get3A_10 = vector.load %arg3[%get3A_8, %get3A_9] : memref<1x64xf32, #tpu.memory_space<vmem>>, vector<1x64xf32>
    %broadcast_in_dim3A = vector.shape_cast %get3A_10 : vector<1x64xf32> to vector<1x1x64xf32>
    %sub3A = vector.broadcast %broadcast_in_dim3A : vector<1x1x64xf32> to vector<10x256x64xf32>
    %sub3A_11 = arith.subf %get3A_4, %sub3A : vector<10x256x64xf32>
    %broadcast_in_dim3A_12 = vector.shape_cast %get3A_7 : vector<1x64xf32> to vector<1x1x64xf32>
    %mul3A = vector.broadcast %broadcast_in_dim3A_12 : vector<1x1x64xf32> to vector<10x256x64xf32>
    %mul3A_13 = arith.mulf %mul3A, %sub3A_11 : vector<10x256x64xf32>
    %get3A_14 = arith.constant 0 : index
    %get3A_15 = arith.constant 0 : index
    %get3A_16 = vector.load %arg4[%get3A_14, %get3A_15] : memref<1x64xf32, #tpu.memory_space<vmem>>, vector<1x64xf32>
    %broadcast_in_dim3A_17 = vector.shape_cast %get3A_16 : vector<1x64xf32> to vector<1x1x64xf32>
    %div3A = vector.broadcast %broadcast_in_dim3A_17 : vector<1x1x64xf32> to vector<10x256x64xf32>
    %div3A_18 = arith.divf %mul3A_13, %div3A : vector<10x256x64xf32>
    %get3A_19 = arith.constant 0 : index
    %get3A_20 = arith.constant 0 : index
    %get3A_21 = vector.load %arg6[%get3A_19, %get3A_20] : memref<1x64xf32, #tpu.memory_space<vmem>>, vector<1x64xf32>
    %broadcast_in_dim3A_22 = vector.shape_cast %get3A_21 : vector<1x64xf32> to vector<1x1x64xf32>
    %add3A = vector.broadcast %broadcast_in_dim3A_22 : vector<1x1x64xf32> to vector<10x256x64xf32>
    %add3A_23 = arith.addf %div3A_18, %add3A : vector<10x256x64xf32>
    %reshape3A = vector.shape_cast %add3A_23 : vector<10x256x64xf32> to vector<2560x64xf32>
    %get3A_24 = arith.constant 0 : index
    %get3A_25 = arith.constant 0 : index
    %get3A_26 = vector.load %arg7[%get3A_24, %get3A_25] : memref<64x64xf32, #tpu.memory_space<vmem>>, vector<64x64xf32>
    %dot_general3A = arith.constant dense<0.000000e+00> : vector<2560x64xf32>
    %dot_general3A_27 = tpu.matmul %reshape3A, %get3A_26, %dot_general3A {dimension_numbers = #tpu.dot_dimension_numbers<[1], [0], [0], [1], [0, 0, 1, 1], [], []>, transpose_lhs_hint = false} : vector<2560x64xf32>, vector<64x64xf32>, vector<2560x64xf32> -> vector<2560x64xf32>
    %get3A_28 = arith.constant 0 : index
    %get3A_29 = arith.constant 0 : index
    %get3A_30 = vector.load %arg8[%get3A_28, %get3A_29] : memref<1x64xf32, #tpu.memory_space<vmem>>, vector<1x64xf32>
    %add3A_31 = vector.broadcast %get3A_30 : vector<1x64xf32> to vector<2560x64xf32>
    %add3A_32 = arith.addf %dot_general3A_27, %add3A_31 : vector<2560x64xf32>
    %max3A = arith.constant 0.000000e+00 : f32
    %max3A_33 = vector.broadcast %max3A : f32 to vector<2560x64xf32>
    %max3A_34 = arith.maximumf %add3A_32, %max3A_33 : vector<2560x64xf32>
    %reshape3A_35 = vector.shape_cast %max3A_34 : vector<2560x64xf32> to vector<10x256x64xf32>
    %swap3A = arith.constant 0 : index
    %swap3A_36 = arith.constant 0 : index
    %swap3A_37 = arith.constant 0 : index
    %swap3A_38 = arith.constant 0 : index
    %swap3A_39 = vector.load %arg9[%swap3A, %swap3A_36, %swap3A_37, %swap3A_38] : memref<1x10x256x64xf32, #tpu.memory_space<vmem>>, vector<1x10x256x64xf32>
    %swap3A_40 = vector.shape_cast %swap3A_39 : vector<1x10x256x64xf32> to vector<10x256x64xf32>
    %swap3A_41 = vector.shape_cast %reshape3A_35 : vector<10x256x64xf32> to vector<1x10x256x64xf32>
    tpu.vector_store %arg9[%swap3A, %swap3A_36, %swap3A_37, %swap3A_38], %swap3A_41 {strides = array<i32>} : memref<1x10x256x64xf32, #tpu.memory_space<vmem>>, vector<1x10x256x64xf32>,
    %reduce_sum3A = arith.constant dense<0.000000e+00> : vector<64xf32>
    %reduce_sum3A_42 = vector.multi_reduction <add>, %max3A_34, %reduce_sum3A [0] : vector<2560x64xf32> to vector<64xf32>
    %broadcast_in_dim3A_43 = vector.shape_cast %reduce_sum3A_42 : vector<64xf32> to vector<1x64xf32>
    %div3A_44 = arith.constant 2.560000e+03 : f32
    %div3A_45 = vector.broadcast %div3A_44 : f32 to vector<1x64xf32>
    %div3A_46 = arith.divf %broadcast_in_dim3A_43, %div3A_45 : vector<1x64xf32>
    %eq3A = arith.constant 0 : i32
    %eq3A_47 = arith.cmpi eq, %arg0, %eq3A : i32
    %eq3A_48 = arith.constant 0 : i32
    %eq3A_49 = arith.cmpi eq, %arg1, %eq3A_48 : i32
    %and3A = arith.andi %eq3A_47, %eq3A_49 : i1
    %convert_element_type3A = arith.extui %and3A : i1 to i32
    %cond3A = arith.constant 0 : i32
    %cond3A_50 = arith.cmpi ne, %convert_element_type3A, %cond3A : i32
    scf.if %cond3A_50 {
      %broadcast_in_dim3A_101 = arith.constant 0.000000e+00 : f32
      %broadcast_in_dim3A_102 = vector.broadcast %broadcast_in_dim3A_101 : f32 to vector<8x128xf32>
      %swap3A_103 = arith.constant 0 : index
      %swap3A_104 = arith.constant 0 : index
      %swap3A_105 = vector.load %arg10[%swap3A_103, %swap3A_104] : memref<8x128xf32, #tpu.memory_space<vmem>>, vector<8x128xf32>
      tpu.vector_store %arg10[%swap3A_103, %swap3A_104], %broadcast_in_dim3A_102 {strides = array<i32>} : memref<8x128xf32, #tpu.memory_space<vmem>>, vector<8x128xf32>,
      %swap3A_106 = arith.constant 2 : index
      %swap3A_107 = arith.constant 0 : index
      %swap3A_108 = vector.load %arg10[%swap3A_106, %swap3A_107] : memref<8x128xf32, #tpu.memory_space<vmem>>, vector<1x64xf32>
      tpu.vector_store %arg10[%swap3A_106, %swap3A_107], %div3A_46 {strides = array<i32>} : memref<8x128xf32, #tpu.memory_space<vmem>>, vector<1x64xf32>,
    } else {
    }
    %get3A_51 = arith.constant 2 : index
    %get3A_52 = arith.constant 0 : index
    %get3A_53 = vector.load %arg10[%get3A_51, %get3A_52] : memref<8x128xf32, #tpu.memory_space<vmem>>, vector<1x64xf32>
    %sub3A_54 = vector.broadcast %get3A_53 : vector<1x64xf32> to vector<2560x64xf32>
    %sub3A_55 = arith.subf %max3A_34, %sub3A_54 : vector<2560x64xf32>
    %reduce_sum3A_56 = arith.constant dense<0.000000e+00> : vector<64xf32>
    %reduce_sum3A_57 = vector.multi_reduction <add>, %sub3A_55, %reduce_sum3A_56 [0] : vector<2560x64xf32> to vector<64xf32>
    %broadcast_in_dim3A_58 = vector.shape_cast %reduce_sum3A_57 : vector<64xf32> to vector<1x64xf32>
    %mul3A_59 = arith.mulf %sub3A_55, %sub3A_55 : vector<2560x64xf32>
    %reduce_sum3A_60 = arith.constant dense<0.000000e+00> : vector<64xf32>
    %reduce_sum3A_61 = vector.multi_reduction <add>, %mul3A_59, %reduce_sum3A_60 [0] : vector<2560x64xf32> to vector<64xf32>
    %broadcast_in_dim3A_62 = vector.shape_cast %reduce_sum3A_61 : vector<64xf32> to vector<1x64xf32>
    %get3A_63 = arith.constant 3 : index
    %get3A_64 = arith.constant 0 : index
    %get3A_65 = vector.load %arg10[%get3A_63, %get3A_64] : memref<8x128xf32, #tpu.memory_space<vmem>>, vector<1x64xf32>
    %sub3A_66 = arith.subf %broadcast_in_dim3A_58, %get3A_65 : vector<1x64xf32>
    %get3A_67 = arith.constant 0 : index
    %get3A_68 = arith.constant 0 : index
    %get3A_69 = vector.load %arg10[%get3A_67, %get3A_68] : memref<8x128xf32, #tpu.memory_space<vmem>>, vector<1x64xf32>
    %add3A_70 = arith.addf %get3A_69, %sub3A_66 : vector<1x64xf32>
    %get3A_71 = arith.constant 0 : index
    %get3A_72 = arith.constant 0 : index
    %get3A_73 = vector.load %arg10[%get3A_71, %get3A_72] : memref<8x128xf32, #tpu.memory_space<vmem>>, vector<1x64xf32>
    %sub3A_74 = arith.subf %add3A_70, %get3A_73 : vector<1x64xf32>
    %sub3A_75 = arith.subf %sub3A_74, %sub3A_66 : vector<1x64xf32>
    %swap3A_76 = arith.constant 3 : index
    %swap3A_77 = arith.constant 0 : index
    %swap3A_78 = vector.load %arg10[%swap3A_76, %swap3A_77] : memref<8x128xf32, #tpu.memory_space<vmem>>, vector<1x64xf32>
    tpu.vector_store %arg10[%swap3A_76, %swap3A_77], %sub3A_75 {strides = array<i32>} : memref<8x128xf32, #tpu.memory_space<vmem>>, vector<1x64xf32>,
    %swap3A_79 = arith.constant 0 : index
    %swap3A_80 = arith.constant 0 : index
    %swap3A_81 = vector.load %arg10[%swap3A_79, %swap3A_80] : memref<8x128xf32, #tpu.memory_space<vmem>>, vector<1x64xf32>
    tpu.vector_store %arg10[%swap3A_79, %swap3A_80], %add3A_70 {strides = array<i32>} : memref<8x128xf32, #tpu.memory_space<vmem>>, vector<1x64xf32>,
    %get3A_82 = arith.constant 4 : index
    %get3A_83 = arith.constant 0 : index
    %get3A_84 = vector.load %arg10[%get3A_82, %get3A_83] : memref<8x128xf32, #tpu.memory_space<vmem>>, vector<1x64xf32>
    %sub3A_85 = arith.subf %broadcast_in_dim3A_62, %get3A_84 : vector<1x64xf32>
    %get3A_86 = arith.constant 1 : index
    %get3A_87 = arith.constant 0 : index
    %get3A_88 = vector.load %arg10[%get3A_86, %get3A_87] : memref<8x128xf32, #tpu.memory_space<vmem>>, vector<1x64xf32>
    %add3A_89 = arith.addf %get3A_88, %sub3A_85 : vector<1x64xf32>
    %get3A_90 = arith.constant 1 : index
    %get3A_91 = arith.constant 0 : index
    %get3A_92 = vector.load %arg10[%get3A_90, %get3A_91] : memref<8x128xf32, #tpu.memory_space<vmem>>, vector<1x64xf32>
    %sub3A_93 = arith.subf %add3A_89, %get3A_92 : vector<1x64xf32>
    %sub3A_94 = arith.subf %sub3A_93, %sub3A_85 : vector<1x64xf32>
    %swap3A_95 = arith.constant 4 : index
    %swap3A_96 = arith.constant 0 : index
    %swap3A_97 = vector.load %arg10[%swap3A_95, %swap3A_96] : memref<8x128xf32, #tpu.memory_space<vmem>>, vector<1x64xf32>
    tpu.vector_store %arg10[%swap3A_95, %swap3A_96], %sub3A_94 {strides = array<i32>} : memref<8x128xf32, #tpu.memory_space<vmem>>, vector<1x64xf32>,
    %swap3A_98 = arith.constant 1 : index
    %swap3A_99 = arith.constant 0 : index
    %swap3A_100 = vector.load %arg10[%swap3A_98, %swap3A_99] : memref<8x128xf32, #tpu.memory_space<vmem>>, vector<1x64xf32>
    tpu.vector_store %arg10[%swap3A_98, %swap3A_99], %add3A_89 {strides = array<i32>} : memref<8x128xf32, #tpu.memory_space<vmem>>, vector<1x64xf32>,
    return
  }
  func.func @transform_0(%arg0: i32, %arg1: i32) -> (i32, i32, i32, i32) {
    %c0_i32 = arith.constant 0 : i32
    %c0_i32_0 = arith.constant 0 : i32
    %c0_i32_1 = arith.constant 0 : i32
    return %arg0, %c0_i32, %arg1, %c0_i32_0 : i32, i32, i32, i32
  }
  func.func @transform_1(%arg0: i32, %arg1: i32) -> (i32, i32) {
    %c0_i32 = arith.constant 0 : i32
    %c0_i32_0 = arith.constant 0 : i32
    %c0_i32_1 = arith.constant 0 : i32
    return %c0_i32, %c0_i32_0 : i32, i32
  }
  func.func @transform_2(%arg0: i32, %arg1: i32) -> (i32, i32) {
    %c0_i32 = arith.constant 0 : i32
    %c0_i32_0 = arith.constant 0 : i32
    %c0_i32_1 = arith.constant 0 : i32
    return %c0_i32, %c0_i32_0 : i32, i32
  }
  func.func @transform_3(%arg0: i32, %arg1: i32) -> (i32, i32) {
    %c0_i32 = arith.constant 0 : i32
    %c0_i32_0 = arith.constant 0 : i32
    %c0_i32_1 = arith.constant 0 : i32
    return %c0_i32, %c0_i32_0 : i32, i32
  }
  func.func @transform_4(%arg0: i32, %arg1: i32) -> (i32, i32) {
    %c0_i32 = arith.constant 0 : i32
    %c0_i32_0 = arith.constant 0 : i32
    %c0_i32_1 = arith.constant 0 : i32
    return %c0_i32, %c0_i32_0 : i32, i32
  }
  func.func @transform_5(%arg0: i32, %arg1: i32) -> (i32, i32) {
    %c0_i32 = arith.constant 0 : i32
    %c0_i32_0 = arith.constant 0 : i32
    %c0_i32_1 = arith.constant 0 : i32
    return %c0_i32, %c0_i32_0 : i32, i32
  }
  func.func @transform_6(%arg0: i32, %arg1: i32) -> (i32, i32) {
    %c0_i32 = arith.constant 0 : i32
    %c0_i32_0 = arith.constant 0 : i32
    %c0_i32_1 = arith.constant 0 : i32
    return %c0_i32, %c0_i32_0 : i32, i32
  }
  func.func @transform_7(%arg0: i32, %arg1: i32) -> (i32, i32, i32, i32) {
    %c0_i32 = arith.constant 0 : i32
    %c0_i32_0 = arith.constant 0 : i32
    %c0_i32_1 = arith.constant 0 : i32
    return %arg0, %c0_i32, %arg1, %c0_i32_0 : i32, i32, i32, i32
  }
  func.func @transform_8(%arg0: i32, %arg1: i32) -> (i32, i32) {
    %c0_i32 = arith.constant 0 : i32
    %c0_i32_0 = arith.constant 0 : i32
    %c0_i32_1 = arith.constant 0 : i32
    return %c0_i32, %c0_i32_0 : i32, i32
  }
}

module attributes {stable_mosaic.version = 14 : i64} {
  func.func @_k4_body(%arg0: i32, %arg1: i32, %arg2: memref<1x10x256x64xf32, #tpu.memory_space<vmem>>, %arg3: memref<1x64xf32, #tpu.memory_space<vmem>>, %arg4: memref<1x64xf32, #tpu.memory_space<vmem>>, %arg5: memref<1x64xf32, #tpu.memory_space<vmem>>, %arg6: memref<1x64xf32, #tpu.memory_space<vmem>>, %arg7: memref<64x64xf32, #tpu.memory_space<vmem>>, %arg8: memref<1x64xf32, #tpu.memory_space<vmem>>, %arg9: memref<1x256x64xf32, #tpu.memory_space<vmem>>, %arg10: memref<1x256x64xf32, #tpu.memory_space<vmem>>, %arg11: memref<8x128xf32, #tpu.memory_space<vmem>>) attributes {dimension_semantics = [#tpu.dimension_semantics<arbitrary>, #tpu.dimension_semantics<arbitrary>], iteration_bounds = array<i64: 16, 2>, scalar_prefetch = 0 : i64, scratch_operands = 0 : i64, tpu.core_type = #tpu.core_type<tc>, window_params = [{transform_indices = @transform_0, window_bounds = array<i64: 1, 10, 256, 64>}, {pipeline_mode = #tpu.pipeline_mode<synchronous>, transform_indices = @transform_1, window_bounds = array<i64: 1, 64>}, {pipeline_mode = #tpu.pipeline_mode<synchronous>, transform_indices = @transform_2, window_bounds = array<i64: 1, 64>}, {pipeline_mode = #tpu.pipeline_mode<synchronous>, transform_indices = @transform_3, window_bounds = array<i64: 1, 64>}, {pipeline_mode = #tpu.pipeline_mode<synchronous>, transform_indices = @transform_4, window_bounds = array<i64: 1, 64>}, {pipeline_mode = #tpu.pipeline_mode<synchronous>, transform_indices = @transform_5, window_bounds = array<i64: 64, 64>}, {pipeline_mode = #tpu.pipeline_mode<synchronous>, transform_indices = @transform_6, window_bounds = array<i64: 1, 64>}, {transform_indices = @transform_7, window_bounds = array<i64: 1, 256, 64>}, {transform_indices = @transform_8, window_bounds = array<i64: 1, 256, 64>}, {pipeline_mode = #tpu.pipeline_mode<synchronous>, transform_indices = @transform_9, window_bounds = array<i64: 8, 128>}]} {
    %get3A = arith.constant 0 : index
    %get3A_0 = arith.constant 0 : index
    %get3A_1 = arith.constant 0 : index
    %get3A_2 = arith.constant 0 : index
    %get3A_3 = vector.load %arg2[%get3A, %get3A_0, %get3A_1, %get3A_2] : memref<1x10x256x64xf32, #tpu.memory_space<vmem>>, vector<1x10x256x64xf32>
    %get3A_4 = vector.shape_cast %get3A_3 : vector<1x10x256x64xf32> to vector<10x256x64xf32>
    %get3A_5 = arith.constant 0 : index
    %get3A_6 = arith.constant 0 : index
    %get3A_7 = vector.load %arg5[%get3A_5, %get3A_6] : memref<1x64xf32, #tpu.memory_space<vmem>>, vector<1x64xf32>
    %get3A_8 = arith.constant 0 : index
    %get3A_9 = arith.constant 0 : index
    %get3A_10 = vector.load %arg3[%get3A_8, %get3A_9] : memref<1x64xf32, #tpu.memory_space<vmem>>, vector<1x64xf32>
    %broadcast_in_dim3A = vector.shape_cast %get3A_10 : vector<1x64xf32> to vector<1x1x64xf32>
    %sub3A = vector.broadcast %broadcast_in_dim3A : vector<1x1x64xf32> to vector<10x256x64xf32>
    %sub3A_11 = arith.subf %get3A_4, %sub3A : vector<10x256x64xf32>
    %broadcast_in_dim3A_12 = vector.shape_cast %get3A_7 : vector<1x64xf32> to vector<1x1x64xf32>
    %mul3A = vector.broadcast %broadcast_in_dim3A_12 : vector<1x1x64xf32> to vector<10x256x64xf32>
    %mul3A_13 = arith.mulf %mul3A, %sub3A_11 : vector<10x256x64xf32>
    %get3A_14 = arith.constant 0 : index
    %get3A_15 = arith.constant 0 : index
    %get3A_16 = vector.load %arg4[%get3A_14, %get3A_15] : memref<1x64xf32, #tpu.memory_space<vmem>>, vector<1x64xf32>
    %broadcast_in_dim3A_17 = vector.shape_cast %get3A_16 : vector<1x64xf32> to vector<1x1x64xf32>
    %div3A = vector.broadcast %broadcast_in_dim3A_17 : vector<1x1x64xf32> to vector<10x256x64xf32>
    %div3A_18 = arith.divf %mul3A_13, %div3A : vector<10x256x64xf32>
    %get3A_19 = arith.constant 0 : index
    %get3A_20 = arith.constant 0 : index
    %get3A_21 = vector.load %arg6[%get3A_19, %get3A_20] : memref<1x64xf32, #tpu.memory_space<vmem>>, vector<1x64xf32>
    %broadcast_in_dim3A_22 = vector.shape_cast %get3A_21 : vector<1x64xf32> to vector<1x1x64xf32>
    %add3A = vector.broadcast %broadcast_in_dim3A_22 : vector<1x1x64xf32> to vector<10x256x64xf32>
    %add3A_23 = arith.addf %div3A_18, %add3A : vector<10x256x64xf32>
    %reshape3A = vector.shape_cast %add3A_23 : vector<10x256x64xf32> to vector<2560x64xf32>
    %get3A_24 = arith.constant 0 : index
    %get3A_25 = arith.constant 0 : index
    %get3A_26 = vector.load %arg7[%get3A_24, %get3A_25] : memref<64x64xf32, #tpu.memory_space<vmem>>, vector<64x64xf32>
    %dot_general3A = arith.constant dense<0.000000e+00> : vector<2560x64xf32>
    %dot_general3A_27 = tpu.matmul %reshape3A, %get3A_26, %dot_general3A {dimension_numbers = #tpu.dot_dimension_numbers<[1], [0], [0], [1], [0, 0, 1, 1], [], []>, transpose_lhs_hint = false} : vector<2560x64xf32>, vector<64x64xf32>, vector<2560x64xf32> -> vector<2560x64xf32>
    %get3A_28 = arith.constant 0 : index
    %get3A_29 = arith.constant 0 : index
    %get3A_30 = vector.load %arg8[%get3A_28, %get3A_29] : memref<1x64xf32, #tpu.memory_space<vmem>>, vector<1x64xf32>
    %add3A_31 = vector.broadcast %get3A_30 : vector<1x64xf32> to vector<2560x64xf32>
    %add3A_32 = arith.addf %dot_general3A_27, %add3A_31 : vector<2560x64xf32>
    %max3A = arith.constant 0.000000e+00 : f32
    %max3A_33 = vector.broadcast %max3A : f32 to vector<2560x64xf32>
    %max3A_34 = arith.maximumf %add3A_32, %max3A_33 : vector<2560x64xf32>
    %reshape3A_35 = vector.shape_cast %max3A_34 : vector<2560x64xf32> to vector<10x256x64xf32>
    %reduce_max3A = arith.constant dense<0xFF800000> : vector<256x64xf32>
    %reduce_max3A_36 = vector.multi_reduction <maximumf>, %reshape3A_35, %reduce_max3A [0] : vector<10x256x64xf32> to vector<256x64xf32>
    %swap3A = arith.constant 0 : index
    %swap3A_37 = arith.constant 0 : index
    %swap3A_38 = arith.constant 0 : index
    %swap3A_39 = vector.load %arg9[%swap3A, %swap3A_37, %swap3A_38] : memref<1x256x64xf32, #tpu.memory_space<vmem>>, vector<1x256x64xf32>
    %swap3A_40 = vector.shape_cast %swap3A_39 : vector<1x256x64xf32> to vector<256x64xf32>
    %swap3A_41 = vector.shape_cast %reduce_max3A_36 : vector<256x64xf32> to vector<1x256x64xf32>
    tpu.vector_store %arg9[%swap3A, %swap3A_37, %swap3A_38], %swap3A_41 {strides = array<i32>} : memref<1x256x64xf32, #tpu.memory_space<vmem>>, vector<1x256x64xf32>,
    %reduce_min3A = arith.constant dense<0x7F800000> : vector<256x64xf32>
    %reduce_min3A_42 = vector.multi_reduction <minimumf>, %reshape3A_35, %reduce_min3A [0] : vector<10x256x64xf32> to vector<256x64xf32>
    %swap3A_43 = arith.constant 0 : index
    %swap3A_44 = arith.constant 0 : index
    %swap3A_45 = arith.constant 0 : index
    %swap3A_46 = vector.load %arg10[%swap3A_43, %swap3A_44, %swap3A_45] : memref<1x256x64xf32, #tpu.memory_space<vmem>>, vector<1x256x64xf32>
    %swap3A_47 = vector.shape_cast %swap3A_46 : vector<1x256x64xf32> to vector<256x64xf32>
    %swap3A_48 = vector.shape_cast %reduce_min3A_42 : vector<256x64xf32> to vector<1x256x64xf32>
    tpu.vector_store %arg10[%swap3A_43, %swap3A_44, %swap3A_45], %swap3A_48 {strides = array<i32>} : memref<1x256x64xf32, #tpu.memory_space<vmem>>, vector<1x256x64xf32>,
    %reduce_sum3A = arith.constant dense<0.000000e+00> : vector<64xf32>
    %reduce_sum3A_49 = vector.multi_reduction <add>, %max3A_34, %reduce_sum3A [0] : vector<2560x64xf32> to vector<64xf32>
    %broadcast_in_dim3A_50 = vector.shape_cast %reduce_sum3A_49 : vector<64xf32> to vector<1x64xf32>
    %div3A_51 = arith.constant 2.560000e+03 : f32
    %div3A_52 = vector.broadcast %div3A_51 : f32 to vector<1x64xf32>
    %div3A_53 = arith.divf %broadcast_in_dim3A_50, %div3A_52 : vector<1x64xf32>
    %eq3A = arith.constant 0 : i32
    %eq3A_54 = arith.cmpi eq, %arg0, %eq3A : i32
    %eq3A_55 = arith.constant 0 : i32
    %eq3A_56 = arith.cmpi eq, %arg1, %eq3A_55 : i32
    %and3A = arith.andi %eq3A_54, %eq3A_56 : i1
    %convert_element_type3A = arith.extui %and3A : i1 to i32
    %cond3A = arith.constant 0 : i32
    %cond3A_57 = arith.cmpi ne, %convert_element_type3A, %cond3A : i32
    scf.if %cond3A_57 {
      %broadcast_in_dim3A_108 = arith.constant 0.000000e+00 : f32
      %broadcast_in_dim3A_109 = vector.broadcast %broadcast_in_dim3A_108 : f32 to vector<8x128xf32>
      %swap3A_110 = arith.constant 0 : index
      %swap3A_111 = arith.constant 0 : index
      %swap3A_112 = vector.load %arg11[%swap3A_110, %swap3A_111] : memref<8x128xf32, #tpu.memory_space<vmem>>, vector<8x128xf32>
      tpu.vector_store %arg11[%swap3A_110, %swap3A_111], %broadcast_in_dim3A_109 {strides = array<i32>} : memref<8x128xf32, #tpu.memory_space<vmem>>, vector<8x128xf32>,
      %swap3A_113 = arith.constant 2 : index
      %swap3A_114 = arith.constant 0 : index
      %swap3A_115 = vector.load %arg11[%swap3A_113, %swap3A_114] : memref<8x128xf32, #tpu.memory_space<vmem>>, vector<1x64xf32>
      tpu.vector_store %arg11[%swap3A_113, %swap3A_114], %div3A_53 {strides = array<i32>} : memref<8x128xf32, #tpu.memory_space<vmem>>, vector<1x64xf32>,
    } else {
    }
    %get3A_58 = arith.constant 2 : index
    %get3A_59 = arith.constant 0 : index
    %get3A_60 = vector.load %arg11[%get3A_58, %get3A_59] : memref<8x128xf32, #tpu.memory_space<vmem>>, vector<1x64xf32>
    %sub3A_61 = vector.broadcast %get3A_60 : vector<1x64xf32> to vector<2560x64xf32>
    %sub3A_62 = arith.subf %max3A_34, %sub3A_61 : vector<2560x64xf32>
    %reduce_sum3A_63 = arith.constant dense<0.000000e+00> : vector<64xf32>
    %reduce_sum3A_64 = vector.multi_reduction <add>, %sub3A_62, %reduce_sum3A_63 [0] : vector<2560x64xf32> to vector<64xf32>
    %broadcast_in_dim3A_65 = vector.shape_cast %reduce_sum3A_64 : vector<64xf32> to vector<1x64xf32>
    %mul3A_66 = arith.mulf %sub3A_62, %sub3A_62 : vector<2560x64xf32>
    %reduce_sum3A_67 = arith.constant dense<0.000000e+00> : vector<64xf32>
    %reduce_sum3A_68 = vector.multi_reduction <add>, %mul3A_66, %reduce_sum3A_67 [0] : vector<2560x64xf32> to vector<64xf32>
    %broadcast_in_dim3A_69 = vector.shape_cast %reduce_sum3A_68 : vector<64xf32> to vector<1x64xf32>
    %get3A_70 = arith.constant 3 : index
    %get3A_71 = arith.constant 0 : index
    %get3A_72 = vector.load %arg11[%get3A_70, %get3A_71] : memref<8x128xf32, #tpu.memory_space<vmem>>, vector<1x64xf32>
    %sub3A_73 = arith.subf %broadcast_in_dim3A_65, %get3A_72 : vector<1x64xf32>
    %get3A_74 = arith.constant 0 : index
    %get3A_75 = arith.constant 0 : index
    %get3A_76 = vector.load %arg11[%get3A_74, %get3A_75] : memref<8x128xf32, #tpu.memory_space<vmem>>, vector<1x64xf32>
    %add3A_77 = arith.addf %get3A_76, %sub3A_73 : vector<1x64xf32>
    %get3A_78 = arith.constant 0 : index
    %get3A_79 = arith.constant 0 : index
    %get3A_80 = vector.load %arg11[%get3A_78, %get3A_79] : memref<8x128xf32, #tpu.memory_space<vmem>>, vector<1x64xf32>
    %sub3A_81 = arith.subf %add3A_77, %get3A_80 : vector<1x64xf32>
    %sub3A_82 = arith.subf %sub3A_81, %sub3A_73 : vector<1x64xf32>
    %swap3A_83 = arith.constant 3 : index
    %swap3A_84 = arith.constant 0 : index
    %swap3A_85 = vector.load %arg11[%swap3A_83, %swap3A_84] : memref<8x128xf32, #tpu.memory_space<vmem>>, vector<1x64xf32>
    tpu.vector_store %arg11[%swap3A_83, %swap3A_84], %sub3A_82 {strides = array<i32>} : memref<8x128xf32, #tpu.memory_space<vmem>>, vector<1x64xf32>,
    %swap3A_86 = arith.constant 0 : index
    %swap3A_87 = arith.constant 0 : index
    %swap3A_88 = vector.load %arg11[%swap3A_86, %swap3A_87] : memref<8x128xf32, #tpu.memory_space<vmem>>, vector<1x64xf32>
    tpu.vector_store %arg11[%swap3A_86, %swap3A_87], %add3A_77 {strides = array<i32>} : memref<8x128xf32, #tpu.memory_space<vmem>>, vector<1x64xf32>,
    %get3A_89 = arith.constant 4 : index
    %get3A_90 = arith.constant 0 : index
    %get3A_91 = vector.load %arg11[%get3A_89, %get3A_90] : memref<8x128xf32, #tpu.memory_space<vmem>>, vector<1x64xf32>
    %sub3A_92 = arith.subf %broadcast_in_dim3A_69, %get3A_91 : vector<1x64xf32>
    %get3A_93 = arith.constant 1 : index
    %get3A_94 = arith.constant 0 : index
    %get3A_95 = vector.load %arg11[%get3A_93, %get3A_94] : memref<8x128xf32, #tpu.memory_space<vmem>>, vector<1x64xf32>
    %add3A_96 = arith.addf %get3A_95, %sub3A_92 : vector<1x64xf32>
    %get3A_97 = arith.constant 1 : index
    %get3A_98 = arith.constant 0 : index
    %get3A_99 = vector.load %arg11[%get3A_97, %get3A_98] : memref<8x128xf32, #tpu.memory_space<vmem>>, vector<1x64xf32>
    %sub3A_100 = arith.subf %add3A_96, %get3A_99 : vector<1x64xf32>
    %sub3A_101 = arith.subf %sub3A_100, %sub3A_92 : vector<1x64xf32>
    %swap3A_102 = arith.constant 4 : index
    %swap3A_103 = arith.constant 0 : index
    %swap3A_104 = vector.load %arg11[%swap3A_102, %swap3A_103] : memref<8x128xf32, #tpu.memory_space<vmem>>, vector<1x64xf32>
    tpu.vector_store %arg11[%swap3A_102, %swap3A_103], %sub3A_101 {strides = array<i32>} : memref<8x128xf32, #tpu.memory_space<vmem>>, vector<1x64xf32>,
    %swap3A_105 = arith.constant 1 : index
    %swap3A_106 = arith.constant 0 : index
    %swap3A_107 = vector.load %arg11[%swap3A_105, %swap3A_106] : memref<8x128xf32, #tpu.memory_space<vmem>>, vector<1x64xf32>
    tpu.vector_store %arg11[%swap3A_105, %swap3A_106], %add3A_96 {strides = array<i32>} : memref<8x128xf32, #tpu.memory_space<vmem>>, vector<1x64xf32>,
    return
  }
  func.func @transform_0(%arg0: i32, %arg1: i32) -> (i32, i32, i32, i32) {
    %c0_i32 = arith.constant 0 : i32
    %c0_i32_0 = arith.constant 0 : i32
    %c0_i32_1 = arith.constant 0 : i32
    return %arg0, %c0_i32, %arg1, %c0_i32_0 : i32, i32, i32, i32
  }
  func.func @transform_1(%arg0: i32, %arg1: i32) -> (i32, i32) {
    %c0_i32 = arith.constant 0 : i32
    %c0_i32_0 = arith.constant 0 : i32
    %c0_i32_1 = arith.constant 0 : i32
    return %c0_i32, %c0_i32_0 : i32, i32
  }
  func.func @transform_2(%arg0: i32, %arg1: i32) -> (i32, i32) {
    %c0_i32 = arith.constant 0 : i32
    %c0_i32_0 = arith.constant 0 : i32
    %c0_i32_1 = arith.constant 0 : i32
    return %c0_i32, %c0_i32_0 : i32, i32
  }
  func.func @transform_3(%arg0: i32, %arg1: i32) -> (i32, i32) {
    %c0_i32 = arith.constant 0 : i32
    %c0_i32_0 = arith.constant 0 : i32
    %c0_i32_1 = arith.constant 0 : i32
    return %c0_i32, %c0_i32_0 : i32, i32
  }
  func.func @transform_4(%arg0: i32, %arg1: i32) -> (i32, i32) {
    %c0_i32 = arith.constant 0 : i32
    %c0_i32_0 = arith.constant 0 : i32
    %c0_i32_1 = arith.constant 0 : i32
    return %c0_i32, %c0_i32_0 : i32, i32
  }
  func.func @transform_5(%arg0: i32, %arg1: i32) -> (i32, i32) {
    %c0_i32 = arith.constant 0 : i32
    %c0_i32_0 = arith.constant 0 : i32
    %c0_i32_1 = arith.constant 0 : i32
    return %c0_i32, %c0_i32_0 : i32, i32
  }
  func.func @transform_6(%arg0: i32, %arg1: i32) -> (i32, i32) {
    %c0_i32 = arith.constant 0 : i32
    %c0_i32_0 = arith.constant 0 : i32
    %c0_i32_1 = arith.constant 0 : i32
    return %c0_i32, %c0_i32_0 : i32, i32
  }
  func.func @transform_7(%arg0: i32, %arg1: i32) -> (i32, i32, i32) {
    %c0_i32 = arith.constant 0 : i32
    %c0_i32_0 = arith.constant 0 : i32
    return %arg0, %arg1, %c0_i32 : i32, i32, i32
  }
  func.func @transform_8(%arg0: i32, %arg1: i32) -> (i32, i32, i32) {
    %c0_i32 = arith.constant 0 : i32
    %c0_i32_0 = arith.constant 0 : i32
    return %arg0, %arg1, %c0_i32 : i32, i32, i32
  }
  func.func @transform_9(%arg0: i32, %arg1: i32) -> (i32, i32) {
    %c0_i32 = arith.constant 0 : i32
    %c0_i32_0 = arith.constant 0 : i32
    %c0_i32_1 = arith.constant 0 : i32
    return %c0_i32, %c0_i32_0 : i32, i32
  }
}

module attributes {stable_mosaic.version = 14 : i64} {
  func.func @_k6_body(%arg0: i32, %arg1: memref<1x512x64xf32, #tpu.memory_space<vmem>>, %arg2: memref<1x512x64xf32, #tpu.memory_space<vmem>>, %arg3: memref<1x64xf32, #tpu.memory_space<vmem>>, %arg4: memref<1x64xf32, #tpu.memory_space<vmem>>, %arg5: memref<1x64xf32, #tpu.memory_space<vmem>>, %arg6: memref<1x64xf32, #tpu.memory_space<vmem>>, %arg7: memref<64x1xf32, #tpu.memory_space<vmem>>, %arg8: memref<1x1xf32, #tpu.memory_space<vmem>>, %arg9: memref<1x256x64xf32, #tpu.memory_space<vmem>>, %arg10: memref<1x1x64xf32, #tpu.memory_space<vmem>>) attributes {dimension_semantics = [#tpu.dimension_semantics<arbitrary>], iteration_bounds = array<i64: 16>, scalar_prefetch = 0 : i64, scratch_operands = 0 : i64, tpu.core_type = #tpu.core_type<tc>, window_params = [{transform_indices = @transform_0, window_bounds = array<i64: 1, 512, 64>}, {transform_indices = @transform_1, window_bounds = array<i64: 1, 512, 64>}, {pipeline_mode = #tpu.pipeline_mode<synchronous>, transform_indices = @transform_2, window_bounds = array<i64: 1, 64>}, {pipeline_mode = #tpu.pipeline_mode<synchronous>, transform_indices = @transform_3, window_bounds = array<i64: 1, 64>}, {pipeline_mode = #tpu.pipeline_mode<synchronous>, transform_indices = @transform_4, window_bounds = array<i64: 1, 64>}, {pipeline_mode = #tpu.pipeline_mode<synchronous>, transform_indices = @transform_5, window_bounds = array<i64: 1, 64>}, {pipeline_mode = #tpu.pipeline_mode<synchronous>, transform_indices = @transform_6, window_bounds = array<i64: 64, 1>}, {pipeline_mode = #tpu.pipeline_mode<synchronous>, transform_indices = @transform_7, window_bounds = array<i64: 1, 1>}, {transform_indices = @transform_8, window_bounds = array<i64: 1, 256, 64>}, {transform_indices = @transform_9, window_bounds = array<i64: 1, 1, 64>}]} {
    %get3A = arith.constant 0 : index
    %get3A_0 = arith.constant 0 : index
    %get3A_1 = vector.load %arg3[%get3A, %get3A_0] : memref<1x64xf32, #tpu.memory_space<vmem>>, vector<1x64xf32>
    %get3A_2 = arith.constant 0 : index
    %get3A_3 = arith.constant 0 : index
    %get3A_4 = vector.load %arg4[%get3A_2, %get3A_3] : memref<1x64xf32, #tpu.memory_space<vmem>>, vector<1x64xf32>
    %get3A_5 = arith.constant 0 : index
    %get3A_6 = arith.constant 0 : index
    %get3A_7 = vector.load %arg5[%get3A_5, %get3A_6] : memref<1x64xf32, #tpu.memory_space<vmem>>, vector<1x64xf32>
    %get3A_8 = arith.constant 0 : index
    %get3A_9 = arith.constant 0 : index
    %get3A_10 = vector.load %arg6[%get3A_8, %get3A_9] : memref<1x64xf32, #tpu.memory_space<vmem>>, vector<1x64xf32>
    %gt3A = arith.constant 0.000000e+00 : f32
    %gt3A_11 = vector.broadcast %gt3A : f32 to vector<1x64xf32>
    %gt3A_12 = arith.cmpf ogt, %get3A_7, %gt3A_11 : vector<1x64xf32>
    %get3A_13 = arith.constant 0 : index
    %get3A_14 = arith.constant 0 : index
    %get3A_15 = arith.constant 0 : index
    %get3A_16 = vector.load %arg1[%get3A_13, %get3A_14, %get3A_15] : memref<1x512x64xf32, #tpu.memory_space<vmem>>, vector<1x512x64xf32>
    %get3A_17 = vector.shape_cast %get3A_16 : vector<1x512x64xf32> to vector<512x64xf32>
    %get3A_18 = arith.constant 0 : index
    %get3A_19 = arith.constant 0 : index
    %get3A_20 = arith.constant 0 : index
    %get3A_21 = vector.load %arg2[%get3A_18, %get3A_19, %get3A_20] : memref<1x512x64xf32, #tpu.memory_space<vmem>>, vector<1x512x64xf32>
    %get3A_22 = vector.shape_cast %get3A_21 : vector<1x512x64xf32> to vector<512x64xf32>
    %broadcast_in_dim3A = vector.shape_cast %gt3A_12 : vector<1x64xi1> to vector<1x64xi1>
    %broadcast_in_dim3A_23 = vector.broadcast %broadcast_in_dim3A : vector<1x64xi1> to vector<512x64xi1>
    %select_n3A = arith.select %broadcast_in_dim3A_23, %get3A_17, %get3A_22 : vector<512x64xi1>, vector<512x64xf32>
    %sub3A = vector.broadcast %get3A_1 : vector<1x64xf32> to vector<512x64xf32>
    %sub3A_24 = arith.subf %select_n3A, %sub3A : vector<512x64xf32>
    %mul3A = vector.broadcast %get3A_7 : vector<1x64xf32> to vector<512x64xf32>
    %mul3A_25 = arith.mulf %mul3A, %sub3A_24 : vector<512x64xf32>
    %div3A = vector.broadcast %get3A_4 : vector<1x64xf32> to vector<512x64xf32>
    %div3A_26 = arith.divf %mul3A_25, %div3A : vector<512x64xf32>
    %add3A = vector.broadcast %get3A_10 : vector<1x64xf32> to vector<512x64xf32>
    %add3A_27 = arith.addf %div3A_26, %add3A : vector<512x64xf32>
    %get3A_28 = arith.constant 0 : index
    %get3A_29 = arith.constant 0 : index
    %get3A_30 = vector.load %arg7[%get3A_28, %get3A_29] : memref<64x1xf32, #tpu.memory_space<vmem>>, vector<64x1xf32>
    %dot_general3A = arith.constant dense<0.000000e+00> : vector<512x1xf32>
    %dot_general3A_31 = tpu.matmul %add3A_27, %get3A_30, %dot_general3A {dimension_numbers = #tpu.dot_dimension_numbers<[1], [0], [0], [1], [0, 0, 1, 1], [], []>, transpose_lhs_hint = false} : vector<512x64xf32>, vector<64x1xf32>, vector<512x1xf32> -> vector<512x1xf32>
    %get3A_32 = arith.constant 0 : index
    %get3A_33 = arith.constant 0 : index
    %get3A_34 = vector.load %arg8[%get3A_32, %get3A_33] : memref<1x1xf32, #tpu.memory_space<vmem>>, vector<1x1xf32>
    %get3A_35 = vector.extract %get3A_34[0, 0] : f32 from vector<1x1xf32>
    %div3A_36 = vector.broadcast %get3A_35 : f32 to vector<512x1xf32>
    %div3A_37 = arith.divf %dot_general3A_31, %div3A_36 : vector<512x1xf32>
    %tanh3A = math.tanh %div3A_37 : vector<512x1xf32>
    %broadcast_in_dim3A_38 = arith.constant 0.000000e+00 : f32
    %broadcast_in_dim3A_39 = vector.broadcast %broadcast_in_dim3A_38 : f32 to vector<1x512xf32>
    %iota3A = tpu.iota {dimensions = array<i32: 0>} : vector<256x512xi32>
    %add3A_40 = arith.constant 0 : i32
    %add3A_41 = vector.broadcast %add3A_40 : i32 to vector<256x512xi32>
    %add3A_42 = arith.addi %iota3A, %add3A_41 : vector<256x512xi32>
    %iota3A_43 = tpu.iota {dimensions = array<i32: 1>} : vector<256x512xi32>
    %slice3A = vector.extract_strided_slice %tanh3A {offsets = [0, 0], sizes = [256, 1], strides = [1, 1]} : vector<512x1xf32> to vector<256x1xf32>
    %eq3A = arith.cmpi eq, %add3A_42, %iota3A_43 : vector<256x512xi32>
    %jit3A = arith.constant 0.000000e+00 : f32
    %broadcast_in_dim3A_44 = vector.shape_cast %slice3A : vector<256x1xf32> to vector<256x1xf32>
    %broadcast_in_dim3A_45 = vector.broadcast %broadcast_in_dim3A_44 : vector<256x1xf32> to vector<256x512xf32>
    %broadcast_in_dim3A_46 = vector.broadcast %jit3A : f32 to vector<256x512xf32>
    %select_n3A_47 = arith.select %eq3A, %broadcast_in_dim3A_45, %broadcast_in_dim3A_46 : vector<256x512xi1>, vector<256x512xf32>
    %reduce_sum3A = arith.constant dense<0.000000e+00> : vector<512xf32>
    %reduce_sum3A_48 = vector.multi_reduction <add>, %select_n3A_47, %reduce_sum3A [0] : vector<256x512xf32> to vector<512xf32>
    %broadcast_in_dim3A_49 = vector.shape_cast %reduce_sum3A_48 : vector<512xf32> to vector<1x512xf32>
    %add3A_50 = arith.addf %broadcast_in_dim3A_39, %broadcast_in_dim3A_49 : vector<1x512xf32>
    %iota3A_51 = tpu.iota {dimensions = array<i32: 0>} : vector<256x512xi32>
    %add3A_52 = arith.constant 256 : i32
    %add3A_53 = vector.broadcast %add3A_52 : i32 to vector<256x512xi32>
    %add3A_54 = arith.addi %iota3A_51, %add3A_53 : vector<256x512xi32>
    %iota3A_55 = tpu.iota {dimensions = array<i32: 1>} : vector<256x512xi32>
    %slice3A_56 = vector.extract_strided_slice %tanh3A {offsets = [256, 0], sizes = [256, 1], strides = [1, 1]} : vector<512x1xf32> to vector<256x1xf32>
    %eq3A_57 = arith.cmpi eq, %add3A_54, %iota3A_55 : vector<256x512xi32>
    %jit3A_58 = arith.constant 0.000000e+00 : f32
    %broadcast_in_dim3A_59 = vector.shape_cast %slice3A_56 : vector<256x1xf32> to vector<256x1xf32>
    %broadcast_in_dim3A_60 = vector.broadcast %broadcast_in_dim3A_59 : vector<256x1xf32> to vector<256x512xf32>
    %broadcast_in_dim3A_61 = vector.broadcast %jit3A_58 : f32 to vector<256x512xf32>
    %select_n3A_62 = arith.select %eq3A_57, %broadcast_in_dim3A_60, %broadcast_in_dim3A_61 : vector<256x512xi1>, vector<256x512xf32>
    %reduce_sum3A_63 = arith.constant dense<0.000000e+00> : vector<512xf32>
    %reduce_sum3A_64 = vector.multi_reduction <add>, %select_n3A_62, %reduce_sum3A_63 [0] : vector<256x512xf32> to vector<512xf32>
    %broadcast_in_dim3A_65 = vector.shape_cast %reduce_sum3A_64 : vector<512xf32> to vector<1x512xf32>
    %add3A_66 = arith.addf %add3A_50, %broadcast_in_dim3A_65 : vector<1x512xf32>
    %broadcast_in_dim3A_67 = arith.constant 0 : i32
    %broadcast_in_dim3A_68 = vector.broadcast %broadcast_in_dim3A_67 : i32 to vector<1x512xi32>
    %broadcast_in_dim3A_69 = arith.constant -3.000000e+38 : f32
    %broadcast_in_dim3A_70 = vector.broadcast %broadcast_in_dim3A_69 : f32 to vector<1x64xf32>
    %iota3A_71 = tpu.iota {dimensions = array<i32: 0>} : vector<256x512xi32>
    %add3A_72 = arith.constant 0 : i32
    %add3A_73 = vector.broadcast %add3A_72 : i32 to vector<256x512xi32>
    %add3A_74 = arith.addi %iota3A_71, %add3A_73 : vector<256x512xi32>
    %iota3A_75 = tpu.iota {dimensions = array<i32: 1>} : vector<256x512xi32>
    %slice3A_76 = vector.extract_strided_slice %tanh3A {offsets = [0, 0], sizes = [256, 1], strides = [1, 1]} : vector<512x1xf32> to vector<256x1xf32>
    %gt3A_77 = vector.broadcast %add3A_66 : vector<1x512xf32> to vector<256x512xf32>
    %gt3A_78 = vector.broadcast %slice3A_76 : vector<256x1xf32> to vector<256x512xf32>
    %gt3A_79 = arith.cmpf ogt, %gt3A_77, %gt3A_78 : vector<256x512xf32>
    %eq3A_80 = vector.broadcast %add3A_66 : vector<1x512xf32> to vector<256x512xf32>
    %eq3A_81 = vector.broadcast %slice3A_76 : vector<256x1xf32> to vector<256x512xf32>
    %eq3A_82 = arith.cmpf oeq, %eq3A_80, %eq3A_81 : vector<256x512xf32>
    %lt3A = arith.cmpi slt, %iota3A_75, %add3A_74 : vector<256x512xi32>
    %and3A = arith.andi %eq3A_82, %lt3A : vector<256x512xi1>
    %or3A = arith.ori %gt3A_79, %and3A : vector<256x512xi1>
    %convert_element_type3A = arith.extui %or3A : vector<256x512xi1> to vector<256x512xi32>
    %reduce_sum3A_83 = arith.constant dense<0> : vector<256xi32>
    %reduce_sum3A_84 = vector.multi_reduction <add>, %convert_element_type3A, %reduce_sum3A_83 [1] : vector<256x512xi32> to vector<256xi32>
    %broadcast_in_dim3A_85 = vector.shape_cast %reduce_sum3A_84 : vector<256xi32> to vector<256x1xi32>
    %eq3A_86 = arith.cmpi eq, %add3A_74, %iota3A_75 : vector<256x512xi32>
    %jit3A_87 = arith.constant 0 : i32
    %broadcast_in_dim3A_88 = vector.shape_cast %broadcast_in_dim3A_85 : vector<256x1xi32> to vector<256x1xi32>
    %broadcast_in_dim3A_89 = vector.broadcast %broadcast_in_dim3A_88 : vector<256x1xi32> to vector<256x512xi32>
    %broadcast_in_dim3A_90 = vector.broadcast %jit3A_87 : i32 to vector<256x512xi32>
    %select_n3A_91 = arith.select %eq3A_86, %broadcast_in_dim3A_89, %broadcast_in_dim3A_90 : vector<256x512xi1>, vector<256x512xi32>
    %reduce_sum3A_92 = arith.constant dense<0> : vector<512xi32>
    %reduce_sum3A_93 = vector.multi_reduction <add>, %select_n3A_91, %reduce_sum3A_92 [0] : vector<256x512xi32> to vector<512xi32>
    %broadcast_in_dim3A_94 = vector.shape_cast %reduce_sum3A_93 : vector<512xi32> to vector<1x512xi32>
    %add3A_95 = arith.addi %broadcast_in_dim3A_68, %broadcast_in_dim3A_94 : vector<1x512xi32>
    %slice3A_96 = vector.extract_strided_slice %add3A_27 {offsets = [0, 0], sizes = [256, 64], strides = [1, 1]} : vector<512x64xf32> to vector<256x64xf32>
    %mul3A_97 = vector.broadcast %slice3A_76 : vector<256x1xf32> to vector<256x64xf32>
    %mul3A_98 = arith.mulf %slice3A_96, %mul3A_97 : vector<256x64xf32>
    %lt3A_99 = arith.constant 256 : i32
    %lt3A_100 = vector.broadcast %lt3A_99 : i32 to vector<256x1xi32>
    %lt3A_101 = arith.cmpi slt, %broadcast_in_dim3A_85, %lt3A_100 : vector<256x1xi32>
    %jit3A_102 = arith.constant -3.000000e+38 : f32
    %broadcast_in_dim3A_103 = vector.shape_cast %lt3A_101 : vector<256x1xi1> to vector<256x1xi1>
    %broadcast_in_dim3A_104 = vector.broadcast %broadcast_in_dim3A_103 : vector<256x1xi1> to vector<256x64xi1>
    %broadcast_in_dim3A_105 = vector.broadcast %jit3A_102 : f32 to vector<256x64xf32>
    %select_n3A_106 = arith.select %broadcast_in_dim3A_104, %mul3A_98, %broadcast_in_dim3A_105 : vector<256x64xi1>, vector<256x64xf32>
    %reduce_max3A = arith.constant dense<0xFF800000> : vector<64xf32>
    %reduce_max3A_107 = vector.multi_reduction <maximumf>, %select_n3A_106, %reduce_max3A [0] : vector<256x64xf32> to vector<64xf32>
    %broadcast_in_dim3A_108 = vector.shape_cast %reduce_max3A_107 : vector<64xf32> to vector<1x64xf32>
    %max3A = arith.maximumf %broadcast_in_dim3A_70, %broadcast_in_dim3A_108 : vector<1x64xf32>
    %iota3A_109 = tpu.iota {dimensions = array<i32: 0>} : vector<256x512xi32>
    %add3A_110 = arith.constant 256 : i32
    %add3A_111 = vector.broadcast %add3A_110 : i32 to vector<256x512xi32>
    %add3A_112 = arith.addi %iota3A_109, %add3A_111 : vector<256x512xi32>
    %iota3A_113 = tpu.iota {dimensions = array<i32: 1>} : vector<256x512xi32>
    %slice3A_114 = vector.extract_strided_slice %tanh3A {offsets = [256, 0], sizes = [256, 1], strides = [1, 1]} : vector<512x1xf32> to vector<256x1xf32>
    %gt3A_115 = vector.broadcast %add3A_66 : vector<1x512xf32> to vector<256x512xf32>
    %gt3A_116 = vector.broadcast %slice3A_114 : vector<256x1xf32> to vector<256x512xf32>
    %gt3A_117 = arith.cmpf ogt, %gt3A_115, %gt3A_116 : vector<256x512xf32>
    %eq3A_118 = vector.broadcast %add3A_66 : vector<1x512xf32> to vector<256x512xf32>
    %eq3A_119 = vector.broadcast %slice3A_114 : vector<256x1xf32> to vector<256x512xf32>
    %eq3A_120 = arith.cmpf oeq, %eq3A_118, %eq3A_119 : vector<256x512xf32>
    %lt3A_121 = arith.cmpi slt, %iota3A_113, %add3A_112 : vector<256x512xi32>
    %and3A_122 = arith.andi %eq3A_120, %lt3A_121 : vector<256x512xi1>
    %or3A_123 = arith.ori %gt3A_117, %and3A_122 : vector<256x512xi1>
    %convert_element_type3A_124 = arith.extui %or3A_123 : vector<256x512xi1> to vector<256x512xi32>
    %reduce_sum3A_125 = arith.constant dense<0> : vector<256xi32>
    %reduce_sum3A_126 = vector.multi_reduction <add>, %convert_element_type3A_124, %reduce_sum3A_125 [1] : vector<256x512xi32> to vector<256xi32>
    %broadcast_in_dim3A_127 = vector.shape_cast %reduce_sum3A_126 : vector<256xi32> to vector<256x1xi32>
    %eq3A_128 = arith.cmpi eq, %add3A_112, %iota3A_113 : vector<256x512xi32>
    %jit3A_129 = arith.constant 0 : i32
    %broadcast_in_dim3A_130 = vector.shape_cast %broadcast_in_dim3A_127 : vector<256x1xi32> to vector<256x1xi32>
    %broadcast_in_dim3A_131 = vector.broadcast %broadcast_in_dim3A_130 : vector<256x1xi32> to vector<256x512xi32>
    %broadcast_in_dim3A_132 = vector.broadcast %jit3A_129 : i32 to vector<256x512xi32>
    %select_n3A_133 = arith.select %eq3A_128, %broadcast_in_dim3A_131, %broadcast_in_dim3A_132 : vector<256x512xi1>, vector<256x512xi32>
    %reduce_sum3A_134 = arith.constant dense<0> : vector<512xi32>
    %reduce_sum3A_135 = vector.multi_reduction <add>, %select_n3A_133, %reduce_sum3A_134 [0] : vector<256x512xi32> to vector<512xi32>
    %broadcast_in_dim3A_136 = vector.shape_cast %reduce_sum3A_135 : vector<512xi32> to vector<1x512xi32>
    %add3A_137 = arith.addi %add3A_95, %broadcast_in_dim3A_136 : vector<1x512xi32>
    %slice3A_138 = vector.extract_strided_slice %add3A_27 {offsets = [256, 0], sizes = [256, 64], strides = [1, 1]} : vector<512x64xf32> to vector<256x64xf32>
    %mul3A_139 = vector.broadcast %slice3A_114 : vector<256x1xf32> to vector<256x64xf32>
    %mul3A_140 = arith.mulf %slice3A_138, %mul3A_139 : vector<256x64xf32>
    %lt3A_141 = arith.constant 256 : i32
    %lt3A_142 = vector.broadcast %lt3A_141 : i32 to vector<256x1xi32>
    %lt3A_143 = arith.cmpi slt, %broadcast_in_dim3A_127, %lt3A_142 : vector<256x1xi32>
    %jit3A_144 = arith.constant -3.000000e+38 : f32
    %broadcast_in_dim3A_145 = vector.shape_cast %lt3A_143 : vector<256x1xi1> to vector<256x1xi1>
    %broadcast_in_dim3A_146 = vector.broadcast %broadcast_in_dim3A_145 : vector<256x1xi1> to vector<256x64xi1>
    %broadcast_in_dim3A_147 = vector.broadcast %jit3A_144 : f32 to vector<256x64xf32>
    %select_n3A_148 = arith.select %broadcast_in_dim3A_146, %mul3A_140, %broadcast_in_dim3A_147 : vector<256x64xi1>, vector<256x64xf32>
    %reduce_max3A_149 = arith.constant dense<0xFF800000> : vector<64xf32>
    %reduce_max3A_150 = vector.multi_reduction <maximumf>, %select_n3A_148, %reduce_max3A_149 [0] : vector<256x64xf32> to vector<64xf32>
    %broadcast_in_dim3A_151 = vector.shape_cast %reduce_max3A_150 : vector<64xf32> to vector<1x64xf32>
    %max3A_152 = arith.maximumf %max3A, %broadcast_in_dim3A_151 : vector<1x64xf32>
    %concatenate3A = tpu.concatenate %mul3A_98, %mul3A_140 in 0 : vector<256x64xf32>, vector<256x64xf32> -> vector<512x64xf32>
    %swap3A = arith.constant 0 : index
    %swap3A_153 = arith.constant 0 : index
    %swap3A_154 = arith.constant 0 : index
    %swap3A_155 = vector.load %arg10[%swap3A, %swap3A_153, %swap3A_154] : memref<1x1x64xf32, #tpu.memory_space<vmem>>, vector<1x1x64xf32>
    %swap3A_156 = vector.shape_cast %swap3A_155 : vector<1x1x64xf32> to vector<1x64xf32>
    %swap3A_157 = vector.shape_cast %max3A_152 : vector<1x64xf32> to vector<1x1x64xf32>
    tpu.vector_store %arg10[%swap3A, %swap3A_153, %swap3A_154], %swap3A_157 {strides = array<i32>} : memref<1x1x64xf32, #tpu.memory_space<vmem>>, vector<1x1x64xf32>,
    %iota3A_158 = tpu.iota {dimensions = array<i32: 0>} : vector<256x512xi32>
    %add3A_159 = arith.constant 0 : i32
    %add3A_160 = vector.broadcast %add3A_159 : i32 to vector<256x512xi32>
    %add3A_161 = arith.addi %iota3A_158, %add3A_160 : vector<256x512xi32>
    %eq3A_162 = vector.broadcast %add3A_137 : vector<1x512xi32> to vector<256x512xi32>
    %eq3A_163 = arith.cmpi eq, %add3A_161, %eq3A_162 : vector<256x512xi32>
    %jit3A_164 = arith.constant 1.000000e+00 : f32
    %jit3A_165 = arith.constant 0.000000e+00 : f32
    %broadcast_in_dim3A_166 = vector.broadcast %jit3A_164 : f32 to vector<256x512xf32>
    %broadcast_in_dim3A_167 = vector.broadcast %jit3A_165 : f32 to vector<256x512xf32>
    %select_n3A_168 = arith.select %eq3A_163, %broadcast_in_dim3A_166, %broadcast_in_dim3A_167 : vector<256x512xi1>, vector<256x512xf32>
    %dot_general3A_169 = arith.constant dense<0.000000e+00> : vector<256x64xf32>
    %dot_general3A_170 = tpu.matmul %select_n3A_168, %concatenate3A, %dot_general3A_169 {dimension_numbers = #tpu.dot_dimension_numbers<[1], [0], [0], [1], [0, 0, 1, 1], [], []>, precision = #tpu.contract_precision<fp32>, transpose_lhs_hint = false} : vector<256x512xf32>, vector<512x64xf32>, vector<256x64xf32> -> vector<256x64xf32>
    %swap3A_171 = arith.constant 0 : index
    %swap3A_172 = arith.constant 0 : index
    %swap3A_173 = arith.constant 0 : index
    %swap3A_174 = vector.load %arg9[%swap3A_171, %swap3A_172, %swap3A_173] : memref<1x256x64xf32, #tpu.memory_space<vmem>>, vector<1x256x64xf32>
    %swap3A_175 = vector.shape_cast %swap3A_174 : vector<1x256x64xf32> to vector<256x64xf32>
    %swap3A_176 = vector.shape_cast %dot_general3A_170 : vector<256x64xf32> to vector<1x256x64xf32>
    tpu.vector_store %arg9[%swap3A_171, %swap3A_172, %swap3A_173], %swap3A_176 {strides = array<i32>} : memref<1x256x64xf32, #tpu.memory_space<vmem>>, vector<1x256x64xf32>,
    return
  }
  func.func @transform_0(%arg0: i32) -> (i32, i32, i32) {
    %c0_i32 = arith.constant 0 : i32
    %c0_i32_0 = arith.constant 0 : i32
    %c0_i32_1 = arith.constant 0 : i32
    return %arg0, %c0_i32, %c0_i32_0 : i32, i32, i32
  }
  func.func @transform_1(%arg0: i32) -> (i32, i32, i32) {
    %c0_i32 = arith.constant 0 : i32
    %c0_i32_0 = arith.constant 0 : i32
    %c0_i32_1 = arith.constant 0 : i32
    return %arg0, %c0_i32, %c0_i32_0 : i32, i32, i32
  }
  func.func @transform_2(%arg0: i32) -> (i32, i32) {
    %c0_i32 = arith.constant 0 : i32
    %c0_i32_0 = arith.constant 0 : i32
    %c0_i32_1 = arith.constant 0 : i32
    return %c0_i32, %c0_i32_0 : i32, i32
  }
  func.func @transform_3(%arg0: i32) -> (i32, i32) {
    %c0_i32 = arith.constant 0 : i32
    %c0_i32_0 = arith.constant 0 : i32
    %c0_i32_1 = arith.constant 0 : i32
    return %c0_i32, %c0_i32_0 : i32, i32
  }
  func.func @transform_4(%arg0: i32) -> (i32, i32) {
    %c0_i32 = arith.constant 0 : i32
    %c0_i32_0 = arith.constant 0 : i32
    %c0_i32_1 = arith.constant 0 : i32
    return %c0_i32, %c0_i32_0 : i32, i32
  }
  func.func @transform_5(%arg0: i32) -> (i32, i32) {
    %c0_i32 = arith.constant 0 : i32
    %c0_i32_0 = arith.constant 0 : i32
    %c0_i32_1 = arith.constant 0 : i32
    return %c0_i32, %c0_i32_0 : i32, i32
  }
  func.func @transform_6(%arg0: i32) -> (i32, i32) {
    %c0_i32 = arith.constant 0 : i32
    %c0_i32_0 = arith.constant 0 : i32
    %c0_i32_1 = arith.constant 0 : i32
    return %c0_i32, %c0_i32_0 : i32, i32
  }
  func.func @transform_7(%arg0: i32) -> (i32, i32) {
    %c0_i32 = arith.constant 0 : i32
    %c0_i32_0 = arith.constant 0 : i32
    %c0_i32_1 = arith.constant 0 : i32
    return %c0_i32, %c0_i32_0 : i32, i32
  }
  func.func @transform_8(%arg0: i32) -> (i32, i32, i32) {
    %c0_i32 = arith.constant 0 : i32
    %c0_i32_0 = arith.constant 0 : i32
    %c0_i32_1 = arith.constant 0 : i32
    return %arg0, %c0_i32, %c0_i32_0 : i32, i32, i32
  }
  func.func @transform_9(%arg0: i32) -> (i32, i32, i32) {
    %c0_i32 = arith.constant 0 : i32
    %c0_i32_0 = arith.constant 0 : i32
    %c0_i32_1 = arith.constant 0 : i32
    return %arg0, %c0_i32, %c0_i32_0 : i32, i32, i32
  }
}

module attributes {stable_mosaic.version = 14 : i64} {
  func.func @_k7_body(%arg0: memref<16x1x192xf32, #tpu.memory_space<vmem>>, %arg1: memref<192x128xf32, #tpu.memory_space<vmem>>, %arg2: memref<1x128xf32, #tpu.memory_space<vmem>>, %arg3: memref<16x128xf32, #tpu.memory_space<vmem>>) attributes {dimension_semantics = [], scalar_prefetch = 0 : i64, scratch_operands = 0 : i64, tpu.core_type = #tpu.core_type<tc>} {
    %get3A = arith.constant 0 : index
    %get3A_0 = arith.constant 0 : index
    %get3A_1 = arith.constant 0 : index
    %get3A_2 = vector.load %arg0[%get3A, %get3A_0, %get3A_1] : memref<16x1x192xf32, #tpu.memory_space<vmem>>, vector<16x1x192xf32>
    %reshape3A = vector.shape_cast %get3A_2 : vector<16x1x192xf32> to vector<16x192xf32>
    %get3A_3 = arith.constant 0 : index
    %get3A_4 = arith.constant 0 : index
    %get3A_5 = vector.load %arg1[%get3A_3, %get3A_4] : memref<192x128xf32, #tpu.memory_space<vmem>>, vector<192x128xf32>
    %dot_general3A = arith.constant dense<0.000000e+00> : vector<16x128xf32>
    %dot_general3A_6 = tpu.matmul %reshape3A, %get3A_5, %dot_general3A {dimension_numbers = #tpu.dot_dimension_numbers<[1], [0], [0], [1], [0, 0, 1, 1], [], []>, transpose_lhs_hint = false} : vector<16x192xf32>, vector<192x128xf32>, vector<16x128xf32> -> vector<16x128xf32>
    %get3A_7 = arith.constant 0 : index
    %get3A_8 = arith.constant 0 : index
    %get3A_9 = vector.load %arg2[%get3A_7, %get3A_8] : memref<1x128xf32, #tpu.memory_space<vmem>>, vector<1x128xf32>
    %add3A = vector.broadcast %get3A_9 : vector<1x128xf32> to vector<16x128xf32>
    %add3A_10 = arith.addf %dot_general3A_6, %add3A : vector<16x128xf32>
    %swap3A = arith.constant 0 : index
    %swap3A_11 = arith.constant 0 : index
    %swap3A_12 = vector.load %arg3[%swap3A, %swap3A_11] : memref<16x128xf32, #tpu.memory_space<vmem>>, vector<16x128xf32>
    tpu.vector_store %arg3[%swap3A, %swap3A_11], %add3A_10 {strides = array<i32>} : memref<16x128xf32, #tpu.memory_space<vmem>>, vector<16x128xf32>,
    return
  }
}

</mosaic_0001>

<sc_bundles>
// kernel: kernel.21.cloned.1.call-start
scs
__scs_entry_jumppad:
0x0: {  	(pc) =	sbr.rel $0x88, $3  }
0x1: {  	(tag) =	ssettag $0x0;
	lr =	simm.s32 $0x1  }
0x2: {  	[smem:$0x3F77] =	sst lr;
	_ =	strace $0xD0000000  }
0x3: {  	_ = 	snop  }
0x4: {  	_ = 	snop  }
0x5: {  	_ = 	snop  }
0x6: {  	_ = 	snop  }
0x7: {  	_ = 	snop  }
__scs_overlays_trampoline_lowered:
0x8: {  	[smem:$0x3F86] =	sst s0  }
0x9: {  	[smem:$0x3F87] =	sst s1  }
0xa: {  	[smem:$0x3F88] =	sst s2  }
0xb: {  	[smem:$0x3F89] =	sst s3  }
0xc: {  	[smem:$0x3F8A] =	sst s4  }
0xd: {  	[smem:$0x3F8B] =	sst s5  }
0xe: {  	[smem:$0x3F8C] =	sst s6  }
0xf: {  	[smem:$0x3F8D] =	sst s7  }
0x10: {  	[smem:$0x3F8E] =	sst s8  }
0x11: {  	[smem:$0x3F8F] =	sst s9;
	s0 =	simm.s32 @!p0 $0x0  }
0x12: {  	s1 =	sld [smem:$0x3F75];
	s0 =	simm.s32 @p0 $0x1  }
0x13: {  	[smem:$0x3F90] =	sst s0;
	s0 =	simm.s32 @!p1 $0x0  }
0x14: {  	s2 =	sld [smem:$0x3F74];
	s0 =	simm.s32 @p1 $0x1  }
0x15: {  	[smem:$0x3F91] =	sst s0;
	s0 =	simm.s32 @!p2 $0x0  }
0x16: {  	s3 =	sld [smem:$0x3FDB];
	s0 =	simm.s32 @p2 $0x1  }
0x17: {  	s4 =	simm.s32 $0x1BF5;
	[smem:$0x3F93] =	sst s0  }
0x18: {  	s0 =	sld [smem:$0x3F76];
	_ =	swait.ge [sflag:s4], $0x0  }
0x19: {  	s7 =	sld [smem:$0x3F77]  }
0x1a: {  	s8 =	sadd.s32 $0xFFFFE003, lr  }
0x1b: {  	s9 =	sadd.s32 $0xFFFFFEF7, lr;
	s5 =	simm.s32 $0xFFFFFFFF;
	p2 =	slt.u32 s8, $0xFFFFF086  }
0x1c: {  	p1 =	slt.u32 s9, $0xF7A;
	s5 =	simm.s32 @!p2 $0x0  }
0x1d: {  	s5 =	simm.s32 @p1 $0x1;
	p0 =	seq.s32 s7, s2  }
0x1e: {  	s7 =	smul.u32 @!p0 $0xF7A, s2;
	p2 =	seq.s32 @!p0 s5, $0x0  }
0x1f: {  	s9 =	smul.u32 $0xF7A, s1;
	s8 =	simm.s32 @!p0 $0x1BF5;
	p2 =	por !p2, p0  }
0x20: {  	[sflag:s8] =	ssyncset.s32 @!p0 $0xFFFFF086;
	s6 =	sadd.s32 @!p0 s3, s7;
	s7 =	simm.s32 @!p0 $0x108  }
0x21: {  	s3 =	sadd.s32 s3, s9;
	s6 =	sadd.s32 @!p0 $0x88, s6;
	s7 =	simm.s32 @p2 $0x1082  }
0x22: {  	[simem:s7], [sflag:s8] =	dma.local @!p0 [hbm:s6], $0xF7A  }
0x23: {  	s9 =	sor.u32 $0xD0000000, s2;
	s6 =	simm.s32 $0x108;
	_ =	swait.ge @!p0 [sflag:s8], $0x0  }
0x24: {  	s3 =	sadd.s32 $0x88, s3;
	s6 =	simm.s32 @!p1 $0x1082;
	[sflag:s4] =	ssyncset.s32 $0xFFFFF086  }
0x25: {  	[simem:s6], [sflag:s4] =	dma.local [hbm:s3], $0xF7A  }
0x26: {  	[smem:$0x3F77] =	sst s1;
	(tag) =	ssettag s2;
	_ =	strace s9  }
0x27: {  	s1 =	sld [smem:$0x3F87]  }
0x28: {  	s2 =	sld [smem:$0x3F88]  }
0x29: {  	s4 =	sld [smem:$0x3F8A]  }
0x2a: {  	p0 =	seq.s32 s5, $0x0;
	s5 =	sld [smem:$0x3F8B]  }
0x2b: {  	s6 =	sld [smem:$0x3F8C]  }
0x2c: {  	s7 =	sld [smem:$0x3F8D]  }
0x2d: {  	s3 =	simm.s32 $0x108;
	s8 =	sld [smem:$0x3F8E]  }
0x2e: {  	s3 =	simm.s32 @!p0 $0x1082;
	s9 =	sld [smem:$0x3F8F]  }
0x2f: {  	lr =	sadd.s32 s0, s3;
	s0 =	sld [smem:$0x3F86]  }
0x30: {  	s3 =	sld [smem:$0x3F89]  }
0x31: {  	[smem:$0x3F92] =	sst s10  }
0x32: {  	s10 =	sld [smem:$0x3F90];
	_ =	sdelay $0x3  }
0x33: {  	p0 =	seq.s32 s10, $0x1;
	s10 =	sld [smem:$0x3F92];
	_ =	sdelay $0x3  }
0x34: {  	[smem:$0x3F92] =	sst s10  }
0x35: {  	s10 =	sld [smem:$0x3F91];
	_ =	sdelay $0x3  }
0x36: {  	p1 =	seq.s32 s10, $0x1;
	s10 =	sld [smem:$0x3F92];
	_ =	sdelay $0x3  }
0x37: {  	[smem:$0x3F92] =	sst s10  }
0x38: {  	s10 =	sld [smem:$0x3F93]  }
0x39: {  	_ = 	snop;
	(pc) =	sbr.ind lr, $3  }
0x3a: {  	_ = 	snop  }
0x3b: {  	_ = 	snop  }
0x3c: {  	p2 =	seq.s32 s10, $0x1;
	s10 =	sld [smem:$0x3F92]  }
0x3d: {  	_ =	shalt  }
0x3e: {  	_ =	shalt  }
0x3f: {  	_ =	shalt  }
0x40: {  	_ =	shalt  }
0x41: {  	_ =	shalt  }
0x42: {  	_ =	shalt  }
0x43: {  	_ =	shalt  }
0x44: {  	_ =	shalt  }
0x45: {  	_ =	shalt  }
0x46: {  	_ =	shalt  }
0x47: {  	_ =	shalt  }
0x48: {  	_ =	shalt  }
0x49: {  	_ =	shalt  }
0x4a: {  	_ =	shalt  }
0x4b: {  	_ =	shalt  }
0x4c: {  	_ =	shalt  }
0x4d: {  	_ =	shalt  }
0x4e: {  	_ =	shalt  }
0x4f: {  	_ =	shalt  }
0x50: {  	_ =	shalt  }
0x51: {  	_ =	shalt  }
0x52: {  	_ =	shalt  }
0x53: {  	_ =	shalt  }
0x54: {  	_ =	shalt  }
0x55: {  	_ =	shalt  }
0x56: {  	_ =	shalt  }
0x57: {  	_ =	shalt  }
0x58: {  	_ =	shalt  }
0x59: {  	_ =	shalt  }
0x5a: {  	_ =	shalt  }
0x5b: {  	_ =	shalt  }
0x5c: {  	_ =	shalt  }
0x5d: {  	_ =	shalt  }
0x5e: {  	_ =	shalt  }
0x5f: {  	_ =	shalt  }
0x60: {  	_ =	shalt  }
0x61: {  	_ =	shalt  }
0x62: {  	_ =	shalt  }
0x63: {  	_ =	shalt  }
0x64: {  	_ =	shalt  }
0x65: {  	_ =	shalt  }
0x66: {  	_ =	shalt  }
0x67: {  	_ =	shalt  }
0x68: {  	_ =	shalt  }
0x69: {  	_ =	shalt  }
0x6a: {  	_ =	shalt  }
0x6b: {  	_ =	shalt  }
0x6c: {  	_ =	shalt  }
0x6d: {  	_ =	shalt  }
0x6e: {  	_ =	shalt  }
0x6f: {  	_ =	shalt  }
0x70: {  	_ =	shalt  }
0x71: {  	_ =	shalt  }
0x72: {  	_ =	shalt  }
0x73: {  	_ =	shalt  }
0x74: {  	_ =	shalt  }
0x75: {  	_ =	shalt  }
0x76: {  	_ =	shalt  }
0x77: {  	_ =	shalt  }
0x78: {  	_ =	shalt  }
0x79: {  	_ =	shalt  }
0x7a: {  	_ =	shalt  }
0x7b: {  	_ =	shalt  }
0x7c: {  	_ =	shalt  }
0x7d: {  	_ =	shalt  }
0x7e: {  	_ =	shalt  }
0x7f: {  	_ =	shalt  }
0x80: {  	_ =	shalt  }
0x81: {  	_ =	shalt  }
0x82: {  	_ =	shalt  }
0x83: {  	_ =	shalt  }
0x84: {  	_ =	shalt  }
0x85: {  	_ =	shalt  }
0x86: {  	_ =	shalt  }
0x87: {  	_ =	shalt  }
.Lfunc_end0:
.L_simem_size_0:
called_computation_lowered:
.L_overlay_start_0:
0x88: {  	s2 =	sld [smem:$0x3FD9]  }
0x89: {  	s3 =	sld [smem:$0x3FFE];
	_ =	sdelay $0x1  }
0x8a: {  	s1 =	srdreg.scid  }
0x8b: {  	s0 =	sand.u32 $0x1, s1  }
0x8c: {  	s16 =	sshll.u32 s0, $0xA;
	s2 =	sadd.s32 s3, s2  }
0x8d: {  	s2 =	sadd.s32 s2, s16  }
0x8e: {  	[smem:$0x3F9E] =	sst s2  }
0x8f: {  	_ = 	snop  }
0x90: {  	(tm) =	ssettm $0x1  }
0x91: {  	s17 =	sld [smem:$0x3FFB];
	_ =	sdelay $0x3  }
0x92: {  	_ =	strace s17  }
0x93: {  	s2 =	sld [smem:$0x3FFC];
	_ =	sdelay $0x3  }
0x94: {  	_ =	strace s2  }
0x95: {  	s2 =	sld [smem:$0x3FFD];
	_ =	sdelay $0x3  }
0x96: {  	_ =	strace s2  }
0x97: {  	_ =	strace $0x8FFFFFFF  }
0x98: {  	s18 =	sld [smem:$0x3FDB];
	_ =	sdelay $0x1  }
0x99: {  	s19 =	simm.s32 $_scs_section_size  }
0x9a: {  	s4 =	simm.s32 $_size__tile_overlayer_lowered;
	s5 =	simm.s32 $_tile_overlayer_lowered  }
0x9b: {  	s22 =	simm.s32 $0x1BFF;
	s21 =	sshll.u32 s5, $0x1;
	s2 =	sadd.s32 s19, s18  }
0x9c: {  	s6 =	simm.s32 $0x0;
	s20 =	sshll.u32 s4, $0x1;
	s4 =	sadd.s32 s21, s2  }
0x9d: {  	[timem:s6], [sflag:s22] =	dma.local [hbm:s4], s20  }
0x9e: {  	_ =	swait.ge [sflag:s22], s20  }
0x9f: {  	s3 =	ssub.s32 $0x0, s20;
	[sflag:s22] =	ssyncset.done $0x0  }
0xa0: {  	[sflag:s22] =	ssyncadd.s32 s3;
	_ =	sdelay $0x1  }
0xa1: {  	s23 =	simm.s32 $0x1B8B  }
0xa2: {  	_ =	swait.ge [sflag:s23], $0x1  }
0xa3: {  	[sflag:s23] =	ssyncset.done $0x0  }
0xa4: {  	s25 =	simm.s32 $0x1B8E;
	s24 =	sld [smem:$0x3FFE];
	[sflag:s23] =	ssyncadd.s32 $0xFFFFFFFF  }
0xa5: {  	s26 =	simm.s32 $execute0_lowered;
	[smem:$0x3FD2] =	sst s25  }
0xa6: {  	s4 =	sshll.u32 s26, $0x1;
	_ =	strace $0x80000046;
	[dreg:$0x1] =	wrdreg $0xFFFFFFFF  }
0xa7: {  	s28 =	simm.s32 $_size_execute0_lowered;
	s2 =	sadd.s32 s2, s4;
	[dreg:$0x0] =	wrdreg $0x0  }
0xa8: {  	s4 =	sshll.u32 s28, $0x1;
	[dreg:$0x2] =	wrdreg s2  }
0xa9: {  	[dreg:$0x3] =	wrdreg s4  }
0xaa: {  	[dreg:$0x4] =	wrdreg $0xC0  }
0xab: {  	_ =	task [dreg:s6], $0x5FFFF  }
0xac: {  	[dreg:$0x1] =	wrdreg $0xFFFFFFFF  }
0xad: {  	[dreg:$0x0] =	wrdreg $0x60  }
0xae: {  	[dreg:$0x2] =	wrdreg s24  }
0xaf: {  	[dreg:$0x3] =	wrdreg $0x9  }
0xb0: {  	_ =	task.clear_ibuf [dreg:s6], $0x4FFFF;
	_ =	strace $0x90000046  }
0xb1: {  	s29 =	simm.s32 $0x9;
	_ =	strace $0x80000048  }
0xb2: {  	_ =	swait.ge [sflag:s29], $0x1  }
0xb3: {  	[sflag:s29] =	ssyncadd.s32 $0xFFFFFFFF  }
0xb4: {  	_ =	strace $0x90000048  }
0xb5: {  	_ =	sfence  }
0xb6: {  	s30 =	sld [smem:$0x0];
	_ =	sdelay $0x2  }
0xb7: {  	s31 =	sshll.u32 s1, $0xD;
	s1 =	sshrl.u32 s1, $0x2  }
0xb8: {  	s3 =	sand.u32 $0x4000, s31;
	s1 =	sadd.s32 s1, s30  }
0xb9: {  	s0 =	sor.u32 s3, s0;
	s1 =	sshll.u32 s1, $0x11  }
0xba: {  	s0 =	sor.u32 s1, s0  }
0xbb: {  	s0 =	sadd.s32 $0x8F2B, s0  }
0xbc: {  	[sflag:s0] =	ssyncadd.remote.s32 $0x1  }
0xbd: {  	_ =	sfence.sel $0xFFFF  }
0xbe: {  	[dreg:$0x0] =	wrdreg $0xFFFFFFFF;
	(pc) =	sbr.abs _section_cstart, $3  }
0xbf: {  	[dreg:$0x1] =	wrdreg $0xFFFFFFFF  }
0xc0: {  	_ =	task.clear_ibuf [dreg:s6], $0x2FFFF;
	_ =	strace $0x9FFFFFFF  }
0xc1: {  	(tm) =	ssettm $0x7FFFFFFF  }
tec
execute0_lowered:
.L_overlay_start_1:
0x0: {  	(tag) =	ssettag $0x1  }
0x1: {  	s4 =	rddreg [dreg:$0x0]  }
0x2: {  	s0 =	rddreg [dreg:$0x1];
	s2 =	simm.s32 $0x0;
	s1 =	stileid.u32  }
0x3: {  	s3 =	srdreg.scid;
	s10 =	simm.s32 $0x0;
	s6 =	smul.u32 $0x5000, s1  }
0x4: {  	[smem:$0x7FF] =	sst s2;
	s5 =	sand.u32 $0x1, s3;
	s8 =	smul.u32 $0xA000, s1  }
0x5: {  	s3 =	sadd.s32 $0x89600, s4;
	s7 =	smul.u32 $0x2800, s5;
	s9 =	ssub.s32 $0x2, s5  }
0x6: {  	_ =	strace $0x80000047;
	s5 =	smul.u32 $0x5000, s5;
	s31 =	sshrl.u32 s9, $0x1  }
0x7: {  	s8 =	sadd.s32 s8, s4;
	s6 =	sadd.s32 s7, s6;
	s7 =	ssub.s32 s9, s31  }
0x8: {  	s5 =	sadd.s32 s5, s8;
	s8 =	simm.s32 $0x80;
	s6 =	sshrl.u32 s6, $0x3  }
0x9: {  	s9 =	simm.s32 $0x1;
	s5 =	sadd.s32 $0x119600, s5;
	s6 =	sadd.s32 s6, s4  }
0xa: {  	s4 =	smax.u32 s7, $0x1;
	s7 =	simm.s32 $0x2;
	s6 =	sadd.s32 $0x9600, s6  }
.LBB2_1:
0xb: {  	s11 =	sadd.s32 $0x0, s6  }
0xc: {  	[tilespmem:s2], [sflag:$0x2] =	stream.linear.gather [hbm4b:s11+s2], $0x80, $0x38;
	[tilespmem:$0x880] =	vst v63  }
0xd: {  	_ =	swait.ge [sflag:s7], $0x80  }
0xe: {  	[sflag:s7] =	ssyncset.done $0x0  }
0xf: {  	[sflag:s7] =	ssyncadd.s32 $0xFFFFFF80  }
0x10: {  	[tilespmem:s8], [sflag:$0x1] =	stream.indirect.gather [hbm4b:s3+s8], $0x10, s2, s8, $0xb8;
	[tilespmem:$0x880] =	vst v63  }
0x11: {  	_ =	swait.ge [sflag:s9], $0x800  }
0x12: {  	[sflag:s9] =	ssyncset.done $0x0  }
0x13: {  	[sflag:s9] =	ssyncadd.s32 $0xFFFFF800  }
0x14: {  	[hbm4b:s5+s2] =	stream.linear.scatter [tilespmem:s8], [sflag:$0x2], $0x800, $0x38;
	[tilespmem:$0x880] =	vst v63  }
0x15: {  	s12 =	simm.s32 $0x10;
	_ =	swait.ge [sflag:s7], $0x800  }
0x16: {  	s13 =	simm.s32 $0x20;
	s11 =	sadd.s32 $0x100, s5;
	[sflag:s7] =	ssyncset.done $0x0  }
.LBB2_2:
0x17: {  	s14 =	sadd.s32 s12, s6  }
0x18: {  	[sflag:s7] =	ssyncadd.s32 $0xFFFFF800;
	s12 =	smov.u32 s13;
	s15 =	sadd.s32 $0x10, s13  }
0x19: {  	[tilespmem:s2], [sflag:$0x2] =	stream.linear.gather [hbm4b:s14+s2], $0x80, $0x38;
	[tilespmem:$0x880] =	vst v63  }
0x1a: {  	p0 =	sne.s32 s13, $0x4F0;
	_ =	swait.ge [sflag:s7], $0x80  }
0x1b: {  	[sflag:s7] =	ssyncset.done $0x0  }
0x1c: {  	[sflag:s7] =	ssyncadd.s32 $0xFFFFFF80  }
0x1d: {  	[tilespmem:s8], [sflag:$0x1] =	stream.indirect.gather [hbm4b:s3+s8], $0x10, s2, s8, $0xb8;
	[tilespmem:$0x880] =	vst v63  }
0x1e: {  	_ =	swait.ge [sflag:s9], $0x800  }
.Ltmp0:
0x1f: {  	[sflag:s9] =	ssyncset.done $0x0;
	(pc) =	sbr.rel @p0 .LBB2_2-.Ltmp0, $4  }
0x20: {  	[sflag:s9] =	ssyncadd.s32 $0xFFFFF800  }
0x21: {  	[hbm4b:s11+s2] =	stream.linear.scatter [tilespmem:s8], [sflag:$0x2], $0x800, $0x38;
	[tilespmem:$0x880] =	vst v63  }
0x22: {  	_ =	swait.ge [sflag:s7], $0x800  }
0x23: {  	s13 =	smov.u32 s15;
	s11 =	sadd.s32 $0x100, s11;
	[sflag:s7] =	ssyncset.done $0x0  }
0x24: {  	s12 =	sadd.s32 s12, s6;
	[sflag:s7] =	ssyncadd.s32 $0xFFFFF800  }
0x25: {  	[tilespmem:s2], [sflag:$0x2] =	stream.linear.gather [hbm4b:s12+s2], $0x80, $0x38;
	[tilespmem:$0x880] =	vst v63  }
0x26: {  	_ =	swait.ge [sflag:s7], $0x80  }
0x27: {  	[sflag:s7] =	ssyncset.done $0x0  }
0x28: {  	[sflag:s7] =	ssyncadd.s32 $0xFFFFFF80  }
0x29: {  	[tilespmem:s8], [sflag:$0x1] =	stream.indirect.gather [hbm4b:s3+s8], $0x10, s2, s8, $0xb8;
	[tilespmem:$0x880] =	vst v63  }
0x2a: {  	s10 =	sadd.s32 $0x1, s10;
	_ =	swait.ge [sflag:s9], $0x800  }
0x2b: {  	p0 =	sne.s32 s10, s4;
	[sflag:s9] =	ssyncset.done $0x0  }
.Ltmp1:
0x2c: {  	[sflag:s9] =	ssyncadd.s32 $0xFFFFF800;
	(pc) =	sbr.rel @p0 .LBB2_1-.Ltmp1, $4  }
0x2d: {  	[hbm4b:s11+s2] =	stream.linear.scatter [tilespmem:s8], [sflag:$0x2], $0x800, $0x38;
	[tilespmem:$0x880] =	vst v63  }
0x2e: {  	_ =	swait.ge [sflag:s7], $0x800  }
0x2f: {  	[sflag:s7] =	ssyncset.done $0x0  }
0x30: {  	[sflag:s7] =	ssyncadd.s32 $0xFFFFF800  }
0x31: {  	_ =	sfence.sel $0x180000  }
0x32: {  	[bflag:$0x0] =	sbarrier.arrive $0xFFFF  }
0x33: {  	p0 =	sne.s32 s1, $0x0;
	_ =	strace $0x90000047  }
0x34: {  	s0 =	sadd.s32 @!p0 $0x100000, s0;
	[bflag:$0x2] =	sbarrier.arrive $0xFFFF  }
0x35: {  	[sflag:s0] =	ssyncadd.tile.s32 @!p0 $0x1;
	_ =	shalt  }
.Lfunc_end2:
_tile_overlayer_lowered:
.L_overlay_start_2:
0x36: {  	(tag) =	ssettag $0x2  }
0x37: {  	s0 =	rddreg [dreg:$0x0];
	s2 =	stileid.u32  }
0x38: {  	s1 =	rddreg [dreg:$0x1];
	p0 =	sne.s32 s2, $0x0  }
0x39: {  	s3 =	rddreg [dreg:$0x2];
	[bflag:$0x3] =	sbarrier.arrive $0xFFFF;
	s2 =	simm.s32 @!p0 $0x1C02  }
0x3a: {  	[timem:s3], [sflag:s2] =	dma.local @!p0 [hbm:s0], s1  }
0x3b: {  	s0 =	simm.s32 @!p0 $0x2  }
0x3c: {  	_ =	swait.ge @!p0 [sflag:s0], s1  }
0x3d: {  	s1 =	ssub.s32 @!p0 $0x0, s1;
	[sflag:s0] =	ssyncset.done @!p0 $0x0  }
0x3e: {  	[sflag:s0] =	ssyncadd.s32 @!p0 s1  }
0x3f: {  	[bflag:$0x3] =	sbarrier.arrive $0xFFFF  }
0x40: {  	_ =	shalt  }

// kernel: kernel.24.cloned.1.call-start
scs
__scs_entry_jumppad:
0x0: {  	(pc) =	sbr.rel $0x88, $3  }
0x1: {  	(tag) =	ssettag $0x0;
	lr =	simm.s32 $0x1  }
0x2: {  	[smem:$0x3F77] =	sst lr;
	_ =	strace $0xD0000000  }
0x3: {  	_ = 	snop  }
0x4: {  	_ = 	snop  }
0x5: {  	_ = 	snop  }
0x6: {  	_ = 	snop  }
0x7: {  	_ = 	snop  }
__scs_overlays_trampoline_lowered:
0x8: {  	[smem:$0x3F86] =	sst s0  }
0x9: {  	[smem:$0x3F87] =	sst s1  }
0xa: {  	[smem:$0x3F88] =	sst s2  }
0xb: {  	[smem:$0x3F89] =	sst s3  }
0xc: {  	[smem:$0x3F8A] =	sst s4  }
0xd: {  	[smem:$0x3F8B] =	sst s5  }
0xe: {  	[smem:$0x3F8C] =	sst s6  }
0xf: {  	[smem:$0x3F8D] =	sst s7  }
0x10: {  	[smem:$0x3F8E] =	sst s8  }
0x11: {  	[smem:$0x3F8F] =	sst s9;
	s0 =	simm.s32 @!p0 $0x0  }
0x12: {  	s1 =	sld [smem:$0x3F75];
	s0 =	simm.s32 @p0 $0x1  }
0x13: {  	[smem:$0x3F90] =	sst s0;
	s0 =	simm.s32 @!p1 $0x0  }
0x14: {  	s2 =	sld [smem:$0x3F74];
	s0 =	simm.s32 @p1 $0x1  }
0x15: {  	[smem:$0x3F91] =	sst s0;
	s0 =	simm.s32 @!p2 $0x0  }
0x16: {  	s3 =	sld [smem:$0x3FDB];
	s0 =	simm.s32 @p2 $0x1  }
0x17: {  	s4 =	simm.s32 $0x1BF5;
	[smem:$0x3F93] =	sst s0  }
0x18: {  	s0 =	sld [smem:$0x3F76];
	_ =	swait.ge [sflag:s4], $0x0  }
0x19: {  	s7 =	sld [smem:$0x3F77]  }
0x1a: {  	s8 =	sadd.s32 $0xFFFFE003, lr  }
0x1b: {  	s9 =	sadd.s32 $0xFFFFFEF7, lr;
	s5 =	simm.s32 $0xFFFFFFFF;
	p2 =	slt.u32 s8, $0xFFFFF086  }
0x1c: {  	p1 =	slt.u32 s9, $0xF7A;
	s5 =	simm.s32 @!p2 $0x0  }
0x1d: {  	s5 =	simm.s32 @p1 $0x1;
	p0 =	seq.s32 s7, s2  }
0x1e: {  	s7 =	smul.u32 @!p0 $0xF7A, s2;
	p2 =	seq.s32 @!p0 s5, $0x0  }
0x1f: {  	s9 =	smul.u32 $0xF7A, s1;
	s8 =	simm.s32 @!p0 $0x1BF5;
	p2 =	por !p2, p0  }
0x20: {  	[sflag:s8] =	ssyncset.s32 @!p0 $0xFFFFF086;
	s6 =	sadd.s32 @!p0 s3, s7;
	s7 =	simm.s32 @!p0 $0x108  }
0x21: {  	s3 =	sadd.s32 s3, s9;
	s6 =	sadd.s32 @!p0 $0x88, s6;
	s7 =	simm.s32 @p2 $0x1082  }
0x22: {  	[simem:s7], [sflag:s8] =	dma.local @!p0 [hbm:s6], $0xF7A  }
0x23: {  	s9 =	sor.u32 $0xD0000000, s2;
	s6 =	simm.s32 $0x108;
	_ =	swait.ge @!p0 [sflag:s8], $0x0  }
0x24: {  	s3 =	sadd.s32 $0x88, s3;
	s6 =	simm.s32 @!p1 $0x1082;
	[sflag:s4] =	ssyncset.s32 $0xFFFFF086  }
0x25: {  	[simem:s6], [sflag:s4] =	dma.local [hbm:s3], $0xF7A  }
0x26: {  	[smem:$0x3F77] =	sst s1;
	(tag) =	ssettag s2;
	_ =	strace s9  }
0x27: {  	s1 =	sld [smem:$0x3F87]  }
0x28: {  	s2 =	sld [smem:$0x3F88]  }
0x29: {  	s4 =	sld [smem:$0x3F8A]  }
0x2a: {  	p0 =	seq.s32 s5, $0x0;
	s5 =	sld [smem:$0x3F8B]  }
0x2b: {  	s6 =	sld [smem:$0x3F8C]  }
0x2c: {  	s7 =	sld [smem:$0x3F8D]  }
0x2d: {  	s3 =	simm.s32 $0x108;
	s8 =	sld [smem:$0x3F8E]  }
0x2e: {  	s3 =	simm.s32 @!p0 $0x1082;
	s9 =	sld [smem:$0x3F8F]  }
0x2f: {  	lr =	sadd.s32 s0, s3;
	s0 =	sld [smem:$0x3F86]  }
0x30: {  	s3 =	sld [smem:$0x3F89]  }
0x31: {  	[smem:$0x3F92] =	sst s10  }
0x32: {  	s10 =	sld [smem:$0x3F90];
	_ =	sdelay $0x3  }
0x33: {  	p0 =	seq.s32 s10, $0x1;
	s10 =	sld [smem:$0x3F92];
	_ =	sdelay $0x3  }
0x34: {  	[smem:$0x3F92] =	sst s10  }
0x35: {  	s10 =	sld [smem:$0x3F91];
	_ =	sdelay $0x3  }
0x36: {  	p1 =	seq.s32 s10, $0x1;
	s10 =	sld [smem:$0x3F92];
	_ =	sdelay $0x3  }
0x37: {  	[smem:$0x3F92] =	sst s10  }
0x38: {  	s10 =	sld [smem:$0x3F93]  }
0x39: {  	_ = 	snop;
	(pc) =	sbr.ind lr, $3  }
0x3a: {  	_ = 	snop  }
0x3b: {  	_ = 	snop  }
0x3c: {  	p2 =	seq.s32 s10, $0x1;
	s10 =	sld [smem:$0x3F92]  }
0x3d: {  	_ =	shalt  }
0x3e: {  	_ =	shalt  }
0x3f: {  	_ =	shalt  }
0x40: {  	_ =	shalt  }
0x41: {  	_ =	shalt  }
0x42: {  	_ =	shalt  }
0x43: {  	_ =	shalt  }
0x44: {  	_ =	shalt  }
0x45: {  	_ =	shalt  }
0x46: {  	_ =	shalt  }
0x47: {  	_ =	shalt  }
0x48: {  	_ =	shalt  }
0x49: {  	_ =	shalt  }
0x4a: {  	_ =	shalt  }
0x4b: {  	_ =	shalt  }
0x4c: {  	_ =	shalt  }
0x4d: {  	_ =	shalt  }
0x4e: {  	_ =	shalt  }
0x4f: {  	_ =	shalt  }
0x50: {  	_ =	shalt  }
0x51: {  	_ =	shalt  }
0x52: {  	_ =	shalt  }
0x53: {  	_ =	shalt  }
0x54: {  	_ =	shalt  }
0x55: {  	_ =	shalt  }
0x56: {  	_ =	shalt  }
0x57: {  	_ =	shalt  }
0x58: {  	_ =	shalt  }
0x59: {  	_ =	shalt  }
0x5a: {  	_ =	shalt  }
0x5b: {  	_ =	shalt  }
0x5c: {  	_ =	shalt  }
0x5d: {  	_ =	shalt  }
0x5e: {  	_ =	shalt  }
0x5f: {  	_ =	shalt  }
0x60: {  	_ =	shalt  }
0x61: {  	_ =	shalt  }
0x62: {  	_ =	shalt  }
0x63: {  	_ =	shalt  }
0x64: {  	_ =	shalt  }
0x65: {  	_ =	shalt  }
0x66: {  	_ =	shalt  }
0x67: {  	_ =	shalt  }
0x68: {  	_ =	shalt  }
0x69: {  	_ =	shalt  }
0x6a: {  	_ =	shalt  }
0x6b: {  	_ =	shalt  }
0x6c: {  	_ =	shalt  }
0x6d: {  	_ =	shalt  }
0x6e: {  	_ =	shalt  }
0x6f: {  	_ =	shalt  }
0x70: {  	_ =	shalt  }
0x71: {  	_ =	shalt  }
0x72: {  	_ =	shalt  }
0x73: {  	_ =	shalt  }
0x74: {  	_ =	shalt  }
0x75: {  	_ =	shalt  }
0x76: {  	_ =	shalt  }
0x77: {  	_ =	shalt  }
0x78: {  	_ =	shalt  }
0x79: {  	_ =	shalt  }
0x7a: {  	_ =	shalt  }
0x7b: {  	_ =	shalt  }
0x7c: {  	_ =	shalt  }
0x7d: {  	_ =	shalt  }
0x7e: {  	_ =	shalt  }
0x7f: {  	_ =	shalt  }
0x80: {  	_ =	shalt  }
0x81: {  	_ =	shalt  }
0x82: {  	_ =	shalt  }
0x83: {  	_ =	shalt  }
0x84: {  	_ =	shalt  }
0x85: {  	_ =	shalt  }
0x86: {  	_ =	shalt  }
0x87: {  	_ =	shalt  }
.Lfunc_end0:
.L_simem_size_0:
called_computation.1_lowered:
.L_overlay_start_0:
0x88: {  	s2 =	sld [smem:$0x3FD9]  }
0x89: {  	s3 =	sld [smem:$0x3FFE];
	_ =	sdelay $0x1  }
0x8a: {  	s1 =	srdreg.scid  }
0x8b: {  	s0 =	sand.u32 $0x1, s1  }
0x8c: {  	s16 =	sshll.u32 s0, $0xA;
	s2 =	sadd.s32 s3, s2  }
0x8d: {  	s2 =	sadd.s32 s2, s16  }
0x8e: {  	[smem:$0x3F9E] =	sst s2  }
0x8f: {  	_ = 	snop  }
0x90: {  	(tm) =	ssettm $0x1  }
0x91: {  	s17 =	sld [smem:$0x3FFB];
	_ =	sdelay $0x3  }
0x92: {  	_ =	strace s17  }
0x93: {  	s2 =	sld [smem:$0x3FFC];
	_ =	sdelay $0x3  }
0x94: {  	_ =	strace s2  }
0x95: {  	s2 =	sld [smem:$0x3FFD];
	_ =	sdelay $0x3  }
0x96: {  	_ =	strace s2  }
0x97: {  	_ =	strace $0x8FFFFFFF  }
0x98: {  	s18 =	sld [smem:$0x3FDB];
	_ =	sdelay $0x1  }
0x99: {  	s19 =	simm.s32 $_scs_section_size  }
0x9a: {  	s4 =	simm.s32 $_size__tile_overlayer_lowered;
	s5 =	simm.s32 $_tile_overlayer_lowered  }
0x9b: {  	s22 =	simm.s32 $0x1BFF;
	s21 =	sshll.u32 s5, $0x1;
	s2 =	sadd.s32 s19, s18  }
0x9c: {  	s6 =	simm.s32 $0x0;
	s20 =	sshll.u32 s4, $0x1;
	s4 =	sadd.s32 s21, s2  }
0x9d: {  	[timem:s6], [sflag:s22] =	dma.local [hbm:s4], s20  }
0x9e: {  	_ =	swait.ge [sflag:s22], s20  }
0x9f: {  	s3 =	ssub.s32 $0x0, s20;
	[sflag:s22] =	ssyncset.done $0x0  }
0xa0: {  	[sflag:s22] =	ssyncadd.s32 s3;
	_ =	sdelay $0x1  }
0xa1: {  	s23 =	simm.s32 $0x1B8B  }
0xa2: {  	_ =	swait.ge [sflag:s23], $0x1  }
0xa3: {  	[sflag:s23] =	ssyncset.done $0x0  }
0xa4: {  	s25 =	simm.s32 $0x1B8E;
	s24 =	sld [smem:$0x3FFE];
	[sflag:s23] =	ssyncadd.s32 $0xFFFFFFFF  }
0xa5: {  	s26 =	simm.s32 $execute0_lowered;
	[smem:$0x3FD2] =	sst s25  }
0xa6: {  	s4 =	sshll.u32 s26, $0x1;
	_ =	strace $0x80000049;
	[dreg:$0x1] =	wrdreg $0xFFFFFFFF  }
0xa7: {  	s28 =	simm.s32 $_size_execute0_lowered;
	s2 =	sadd.s32 s2, s4;
	[dreg:$0x0] =	wrdreg $0x0  }
0xa8: {  	s4 =	sshll.u32 s28, $0x1;
	[dreg:$0x2] =	wrdreg s2  }
0xa9: {  	[dreg:$0x3] =	wrdreg s4  }
0xaa: {  	[dreg:$0x4] =	wrdreg $0xC0  }
0xab: {  	_ =	task [dreg:s6], $0x5FFFF  }
0xac: {  	[dreg:$0x1] =	wrdreg $0xFFFFFFFF  }
0xad: {  	[dreg:$0x0] =	wrdreg $0x60  }
0xae: {  	[dreg:$0x2] =	wrdreg s24  }
0xaf: {  	[dreg:$0x3] =	wrdreg $0x9  }
0xb0: {  	_ =	task.clear_ibuf [dreg:s6], $0x4FFFF;
	_ =	strace $0x90000049  }
0xb1: {  	s29 =	simm.s32 $0x9;
	_ =	strace $0x8000004B  }
0xb2: {  	_ =	swait.ge [sflag:s29], $0x1  }
0xb3: {  	[sflag:s29] =	ssyncadd.s32 $0xFFFFFFFF  }
0xb4: {  	_ =	strace $0x9000004B  }
0xb5: {  	_ =	sfence  }
0xb6: {  	s30 =	sld [smem:$0x0];
	_ =	sdelay $0x2  }
0xb7: {  	s31 =	sshll.u32 s1, $0xD;
	s1 =	sshrl.u32 s1, $0x2  }
0xb8: {  	s3 =	sand.u32 $0x4000, s31;
	s1 =	sadd.s32 s1, s30  }
0xb9: {  	s0 =	sor.u32 s3, s0;
	s1 =	sshll.u32 s1, $0x11  }
0xba: {  	s0 =	sor.u32 s1, s0  }
0xbb: {  	s0 =	sadd.s32 $0x8F2B, s0  }
0xbc: {  	[sflag:s0] =	ssyncadd.remote.s32 $0x1  }
0xbd: {  	_ =	sfence.sel $0xFFFF  }
0xbe: {  	[dreg:$0x0] =	wrdreg $0xFFFFFFFF;
	(pc) =	sbr.abs _section_cstart, $3  }
0xbf: {  	[dreg:$0x1] =	wrdreg $0xFFFFFFFF  }
0xc0: {  	_ =	task.clear_ibuf [dreg:s6], $0x2FFFF;
	_ =	strace $0x9FFFFFFF  }
0xc1: {  	(tm) =	ssettm $0x7FFFFFFF  }
tec
execute0_lowered:
.L_overlay_start_1:
0x0: {  	(tag) =	ssettag $0x1  }
0x1: {  	s4 =	rddreg [dreg:$0x0]  }
0x2: {  	s0 =	rddreg [dreg:$0x1];
	s2 =	simm.s32 $0x0;
	s1 =	stileid.u32  }
0x3: {  	s3 =	srdreg.scid;
	s10 =	simm.s32 $0x0;
	s6 =	smul.u32 $0x2800, s1  }
0x4: {  	[smem:$0x7FF] =	sst s2;
	s5 =	sand.u32 $0x1, s3;
	s8 =	smul.u32 $0x14000, s1  }
0x5: {  	s3 =	sadd.s32 $0xE600, s4;
	s7 =	smul.u32 $0x1400, s5;
	s9 =	ssub.s32 $0x2, s5  }
0x6: {  	_ =	strace $0x8000004A;
	s5 =	smul.u32 $0xA000, s5;
	s31 =	sshrl.u32 s9, $0x1  }
0x7: {  	s8 =	sadd.s32 s8, s4;
	s6 =	sadd.s32 s7, s6;
	s7 =	ssub.s32 s9, s31  }
0x8: {  	s5 =	sadd.s32 s5, s8;
	s8 =	simm.s32 $0x80;
	s6 =	sshrl.u32 s6, $0x3  }
0x9: {  	s9 =	simm.s32 $0x1;
	s5 =	sadd.s32 $0x2E600, s5;
	s6 =	sadd.s32 s6, s4  }
0xa: {  	s4 =	smax.u32 s7, $0x1;
	s7 =	simm.s32 $0x2;
	s6 =	sadd.s32 $0x9600, s6  }
.LBB2_1:
0xb: {  	s11 =	sadd.s32 $0x0, s6  }
0xc: {  	[tilespmem:s2], [sflag:$0x2] =	stream.linear.gather [hbm4b:s11+s2], $0x80, $0x38;
	[tilespmem:$0x2080] =	vst v63  }
0xd: {  	_ =	swait.ge [sflag:s7], $0x80  }
0xe: {  	[sflag:s7] =	ssyncset.done $0x0  }
0xf: {  	[sflag:s7] =	ssyncadd.s32 $0xFFFFFF80  }
0x10: {  	[tilespmem:s8], [sflag:$0x1] =	stream.indirect.gather [hbm4b:s3+s8], $0x40, s2, s8, $0xb8;
	[tilespmem:$0x2080] =	vst v63  }
0x11: {  	_ =	swait.ge [sflag:s9], $0x2000  }
0x12: {  	[sflag:s9] =	ssyncset.done $0x0  }
0x13: {  	[sflag:s9] =	ssyncadd.s32 $0xFFFFE000  }
0x14: {  	[hbm4b:s5+s2] =	stream.linear.scatter [tilespmem:s8], [sflag:$0x2], $0x2000, $0x38;
	[tilespmem:$0x2080] =	vst v63  }
0x15: {  	s12 =	simm.s32 $0x10;
	_ =	swait.ge [sflag:s7], $0x2000  }
0x16: {  	s13 =	simm.s32 $0x20;
	s11 =	sadd.s32 $0x400, s5;
	[sflag:s7] =	ssyncset.done $0x0  }
.LBB2_2:
0x17: {  	s14 =	sadd.s32 s12, s6  }
0x18: {  	[sflag:s7] =	ssyncadd.s32 $0xFFFFE000;
	s12 =	smov.u32 s13;
	s15 =	sadd.s32 $0x10, s13  }
0x19: {  	[tilespmem:s2], [sflag:$0x2] =	stream.linear.gather [hbm4b:s14+s2], $0x80, $0x38;
	[tilespmem:$0x2080] =	vst v63  }
0x1a: {  	p0 =	sne.s32 s13, $0x270;
	_ =	swait.ge [sflag:s7], $0x80  }
0x1b: {  	[sflag:s7] =	ssyncset.done $0x0  }
0x1c: {  	[sflag:s7] =	ssyncadd.s32 $0xFFFFFF80  }
0x1d: {  	[tilespmem:s8], [sflag:$0x1] =	stream.indirect.gather [hbm4b:s3+s8], $0x40, s2, s8, $0xb8;
	[tilespmem:$0x2080] =	vst v63  }
0x1e: {  	_ =	swait.ge [sflag:s9], $0x2000  }
.Ltmp0:
0x1f: {  	[sflag:s9] =	ssyncset.done $0x0;
	(pc) =	sbr.rel @p0 .LBB2_2-.Ltmp0, $4  }
0x20: {  	[sflag:s9] =	ssyncadd.s32 $0xFFFFE000  }
0x21: {  	[hbm4b:s11+s2] =	stream.linear.scatter [tilespmem:s8], [sflag:$0x2], $0x2000, $0x38;
	[tilespmem:$0x2080] =	vst v63  }
0x22: {  	_ =	swait.ge [sflag:s7], $0x2000  }
0x23: {  	s13 =	smov.u32 s15;
	s11 =	sadd.s32 $0x400, s11;
	[sflag:s7] =	ssyncset.done $0x0  }
0x24: {  	s12 =	sadd.s32 s12, s6;
	[sflag:s7] =	ssyncadd.s32 $0xFFFFE000  }
0x25: {  	[tilespmem:s2], [sflag:$0x2] =	stream.linear.gather [hbm4b:s12+s2], $0x80, $0x38;
	[tilespmem:$0x2080] =	vst v63  }
0x26: {  	_ =	swait.ge [sflag:s7], $0x80  }
0x27: {  	[sflag:s7] =	ssyncset.done $0x0  }
0x28: {  	[sflag:s7] =	ssyncadd.s32 $0xFFFFFF80  }
0x29: {  	[tilespmem:s8], [sflag:$0x1] =	stream.indirect.gather [hbm4b:s3+s8], $0x40, s2, s8, $0xb8;
	[tilespmem:$0x2080] =	vst v63  }
0x2a: {  	s10 =	sadd.s32 $0x1, s10;
	_ =	swait.ge [sflag:s9], $0x2000  }
0x2b: {  	p0 =	sne.s32 s10, s4;
	[sflag:s9] =	ssyncset.done $0x0  }
.Ltmp1:
0x2c: {  	[sflag:s9] =	ssyncadd.s32 $0xFFFFE000;
	(pc) =	sbr.rel @p0 .LBB2_1-.Ltmp1, $4  }
0x2d: {  	[hbm4b:s11+s2] =	stream.linear.scatter [tilespmem:s8], [sflag:$0x2], $0x2000, $0x38;
	[tilespmem:$0x2080] =	vst v63  }
0x2e: {  	_ =	swait.ge [sflag:s7], $0x2000  }
0x2f: {  	[sflag:s7] =	ssyncset.done $0x0  }
0x30: {  	[sflag:s7] =	ssyncadd.s32 $0xFFFFE000  }
0x31: {  	_ =	sfence.sel $0x180000  }
0x32: {  	[bflag:$0x0] =	sbarrier.arrive $0xFFFF  }
0x33: {  	p0 =	sne.s32 s1, $0x0;
	_ =	strace $0x9000004A  }
0x34: {  	s0 =	sadd.s32 @!p0 $0x100000, s0;
	[bflag:$0x2] =	sbarrier.arrive $0xFFFF  }
0x35: {  	[sflag:s0] =	ssyncadd.tile.s32 @!p0 $0x1;
	_ =	shalt  }
.Lfunc_end2:
_tile_overlayer_lowered:
.L_overlay_start_2:
0x36: {  	(tag) =	ssettag $0x2  }
0x37: {  	s0 =	rddreg [dreg:$0x0];
	s2 =	stileid.u32  }
0x38: {  	s1 =	rddreg [dreg:$0x1];
	p0 =	sne.s32 s2, $0x0  }
0x39: {  	s3 =	rddreg [dreg:$0x2];
	[bflag:$0x3] =	sbarrier.arrive $0xFFFF;
	s2 =	simm.s32 @!p0 $0x1C02  }
0x3a: {  	[timem:s3], [sflag:s2] =	dma.local @!p0 [hbm:s0], s1  }
0x3b: {  	s0 =	simm.s32 @!p0 $0x2  }
0x3c: {  	_ =	swait.ge @!p0 [sflag:s0], s1  }
0x3d: {  	s1 =	ssub.s32 @!p0 $0x0, s1;
	[sflag:s0] =	ssyncset.done @!p0 $0x0  }
0x3e: {  	[sflag:s0] =	ssyncadd.s32 @!p0 s1  }
0x3f: {  	[bflag:$0x3] =	sbarrier.arrive $0xFFFF  }
0x40: {  	_ =	shalt  }

// kernel: kernel.27.cloned.1.call-start
scs
__scs_entry_jumppad:
0x0: {  	(pc) =	sbr.rel $0x88, $3  }
0x1: {  	(tag) =	ssettag $0x0;
	lr =	simm.s32 $0x1  }
0x2: {  	[smem:$0x3F77] =	sst lr;
	_ =	strace $0xD0000000  }
0x3: {  	_ = 	snop  }
0x4: {  	_ = 	snop  }
0x5: {  	_ = 	snop  }
0x6: {  	_ = 	snop  }
0x7: {  	_ = 	snop  }
__scs_overlays_trampoline_lowered:
0x8: {  	[smem:$0x3F86] =	sst s0  }
0x9: {  	[smem:$0x3F87] =	sst s1  }
0xa: {  	[smem:$0x3F88] =	sst s2  }
0xb: {  	[smem:$0x3F89] =	sst s3  }
0xc: {  	[smem:$0x3F8A] =	sst s4  }
0xd: {  	[smem:$0x3F8B] =	sst s5  }
0xe: {  	[smem:$0x3F8C] =	sst s6  }
0xf: {  	[smem:$0x3F8D] =	sst s7  }
0x10: {  	[smem:$0x3F8E] =	sst s8  }
0x11: {  	[smem:$0x3F8F] =	sst s9;
	s0 =	simm.s32 @!p0 $0x0  }
0x12: {  	s1 =	sld [smem:$0x3F75];
	s0 =	simm.s32 @p0 $0x1  }
0x13: {  	[smem:$0x3F90] =	sst s0;
	s0 =	simm.s32 @!p1 $0x0  }
0x14: {  	s2 =	sld [smem:$0x3F74];
	s0 =	simm.s32 @p1 $0x1  }
0x15: {  	[smem:$0x3F91] =	sst s0;
	s0 =	simm.s32 @!p2 $0x0  }
0x16: {  	s3 =	sld [smem:$0x3FDB];
	s0 =	simm.s32 @p2 $0x1  }
0x17: {  	s4 =	simm.s32 $0x1BF5;
	[smem:$0x3F93] =	sst s0  }
0x18: {  	s0 =	sld [smem:$0x3F76];
	_ =	swait.ge [sflag:s4], $0x0  }
0x19: {  	s7 =	sld [smem:$0x3F77]  }
0x1a: {  	s8 =	sadd.s32 $0xFFFFE003, lr  }
0x1b: {  	s9 =	sadd.s32 $0xFFFFFEF7, lr;
	s5 =	simm.s32 $0xFFFFFFFF;
	p2 =	slt.u32 s8, $0xFFFFF086  }
0x1c: {  	p1 =	slt.u32 s9, $0xF7A;
	s5 =	simm.s32 @!p2 $0x0  }
0x1d: {  	s5 =	simm.s32 @p1 $0x1;
	p0 =	seq.s32 s7, s2  }
0x1e: {  	s7 =	smul.u32 @!p0 $0xF7A, s2;
	p2 =	seq.s32 @!p0 s5, $0x0  }
0x1f: {  	s9 =	smul.u32 $0xF7A, s1;
	s8 =	simm.s32 @!p0 $0x1BF5;
	p2 =	por !p2, p0  }
0x20: {  	[sflag:s8] =	ssyncset.s32 @!p0 $0xFFFFF086;
	s6 =	sadd.s32 @!p0 s3, s7;
	s7 =	simm.s32 @!p0 $0x108  }
0x21: {  	s3 =	sadd.s32 s3, s9;
	s6 =	sadd.s32 @!p0 $0x88, s6;
	s7 =	simm.s32 @p2 $0x1082  }
0x22: {  	[simem:s7], [sflag:s8] =	dma.local @!p0 [hbm:s6], $0xF7A  }
0x23: {  	s9 =	sor.u32 $0xD0000000, s2;
	s6 =	simm.s32 $0x108;
	_ =	swait.ge @!p0 [sflag:s8], $0x0  }
0x24: {  	s3 =	sadd.s32 $0x88, s3;
	s6 =	simm.s32 @!p1 $0x1082;
	[sflag:s4] =	ssyncset.s32 $0xFFFFF086  }
0x25: {  	[simem:s6], [sflag:s4] =	dma.local [hbm:s3], $0xF7A  }
0x26: {  	[smem:$0x3F77] =	sst s1;
	(tag) =	ssettag s2;
	_ =	strace s9  }
0x27: {  	s1 =	sld [smem:$0x3F87]  }
0x28: {  	s2 =	sld [smem:$0x3F88]  }
0x29: {  	s4 =	sld [smem:$0x3F8A]  }
0x2a: {  	p0 =	seq.s32 s5, $0x0;
	s5 =	sld [smem:$0x3F8B]  }
0x2b: {  	s6 =	sld [smem:$0x3F8C]  }
0x2c: {  	s7 =	sld [smem:$0x3F8D]  }
0x2d: {  	s3 =	simm.s32 $0x108;
	s8 =	sld [smem:$0x3F8E]  }
0x2e: {  	s3 =	simm.s32 @!p0 $0x1082;
	s9 =	sld [smem:$0x3F8F]  }
0x2f: {  	lr =	sadd.s32 s0, s3;
	s0 =	sld [smem:$0x3F86]  }
0x30: {  	s3 =	sld [smem:$0x3F89]  }
0x31: {  	[smem:$0x3F92] =	sst s10  }
0x32: {  	s10 =	sld [smem:$0x3F90];
	_ =	sdelay $0x3  }
0x33: {  	p0 =	seq.s32 s10, $0x1;
	s10 =	sld [smem:$0x3F92];
	_ =	sdelay $0x3  }
0x34: {  	[smem:$0x3F92] =	sst s10  }
0x35: {  	s10 =	sld [smem:$0x3F91];
	_ =	sdelay $0x3  }
0x36: {  	p1 =	seq.s32 s10, $0x1;
	s10 =	sld [smem:$0x3F92];
	_ =	sdelay $0x3  }
0x37: {  	[smem:$0x3F92] =	sst s10  }
0x38: {  	s10 =	sld [smem:$0x3F93]  }
0x39: {  	_ = 	snop;
	(pc) =	sbr.ind lr, $3  }
0x3a: {  	_ = 	snop  }
0x3b: {  	_ = 	snop  }
0x3c: {  	p2 =	seq.s32 s10, $0x1;
	s10 =	sld [smem:$0x3F92]  }
0x3d: {  	_ =	shalt  }
0x3e: {  	_ =	shalt  }
0x3f: {  	_ =	shalt  }
0x40: {  	_ =	shalt  }
0x41: {  	_ =	shalt  }
0x42: {  	_ =	shalt  }
0x43: {  	_ =	shalt  }
0x44: {  	_ =	shalt  }
0x45: {  	_ =	shalt  }
0x46: {  	_ =	shalt  }
0x47: {  	_ =	shalt  }
0x48: {  	_ =	shalt  }
0x49: {  	_ =	shalt  }
0x4a: {  	_ =	shalt  }
0x4b: {  	_ =	shalt  }
0x4c: {  	_ =	shalt  }
0x4d: {  	_ =	shalt  }
0x4e: {  	_ =	shalt  }
0x4f: {  	_ =	shalt  }
0x50: {  	_ =	shalt  }
0x51: {  	_ =	shalt  }
0x52: {  	_ =	shalt  }
0x53: {  	_ =	shalt  }
0x54: {  	_ =	shalt  }
0x55: {  	_ =	shalt  }
0x56: {  	_ =	shalt  }
0x57: {  	_ =	shalt  }
0x58: {  	_ =	shalt  }
0x59: {  	_ =	shalt  }
0x5a: {  	_ =	shalt  }
0x5b: {  	_ =	shalt  }
0x5c: {  	_ =	shalt  }
0x5d: {  	_ =	shalt  }
0x5e: {  	_ =	shalt  }
0x5f: {  	_ =	shalt  }
0x60: {  	_ =	shalt  }
0x61: {  	_ =	shalt  }
0x62: {  	_ =	shalt  }
0x63: {  	_ =	shalt  }
0x64: {  	_ =	shalt  }
0x65: {  	_ =	shalt  }
0x66: {  	_ =	shalt  }
0x67: {  	_ =	shalt  }
0x68: {  	_ =	shalt  }
0x69: {  	_ =	shalt  }
0x6a: {  	_ =	shalt  }
0x6b: {  	_ =	shalt  }
0x6c: {  	_ =	shalt  }
0x6d: {  	_ =	shalt  }
0x6e: {  	_ =	shalt  }
0x6f: {  	_ =	shalt  }
0x70: {  	_ =	shalt  }
0x71: {  	_ =	shalt  }
0x72: {  	_ =	shalt  }
0x73: {  	_ =	shalt  }
0x74: {  	_ =	shalt  }
0x75: {  	_ =	shalt  }
0x76: {  	_ =	shalt  }
0x77: {  	_ =	shalt  }
0x78: {  	_ =	shalt  }
0x79: {  	_ =	shalt  }
0x7a: {  	_ =	shalt  }
0x7b: {  	_ =	shalt  }
0x7c: {  	_ =	shalt  }
0x7d: {  	_ =	shalt  }
0x7e: {  	_ =	shalt  }
0x7f: {  	_ =	shalt  }
0x80: {  	_ =	shalt  }
0x81: {  	_ =	shalt  }
0x82: {  	_ =	shalt  }
0x83: {  	_ =	shalt  }
0x84: {  	_ =	shalt  }
0x85: {  	_ =	shalt  }
0x86: {  	_ =	shalt  }
0x87: {  	_ =	shalt  }
.Lfunc_end0:
.L_simem_size_0:
called_computation.2_lowered:
.L_overlay_start_0:
0x88: {  	s2 =	sld [smem:$0x3FD9]  }
0x89: {  	s3 =	sld [smem:$0x3FFE];
	_ =	sdelay $0x1  }
0x8a: {  	s1 =	srdreg.scid  }
0x8b: {  	s0 =	sand.u32 $0x1, s1  }
0x8c: {  	s16 =	sshll.u32 s0, $0xA;
	s2 =	sadd.s32 s3, s2  }
0x8d: {  	s2 =	sadd.s32 s2, s16  }
0x8e: {  	[smem:$0x3F9E] =	sst s2  }
0x8f: {  	_ = 	snop  }
0x90: {  	(tm) =	ssettm $0x1  }
0x91: {  	s17 =	sld [smem:$0x3FFB];
	_ =	sdelay $0x3  }
0x92: {  	_ =	strace s17  }
0x93: {  	s2 =	sld [smem:$0x3FFC];
	_ =	sdelay $0x3  }
0x94: {  	_ =	strace s2  }
0x95: {  	s2 =	sld [smem:$0x3FFD];
	_ =	sdelay $0x3  }
0x96: {  	_ =	strace s2  }
0x97: {  	_ =	strace $0x8FFFFFFF  }
0x98: {  	s18 =	sld [smem:$0x3FDB];
	_ =	sdelay $0x1  }
0x99: {  	s19 =	simm.s32 $_scs_section_size  }
0x9a: {  	s4 =	simm.s32 $_size__tile_overlayer_lowered;
	s5 =	simm.s32 $_tile_overlayer_lowered  }
0x9b: {  	s22 =	simm.s32 $0x1BFF;
	s21 =	sshll.u32 s5, $0x1;
	s2 =	sadd.s32 s19, s18  }
0x9c: {  	s6 =	simm.s32 $0x0;
	s20 =	sshll.u32 s4, $0x1;
	s4 =	sadd.s32 s21, s2  }
0x9d: {  	[timem:s6], [sflag:s22] =	dma.local [hbm:s4], s20  }
0x9e: {  	_ =	swait.ge [sflag:s22], s20  }
0x9f: {  	s3 =	ssub.s32 $0x0, s20;
	[sflag:s22] =	ssyncset.done $0x0  }
0xa0: {  	[sflag:s22] =	ssyncadd.s32 s3;
	_ =	sdelay $0x1  }
0xa1: {  	s23 =	simm.s32 $0x1B8B  }
0xa2: {  	_ =	swait.ge [sflag:s23], $0x1  }
0xa3: {  	[sflag:s23] =	ssyncset.done $0x0  }
0xa4: {  	s25 =	simm.s32 $0x1B8E;
	s24 =	sld [smem:$0x3FFE];
	[sflag:s23] =	ssyncadd.s32 $0xFFFFFFFF  }
0xa5: {  	s26 =	simm.s32 $execute0_lowered;
	[smem:$0x3FD2] =	sst s25  }
0xa6: {  	s4 =	sshll.u32 s26, $0x1;
	_ =	strace $0x8000004C;
	[dreg:$0x1] =	wrdreg $0xFFFFFFFF  }
0xa7: {  	s28 =	simm.s32 $_size_execute0_lowered;
	s2 =	sadd.s32 s2, s4;
	[dreg:$0x0] =	wrdreg $0x0  }
0xa8: {  	s4 =	sshll.u32 s28, $0x1;
	[dreg:$0x2] =	wrdreg s2  }
0xa9: {  	[dreg:$0x3] =	wrdreg s4  }
0xaa: {  	[dreg:$0x4] =	wrdreg $0xC0  }
0xab: {  	_ =	task [dreg:s6], $0x5FFFF  }
0xac: {  	[dreg:$0x1] =	wrdreg $0xFFFFFFFF  }
0xad: {  	[dreg:$0x0] =	wrdreg $0x60  }
0xae: {  	[dreg:$0x2] =	wrdreg s24  }
0xaf: {  	[dreg:$0x3] =	wrdreg $0x9  }
0xb0: {  	_ =	task.clear_ibuf [dreg:s6], $0x4FFFF;
	_ =	strace $0x9000004C  }
0xb1: {  	s29 =	simm.s32 $0x9;
	_ =	strace $0x8000004E  }
0xb2: {  	_ =	swait.ge [sflag:s29], $0x1  }
0xb3: {  	[sflag:s29] =	ssyncadd.s32 $0xFFFFFFFF  }
0xb4: {  	_ =	strace $0x9000004E  }
0xb5: {  	_ =	sfence  }
0xb6: {  	s30 =	sld [smem:$0x0];
	_ =	sdelay $0x2  }
0xb7: {  	s31 =	sshll.u32 s1, $0xD;
	s1 =	sshrl.u32 s1, $0x2  }
0xb8: {  	s3 =	sand.u32 $0x4000, s31;
	s1 =	sadd.s32 s1, s30  }
0xb9: {  	s0 =	sor.u32 s3, s0;
	s1 =	sshll.u32 s1, $0x11  }
0xba: {  	s0 =	sor.u32 s1, s0  }
0xbb: {  	s0 =	sadd.s32 $0x8F2B, s0  }
0xbc: {  	[sflag:s0] =	ssyncadd.remote.s32 $0x1  }
0xbd: {  	_ =	sfence.sel $0xFFFF  }
0xbe: {  	[dreg:$0x0] =	wrdreg $0xFFFFFFFF;
	(pc) =	sbr.abs _section_cstart, $3  }
0xbf: {  	[dreg:$0x1] =	wrdreg $0xFFFFFFFF  }
0xc0: {  	_ =	task.clear_ibuf [dreg:s6], $0x2FFFF;
	_ =	strace $0x9FFFFFFF  }
0xc1: {  	(tm) =	ssettm $0x7FFFFFFF  }
tec
execute0_lowered:
.L_overlay_start_1:
0x0: {  	(tag) =	ssettag $0x1  }
0x1: {  	s4 =	rddreg [dreg:$0x0]  }
0x2: {  	s0 =	rddreg [dreg:$0x1];
	s2 =	simm.s32 $0x0;
	s1 =	stileid.u32  }
0x3: {  	s3 =	srdreg.scid;
	s10 =	simm.s32 $0x0;
	s6 =	smul.u32 $0x1400, s1  }
0x4: {  	[smem:$0x7FF] =	sst s2;
	s5 =	sand.u32 $0x1, s3;
	s8 =	smul.u32 $0xA000, s1  }
0x5: {  	s3 =	sadd.s32 $0xBE00, s4;
	s7 =	smul.u32 $0xA00, s5;
	s9 =	ssub.s32 $0x2, s5  }
0x6: {  	_ =	strace $0x8000004D;
	s5 =	smul.u32 $0x5000, s5;
	s31 =	sshrl.u32 s9, $0x1  }
0x7: {  	s8 =	sadd.s32 s8, s4;
	s6 =	sadd.s32 s7, s6;
	s7 =	ssub.s32 s9, s31  }
0x8: {  	s5 =	sadd.s32 s5, s8;
	s8 =	simm.s32 $0x80;
	s6 =	sshrl.u32 s6, $0x3  }
0x9: {  	s9 =	simm.s32 $0x1;
	s5 =	sadd.s32 $0x1BE00, s5;
	s6 =	sadd.s32 s6, s4  }
0xa: {  	s4 =	smax.u32 s7, $0x1;
	s7 =	simm.s32 $0x2;
	s6 =	sadd.s32 $0x9600, s6  }
.LBB2_1:
0xb: {  	s11 =	sadd.s32 $0x0, s6  }
0xc: {  	[tilespmem:s2], [sflag:$0x2] =	stream.linear.gather [hbm4b:s11+s2], $0x80, $0x38;
	[tilespmem:$0x2080] =	vst v63  }
0xd: {  	_ =	swait.ge [sflag:s7], $0x80  }
0xe: {  	[sflag:s7] =	ssyncset.done $0x0  }
0xf: {  	[sflag:s7] =	ssyncadd.s32 $0xFFFFFF80  }
0x10: {  	[tilespmem:s8], [sflag:$0x1] =	stream.indirect.gather [hbm4b:s3+s8], $0x40, s2, s8, $0xb8;
	[tilespmem:$0x2080] =	vst v63  }
0x11: {  	_ =	swait.ge [sflag:s9], $0x2000  }
0x12: {  	[sflag:s9] =	ssyncset.done $0x0  }
0x13: {  	[sflag:s9] =	ssyncadd.s32 $0xFFFFE000  }
0x14: {  	[hbm4b:s5+s2] =	stream.linear.scatter [tilespmem:s8], [sflag:$0x2], $0x2000, $0x38;
	[tilespmem:$0x2080] =	vst v63  }
0x15: {  	s12 =	simm.s32 $0x10;
	_ =	swait.ge [sflag:s7], $0x2000  }
0x16: {  	s13 =	simm.s32 $0x20;
	s11 =	sadd.s32 $0x400, s5;
	[sflag:s7] =	ssyncset.done $0x0  }
.LBB2_2:
0x17: {  	s14 =	sadd.s32 s12, s6  }
0x18: {  	[sflag:s7] =	ssyncadd.s32 $0xFFFFE000;
	s12 =	smov.u32 s13;
	s15 =	sadd.s32 $0x10, s13  }
0x19: {  	[tilespmem:s2], [sflag:$0x2] =	stream.linear.gather [hbm4b:s14+s2], $0x80, $0x38;
	[tilespmem:$0x2080] =	vst v63  }
0x1a: {  	p0 =	sne.s32 s13, $0x130;
	_ =	swait.ge [sflag:s7], $0x80  }
0x1b: {  	[sflag:s7] =	ssyncset.done $0x0  }
0x1c: {  	[sflag:s7] =	ssyncadd.s32 $0xFFFFFF80  }
0x1d: {  	[tilespmem:s8], [sflag:$0x1] =	stream.indirect.gather [hbm4b:s3+s8], $0x40, s2, s8, $0xb8;
	[tilespmem:$0x2080] =	vst v63  }
0x1e: {  	_ =	swait.ge [sflag:s9], $0x2000  }
.Ltmp0:
0x1f: {  	[sflag:s9] =	ssyncset.done $0x0;
	(pc) =	sbr.rel @p0 .LBB2_2-.Ltmp0, $4  }
0x20: {  	[sflag:s9] =	ssyncadd.s32 $0xFFFFE000  }
0x21: {  	[hbm4b:s11+s2] =	stream.linear.scatter [tilespmem:s8], [sflag:$0x2], $0x2000, $0x38;
	[tilespmem:$0x2080] =	vst v63  }
0x22: {  	_ =	swait.ge [sflag:s7], $0x2000  }
0x23: {  	s13 =	smov.u32 s15;
	s11 =	sadd.s32 $0x400, s11;
	[sflag:s7] =	ssyncset.done $0x0  }
0x24: {  	s12 =	sadd.s32 s12, s6;
	[sflag:s7] =	ssyncadd.s32 $0xFFFFE000  }
0x25: {  	[tilespmem:s2], [sflag:$0x2] =	stream.linear.gather [hbm4b:s12+s2], $0x80, $0x38;
	[tilespmem:$0x2080] =	vst v63  }
0x26: {  	_ =	swait.ge [sflag:s7], $0x80  }
0x27: {  	[sflag:s7] =	ssyncset.done $0x0  }
0x28: {  	[sflag:s7] =	ssyncadd.s32 $0xFFFFFF80  }
0x29: {  	[tilespmem:s8], [sflag:$0x1] =	stream.indirect.gather [hbm4b:s3+s8], $0x40, s2, s8, $0xb8;
	[tilespmem:$0x2080] =	vst v63  }
0x2a: {  	s10 =	sadd.s32 $0x1, s10;
	_ =	swait.ge [sflag:s9], $0x2000  }
0x2b: {  	p0 =	sne.s32 s10, s4;
	[sflag:s9] =	ssyncset.done $0x0  }
.Ltmp1:
0x2c: {  	[sflag:s9] =	ssyncadd.s32 $0xFFFFE000;
	(pc) =	sbr.rel @p0 .LBB2_1-.Ltmp1, $4  }
0x2d: {  	[hbm4b:s11+s2] =	stream.linear.scatter [tilespmem:s8], [sflag:$0x2], $0x2000, $0x38;
	[tilespmem:$0x2080] =	vst v63  }
0x2e: {  	_ =	swait.ge [sflag:s7], $0x2000  }
0x2f: {  	[sflag:s7] =	ssyncset.done $0x0  }
0x30: {  	[sflag:s7] =	ssyncadd.s32 $0xFFFFE000  }
0x31: {  	_ =	sfence.sel $0x180000  }
0x32: {  	[bflag:$0x0] =	sbarrier.arrive $0xFFFF  }
0x33: {  	p0 =	sne.s32 s1, $0x0;
	_ =	strace $0x9000004D  }
0x34: {  	s0 =	sadd.s32 @!p0 $0x100000, s0;
	[bflag:$0x2] =	sbarrier.arrive $0xFFFF  }
0x35: {  	[sflag:s0] =	ssyncadd.tile.s32 @!p0 $0x1;
	_ =	shalt  }
.Lfunc_end2:
_tile_overlayer_lowered:
.L_overlay_start_2:
0x36: {  	(tag) =	ssettag $0x2  }
0x37: {  	s0 =	rddreg [dreg:$0x0];
	s2 =	stileid.u32  }
0x38: {  	s1 =	rddreg [dreg:$0x1];
	p0 =	sne.s32 s2, $0x0  }
0x39: {  	s3 =	rddreg [dreg:$0x2];
	[bflag:$0x3] =	sbarrier.arrive $0xFFFF;
	s2 =	simm.s32 @!p0 $0x1C02  }
0x3a: {  	[timem:s3], [sflag:s2] =	dma.local @!p0 [hbm:s0], s1  }
0x3b: {  	s0 =	simm.s32 @!p0 $0x2  }
0x3c: {  	_ =	swait.ge @!p0 [sflag:s0], s1  }
0x3d: {  	s1 =	ssub.s32 @!p0 $0x0, s1;
	[sflag:s0] =	ssyncset.done @!p0 $0x0  }
0x3e: {  	[sflag:s0] =	ssyncadd.s32 @!p0 s1  }
0x3f: {  	[bflag:$0x3] =	sbarrier.arrive $0xFFFF  }
0x40: {  	_ =	shalt  }

</sc_bundles>
